<compile_context>
chip_gen: v7x
topology: tpu7x:2x2x1
jax: 0.10.2.dev20260603
libtpu: 0.0.44.dev20260713+nightly
codegen_flags: <defaults>
</compile_context>

<pallas_src>
import functools

import jax
import jax.numpy as jnp
from jax import lax
from jax.experimental import pallas as pl
from jax.experimental.pallas import tpu as pltpu
from jax.experimental.pallas import tpu_sc as plsc

VOCAB = 1000000
DIM = 64
B = 16384
K = 20

NC = 2
NS = 16
NW = NC * NS
BPW = B // NW
CB = 32
NCHUNK = BPW // CB


def _partial64(a_ref, arow, b_ref, brow):
    acc = a_ref[arow, pl.ds(0, 16)] * b_ref[brow, pl.ds(0, 16)]
    for j in range(1, 4):
        acc = acc + a_ref[arow, pl.ds(j * 16, 16)] * b_ref[brow, pl.ds(j * 16, 16)]
    return acc


def _rowsum16(tr):
    acc = tr[pl.ds(0, 16)]
    for l in range(1, 16):
        acc = acc + tr[pl.ds(l * 16, 16)]
    return acc


def _sg_body(cw, pw, nw, w_in, w_out, pos_out, neg_out,
             ci, pi, ni, vin2, vout2, vneg2, po, no, tr, sems):
    wid = lax.axis_index("s") * NC + lax.axis_index("c")
    wbase = wid * BPW

    pltpu.sync_copy(cw.at[pl.ds(wbase, BPW)], ci)
    pltpu.sync_copy(pw.at[pl.ds(wbase, BPW)], pi)
    pltpu.sync_copy(nw.at[pl.ds(wbase, BPW)], ni)

    def issue(c, p):
        sem = sems.at[p]
        pltpu.async_copy(w_in.at[ci.at[pl.ds(c * CB, CB)]], vin2.at[p], sem)
        pltpu.async_copy(w_out.at[pi.at[pl.ds(c * CB, CB)]], vout2.at[p], sem)

        def gi(i, _):
            pltpu.async_copy(w_out.at[ni.at[c * CB + i]], vneg2.at[p, i], sem)
            return 0

        lax.fori_loop(0, CB, gi, 0)

    def drain(c, p):
        sem = sems.at[p]
        pltpu.make_async_copy(w_in.at[ci.at[pl.ds(c * CB, CB)]], vin2.at[p], sem).wait()
        pltpu.make_async_copy(w_out.at[pi.at[pl.ds(c * CB, CB)]], vout2.at[p], sem).wait()

        def gw(i, _):
            pltpu.make_async_copy(w_out.at[ni.at[c * CB + i]], vneg2.at[p, i], sem).wait()
            return 0

        lax.fori_loop(0, CB, gw, 0)

    def compute(c, p):
        lanes = lax.iota(jnp.int32, 16)

        def pos_group(g, _):
            for l in range(16):
                r = g * 16 + l
                plsc.store_scatter(tr, [lanes * 16 + l],
                                   _partial64(vin2.at[p], r, vout2.at[p], r))
            po[pl.ds(c * CB + g * 16, 16)] = _rowsum16(tr)
            return 0

        lax.fori_loop(0, CB // 16, pos_group, 0)

        def neg_group(g, _):
            for l in range(16):
                r = g * 16 + l
                i = r // K
                k = r - i * K
                a = vin2.at[p]
                b = vneg2.at[p]
                acc = a[i, pl.ds(0, 16)] * b[i, k, pl.ds(0, 16)]
                for j in range(1, 4):
                    acc = acc + a[i, pl.ds(j * 16, 16)] * b[i, k, pl.ds(j * 16, 16)]
                plsc.store_scatter(tr, [lanes * 16 + l], acc)
            flat = c * CB * K + g * 16 + lanes
            rows = flat // K
            plsc.store_scatter(no, [rows, flat - rows * K], _rowsum16(tr))
            return 0

        lax.fori_loop(0, CB * K // 16, neg_group, 0)

    issue(0, 0)

    def chunk_body(c, _):
        p = lax.rem(c, 2)

        @pl.when(c + 1 < NCHUNK)
        def _():
            issue(c + 1, lax.rem(c + 1, 2))

        drain(c, p)
        compute(c, p)
        return 0

    lax.fori_loop(0, NCHUNK, chunk_body, 0)
    pltpu.sync_copy(po, pos_out.at[pl.ds(wbase, BPW)])
    pltpu.sync_copy(no, neg_out.at[pl.ds(wbase, BPW)])


_sg_call = functools.partial(
    pl.kernel,
    out_type=[
        jax.ShapeDtypeStruct((B,), jnp.float32),
        jax.ShapeDtypeStruct((B, K), jnp.float32),
    ],
    mesh=plsc.VectorSubcoreMesh(core_axis_name="c", subcore_axis_name="s"),
    compiler_params=pltpu.CompilerParams(
        needs_layout_passes=False, use_tc_tiling_on_sc=False
    ),
    scratch_types=[
        pltpu.VMEM((BPW,), jnp.int32),
        pltpu.VMEM((BPW,), jnp.int32),
        pltpu.VMEM((BPW, K), jnp.int32),
        pltpu.VMEM((2, CB, DIM), jnp.float32),
        pltpu.VMEM((2, CB, DIM), jnp.float32),
        pltpu.VMEM((2, CB, K, DIM), jnp.float32),
        pltpu.VMEM((BPW,), jnp.float32),
        pltpu.VMEM((BPW, K), jnp.float32),
        pltpu.VMEM((256,), jnp.float32),
        pltpu.SemaphoreType.DMA((2,)),
    ],
)(_sg_body)


def kernel(center_words, pos_context_words, neg_context_words, W_in, W_out):
    cw = center_words.astype(jnp.int32)
    pw = pos_context_words.astype(jnp.int32)
    nw = neg_context_words.astype(jnp.int32)
    pos_scores, neg_scores = _sg_call(cw, pw, nw, W_in, W_out)
    return pos_scores, neg_scores

# --- scband reference (transcript-rebuilt; emitter-appended) ---
"""Pipeline reference for scband-skip-gram-model-with-neg-sampling-68831145886100 (READ-ONLY COPY).

The authoritative reference and input builder live on the scoring server;
editing this copy changes nothing except your own understanding.
"""

import jax, jax.numpy as jnp
import numpy as np

VOCAB = 1000000
DIM = 64
B = 16384
K_NEG = 20

def _xavier_uniform(key, shape):
    fan_in, fan_out = shape[0], shape[1]
    bound = float(np.sqrt(6.0 / (fan_in + fan_out)))
    return jax.random.uniform(key, shape, dtype=jnp.float32, minval=-bound, maxval=bound)

def setup_inputs(seed: int = 0) -> dict:
    key = jax.random.key(seed)
    k1, k2, k3, k4, k5 = jax.random.split(key, 5)
    center_words = jax.random.randint(k1, (B,), 0, VOCAB, dtype=jnp.int64 if jax.config.jax_enable_x64 else jnp.int32)
    pos_context_words = jax.random.randint(k2, (B,), 0, VOCAB, dtype=jnp.int64 if jax.config.jax_enable_x64 else jnp.int32)
    neg_context_words = jax.random.randint(k3, (B, K_NEG), 0, VOCAB, dtype=jnp.int64 if jax.config.jax_enable_x64 else jnp.int32)
    W_in = _xavier_uniform(k4, (VOCAB, DIM))
    W_out = _xavier_uniform(k5, (VOCAB, DIM))
    return {
        "center_words": center_words,
        "pos_context_words": pos_context_words,
        "neg_context_words": neg_context_words,
        "W_in": W_in,
        "W_out": W_out,
    }

def reference(center_words, pos_context_words, neg_context_words, W_in, W_out):
    # embedding lookups (gathers)
    v_in = jnp.take(W_in, center_words, axis=0)            # [B, D]
    v_out = jnp.take(W_out, pos_context_words, axis=0)     # [B, D]
    v_neg = jnp.take(W_out, neg_context_words, axis=0)     # [B, K, D]
    # positive scores: elementwise product + sum over dim
    pos_scores = jnp.sum(v_in * v_out, axis=1)             # [B]
    # negative scores: bmm(v_neg [B,K,D], v_in [B,D,1]) -> [B,K]
    neg_scores = jnp.einsum('bkd,bd->bk', v_neg, v_in)     # [B, K]
    return (pos_scores, neg_scores)

if __name__ == "__main__":
    import jax
    _d = setup_inputs()
    print(jax.jit(kernel)(*tuple(_d.values())))

</pallas_src>

<mosaic_0001>
#map = affine_map<(d0, d1) -> (0)>
#map1 = affine_map<(d0, d1) -> (0, 0)>
module attributes {stable_mosaic.version = 14 : i64} {
  func.func @_sg_body(%arg0: i32, %arg1: i32, %arg2: memref<16384xi32, #tpu.memory_space<hbm>>, %arg3: memref<16384xi32, #tpu.memory_space<hbm>>, %arg4: memref<16384x20xi32, #tpu.memory_space<hbm>>, %arg5: memref<1000000x64xf32, #tpu.memory_space<hbm>>, %arg6: memref<1000000x64xf32, #tpu.memory_space<hbm>>, %arg7: memref<16384xf32, #tpu.memory_space<hbm>>, %arg8: memref<16384x20xf32, #tpu.memory_space<hbm>>, %arg9: memref<512xi32, #tpu.memory_space<vmem>>, %arg10: memref<512xi32, #tpu.memory_space<vmem>>, %arg11: memref<512x20xi32, #tpu.memory_space<vmem>>, %arg12: memref<2x32x64xf32, #tpu.memory_space<vmem>>, %arg13: memref<2x32x64xf32, #tpu.memory_space<vmem>>, %arg14: memref<2x32x20x64xf32, #tpu.memory_space<vmem>>, %arg15: memref<512xf32, #tpu.memory_space<vmem>>, %arg16: memref<512x20xf32, #tpu.memory_space<vmem>>, %arg17: memref<256xf32, #tpu.memory_space<vmem>>, %arg18: memref<2x!tpu.dma_semaphore, #tpu.memory_space<semaphore_mem>>) attributes {dimension_semantics = [#tpu.dimension_semantics<core_parallel>, #tpu.dimension_semantics<subcore_parallel>], iteration_bounds = array<i64: 2, 16>, scalar_prefetch = 0 : i64, scratch_operands = 10 : i64, tpu.core_type = #tpu.core_type<sc_vector_subcore>, window_params = [{transform_indices = #map}, {transform_indices = #map}, {transform_indices = #map1}, {transform_indices = #map1}, {transform_indices = #map1}, {transform_indices = #map}, {transform_indices = #map1}]} {
    %mul3A = arith.constant 2 : i32
    %mul3A_0 = arith.muli %arg1, %mul3A : i32
    %add3A = arith.addi %mul3A_0, %arg0 : i32
    %mul3A_1 = arith.constant 512 : i32
    %mul3A_2 = arith.muli %add3A, %mul3A_1 : i32
    "tpu.region"() ({
      %run_scoped3A = tpu.sem_alloc : memref<!tpu.dma_semaphore, #tpu.memory_space<semaphore_mem>>
      %dma_start3A_42 = tpu.memref_slice %arg2[%mul3A_2] : memref<16384xi32, #tpu.memory_space<hbm>> -> memref<512xi32, #tpu.memory_space<hbm>>
      %dma_start3A_43 = tpu.memref_slice %arg2[%mul3A_2] : memref<16384xi32, #tpu.memory_space<hbm>> -> memref<512xi32, #tpu.memory_space<hbm>>
      tpu.enqueue_dma source(%dma_start3A_43 : memref<512xi32, #tpu.memory_space<hbm>>) target(%arg9 : memref<512xi32, #tpu.memory_space<vmem>>) target_semaphore(%run_scoped3A : memref<!tpu.dma_semaphore, #tpu.memory_space<semaphore_mem>>)
      %dma_wait3A = tpu.memref_slice %arg2[%mul3A_2] : memref<16384xi32, #tpu.memory_space<hbm>> -> memref<512xi32, #tpu.memory_space<hbm>>
      %dma_wait3A_44 = tpu.memref_slice %arg2[%mul3A_2] : memref<16384xi32, #tpu.memory_space<hbm>> -> memref<512xi32, #tpu.memory_space<hbm>>
      tpu.wait_dma2 semaphore(%run_scoped3A : memref<!tpu.dma_semaphore, #tpu.memory_space<semaphore_mem>>) src(%dma_wait3A_44 : memref<512xi32, #tpu.memory_space<hbm>>) dst(%arg9 : memref<512xi32, #tpu.memory_space<vmem>>)
      tpu.yield
    }) : () -> ()
    "tpu.region"() ({
      %run_scoped3A = tpu.sem_alloc : memref<!tpu.dma_semaphore, #tpu.memory_space<semaphore_mem>>
      %dma_start3A_42 = tpu.memref_slice %arg3[%mul3A_2] : memref<16384xi32, #tpu.memory_space<hbm>> -> memref<512xi32, #tpu.memory_space<hbm>>
      %dma_start3A_43 = tpu.memref_slice %arg3[%mul3A_2] : memref<16384xi32, #tpu.memory_space<hbm>> -> memref<512xi32, #tpu.memory_space<hbm>>
      tpu.enqueue_dma source(%dma_start3A_43 : memref<512xi32, #tpu.memory_space<hbm>>) target(%arg10 : memref<512xi32, #tpu.memory_space<vmem>>) target_semaphore(%run_scoped3A : memref<!tpu.dma_semaphore, #tpu.memory_space<semaphore_mem>>)
      %dma_wait3A = tpu.memref_slice %arg3[%mul3A_2] : memref<16384xi32, #tpu.memory_space<hbm>> -> memref<512xi32, #tpu.memory_space<hbm>>
      %dma_wait3A_44 = tpu.memref_slice %arg3[%mul3A_2] : memref<16384xi32, #tpu.memory_space<hbm>> -> memref<512xi32, #tpu.memory_space<hbm>>
      tpu.wait_dma2 semaphore(%run_scoped3A : memref<!tpu.dma_semaphore, #tpu.memory_space<semaphore_mem>>) src(%dma_wait3A_44 : memref<512xi32, #tpu.memory_space<hbm>>) dst(%arg10 : memref<512xi32, #tpu.memory_space<vmem>>)
      tpu.yield
    }) : () -> ()
    "tpu.region"() ({
      %run_scoped3A = tpu.sem_alloc : memref<!tpu.dma_semaphore, #tpu.memory_space<semaphore_mem>>
      %dma_start3A_42 = arith.constant 0 : i32
      %dma_start3A_43 = tpu.memref_slice %arg4[%mul3A_2, %dma_start3A_42] : memref<16384x20xi32, #tpu.memory_space<hbm>> -> memref<512x20xi32, #tpu.memory_space<hbm>>
      %dma_start3A_44 = arith.constant 0 : i32
      %dma_start3A_45 = tpu.memref_slice %arg4[%mul3A_2, %dma_start3A_44] : memref<16384x20xi32, #tpu.memory_space<hbm>> -> memref<512x20xi32, #tpu.memory_space<hbm>>
      tpu.enqueue_dma source(%dma_start3A_45 : memref<512x20xi32, #tpu.memory_space<hbm>>) target(%arg11 : memref<512x20xi32, #tpu.memory_space<vmem>>) target_semaphore(%run_scoped3A : memref<!tpu.dma_semaphore, #tpu.memory_space<semaphore_mem>>)
      %dma_wait3A = arith.constant 0 : i32
      %dma_wait3A_46 = tpu.memref_slice %arg4[%mul3A_2, %dma_wait3A] : memref<16384x20xi32, #tpu.memory_space<hbm>> -> memref<512x20xi32, #tpu.memory_space<hbm>>
      %dma_wait3A_47 = arith.constant 0 : i32
      %dma_wait3A_48 = tpu.memref_slice %arg4[%mul3A_2, %dma_wait3A_47] : memref<16384x20xi32, #tpu.memory_space<hbm>> -> memref<512x20xi32, #tpu.memory_space<hbm>>
      tpu.wait_dma2 semaphore(%run_scoped3A : memref<!tpu.dma_semaphore, #tpu.memory_space<semaphore_mem>>) src(%dma_wait3A_48 : memref<512x20xi32, #tpu.memory_space<hbm>>) dst(%arg11 : memref<512x20xi32, #tpu.memory_space<vmem>>)
      tpu.yield
    }) : () -> ()
    %dma_start3A = arith.constant 0 : i32
    %dma_start3A_3 = arith.constant 0 : i32
    %dma_start3A_4 = arith.constant 0 : i32
    %dma_start3A_5 = arith.constant 0 : i32
    %dma_start3A_6 = tpu.memref_slice %arg12[%dma_start3A, %dma_start3A_4, %dma_start3A_5] : memref<2x32x64xf32, #tpu.memory_space<vmem>> -> memref<1x32x64xf32, #tpu.memory_space<vmem>>
    %dma_start3A_7 = tpu.memref_squeeze %dma_start3A_6 : memref<1x32x64xf32, #tpu.memory_space<vmem>> -> memref<32x64xf32, #tpu.memory_space<vmem>>
    %dma_start3A_8 = arith.constant 0 : i32
    %dma_start3A_9 = tpu.memref_slice %arg9[%dma_start3A_8] : memref<512xi32, #tpu.memory_space<vmem>> -> memref<32xi32, #tpu.memory_space<vmem>>
    %dma_start3A_10 = arith.constant 0 : i32
    %dma_start3A_11 = arith.constant 0 : i32
    %dma_start3A_12 = tpu.memref_slice %arg5[%dma_start3A_10, %dma_start3A_11] : memref<1000000x64xf32, #tpu.memory_space<hbm>> -> memref<1000000x64xf32, #tpu.memory_space<hbm>>
    %dma_start3A_13 = tpu.memref_slice %arg18[%dma_start3A_3] : memref<2x!tpu.dma_semaphore, #tpu.memory_space<semaphore_mem>> -> memref<1x!tpu.dma_semaphore, #tpu.memory_space<semaphore_mem>>
    %dma_start3A_14 = tpu.memref_squeeze %dma_start3A_13 : memref<1x!tpu.dma_semaphore, #tpu.memory_space<semaphore_mem>> -> memref<!tpu.dma_semaphore, #tpu.memory_space<semaphore_mem>>
    tpu.enqueue_indirect_dma source(%dma_start3A_12 : memref<1000000x64xf32, #tpu.memory_space<hbm>>) target(%dma_start3A_7 : memref<32x64xf32, #tpu.memory_space<vmem>>) offsets(%dma_start3A_9 : memref<32xi32, #tpu.memory_space<vmem>>) semaphore(%dma_start3A_14 : memref<!tpu.dma_semaphore, #tpu.memory_space<semaphore_mem>>)
    %dma_start3A_15 = arith.constant 0 : i32
    %dma_start3A_16 = arith.constant 0 : i32
    %dma_start3A_17 = arith.constant 0 : i32
    %dma_start3A_18 = arith.constant 0 : i32
    %dma_start3A_19 = tpu.memref_slice %arg13[%dma_start3A_15, %dma_start3A_17, %dma_start3A_18] : memref<2x32x64xf32, #tpu.memory_space<vmem>> -> memref<1x32x64xf32, #tpu.memory_space<vmem>>
    %dma_start3A_20 = tpu.memref_squeeze %dma_start3A_19 : memref<1x32x64xf32, #tpu.memory_space<vmem>> -> memref<32x64xf32, #tpu.memory_space<vmem>>
    %dma_start3A_21 = arith.constant 0 : i32
    %dma_start3A_22 = tpu.memref_slice %arg10[%dma_start3A_21] : memref<512xi32, #tpu.memory_space<vmem>> -> memref<32xi32, #tpu.memory_space<vmem>>
    %dma_start3A_23 = arith.constant 0 : i32
    %dma_start3A_24 = arith.constant 0 : i32
    %dma_start3A_25 = tpu.memref_slice %arg6[%dma_start3A_23, %dma_start3A_24] : memref<1000000x64xf32, #tpu.memory_space<hbm>> -> memref<1000000x64xf32, #tpu.memory_space<hbm>>
    %dma_start3A_26 = tpu.memref_slice %arg18[%dma_start3A_16] : memref<2x!tpu.dma_semaphore, #tpu.memory_space<semaphore_mem>> -> memref<1x!tpu.dma_semaphore, #tpu.memory_space<semaphore_mem>>
    %dma_start3A_27 = tpu.memref_squeeze %dma_start3A_26 : memref<1x!tpu.dma_semaphore, #tpu.memory_space<semaphore_mem>> -> memref<!tpu.dma_semaphore, #tpu.memory_space<semaphore_mem>>
    tpu.enqueue_indirect_dma source(%dma_start3A_25 : memref<1000000x64xf32, #tpu.memory_space<hbm>>) target(%dma_start3A_20 : memref<32x64xf32, #tpu.memory_space<vmem>>) offsets(%dma_start3A_22 : memref<32xi32, #tpu.memory_space<vmem>>) semaphore(%dma_start3A_27 : memref<!tpu.dma_semaphore, #tpu.memory_space<semaphore_mem>>)
    %scan3A = arith.constant 0 : i32
    %scan3A_28 = arith.constant 0 : i32
    %scan3A_29 = arith.constant 0 : i32
    %scan3A_30 = arith.constant 32 : i32
    %scan3A_31 = arith.addi %scan3A_29, %scan3A_30 : i32
    %scan3A_32 = arith.constant 1 : i32
    %scan3A_33 = scf.for %scan3A_42 = %scan3A_29 to %scan3A_31 step %scan3A_32 iter_args(%scan3A_43 = %scan3A_28) -> (i32)  : i32 {
      %add3A_44 = arith.constant 0 : i32
      %add3A_45 = arith.addi %add3A_44, %scan3A_42 : i32
      %dma_start3A_46 = arith.constant 0 : i32
      %dma_start3A_47 = arith.constant 0 : i32
      %dma_start3A_48 = arith.constant 0 : i32
      %dma_start3A_49 = tpu.memref_slice %arg14[%dma_start3A_46, %scan3A_42, %dma_start3A_47, %dma_start3A_48] : memref<2x32x20x64xf32, #tpu.memory_space<vmem>> -> memref<1x1x20x64xf32, #tpu.memory_space<vmem>>
      %dma_start3A_50 = tpu.memref_squeeze %dma_start3A_49 : memref<1x1x20x64xf32, #tpu.memory_space<vmem>> -> memref<20x64xf32, #tpu.memory_space<vmem>>
      %dma_start3A_51 = arith.constant 0 : i32
      %dma_start3A_52 = tpu.memref_slice %arg11[%add3A_45, %dma_start3A_51] : memref<512x20xi32, #tpu.memory_space<vmem>> -> memref<1x20xi32, #tpu.memory_space<vmem>>
      %dma_start3A_53 = tpu.memref_squeeze %dma_start3A_52 : memref<1x20xi32, #tpu.memory_space<vmem>> -> memref<20xi32, #tpu.memory_space<vmem>>
      %dma_start3A_54 = arith.constant 0 : i32
      %dma_start3A_55 = arith.constant 0 : i32
      %dma_start3A_56 = tpu.memref_slice %arg6[%dma_start3A_54, %dma_start3A_55] : memref<1000000x64xf32, #tpu.memory_space<hbm>> -> memref<1000000x64xf32, #tpu.memory_space<hbm>>
      %dma_start3A_57 = tpu.memref_slice %arg18[%scan3A] : memref<2x!tpu.dma_semaphore, #tpu.memory_space<semaphore_mem>> -> memref<1x!tpu.dma_semaphore, #tpu.memory_space<semaphore_mem>>
      %dma_start3A_58 = tpu.memref_squeeze %dma_start3A_57 : memref<1x!tpu.dma_semaphore, #tpu.memory_space<semaphore_mem>> -> memref<!tpu.dma_semaphore, #tpu.memory_space<semaphore_mem>>
      tpu.enqueue_indirect_dma source(%dma_start3A_56 : memref<1000000x64xf32, #tpu.memory_space<hbm>>) target(%dma_start3A_50 : memref<20x64xf32, #tpu.memory_space<vmem>>) offsets(%dma_start3A_53 : memref<20xi32, #tpu.memory_space<vmem>>) semaphore(%dma_start3A_58 : memref<!tpu.dma_semaphore, #tpu.memory_space<semaphore_mem>>)
      %scan3A_59 = arith.constant 0 : i32
      scf.yield %scan3A_59 : i32
    }
    %scan3A_34 = arith.constant 32 : i32
    %scan3A_35 = arith.constant 0 : i32
    %scan3A_36 = arith.constant 0 : i32
    %scan3A_37 = arith.constant 16 : i32
    %scan3A_38 = arith.addi %scan3A_36, %scan3A_37 : i32
    %scan3A_39 = arith.constant 1 : i32
    %scan3A_40 = scf.for %scan3A_42 = %scan3A_36 to %scan3A_38 step %scan3A_39 iter_args(%scan3A_43 = %scan3A_35) -> (i32)  : i32 {
      %rem3A = arith.constant 2 : i32
      %rem3A_44 = arith.remsi %scan3A_42, %rem3A : i32
      %add3A_45 = arith.constant 1 : i32
      %add3A_46 = arith.addi %scan3A_42, %add3A_45 : i32
      %lt3A = arith.constant 16 : i32
      %lt3A_47 = arith.cmpi slt, %add3A_46, %lt3A : i32
      %convert_element_type3A = arith.extui %lt3A_47 : i1 to i32
      %cond3A = arith.constant 0 : i32
      %cond3A_48 = arith.cmpi ne, %convert_element_type3A, %cond3A : i32
      scf.if %cond3A_48 {
        %add3A_94 = arith.constant 1 : i32
        %add3A_95 = arith.addi %scan3A_42, %add3A_94 : i32
        %add3A_96 = arith.constant 1 : i32
        %add3A_97 = arith.addi %scan3A_42, %add3A_96 : i32
        %rem3A_98 = arith.constant 2 : i32
        %rem3A_99 = arith.remsi %add3A_97, %rem3A_98 : i32
        %mul3A_100 = arith.constant 32 : i32
        %mul3A_101 = arith.muli %add3A_95, %mul3A_100 : i32
        %dma_start3A_102 = arith.constant 0 : i32
        %dma_start3A_103 = arith.constant 0 : i32
        %dma_start3A_104 = tpu.memref_slice %arg12[%rem3A_99, %dma_start3A_102, %dma_start3A_103] : memref<2x32x64xf32, #tpu.memory_space<vmem>> -> memref<1x32x64xf32, #tpu.memory_space<vmem>>
        %dma_start3A_105 = tpu.memref_squeeze %dma_start3A_104 : memref<1x32x64xf32, #tpu.memory_space<vmem>> -> memref<32x64xf32, #tpu.memory_space<vmem>>
        %dma_start3A_106 = tpu.memref_slice %arg9[%mul3A_101] : memref<512xi32, #tpu.memory_space<vmem>> -> memref<32xi32, #tpu.memory_space<vmem>>
        %dma_start3A_107 = arith.constant 0 : i32
        %dma_start3A_108 = arith.constant 0 : i32
        %dma_start3A_109 = tpu.memref_slice %arg5[%dma_start3A_107, %dma_start3A_108] : memref<1000000x64xf32, #tpu.memory_space<hbm>> -> memref<1000000x64xf32, #tpu.memory_space<hbm>>
        %dma_start3A_110 = tpu.memref_slice %arg18[%rem3A_99] : memref<2x!tpu.dma_semaphore, #tpu.memory_space<semaphore_mem>> -> memref<1x!tpu.dma_semaphore, #tpu.memory_space<semaphore_mem>>
        %dma_start3A_111 = tpu.memref_squeeze %dma_start3A_110 : memref<1x!tpu.dma_semaphore, #tpu.memory_space<semaphore_mem>> -> memref<!tpu.dma_semaphore, #tpu.memory_space<semaphore_mem>>
        tpu.enqueue_indirect_dma source(%dma_start3A_109 : memref<1000000x64xf32, #tpu.memory_space<hbm>>) target(%dma_start3A_105 : memref<32x64xf32, #tpu.memory_space<vmem>>) offsets(%dma_start3A_106 : memref<32xi32, #tpu.memory_space<vmem>>) semaphore(%dma_start3A_111 : memref<!tpu.dma_semaphore, #tpu.memory_space<semaphore_mem>>)
        %mul3A_112 = arith.constant 32 : i32
        %mul3A_113 = arith.muli %add3A_95, %mul3A_112 : i32
        %dma_start3A_114 = arith.constant 0 : i32
        %dma_start3A_115 = arith.constant 0 : i32
        %dma_start3A_116 = tpu.memref_slice %arg13[%rem3A_99, %dma_start3A_114, %dma_start3A_115] : memref<2x32x64xf32, #tpu.memory_space<vmem>> -> memref<1x32x64xf32, #tpu.memory_space<vmem>>
        %dma_start3A_117 = tpu.memref_squeeze %dma_start3A_116 : memref<1x32x64xf32, #tpu.memory_space<vmem>> -> memref<32x64xf32, #tpu.memory_space<vmem>>
        %dma_start3A_118 = tpu.memref_slice %arg10[%mul3A_113] : memref<512xi32, #tpu.memory_space<vmem>> -> memref<32xi32, #tpu.memory_space<vmem>>
        %dma_start3A_119 = arith.constant 0 : i32
        %dma_start3A_120 = arith.constant 0 : i32
        %dma_start3A_121 = tpu.memref_slice %arg6[%dma_start3A_119, %dma_start3A_120] : memref<1000000x64xf32, #tpu.memory_space<hbm>> -> memref<1000000x64xf32, #tpu.memory_space<hbm>>
        %dma_start3A_122 = tpu.memref_slice %arg18[%rem3A_99] : memref<2x!tpu.dma_semaphore, #tpu.memory_space<semaphore_mem>> -> memref<1x!tpu.dma_semaphore, #tpu.memory_space<semaphore_mem>>
        %dma_start3A_123 = tpu.memref_squeeze %dma_start3A_122 : memref<1x!tpu.dma_semaphore, #tpu.memory_space<semaphore_mem>> -> memref<!tpu.dma_semaphore, #tpu.memory_space<semaphore_mem>>
        tpu.enqueue_indirect_dma source(%dma_start3A_121 : memref<1000000x64xf32, #tpu.memory_space<hbm>>) target(%dma_start3A_117 : memref<32x64xf32, #tpu.memory_space<vmem>>) offsets(%dma_start3A_118 : memref<32xi32, #tpu.memory_space<vmem>>) semaphore(%dma_start3A_123 : memref<!tpu.dma_semaphore, #tpu.memory_space<semaphore_mem>>)
        %scan3A_124 = arith.constant 0 : i32
        %scan3A_125 = arith.constant 0 : i32
        %scan3A_126 = arith.constant 32 : i32
        %scan3A_127 = arith.addi %scan3A_125, %scan3A_126 : i32
        %scan3A_128 = arith.constant 1 : i32
        %scan3A_129 = scf.for %scan3A_131 = %scan3A_125 to %scan3A_127 step %scan3A_128 iter_args(%scan3A_132 = %scan3A_124) -> (i32)  : i32 {
          %mul3A_133 = arith.constant 32 : i32
          %mul3A_134 = arith.muli %add3A_95, %mul3A_133 : i32
          %add3A_135 = arith.addi %mul3A_134, %scan3A_131 : i32
          %dma_start3A_136 = arith.constant 0 : i32
          %dma_start3A_137 = arith.constant 0 : i32
          %dma_start3A_138 = tpu.memref_slice %arg14[%rem3A_99, %scan3A_131, %dma_start3A_136, %dma_start3A_137] : memref<2x32x20x64xf32, #tpu.memory_space<vmem>> -> memref<1x1x20x64xf32, #tpu.memory_space<vmem>>
          %dma_start3A_139 = tpu.memref_squeeze %dma_start3A_138 : memref<1x1x20x64xf32, #tpu.memory_space<vmem>> -> memref<20x64xf32, #tpu.memory_space<vmem>>
          %dma_start3A_140 = arith.constant 0 : i32
          %dma_start3A_141 = tpu.memref_slice %arg11[%add3A_135, %dma_start3A_140] : memref<512x20xi32, #tpu.memory_space<vmem>> -> memref<1x20xi32, #tpu.memory_space<vmem>>
          %dma_start3A_142 = tpu.memref_squeeze %dma_start3A_141 : memref<1x20xi32, #tpu.memory_space<vmem>> -> memref<20xi32, #tpu.memory_space<vmem>>
          %dma_start3A_143 = arith.constant 0 : i32
          %dma_start3A_144 = arith.constant 0 : i32
          %dma_start3A_145 = tpu.memref_slice %arg6[%dma_start3A_143, %dma_start3A_144] : memref<1000000x64xf32, #tpu.memory_space<hbm>> -> memref<1000000x64xf32, #tpu.memory_space<hbm>>
          %dma_start3A_146 = tpu.memref_slice %arg18[%rem3A_99] : memref<2x!tpu.dma_semaphore, #tpu.memory_space<semaphore_mem>> -> memref<1x!tpu.dma_semaphore, #tpu.memory_space<semaphore_mem>>
          %dma_start3A_147 = tpu.memref_squeeze %dma_start3A_146 : memref<1x!tpu.dma_semaphore, #tpu.memory_space<semaphore_mem>> -> memref<!tpu.dma_semaphore, #tpu.memory_space<semaphore_mem>>
          tpu.enqueue_indirect_dma source(%dma_start3A_145 : memref<1000000x64xf32, #tpu.memory_space<hbm>>) target(%dma_start3A_139 : memref<20x64xf32, #tpu.memory_space<vmem>>) offsets(%dma_start3A_142 : memref<20xi32, #tpu.memory_space<vmem>>) semaphore(%dma_start3A_147 : memref<!tpu.dma_semaphore, #tpu.memory_space<semaphore_mem>>)
          %scan3A_148 = arith.constant 0 : i32
          scf.yield %scan3A_148 : i32
        }
        %scan3A_130 = arith.constant 32 : i32
      } else {
      }
      %mul3A_49 = arith.constant 32 : i32
      %mul3A_50 = arith.muli %scan3A_42, %mul3A_49 : i32
      %dma_wait3A = arith.constant 0 : i32
      %dma_wait3A_51 = arith.constant 0 : i32
      %dma_wait3A_52 = tpu.memref_slice %arg12[%rem3A_44, %dma_wait3A, %dma_wait3A_51] : memref<2x32x64xf32, #tpu.memory_space<vmem>> -> memref<1x32x64xf32, #tpu.memory_space<vmem>>
      %dma_wait3A_53 = tpu.memref_squeeze %dma_wait3A_52 : memref<1x32x64xf32, #tpu.memory_space<vmem>> -> memref<32x64xf32, #tpu.memory_space<vmem>>
      %dma_wait3A_54 = tpu.memref_slice %arg9[%mul3A_50] : memref<512xi32, #tpu.memory_space<vmem>> -> memref<32xi32, #tpu.memory_space<vmem>>
      %dma_wait3A_55 = arith.constant 0 : i32
      %dma_wait3A_56 = arith.constant 0 : i32
      %dma_wait3A_57 = tpu.memref_slice %arg5[%dma_wait3A_55, %dma_wait3A_56] : memref<1000000x64xf32, #tpu.memory_space<hbm>> -> memref<1000000x64xf32, #tpu.memory_space<hbm>>
      %dma_wait3A_58 = tpu.memref_slice %arg18[%rem3A_44] : memref<2x!tpu.dma_semaphore, #tpu.memory_space<semaphore_mem>> -> memref<1x!tpu.dma_semaphore, #tpu.memory_space<semaphore_mem>>
      %dma_wait3A_59 = tpu.memref_squeeze %dma_wait3A_58 : memref<1x!tpu.dma_semaphore, #tpu.memory_space<semaphore_mem>> -> memref<!tpu.dma_semaphore, #tpu.memory_space<semaphore_mem>>
      tpu.wait_indirect_dma semaphore(%dma_wait3A_59 : memref<!tpu.dma_semaphore, #tpu.memory_space<semaphore_mem>>) src(%dma_wait3A_57 : memref<1000000x64xf32, #tpu.memory_space<hbm>>) dst(%dma_wait3A_53 : memref<32x64xf32, #tpu.memory_space<vmem>>)
      %mul3A_60 = arith.constant 32 : i32
      %mul3A_61 = arith.muli %scan3A_42, %mul3A_60 : i32
      %dma_wait3A_62 = arith.constant 0 : i32
      %dma_wait3A_63 = arith.constant 0 : i32
      %dma_wait3A_64 = tpu.memref_slice %arg13[%rem3A_44, %dma_wait3A_62, %dma_wait3A_63] : memref<2x32x64xf32, #tpu.memory_space<vmem>> -> memref<1x32x64xf32, #tpu.memory_space<vmem>>
      %dma_wait3A_65 = tpu.memref_squeeze %dma_wait3A_64 : memref<1x32x64xf32, #tpu.memory_space<vmem>> -> memref<32x64xf32, #tpu.memory_space<vmem>>
      %dma_wait3A_66 = tpu.memref_slice %arg10[%mul3A_61] : memref<512xi32, #tpu.memory_space<vmem>> -> memref<32xi32, #tpu.memory_space<vmem>>
      %dma_wait3A_67 = arith.constant 0 : i32
      %dma_wait3A_68 = arith.constant 0 : i32
      %dma_wait3A_69 = tpu.memref_slice %arg6[%dma_wait3A_67, %dma_wait3A_68] : memref<1000000x64xf32, #tpu.memory_space<hbm>> -> memref<1000000x64xf32, #tpu.memory_space<hbm>>
      %dma_wait3A_70 = tpu.memref_slice %arg18[%rem3A_44] : memref<2x!tpu.dma_semaphore, #tpu.memory_space<semaphore_mem>> -> memref<1x!tpu.dma_semaphore, #tpu.memory_space<semaphore_mem>>
      %dma_wait3A_71 = tpu.memref_squeeze %dma_wait3A_70 : memref<1x!tpu.dma_semaphore, #tpu.memory_space<semaphore_mem>> -> memref<!tpu.dma_semaphore, #tpu.memory_space<semaphore_mem>>
      tpu.wait_indirect_dma semaphore(%dma_wait3A_71 : memref<!tpu.dma_semaphore, #tpu.memory_space<semaphore_mem>>) src(%dma_wait3A_69 : memref<1000000x64xf32, #tpu.memory_space<hbm>>) dst(%dma_wait3A_65 : memref<32x64xf32, #tpu.memory_space<vmem>>)
      %scan3A_72 = arith.constant 0 : i32
      %scan3A_73 = arith.constant 0 : i32
      %scan3A_74 = arith.constant 32 : i32
      %scan3A_75 = arith.addi %scan3A_73, %scan3A_74 : i32
      %scan3A_76 = arith.constant 1 : i32
      %scan3A_77 = scf.for %scan3A_94 = %scan3A_73 to %scan3A_75 step %scan3A_76 iter_args(%scan3A_95 = %scan3A_72) -> (i32)  : i32 {
        %mul3A_96 = arith.constant 32 : i32
        %mul3A_97 = arith.muli %scan3A_42, %mul3A_96 : i32
        %add3A_98 = arith.addi %mul3A_97, %scan3A_94 : i32
        %dma_wait3A_99 = arith.constant 0 : i32
        %dma_wait3A_100 = arith.constant 0 : i32
        %dma_wait3A_101 = tpu.memref_slice %arg14[%rem3A_44, %scan3A_94, %dma_wait3A_99, %dma_wait3A_100] : memref<2x32x20x64xf32, #tpu.memory_space<vmem>> -> memref<1x1x20x64xf32, #tpu.memory_space<vmem>>
        %dma_wait3A_102 = tpu.memref_squeeze %dma_wait3A_101 : memref<1x1x20x64xf32, #tpu.memory_space<vmem>> -> memref<20x64xf32, #tpu.memory_space<vmem>>
        %dma_wait3A_103 = arith.constant 0 : i32
        %dma_wait3A_104 = tpu.memref_slice %arg11[%add3A_98, %dma_wait3A_103] : memref<512x20xi32, #tpu.memory_space<vmem>> -> memref<1x20xi32, #tpu.memory_space<vmem>>
        %dma_wait3A_105 = tpu.memref_squeeze %dma_wait3A_104 : memref<1x20xi32, #tpu.memory_space<vmem>> -> memref<20xi32, #tpu.memory_space<vmem>>
        %dma_wait3A_106 = arith.constant 0 : i32
        %dma_wait3A_107 = arith.constant 0 : i32
        %dma_wait3A_108 = tpu.memref_slice %arg6[%dma_wait3A_106, %dma_wait3A_107] : memref<1000000x64xf32, #tpu.memory_space<hbm>> -> memref<1000000x64xf32, #tpu.memory_space<hbm>>
        %dma_wait3A_109 = tpu.memref_slice %arg18[%rem3A_44] : memref<2x!tpu.dma_semaphore, #tpu.memory_space<semaphore_mem>> -> memref<1x!tpu.dma_semaphore, #tpu.memory_space<semaphore_mem>>
        %dma_wait3A_110 = tpu.memref_squeeze %dma_wait3A_109 : memref<1x!tpu.dma_semaphore, #tpu.memory_space<semaphore_mem>> -> memref<!tpu.dma_semaphore, #tpu.memory_space<semaphore_mem>>
        tpu.wait_indirect_dma semaphore(%dma_wait3A_110 : memref<!tpu.dma_semaphore, #tpu.memory_space<semaphore_mem>>) src(%dma_wait3A_108 : memref<1000000x64xf32, #tpu.memory_space<hbm>>) dst(%dma_wait3A_102 : memref<20x64xf32, #tpu.memory_space<vmem>>)
        %scan3A_111 = arith.constant 0 : i32
        scf.yield %scan3A_111 : i32
      }
      %scan3A_78 = arith.constant 32 : i32
      %iota3A = tpu.iota {dimensions = array<i32: 0>} : vector<16xi32>
      %scan3A_79 = arith.constant 0 : i32
      %scan3A_80 = arith.constant 0 : i32
      %scan3A_81 = arith.constant 2 : i32
      %scan3A_82 = arith.addi %scan3A_80, %scan3A_81 : i32
      %scan3A_83 = arith.constant 1 : i32
      %scan3A_84 = scf.for %scan3A_94 = %scan3A_80 to %scan3A_82 step %scan3A_83 iter_args(%scan3A_95 = %scan3A_79) -> (i32)  : i32 {
        %mul3A_96 = arith.constant 16 : i32
        %mul3A_97 = arith.muli %scan3A_94, %mul3A_96 : i32
        %add3A_98 = arith.constant 0 : i32
        %add3A_99 = arith.addi %mul3A_97, %add3A_98 : i32
        %mul3A_100 = arith.constant 16 : i32
        %mul3A_101 = vector.broadcast %mul3A_100 : i32 to vector<16xi32>
        %mul3A_102 = arith.muli %iota3A, %mul3A_101 : vector<16xi32>
        %add3A_103 = arith.constant 0 : i32
        %add3A_104 = vector.broadcast %add3A_103 : i32 to vector<16xi32>
        %add3A_105 = arith.addi %mul3A_102, %add3A_104 : vector<16xi32>
        %get3A = arith.constant 0 : i32
        %get3A_106 = arith.constant 0 : i32
        %get3A_107 = tpu.memref_slice %arg12[%rem3A_44, %get3A, %get3A_106] : memref<2x32x64xf32, #tpu.memory_space<vmem>> -> memref<1x32x64xf32, #tpu.memory_space<vmem>>
        %get3A_108 = tpu.memref_squeeze %get3A_107 : memref<1x32x64xf32, #tpu.memory_space<vmem>> -> memref<32x64xf32, #tpu.memory_space<vmem>>
        %get3A_109 = arith.index_cast %add3A_99 : i32 to index
        %get3A_110 = arith.constant 0 : index
        %get3A_111 = tpu.vector_load %get3A_108[%get3A_109, %get3A_110] {strides = array<i32>} : memref<32x64xf32, #tpu.memory_space<vmem>>, vector<16xf32>,
        %get3A_112 = arith.constant 0 : i32
        %get3A_113 = arith.constant 0 : i32
        %get3A_114 = tpu.memref_slice %arg13[%rem3A_44, %get3A_112, %get3A_113] : memref<2x32x64xf32, #tpu.memory_space<vmem>> -> memref<1x32x64xf32, #tpu.memory_space<vmem>>
        %get3A_115 = tpu.memref_squeeze %get3A_114 : memref<1x32x64xf32, #tpu.memory_space<vmem>> -> memref<32x64xf32, #tpu.memory_space<vmem>>
        %get3A_116 = arith.index_cast %add3A_99 : i32 to index
        %get3A_117 = arith.constant 0 : index
        %get3A_118 = tpu.vector_load %get3A_115[%get3A_116, %get3A_117] {strides = array<i32>} : memref<32x64xf32, #tpu.memory_space<vmem>>, vector<16xf32>,
        %mul3A_119 = arith.mulf %get3A_111, %get3A_118 : vector<16xf32>
        %get3A_120 = arith.constant 0 : i32
        %get3A_121 = arith.constant 0 : i32
        %get3A_122 = tpu.memref_slice %arg12[%rem3A_44, %get3A_120, %get3A_121] : memref<2x32x64xf32, #tpu.memory_space<vmem>> -> memref<1x32x64xf32, #tpu.memory_space<vmem>>
        %get3A_123 = tpu.memref_squeeze %get3A_122 : memref<1x32x64xf32, #tpu.memory_space<vmem>> -> memref<32x64xf32, #tpu.memory_space<vmem>>
        %get3A_124 = arith.index_cast %add3A_99 : i32 to index
        %get3A_125 = arith.constant 16 : index
        %get3A_126 = tpu.vector_load %get3A_123[%get3A_124, %get3A_125] {strides = array<i32>} : memref<32x64xf32, #tpu.memory_space<vmem>>, vector<16xf32>,
        %get3A_127 = arith.constant 0 : i32
        %get3A_128 = arith.constant 0 : i32
        %get3A_129 = tpu.memref_slice %arg13[%rem3A_44, %get3A_127, %get3A_128] : memref<2x32x64xf32, #tpu.memory_space<vmem>> -> memref<1x32x64xf32, #tpu.memory_space<vmem>>
        %get3A_130 = tpu.memref_squeeze %get3A_129 : memref<1x32x64xf32, #tpu.memory_space<vmem>> -> memref<32x64xf32, #tpu.memory_space<vmem>>
        %get3A_131 = arith.index_cast %add3A_99 : i32 to index
        %get3A_132 = arith.constant 16 : index
        %get3A_133 = tpu.vector_load %get3A_130[%get3A_131, %get3A_132] {strides = array<i32>} : memref<32x64xf32, #tpu.memory_space<vmem>>, vector<16xf32>,
        %mul3A_134 = arith.mulf %get3A_126, %get3A_133 : vector<16xf32>
        %add3A_135 = arith.addf %mul3A_119, %mul3A_134 : vector<16xf32>
        %get3A_136 = arith.constant 0 : i32
        %get3A_137 = arith.constant 0 : i32
        %get3A_138 = tpu.memref_slice %arg12[%rem3A_44, %get3A_136, %get3A_137] : memref<2x32x64xf32, #tpu.memory_space<vmem>> -> memref<1x32x64xf32, #tpu.memory_space<vmem>>
        %get3A_139 = tpu.memref_squeeze %get3A_138 : memref<1x32x64xf32, #tpu.memory_space<vmem>> -> memref<32x64xf32, #tpu.memory_space<vmem>>
        %get3A_140 = arith.index_cast %add3A_99 : i32 to index
        %get3A_141 = arith.constant 32 : index
        %get3A_142 = tpu.vector_load %get3A_139[%get3A_140, %get3A_141] {strides = array<i32>} : memref<32x64xf32, #tpu.memory_space<vmem>>, vector<16xf32>,
        %get3A_143 = arith.constant 0 : i32
        %get3A_144 = arith.constant 0 : i32
        %get3A_145 = tpu.memref_slice %arg13[%rem3A_44, %get3A_143, %get3A_144] : memref<2x32x64xf32, #tpu.memory_space<vmem>> -> memref<1x32x64xf32, #tpu.memory_space<vmem>>
        %get3A_146 = tpu.memref_squeeze %get3A_145 : memref<1x32x64xf32, #tpu.memory_space<vmem>> -> memref<32x64xf32, #tpu.memory_space<vmem>>
        %get3A_147 = arith.index_cast %add3A_99 : i32 to index
        %get3A_148 = arith.constant 32 : index
        %get3A_149 = tpu.vector_load %get3A_146[%get3A_147, %get3A_148] {strides = array<i32>} : memref<32x64xf32, #tpu.memory_space<vmem>>, vector<16xf32>,
        %mul3A_150 = arith.mulf %get3A_142, %get3A_149 : vector<16xf32>
        %add3A_151 = arith.addf %add3A_135, %mul3A_150 : vector<16xf32>
        %get3A_152 = arith.constant 0 : i32
        %get3A_153 = arith.constant 0 : i32
        %get3A_154 = tpu.memref_slice %arg12[%rem3A_44, %get3A_152, %get3A_153] : memref<2x32x64xf32, #tpu.memory_space<vmem>> -> memref<1x32x64xf32, #tpu.memory_space<vmem>>
        %get3A_155 = tpu.memref_squeeze %get3A_154 : memref<1x32x64xf32, #tpu.memory_space<vmem>> -> memref<32x64xf32, #tpu.memory_space<vmem>>
        %get3A_156 = arith.index_cast %add3A_99 : i32 to index
        %get3A_157 = arith.constant 48 : index
        %get3A_158 = tpu.vector_load %get3A_155[%get3A_156, %get3A_157] {strides = array<i32>} : memref<32x64xf32, #tpu.memory_space<vmem>>, vector<16xf32>,
        %get3A_159 = arith.constant 0 : i32
        %get3A_160 = arith.constant 0 : i32
        %get3A_161 = tpu.memref_slice %arg13[%rem3A_44, %get3A_159, %get3A_160] : memref<2x32x64xf32, #tpu.memory_space<vmem>> -> memref<1x32x64xf32, #tpu.memory_space<vmem>>
        %get3A_162 = tpu.memref_squeeze %get3A_161 : memref<1x32x64xf32, #tpu.memory_space<vmem>> -> memref<32x64xf32, #tpu.memory_space<vmem>>
        %get3A_163 = arith.index_cast %add3A_99 : i32 to index
        %get3A_164 = arith.constant 48 : index
        %get3A_165 = tpu.vector_load %get3A_162[%get3A_163, %get3A_164] {strides = array<i32>} : memref<32x64xf32, #tpu.memory_space<vmem>>, vector<16xf32>,
        %mul3A_166 = arith.mulf %get3A_158, %get3A_165 : vector<16xf32>
        %add3A_167 = arith.addf %add3A_151, %mul3A_166 : vector<16xf32>
        tpu.vector_store_idx %arg17[%add3A_105], %add3A_167 : memref<256xf32, #tpu.memory_space<vmem>>[vector<16xi32>], vector<16xf32>,
        %mul3A_168 = arith.constant 16 : i32
        %mul3A_169 = arith.muli %scan3A_94, %mul3A_168 : i32
        %add3A_170 = arith.constant 1 : i32
        %add3A_171 = arith.addi %mul3A_169, %add3A_170 : i32
        %mul3A_172 = arith.constant 16 : i32
        %mul3A_173 = vector.broadcast %mul3A_172 : i32 to vector<16xi32>
        %mul3A_174 = arith.muli %iota3A, %mul3A_173 : vector<16xi32>
        %add3A_175 = arith.constant 1 : i32
        %add3A_176 = vector.broadcast %add3A_175 : i32 to vector<16xi32>
        %add3A_177 = arith.addi %mul3A_174, %add3A_176 : vector<16xi32>
        %get3A_178 = arith.constant 0 : i32
        %get3A_179 = arith.constant 0 : i32
        %get3A_180 = tpu.memref_slice %arg12[%rem3A_44, %get3A_178, %get3A_179] : memref<2x32x64xf32, #tpu.memory_space<vmem>> -> memref<1x32x64xf32, #tpu.memory_space<vmem>>
        %get3A_181 = tpu.memref_squeeze %get3A_180 : memref<1x32x64xf32, #tpu.memory_space<vmem>> -> memref<32x64xf32, #tpu.memory_space<vmem>>
        %get3A_182 = arith.index_cast %add3A_171 : i32 to index
        %get3A_183 = arith.constant 0 : index
        %get3A_184 = tpu.vector_load %get3A_181[%get3A_182, %get3A_183] {strides = array<i32>} : memref<32x64xf32, #tpu.memory_space<vmem>>, vector<16xf32>,
        %get3A_185 = arith.constant 0 : i32
        %get3A_186 = arith.constant 0 : i32
        %get3A_187 = tpu.memref_slice %arg13[%rem3A_44, %get3A_185, %get3A_186] : memref<2x32x64xf32, #tpu.memory_space<vmem>> -> memref<1x32x64xf32, #tpu.memory_space<vmem>>
        %get3A_188 = tpu.memref_squeeze %get3A_187 : memref<1x32x64xf32, #tpu.memory_space<vmem>> -> memref<32x64xf32, #tpu.memory_space<vmem>>
        %get3A_189 = arith.index_cast %add3A_171 : i32 to index
        %get3A_190 = arith.constant 0 : index
        %get3A_191 = tpu.vector_load %get3A_188[%get3A_189, %get3A_190] {strides = array<i32>} : memref<32x64xf32, #tpu.memory_space<vmem>>, vector<16xf32>,
        %mul3A_192 = arith.mulf %get3A_184, %get3A_191 : vector<16xf32>
        %get3A_193 = arith.constant 0 : i32
        %get3A_194 = arith.constant 0 : i32
        %get3A_195 = tpu.memref_slice %arg12[%rem3A_44, %get3A_193, %get3A_194] : memref<2x32x64xf32, #tpu.memory_space<vmem>> -> memref<1x32x64xf32, #tpu.memory_space<vmem>>
        %get3A_196 = tpu.memref_squeeze %get3A_195 : memref<1x32x64xf32, #tpu.memory_space<vmem>> -> memref<32x64xf32, #tpu.memory_space<vmem>>
        %get3A_197 = arith.index_cast %add3A_171 : i32 to index
        %get3A_198 = arith.constant 16 : index
        %get3A_199 = tpu.vector_load %get3A_196[%get3A_197, %get3A_198] {strides = array<i32>} : memref<32x64xf32, #tpu.memory_space<vmem>>, vector<16xf32>,
        %get3A_200 = arith.constant 0 : i32
        %get3A_201 = arith.constant 0 : i32
        %get3A_202 = tpu.memref_slice %arg13[%rem3A_44, %get3A_200, %get3A_201] : memref<2x32x64xf32, #tpu.memory_space<vmem>> -> memref<1x32x64xf32, #tpu.memory_space<vmem>>
        %get3A_203 = tpu.memref_squeeze %get3A_202 : memref<1x32x64xf32, #tpu.memory_space<vmem>> -> memref<32x64xf32, #tpu.memory_space<vmem>>
        %get3A_204 = arith.index_cast %add3A_171 : i32 to index
        %get3A_205 = arith.constant 16 : index
        %get3A_206 = tpu.vector_load %get3A_203[%get3A_204, %get3A_205] {strides = array<i32>} : memref<32x64xf32, #tpu.memory_space<vmem>>, vector<16xf32>,
        %mul3A_207 = arith.mulf %get3A_199, %get3A_206 : vector<16xf32>
        %add3A_208 = arith.addf %mul3A_192, %mul3A_207 : vector<16xf32>
        %get3A_209 = arith.constant 0 : i32
        %get3A_210 = arith.constant 0 : i32
        %get3A_211 = tpu.memref_slice %arg12[%rem3A_44, %get3A_209, %get3A_210] : memref<2x32x64xf32, #tpu.memory_space<vmem>> -> memref<1x32x64xf32, #tpu.memory_space<vmem>>
        %get3A_212 = tpu.memref_squeeze %get3A_211 : memref<1x32x64xf32, #tpu.memory_space<vmem>> -> memref<32x64xf32, #tpu.memory_space<vmem>>
        %get3A_213 = arith.index_cast %add3A_171 : i32 to index
        %get3A_214 = arith.constant 32 : index
        %get3A_215 = tpu.vector_load %get3A_212[%get3A_213, %get3A_214] {strides = array<i32>} : memref<32x64xf32, #tpu.memory_space<vmem>>, vector<16xf32>,
        %get3A_216 = arith.constant 0 : i32
        %get3A_217 = arith.constant 0 : i32
        %get3A_218 = tpu.memref_slice %arg13[%rem3A_44, %get3A_216, %get3A_217] : memref<2x32x64xf32, #tpu.memory_space<vmem>> -> memref<1x32x64xf32, #tpu.memory_space<vmem>>
        %get3A_219 = tpu.memref_squeeze %get3A_218 : memref<1x32x64xf32, #tpu.memory_space<vmem>> -> memref<32x64xf32, #tpu.memory_space<vmem>>
        %get3A_220 = arith.index_cast %add3A_171 : i32 to index
        %get3A_221 = arith.constant 32 : index
        %get3A_222 = tpu.vector_load %get3A_219[%get3A_220, %get3A_221] {strides = array<i32>} : memref<32x64xf32, #tpu.memory_space<vmem>>, vector<16xf32>,
        %mul3A_223 = arith.mulf %get3A_215, %get3A_222 : vector<16xf32>
        %add3A_224 = arith.addf %add3A_208, %mul3A_223 : vector<16xf32>
        %get3A_225 = arith.constant 0 : i32
        %get3A_226 = arith.constant 0 : i32
        %get3A_227 = tpu.memref_slice %arg12[%rem3A_44, %get3A_225, %get3A_226] : memref<2x32x64xf32, #tpu.memory_space<vmem>> -> memref<1x32x64xf32, #tpu.memory_space<vmem>>
        %get3A_228 = tpu.memref_squeeze %get3A_227 : memref<1x32x64xf32, #tpu.memory_space<vmem>> -> memref<32x64xf32, #tpu.memory_space<vmem>>
        %get3A_229 = arith.index_cast %add3A_171 : i32 to index
        %get3A_230 = arith.constant 48 : index
        %get3A_231 = tpu.vector_load %get3A_228[%get3A_229, %get3A_230] {strides = array<i32>} : memref<32x64xf32, #tpu.memory_space<vmem>>, vector<16xf32>,
        %get3A_232 = arith.constant 0 : i32
        %get3A_233 = arith.constant 0 : i32
        %get3A_234 = tpu.memref_slice %arg13[%rem3A_44, %get3A_232, %get3A_233] : memref<2x32x64xf32, #tpu.memory_space<vmem>> -> memref<1x32x64xf32, #tpu.memory_space<vmem>>
        %get3A_235 = tpu.memref_squeeze %get3A_234 : memref<1x32x64xf32, #tpu.memory_space<vmem>> -> memref<32x64xf32, #tpu.memory_space<vmem>>
        %get3A_236 = arith.index_cast %add3A_171 : i32 to index
        %get3A_237 = arith.constant 48 : index
        %get3A_238 = tpu.vector_load %get3A_235[%get3A_236, %get3A_237] {strides = array<i32>} : memref<32x64xf32, #tpu.memory_space<vmem>>, vector<16xf32>,
        %mul3A_239 = arith.mulf %get3A_231, %get3A_238 : vector<16xf32>
        %add3A_240 = arith.addf %add3A_224, %mul3A_239 : vector<16xf32>
        tpu.vector_store_idx %arg17[%add3A_177], %add3A_240 : memref<256xf32, #tpu.memory_space<vmem>>[vector<16xi32>], vector<16xf32>,
        %mul3A_241 = arith.constant 16 : i32
        %mul3A_242 = arith.muli %scan3A_94, %mul3A_241 : i32
        %add3A_243 = arith.constant 2 : i32
        %add3A_244 = arith.addi %mul3A_242, %add3A_243 : i32
        %mul3A_245 = arith.constant 16 : i32
        %mul3A_246 = vector.broadcast %mul3A_245 : i32 to vector<16xi32>
        %mul3A_247 = arith.muli %iota3A, %mul3A_246 : vector<16xi32>
        %add3A_248 = arith.constant 2 : i32
        %add3A_249 = vector.broadcast %add3A_248 : i32 to vector<16xi32>
        %add3A_250 = arith.addi %mul3A_247, %add3A_249 : vector<16xi32>
        %get3A_251 = arith.constant 0 : i32
        %get3A_252 = arith.constant 0 : i32
        %get3A_253 = tpu.memref_slice %arg12[%rem3A_44, %get3A_251, %get3A_252] : memref<2x32x64xf32, #tpu.memory_space<vmem>> -> memref<1x32x64xf32, #tpu.memory_space<vmem>>
        %get3A_254 = tpu.memref_squeeze %get3A_253 : memref<1x32x64xf32, #tpu.memory_space<vmem>> -> memref<32x64xf32, #tpu.memory_space<vmem>>
        %get3A_255 = arith.index_cast %add3A_244 : i32 to index
        %get3A_256 = arith.constant 0 : index
        %get3A_257 = tpu.vector_load %get3A_254[%get3A_255, %get3A_256] {strides = array<i32>} : memref<32x64xf32, #tpu.memory_space<vmem>>, vector<16xf32>,
        %get3A_258 = arith.constant 0 : i32
        %get3A_259 = arith.constant 0 : i32
        %get3A_260 = tpu.memref_slice %arg13[%rem3A_44, %get3A_258, %get3A_259] : memref<2x32x64xf32, #tpu.memory_space<vmem>> -> memref<1x32x64xf32, #tpu.memory_space<vmem>>
        %get3A_261 = tpu.memref_squeeze %get3A_260 : memref<1x32x64xf32, #tpu.memory_space<vmem>> -> memref<32x64xf32, #tpu.memory_space<vmem>>
        %get3A_262 = arith.index_cast %add3A_244 : i32 to index
        %get3A_263 = arith.constant 0 : index
        %get3A_264 = tpu.vector_load %get3A_261[%get3A_262, %get3A_263] {strides = array<i32>} : memref<32x64xf32, #tpu.memory_space<vmem>>, vector<16xf32>,
        %mul3A_265 = arith.mulf %get3A_257, %get3A_264 : vector<16xf32>
        %get3A_266 = arith.constant 0 : i32
        %get3A_267 = arith.constant 0 : i32
        %get3A_268 = tpu.memref_slice %arg12[%rem3A_44, %get3A_266, %get3A_267] : memref<2x32x64xf32, #tpu.memory_space<vmem>> -> memref<1x32x64xf32, #tpu.memory_space<vmem>>
        %get3A_269 = tpu.memref_squeeze %get3A_268 : memref<1x32x64xf32, #tpu.memory_space<vmem>> -> memref<32x64xf32, #tpu.memory_space<vmem>>
        %get3A_270 = arith.index_cast %add3A_244 : i32 to index
        %get3A_271 = arith.constant 16 : index
        %get3A_272 = tpu.vector_load %get3A_269[%get3A_270, %get3A_271] {strides = array<i32>} : memref<32x64xf32, #tpu.memory_space<vmem>>, vector<16xf32>,
        %get3A_273 = arith.constant 0 : i32
        %get3A_274 = arith.constant 0 : i32
        %get3A_275 = tpu.memref_slice %arg13[%rem3A_44, %get3A_273, %get3A_274] : memref<2x32x64xf32, #tpu.memory_space<vmem>> -> memref<1x32x64xf32, #tpu.memory_space<vmem>>
        %get3A_276 = tpu.memref_squeeze %get3A_275 : memref<1x32x64xf32, #tpu.memory_space<vmem>> -> memref<32x64xf32, #tpu.memory_space<vmem>>
        %get3A_277 = arith.index_cast %add3A_244 : i32 to index
        %get3A_278 = arith.constant 16 : index
        %get3A_279 = tpu.vector_load %get3A_276[%get3A_277, %get3A_278] {strides = array<i32>} : memref<32x64xf32, #tpu.memory_space<vmem>>, vector<16xf32>,
        %mul3A_280 = arith.mulf %get3A_272, %get3A_279 : vector<16xf32>
        %add3A_281 = arith.addf %mul3A_265, %mul3A_280 : vector<16xf32>
        %get3A_282 = arith.constant 0 : i32
        %get3A_283 = arith.constant 0 : i32
        %get3A_284 = tpu.memref_slice %arg12[%rem3A_44, %get3A_282, %get3A_283] : memref<2x32x64xf32, #tpu.memory_space<vmem>> -> memref<1x32x64xf32, #tpu.memory_space<vmem>>
        %get3A_285 = tpu.memref_squeeze %get3A_284 : memref<1x32x64xf32, #tpu.memory_space<vmem>> -> memref<32x64xf32, #tpu.memory_space<vmem>>
        %get3A_286 = arith.index_cast %add3A_244 : i32 to index
        %get3A_287 = arith.constant 32 : index
        %get3A_288 = tpu.vector_load %get3A_285[%get3A_286, %get3A_287] {strides = array<i32>} : memref<32x64xf32, #tpu.memory_space<vmem>>, vector<16xf32>,
        %get3A_289 = arith.constant 0 : i32
        %get3A_290 = arith.constant 0 : i32
        %get3A_291 = tpu.memref_slice %arg13[%rem3A_44, %get3A_289, %get3A_290] : memref<2x32x64xf32, #tpu.memory_space<vmem>> -> memref<1x32x64xf32, #tpu.memory_space<vmem>>
        %get3A_292 = tpu.memref_squeeze %get3A_291 : memref<1x32x64xf32, #tpu.memory_space<vmem>> -> memref<32x64xf32, #tpu.memory_space<vmem>>
        %get3A_293 = arith.index_cast %add3A_244 : i32 to index
        %get3A_294 = arith.constant 32 : index
        %get3A_295 = tpu.vector_load %get3A_292[%get3A_293, %get3A_294] {strides = array<i32>} : memref<32x64xf32, #tpu.memory_space<vmem>>, vector<16xf32>,
        %mul3A_296 = arith.mulf %get3A_288, %get3A_295 : vector<16xf32>
        %add3A_297 = arith.addf %add3A_281, %mul3A_296 : vector<16xf32>
        %get3A_298 = arith.constant 0 : i32
        %get3A_299 = arith.constant 0 : i32
        %get3A_300 = tpu.memref_slice %arg12[%rem3A_44, %get3A_298, %get3A_299] : memref<2x32x64xf32, #tpu.memory_space<vmem>> -> memref<1x32x64xf32, #tpu.memory_space<vmem>>
        %get3A_301 = tpu.memref_squeeze %get3A_300 : memref<1x32x64xf32, #tpu.memory_space<vmem>> -> memref<32x64xf32, #tpu.memory_space<vmem>>
        %get3A_302 = arith.index_cast %add3A_244 : i32 to index
        %get3A_303 = arith.constant 48 : index
        %get3A_304 = tpu.vector_load %get3A_301[%get3A_302, %get3A_303] {strides = array<i32>} : memref<32x64xf32, #tpu.memory_space<vmem>>, vector<16xf32>,
        %get3A_305 = arith.constant 0 : i32
        %get3A_306 = arith.constant 0 : i32
        %get3A_307 = tpu.memref_slice %arg13[%rem3A_44, %get3A_305, %get3A_306] : memref<2x32x64xf32, #tpu.memory_space<vmem>> -> memref<1x32x64xf32, #tpu.memory_space<vmem>>
        %get3A_308 = tpu.memref_squeeze %get3A_307 : memref<1x32x64xf32, #tpu.memory_space<vmem>> -> memref<32x64xf32, #tpu.memory_space<vmem>>
        %get3A_309 = arith.index_cast %add3A_244 : i32 to index
        %get3A_310 = arith.constant 48 : index
        %get3A_311 = tpu.vector_load %get3A_308[%get3A_309, %get3A_310] {strides = array<i32>} : memref<32x64xf32, #tpu.memory_space<vmem>>, vector<16xf32>,
        %mul3A_312 = arith.mulf %get3A_304, %get3A_311 : vector<16xf32>
        %add3A_313 = arith.addf %add3A_297, %mul3A_312 : vector<16xf32>
        tpu.vector_store_idx %arg17[%add3A_250], %add3A_313 : memref<256xf32, #tpu.memory_space<vmem>>[vector<16xi32>], vector<16xf32>,
        %mul3A_314 = arith.constant 16 : i32
        %mul3A_315 = arith.muli %scan3A_94, %mul3A_314 : i32
        %add3A_316 = arith.constant 3 : i32
        %add3A_317 = arith.addi %mul3A_315, %add3A_316 : i32
        %mul3A_318 = arith.constant 16 : i32
        %mul3A_319 = vector.broadcast %mul3A_318 : i32 to vector<16xi32>
        %mul3A_320 = arith.muli %iota3A, %mul3A_319 : vector<16xi32>
        %add3A_321 = arith.constant 3 : i32
        %add3A_322 = vector.broadcast %add3A_321 : i32 to vector<16xi32>
        %add3A_323 = arith.addi %mul3A_320, %add3A_322 : vector<16xi32>
        %get3A_324 = arith.constant 0 : i32
        %get3A_325 = arith.constant 0 : i32
        %get3A_326 = tpu.memref_slice %arg12[%rem3A_44, %get3A_324, %get3A_325] : memref<2x32x64xf32, #tpu.memory_space<vmem>> -> memref<1x32x64xf32, #tpu.memory_space<vmem>>
        %get3A_327 = tpu.memref_squeeze %get3A_326 : memref<1x32x64xf32, #tpu.memory_space<vmem>> -> memref<32x64xf32, #tpu.memory_space<vmem>>
        %get3A_328 = arith.index_cast %add3A_317 : i32 to index
        %get3A_329 = arith.constant 0 : index
        %get3A_330 = tpu.vector_load %get3A_327[%get3A_328, %get3A_329] {strides = array<i32>} : memref<32x64xf32, #tpu.memory_space<vmem>>, vector<16xf32>,
        %get3A_331 = arith.constant 0 : i32
        %get3A_332 = arith.constant 0 : i32
        %get3A_333 = tpu.memref_slice %arg13[%rem3A_44, %get3A_331, %get3A_332] : memref<2x32x64xf32, #tpu.memory_space<vmem>> -> memref<1x32x64xf32, #tpu.memory_space<vmem>>
        %get3A_334 = tpu.memref_squeeze %get3A_333 : memref<1x32x64xf32, #tpu.memory_space<vmem>> -> memref<32x64xf32, #tpu.memory_space<vmem>>
        %get3A_335 = arith.index_cast %add3A_317 : i32 to index
        %get3A_336 = arith.constant 0 : index
        %get3A_337 = tpu.vector_load %get3A_334[%get3A_335, %get3A_336] {strides = array<i32>} : memref<32x64xf32, #tpu.memory_space<vmem>>, vector<16xf32>,
        %mul3A_338 = arith.mulf %get3A_330, %get3A_337 : vector<16xf32>
        %get3A_339 = arith.constant 0 : i32
        %get3A_340 = arith.constant 0 : i32
        %get3A_341 = tpu.memref_slice %arg12[%rem3A_44, %get3A_339, %get3A_340] : memref<2x32x64xf32, #tpu.memory_space<vmem>> -> memref<1x32x64xf32, #tpu.memory_space<vmem>>
        %get3A_342 = tpu.memref_squeeze %get3A_341 : memref<1x32x64xf32, #tpu.memory_space<vmem>> -> memref<32x64xf32, #tpu.memory_space<vmem>>
        %get3A_343 = arith.index_cast %add3A_317 : i32 to index
        %get3A_344 = arith.constant 16 : index
        %get3A_345 = tpu.vector_load %get3A_342[%get3A_343, %get3A_344] {strides = array<i32>} : memref<32x64xf32, #tpu.memory_space<vmem>>, vector<16xf32>,
        %get3A_346 = arith.constant 0 : i32
        %get3A_347 = arith.constant 0 : i32
        %get3A_348 = tpu.memref_slice %arg13[%rem3A_44, %get3A_346, %get3A_347] : memref<2x32x64xf32, #tpu.memory_space<vmem>> -> memref<1x32x64xf32, #tpu.memory_space<vmem>>
        %get3A_349 = tpu.memref_squeeze %get3A_348 : memref<1x32x64xf32, #tpu.memory_space<vmem>> -> memref<32x64xf32, #tpu.memory_space<vmem>>
        %get3A_350 = arith.index_cast %add3A_317 : i32 to index
        %get3A_351 = arith.constant 16 : index
        %get3A_352 = tpu.vector_load %get3A_349[%get3A_350, %get3A_351] {strides = array<i32>} : memref<32x64xf32, #tpu.memory_space<vmem>>, vector<16xf32>,
        %mul3A_353 = arith.mulf %get3A_345, %get3A_352 : vector<16xf32>
        %add3A_354 = arith.addf %mul3A_338, %mul3A_353 : vector<16xf32>
        %get3A_355 = arith.constant 0 : i32
        %get3A_356 = arith.constant 0 : i32
        %get3A_357 = tpu.memref_slice %arg12[%rem3A_44, %get3A_355, %get3A_356] : memref<2x32x64xf32, #tpu.memory_space<vmem>> -> memref<1x32x64xf32, #tpu.memory_space<vmem>>
        %get3A_358 = tpu.memref_squeeze %get3A_357 : memref<1x32x64xf32, #tpu.memory_space<vmem>> -> memref<32x64xf32, #tpu.memory_space<vmem>>
        %get3A_359 = arith.index_cast %add3A_317 : i32 to index
        %get3A_360 = arith.constant 32 : index
        %get3A_361 = tpu.vector_load %get3A_358[%get3A_359, %get3A_360] {strides = array<i32>} : memref<32x64xf32, #tpu.memory_space<vmem>>, vector<16xf32>,
        %get3A_362 = arith.constant 0 : i32
        %get3A_363 = arith.constant 0 : i32
        %get3A_364 = tpu.memref_slice %arg13[%rem3A_44, %get3A_362, %get3A_363] : memref<2x32x64xf32, #tpu.memory_space<vmem>> -> memref<1x32x64xf32, #tpu.memory_space<vmem>>
        %get3A_365 = tpu.memref_squeeze %get3A_364 : memref<1x32x64xf32, #tpu.memory_space<vmem>> -> memref<32x64xf32, #tpu.memory_space<vmem>>
        %get3A_366 = arith.index_cast %add3A_317 : i32 to index
        %get3A_367 = arith.constant 32 : index
        %get3A_368 = tpu.vector_load %get3A_365[%get3A_366, %get3A_367] {strides = array<i32>} : memref<32x64xf32, #tpu.memory_space<vmem>>, vector<16xf32>,
        %mul3A_369 = arith.mulf %get3A_361, %get3A_368 : vector<16xf32>
        %add3A_370 = arith.addf %add3A_354, %mul3A_369 : vector<16xf32>
        %get3A_371 = arith.constant 0 : i32
        %get3A_372 = arith.constant 0 : i32
        %get3A_373 = tpu.memref_slice %arg12[%rem3A_44, %get3A_371, %get3A_372] : memref<2x32x64xf32, #tpu.memory_space<vmem>> -> memref<1x32x64xf32, #tpu.memory_space<vmem>>
        %get3A_374 = tpu.memref_squeeze %get3A_373 : memref<1x32x64xf32, #tpu.memory_space<vmem>> -> memref<32x64xf32, #tpu.memory_space<vmem>>
        %get3A_375 = arith.index_cast %add3A_317 : i32 to index
        %get3A_376 = arith.constant 48 : index
        %get3A_377 = tpu.vector_load %get3A_374[%get3A_375, %get3A_376] {strides = array<i32>} : memref<32x64xf32, #tpu.memory_space<vmem>>, vector<16xf32>,
        %get3A_378 = arith.constant 0 : i32
        %get3A_379 = arith.constant 0 : i32
        %get3A_380 = tpu.memref_slice %arg13[%rem3A_44, %get3A_378, %get3A_379] : memref<2x32x64xf32, #tpu.memory_space<vmem>> -> memref<1x32x64xf32, #tpu.memory_space<vmem>>
        %get3A_381 = tpu.memref_squeeze %get3A_380 : memref<1x32x64xf32, #tpu.memory_space<vmem>> -> memref<32x64xf32, #tpu.memory_space<vmem>>
        %get3A_382 = arith.index_cast %add3A_317 : i32 to index
        %get3A_383 = arith.constant 48 : index
        %get3A_384 = tpu.vector_load %get3A_381[%get3A_382, %get3A_383] {strides = array<i32>} : memref<32x64xf32, #tpu.memory_space<vmem>>, vector<16xf32>,
        %mul3A_385 = arith.mulf %get3A_377, %get3A_384 : vector<16xf32>
        %add3A_386 = arith.addf %add3A_370, %mul3A_385 : vector<16xf32>
        tpu.vector_store_idx %arg17[%add3A_323], %add3A_386 : memref<256xf32, #tpu.memory_space<vmem>>[vector<16xi32>], vector<16xf32>,
        %mul3A_387 = arith.constant 16 : i32
        %mul3A_388 = arith.muli %scan3A_94, %mul3A_387 : i32
        %add3A_389 = arith.constant 4 : i32
        %add3A_390 = arith.addi %mul3A_388, %add3A_389 : i32
        %mul3A_391 = arith.constant 16 : i32
        %mul3A_392 = vector.broadcast %mul3A_391 : i32 to vector<16xi32>
        %mul3A_393 = arith.muli %iota3A, %mul3A_392 : vector<16xi32>
        %add3A_394 = arith.constant 4 : i32
        %add3A_395 = vector.broadcast %add3A_394 : i32 to vector<16xi32>
        %add3A_396 = arith.addi %mul3A_393, %add3A_395 : vector<16xi32>
        %get3A_397 = arith.constant 0 : i32
        %get3A_398 = arith.constant 0 : i32
        %get3A_399 = tpu.memref_slice %arg12[%rem3A_44, %get3A_397, %get3A_398] : memref<2x32x64xf32, #tpu.memory_space<vmem>> -> memref<1x32x64xf32, #tpu.memory_space<vmem>>
        %get3A_400 = tpu.memref_squeeze %get3A_399 : memref<1x32x64xf32, #tpu.memory_space<vmem>> -> memref<32x64xf32, #tpu.memory_space<vmem>>
        %get3A_401 = arith.index_cast %add3A_390 : i32 to index
        %get3A_402 = arith.constant 0 : index
        %get3A_403 = tpu.vector_load %get3A_400[%get3A_401, %get3A_402] {strides = array<i32>} : memref<32x64xf32, #tpu.memory_space<vmem>>, vector<16xf32>,
        %get3A_404 = arith.constant 0 : i32
        %get3A_405 = arith.constant 0 : i32
        %get3A_406 = tpu.memref_slice %arg13[%rem3A_44, %get3A_404, %get3A_405] : memref<2x32x64xf32, #tpu.memory_space<vmem>> -> memref<1x32x64xf32, #tpu.memory_space<vmem>>
        %get3A_407 = tpu.memref_squeeze %get3A_406 : memref<1x32x64xf32, #tpu.memory_space<vmem>> -> memref<32x64xf32, #tpu.memory_space<vmem>>
        %get3A_408 = arith.index_cast %add3A_390 : i32 to index
        %get3A_409 = arith.constant 0 : index
        %get3A_410 = tpu.vector_load %get3A_407[%get3A_408, %get3A_409] {strides = array<i32>} : memref<32x64xf32, #tpu.memory_space<vmem>>, vector<16xf32>,
        %mul3A_411 = arith.mulf %get3A_403, %get3A_410 : vector<16xf32>
        %get3A_412 = arith.constant 0 : i32
        %get3A_413 = arith.constant 0 : i32
        %get3A_414 = tpu.memref_slice %arg12[%rem3A_44, %get3A_412, %get3A_413] : memref<2x32x64xf32, #tpu.memory_space<vmem>> -> memref<1x32x64xf32, #tpu.memory_space<vmem>>
        %get3A_415 = tpu.memref_squeeze %get3A_414 : memref<1x32x64xf32, #tpu.memory_space<vmem>> -> memref<32x64xf32, #tpu.memory_space<vmem>>
        %get3A_416 = arith.index_cast %add3A_390 : i32 to index
        %get3A_417 = arith.constant 16 : index
        %get3A_418 = tpu.vector_load %get3A_415[%get3A_416, %get3A_417] {strides = array<i32>} : memref<32x64xf32, #tpu.memory_space<vmem>>, vector<16xf32>,
        %get3A_419 = arith.constant 0 : i32
        %get3A_420 = arith.constant 0 : i32
        %get3A_421 = tpu.memref_slice %arg13[%rem3A_44, %get3A_419, %get3A_420] : memref<2x32x64xf32, #tpu.memory_space<vmem>> -> memref<1x32x64xf32, #tpu.memory_space<vmem>>
        %get3A_422 = tpu.memref_squeeze %get3A_421 : memref<1x32x64xf32, #tpu.memory_space<vmem>> -> memref<32x64xf32, #tpu.memory_space<vmem>>
        %get3A_423 = arith.index_cast %add3A_390 : i32 to index
        %get3A_424 = arith.constant 16 : index
        %get3A_425 = tpu.vector_load %get3A_422[%get3A_423, %get3A_424] {strides = array<i32>} : memref<32x64xf32, #tpu.memory_space<vmem>>, vector<16xf32>,
        %mul3A_426 = arith.mulf %get3A_418, %get3A_425 : vector<16xf32>
        %add3A_427 = arith.addf %mul3A_411, %mul3A_426 : vector<16xf32>
        %get3A_428 = arith.constant 0 : i32
        %get3A_429 = arith.constant 0 : i32
        %get3A_430 = tpu.memref_slice %arg12[%rem3A_44, %get3A_428, %get3A_429] : memref<2x32x64xf32, #tpu.memory_space<vmem>> -> memref<1x32x64xf32, #tpu.memory_space<vmem>>
        %get3A_431 = tpu.memref_squeeze %get3A_430 : memref<1x32x64xf32, #tpu.memory_space<vmem>> -> memref<32x64xf32, #tpu.memory_space<vmem>>
        %get3A_432 = arith.index_cast %add3A_390 : i32 to index
        %get3A_433 = arith.constant 32 : index
        %get3A_434 = tpu.vector_load %get3A_431[%get3A_432, %get3A_433] {strides = array<i32>} : memref<32x64xf32, #tpu.memory_space<vmem>>, vector<16xf32>,
        %get3A_435 = arith.constant 0 : i32
        %get3A_436 = arith.constant 0 : i32
        %get3A_437 = tpu.memref_slice %arg13[%rem3A_44, %get3A_435, %get3A_436] : memref<2x32x64xf32, #tpu.memory_space<vmem>> -> memref<1x32x64xf32, #tpu.memory_space<vmem>>
        %get3A_438 = tpu.memref_squeeze %get3A_437 : memref<1x32x64xf32, #tpu.memory_space<vmem>> -> memref<32x64xf32, #tpu.memory_space<vmem>>
        %get3A_439 = arith.index_cast %add3A_390 : i32 to index
        %get3A_440 = arith.constant 32 : index
        %get3A_441 = tpu.vector_load %get3A_438[%get3A_439, %get3A_440] {strides = array<i32>} : memref<32x64xf32, #tpu.memory_space<vmem>>, vector<16xf32>,
        %mul3A_442 = arith.mulf %get3A_434, %get3A_441 : vector<16xf32>
        %add3A_443 = arith.addf %add3A_427, %mul3A_442 : vector<16xf32>
        %get3A_444 = arith.constant 0 : i32
        %get3A_445 = arith.constant 0 : i32
        %get3A_446 = tpu.memref_slice %arg12[%rem3A_44, %get3A_444, %get3A_445] : memref<2x32x64xf32, #tpu.memory_space<vmem>> -> memref<1x32x64xf32, #tpu.memory_space<vmem>>
        %get3A_447 = tpu.memref_squeeze %get3A_446 : memref<1x32x64xf32, #tpu.memory_space<vmem>> -> memref<32x64xf32, #tpu.memory_space<vmem>>
        %get3A_448 = arith.index_cast %add3A_390 : i32 to index
        %get3A_449 = arith.constant 48 : index
        %get3A_450 = tpu.vector_load %get3A_447[%get3A_448, %get3A_449] {strides = array<i32>} : memref<32x64xf32, #tpu.memory_space<vmem>>, vector<16xf32>,
        %get3A_451 = arith.constant 0 : i32
        %get3A_452 = arith.constant 0 : i32
        %get3A_453 = tpu.memref_slice %arg13[%rem3A_44, %get3A_451, %get3A_452] : memref<2x32x64xf32, #tpu.memory_space<vmem>> -> memref<1x32x64xf32, #tpu.memory_space<vmem>>
        %get3A_454 = tpu.memref_squeeze %get3A_453 : memref<1x32x64xf32, #tpu.memory_space<vmem>> -> memref<32x64xf32, #tpu.memory_space<vmem>>
        %get3A_455 = arith.index_cast %add3A_390 : i32 to index
        %get3A_456 = arith.constant 48 : index
        %get3A_457 = tpu.vector_load %get3A_454[%get3A_455, %get3A_456] {strides = array<i32>} : memref<32x64xf32, #tpu.memory_space<vmem>>, vector<16xf32>,
        %mul3A_458 = arith.mulf %get3A_450, %get3A_457 : vector<16xf32>
        %add3A_459 = arith.addf %add3A_443, %mul3A_458 : vector<16xf32>
        tpu.vector_store_idx %arg17[%add3A_396], %add3A_459 : memref<256xf32, #tpu.memory_space<vmem>>[vector<16xi32>], vector<16xf32>,
        %mul3A_460 = arith.constant 16 : i32
        %mul3A_461 = arith.muli %scan3A_94, %mul3A_460 : i32
        %add3A_462 = arith.constant 5 : i32
        %add3A_463 = arith.addi %mul3A_461, %add3A_462 : i32
        %mul3A_464 = arith.constant 16 : i32
        %mul3A_465 = vector.broadcast %mul3A_464 : i32 to vector<16xi32>
        %mul3A_466 = arith.muli %iota3A, %mul3A_465 : vector<16xi32>
        %add3A_467 = arith.constant 5 : i32
        %add3A_468 = vector.broadcast %add3A_467 : i32 to vector<16xi32>
        %add3A_469 = arith.addi %mul3A_466, %add3A_468 : vector<16xi32>
        %get3A_470 = arith.constant 0 : i32
        %get3A_471 = arith.constant 0 : i32
        %get3A_472 = tpu.memref_slice %arg12[%rem3A_44, %get3A_470, %get3A_471] : memref<2x32x64xf32, #tpu.memory_space<vmem>> -> memref<1x32x64xf32, #tpu.memory_space<vmem>>
        %get3A_473 = tpu.memref_squeeze %get3A_472 : memref<1x32x64xf32, #tpu.memory_space<vmem>> -> memref<32x64xf32, #tpu.memory_space<vmem>>
        %get3A_474 = arith.index_cast %add3A_463 : i32 to index
        %get3A_475 = arith.constant 0 : index
        %get3A_476 = tpu.vector_load %get3A_473[%get3A_474, %get3A_475] {strides = array<i32>} : memref<32x64xf32, #tpu.memory_space<vmem>>, vector<16xf32>,
        %get3A_477 = arith.constant 0 : i32
        %get3A_478 = arith.constant 0 : i32
        %get3A_479 = tpu.memref_slice %arg13[%rem3A_44, %get3A_477, %get3A_478] : memref<2x32x64xf32, #tpu.memory_space<vmem>> -> memref<1x32x64xf32, #tpu.memory_space<vmem>>
        %get3A_480 = tpu.memref_squeeze %get3A_479 : memref<1x32x64xf32, #tpu.memory_space<vmem>> -> memref<32x64xf32, #tpu.memory_space<vmem>>
        %get3A_481 = arith.index_cast %add3A_463 : i32 to index
        %get3A_482 = arith.constant 0 : index
        %get3A_483 = tpu.vector_load %get3A_480[%get3A_481, %get3A_482] {strides = array<i32>} : memref<32x64xf32, #tpu.memory_space<vmem>>, vector<16xf32>,
        %mul3A_484 = arith.mulf %get3A_476, %get3A_483 : vector<16xf32>
        %get3A_485 = arith.constant 0 : i32
        %get3A_486 = arith.constant 0 : i32
        %get3A_487 = tpu.memref_slice %arg12[%rem3A_44, %get3A_485, %get3A_486] : memref<2x32x64xf32, #tpu.memory_space<vmem>> -> memref<1x32x64xf32, #tpu.memory_space<vmem>>
        %get3A_488 = tpu.memref_squeeze %get3A_487 : memref<1x32x64xf32, #tpu.memory_space<vmem>> -> memref<32x64xf32, #tpu.memory_space<vmem>>
        %get3A_489 = arith.index_cast %add3A_463 : i32 to index
        %get3A_490 = arith.constant 16 : index
        %get3A_491 = tpu.vector_load %get3A_488[%get3A_489, %get3A_490] {strides = array<i32>} : memref<32x64xf32, #tpu.memory_space<vmem>>, vector<16xf32>,
        %get3A_492 = arith.constant 0 : i32
        %get3A_493 = arith.constant 0 : i32
        %get3A_494 = tpu.memref_slice %arg13[%rem3A_44, %get3A_492, %get3A_493] : memref<2x32x64xf32, #tpu.memory_space<vmem>> -> memref<1x32x64xf32, #tpu.memory_space<vmem>>
        %get3A_495 = tpu.memref_squeeze %get3A_494 : memref<1x32x64xf32, #tpu.memory_space<vmem>> -> memref<32x64xf32, #tpu.memory_space<vmem>>
        %get3A_496 = arith.index_cast %add3A_463 : i32 to index
        %get3A_497 = arith.constant 16 : index
        %get3A_498 = tpu.vector_load %get3A_495[%get3A_496, %get3A_497] {strides = array<i32>} : memref<32x64xf32, #tpu.memory_space<vmem>>, vector<16xf32>,
        %mul3A_499 = arith.mulf %get3A_491, %get3A_498 : vector<16xf32>
        %add3A_500 = arith.addf %mul3A_484, %mul3A_499 : vector<16xf32>
        %get3A_501 = arith.constant 0 : i32
        %get3A_502 = arith.constant 0 : i32
        %get3A_503 = tpu.memref_slice %arg12[%rem3A_44, %get3A_501, %get3A_502] : memref<2x32x64xf32, #tpu.memory_space<vmem>> -> memref<1x32x64xf32, #tpu.memory_space<vmem>>
        %get3A_504 = tpu.memref_squeeze %get3A_503 : memref<1x32x64xf32, #tpu.memory_space<vmem>> -> memref<32x64xf32, #tpu.memory_space<vmem>>
        %get3A_505 = arith.index_cast %add3A_463 : i32 to index
        %get3A_506 = arith.constant 32 : index
        %get3A_507 = tpu.vector_load %get3A_504[%get3A_505, %get3A_506] {strides = array<i32>} : memref<32x64xf32, #tpu.memory_space<vmem>>, vector<16xf32>,
        %get3A_508 = arith.constant 0 : i32
        %get3A_509 = arith.constant 0 : i32
        %get3A_510 = tpu.memref_slice %arg13[%rem3A_44, %get3A_508, %get3A_509] : memref<2x32x64xf32, #tpu.memory_space<vmem>> -> memref<1x32x64xf32, #tpu.memory_space<vmem>>
        %get3A_511 = tpu.memref_squeeze %get3A_510 : memref<1x32x64xf32, #tpu.memory_space<vmem>> -> memref<32x64xf32, #tpu.memory_space<vmem>>
        %get3A_512 = arith.index_cast %add3A_463 : i32 to index
        %get3A_513 = arith.constant 32 : index
        %get3A_514 = tpu.vector_load %get3A_511[%get3A_512, %get3A_513] {strides = array<i32>} : memref<32x64xf32, #tpu.memory_space<vmem>>, vector<16xf32>,
        %mul3A_515 = arith.mulf %get3A_507, %get3A_514 : vector<16xf32>
        %add3A_516 = arith.addf %add3A_500, %mul3A_515 : vector<16xf32>
        %get3A_517 = arith.constant 0 : i32
        %get3A_518 = arith.constant 0 : i32
        %get3A_519 = tpu.memref_slice %arg12[%rem3A_44, %get3A_517, %get3A_518] : memref<2x32x64xf32, #tpu.memory_space<vmem>> -> memref<1x32x64xf32, #tpu.memory_space<vmem>>
        %get3A_520 = tpu.memref_squeeze %get3A_519 : memref<1x32x64xf32, #tpu.memory_space<vmem>> -> memref<32x64xf32, #tpu.memory_space<vmem>>
        %get3A_521 = arith.index_cast %add3A_463 : i32 to index
        %get3A_522 = arith.constant 48 : index
        %get3A_523 = tpu.vector_load %get3A_520[%get3A_521, %get3A_522] {strides = array<i32>} : memref<32x64xf32, #tpu.memory_space<vmem>>, vector<16xf32>,
        %get3A_524 = arith.constant 0 : i32
        %get3A_525 = arith.constant 0 : i32
        %get3A_526 = tpu.memref_slice %arg13[%rem3A_44, %get3A_524, %get3A_525] : memref<2x32x64xf32, #tpu.memory_space<vmem>> -> memref<1x32x64xf32, #tpu.memory_space<vmem>>
        %get3A_527 = tpu.memref_squeeze %get3A_526 : memref<1x32x64xf32, #tpu.memory_space<vmem>> -> memref<32x64xf32, #tpu.memory_space<vmem>>
        %get3A_528 = arith.index_cast %add3A_463 : i32 to index
        %get3A_529 = arith.constant 48 : index
        %get3A_530 = tpu.vector_load %get3A_527[%get3A_528, %get3A_529] {strides = array<i32>} : memref<32x64xf32, #tpu.memory_space<vmem>>, vector<16xf32>,
        %mul3A_531 = arith.mulf %get3A_523, %get3A_530 : vector<16xf32>
        %add3A_532 = arith.addf %add3A_516, %mul3A_531 : vector<16xf32>
        tpu.vector_store_idx %arg17[%add3A_469], %add3A_532 : memref<256xf32, #tpu.memory_space<vmem>>[vector<16xi32>], vector<16xf32>,
        %mul3A_533 = arith.constant 16 : i32
        %mul3A_534 = arith.muli %scan3A_94, %mul3A_533 : i32
        %add3A_535 = arith.constant 6 : i32
        %add3A_536 = arith.addi %mul3A_534, %add3A_535 : i32
        %mul3A_537 = arith.constant 16 : i32
        %mul3A_538 = vector.broadcast %mul3A_537 : i32 to vector<16xi32>
        %mul3A_539 = arith.muli %iota3A, %mul3A_538 : vector<16xi32>
        %add3A_540 = arith.constant 6 : i32
        %add3A_541 = vector.broadcast %add3A_540 : i32 to vector<16xi32>
        %add3A_542 = arith.addi %mul3A_539, %add3A_541 : vector<16xi32>
        %get3A_543 = arith.constant 0 : i32
        %get3A_544 = arith.constant 0 : i32
        %get3A_545 = tpu.memref_slice %arg12[%rem3A_44, %get3A_543, %get3A_544] : memref<2x32x64xf32, #tpu.memory_space<vmem>> -> memref<1x32x64xf32, #tpu.memory_space<vmem>>
        %get3A_546 = tpu.memref_squeeze %get3A_545 : memref<1x32x64xf32, #tpu.memory_space<vmem>> -> memref<32x64xf32, #tpu.memory_space<vmem>>
        %get3A_547 = arith.index_cast %add3A_536 : i32 to index
        %get3A_548 = arith.constant 0 : index
        %get3A_549 = tpu.vector_load %get3A_546[%get3A_547, %get3A_548] {strides = array<i32>} : memref<32x64xf32, #tpu.memory_space<vmem>>, vector<16xf32>,
        %get3A_550 = arith.constant 0 : i32
        %get3A_551 = arith.constant 0 : i32
        %get3A_552 = tpu.memref_slice %arg13[%rem3A_44, %get3A_550, %get3A_551] : memref<2x32x64xf32, #tpu.memory_space<vmem>> -> memref<1x32x64xf32, #tpu.memory_space<vmem>>
        %get3A_553 = tpu.memref_squeeze %get3A_552 : memref<1x32x64xf32, #tpu.memory_space<vmem>> -> memref<32x64xf32, #tpu.memory_space<vmem>>
        %get3A_554 = arith.index_cast %add3A_536 : i32 to index
        %get3A_555 = arith.constant 0 : index
        %get3A_556 = tpu.vector_load %get3A_553[%get3A_554, %get3A_555] {strides = array<i32>} : memref<32x64xf32, #tpu.memory_space<vmem>>, vector<16xf32>,
        %mul3A_557 = arith.mulf %get3A_549, %get3A_556 : vector<16xf32>
        %get3A_558 = arith.constant 0 : i32
        %get3A_559 = arith.constant 0 : i32
        %get3A_560 = tpu.memref_slice %arg12[%rem3A_44, %get3A_558, %get3A_559] : memref<2x32x64xf32, #tpu.memory_space<vmem>> -> memref<1x32x64xf32, #tpu.memory_space<vmem>>
        %get3A_561 = tpu.memref_squeeze %get3A_560 : memref<1x32x64xf32, #tpu.memory_space<vmem>> -> memref<32x64xf32, #tpu.memory_space<vmem>>
        %get3A_562 = arith.index_cast %add3A_536 : i32 to index
        %get3A_563 = arith.constant 16 : index
        %get3A_564 = tpu.vector_load %get3A_561[%get3A_562, %get3A_563] {strides = array<i32>} : memref<32x64xf32, #tpu.memory_space<vmem>>, vector<16xf32>,
        %get3A_565 = arith.constant 0 : i32
        %get3A_566 = arith.constant 0 : i32
        %get3A_567 = tpu.memref_slice %arg13[%rem3A_44, %get3A_565, %get3A_566] : memref<2x32x64xf32, #tpu.memory_space<vmem>> -> memref<1x32x64xf32, #tpu.memory_space<vmem>>
        %get3A_568 = tpu.memref_squeeze %get3A_567 : memref<1x32x64xf32, #tpu.memory_space<vmem>> -> memref<32x64xf32, #tpu.memory_space<vmem>>
        %get3A_569 = arith.index_cast %add3A_536 : i32 to index
        %get3A_570 = arith.constant 16 : index
        %get3A_571 = tpu.vector_load %get3A_568[%get3A_569, %get3A_570] {strides = array<i32>} : memref<32x64xf32, #tpu.memory_space<vmem>>, vector<16xf32>,
        %mul3A_572 = arith.mulf %get3A_564, %get3A_571 : vector<16xf32>
        %add3A_573 = arith.addf %mul3A_557, %mul3A_572 : vector<16xf32>
        %get3A_574 = arith.constant 0 : i32
        %get3A_575 = arith.constant 0 : i32
        %get3A_576 = tpu.memref_slice %arg12[%rem3A_44, %get3A_574, %get3A_575] : memref<2x32x64xf32, #tpu.memory_space<vmem>> -> memref<1x32x64xf32, #tpu.memory_space<vmem>>
        %get3A_577 = tpu.memref_squeeze %get3A_576 : memref<1x32x64xf32, #tpu.memory_space<vmem>> -> memref<32x64xf32, #tpu.memory_space<vmem>>
        %get3A_578 = arith.index_cast %add3A_536 : i32 to index
        %get3A_579 = arith.constant 32 : index
        %get3A_580 = tpu.vector_load %get3A_577[%get3A_578, %get3A_579] {strides = array<i32>} : memref<32x64xf32, #tpu.memory_space<vmem>>, vector<16xf32>,
        %get3A_581 = arith.constant 0 : i32
        %get3A_582 = arith.constant 0 : i32
        %get3A_583 = tpu.memref_slice %arg13[%rem3A_44, %get3A_581, %get3A_582] : memref<2x32x64xf32, #tpu.memory_space<vmem>> -> memref<1x32x64xf32, #tpu.memory_space<vmem>>
        %get3A_584 = tpu.memref_squeeze %get3A_583 : memref<1x32x64xf32, #tpu.memory_space<vmem>> -> memref<32x64xf32, #tpu.memory_space<vmem>>
        %get3A_585 = arith.index_cast %add3A_536 : i32 to index
        %get3A_586 = arith.constant 32 : index
        %get3A_587 = tpu.vector_load %get3A_584[%get3A_585, %get3A_586] {strides = array<i32>} : memref<32x64xf32, #tpu.memory_space<vmem>>, vector<16xf32>,
        %mul3A_588 = arith.mulf %get3A_580, %get3A_587 : vector<16xf32>
        %add3A_589 = arith.addf %add3A_573, %mul3A_588 : vector<16xf32>
        %get3A_590 = arith.constant 0 : i32
        %get3A_591 = arith.constant 0 : i32
        %get3A_592 = tpu.memref_slice %arg12[%rem3A_44, %get3A_590, %get3A_591] : memref<2x32x64xf32, #tpu.memory_space<vmem>> -> memref<1x32x64xf32, #tpu.memory_space<vmem>>
        %get3A_593 = tpu.memref_squeeze %get3A_592 : memref<1x32x64xf32, #tpu.memory_space<vmem>> -> memref<32x64xf32, #tpu.memory_space<vmem>>
        %get3A_594 = arith.index_cast %add3A_536 : i32 to index
        %get3A_595 = arith.constant 48 : index
        %get3A_596 = tpu.vector_load %get3A_593[%get3A_594, %get3A_595] {strides = array<i32>} : memref<32x64xf32, #tpu.memory_space<vmem>>, vector<16xf32>,
        %get3A_597 = arith.constant 0 : i32
        %get3A_598 = arith.constant 0 : i32
        %get3A_599 = tpu.memref_slice %arg13[%rem3A_44, %get3A_597, %get3A_598] : memref<2x32x64xf32, #tpu.memory_space<vmem>> -> memref<1x32x64xf32, #tpu.memory_space<vmem>>
        %get3A_600 = tpu.memref_squeeze %get3A_599 : memref<1x32x64xf32, #tpu.memory_space<vmem>> -> memref<32x64xf32, #tpu.memory_space<vmem>>
        %get3A_601 = arith.index_cast %add3A_536 : i32 to index
        %get3A_602 = arith.constant 48 : index
        %get3A_603 = tpu.vector_load %get3A_600[%get3A_601, %get3A_602] {strides = array<i32>} : memref<32x64xf32, #tpu.memory_space<vmem>>, vector<16xf32>,
        %mul3A_604 = arith.mulf %get3A_596, %get3A_603 : vector<16xf32>
        %add3A_605 = arith.addf %add3A_589, %mul3A_604 : vector<16xf32>
        tpu.vector_store_idx %arg17[%add3A_542], %add3A_605 : memref<256xf32, #tpu.memory_space<vmem>>[vector<16xi32>], vector<16xf32>,
        %mul3A_606 = arith.constant 16 : i32
        %mul3A_607 = arith.muli %scan3A_94, %mul3A_606 : i32
        %add3A_608 = arith.constant 7 : i32
        %add3A_609 = arith.addi %mul3A_607, %add3A_608 : i32
        %mul3A_610 = arith.constant 16 : i32
        %mul3A_611 = vector.broadcast %mul3A_610 : i32 to vector<16xi32>
        %mul3A_612 = arith.muli %iota3A, %mul3A_611 : vector<16xi32>
        %add3A_613 = arith.constant 7 : i32
        %add3A_614 = vector.broadcast %add3A_613 : i32 to vector<16xi32>
        %add3A_615 = arith.addi %mul3A_612, %add3A_614 : vector<16xi32>
        %get3A_616 = arith.constant 0 : i32
        %get3A_617 = arith.constant 0 : i32
        %get3A_618 = tpu.memref_slice %arg12[%rem3A_44, %get3A_616, %get3A_617] : memref<2x32x64xf32, #tpu.memory_space<vmem>> -> memref<1x32x64xf32, #tpu.memory_space<vmem>>
        %get3A_619 = tpu.memref_squeeze %get3A_618 : memref<1x32x64xf32, #tpu.memory_space<vmem>> -> memref<32x64xf32, #tpu.memory_space<vmem>>
        %get3A_620 = arith.index_cast %add3A_609 : i32 to index
        %get3A_621 = arith.constant 0 : index
        %get3A_622 = tpu.vector_load %get3A_619[%get3A_620, %get3A_621] {strides = array<i32>} : memref<32x64xf32, #tpu.memory_space<vmem>>, vector<16xf32>,
        %get3A_623 = arith.constant 0 : i32
        %get3A_624 = arith.constant 0 : i32
        %get3A_625 = tpu.memref_slice %arg13[%rem3A_44, %get3A_623, %get3A_624] : memref<2x32x64xf32, #tpu.memory_space<vmem>> -> memref<1x32x64xf32, #tpu.memory_space<vmem>>
        %get3A_626 = tpu.memref_squeeze %get3A_625 : memref<1x32x64xf32, #tpu.memory_space<vmem>> -> memref<32x64xf32, #tpu.memory_space<vmem>>
        %get3A_627 = arith.index_cast %add3A_609 : i32 to index
        %get3A_628 = arith.constant 0 : index
        %get3A_629 = tpu.vector_load %get3A_626[%get3A_627, %get3A_628] {strides = array<i32>} : memref<32x64xf32, #tpu.memory_space<vmem>>, vector<16xf32>,
        %mul3A_630 = arith.mulf %get3A_622, %get3A_629 : vector<16xf32>
        %get3A_631 = arith.constant 0 : i32
        %get3A_632 = arith.constant 0 : i32
        %get3A_633 = tpu.memref_slice %arg12[%rem3A_44, %get3A_631, %get3A_632] : memref<2x32x64xf32, #tpu.memory_space<vmem>> -> memref<1x32x64xf32, #tpu.memory_space<vmem>>
        %get3A_634 = tpu.memref_squeeze %get3A_633 : memref<1x32x64xf32, #tpu.memory_space<vmem>> -> memref<32x64xf32, #tpu.memory_space<vmem>>
        %get3A_635 = arith.index_cast %add3A_609 : i32 to index
        %get3A_636 = arith.constant 16 : index
        %get3A_637 = tpu.vector_load %get3A_634[%get3A_635, %get3A_636] {strides = array<i32>} : memref<32x64xf32, #tpu.memory_space<vmem>>, vector<16xf32>,
        %get3A_638 = arith.constant 0 : i32
        %get3A_639 = arith.constant 0 : i32
        %get3A_640 = tpu.memref_slice %arg13[%rem3A_44, %get3A_638, %get3A_639] : memref<2x32x64xf32, #tpu.memory_space<vmem>> -> memref<1x32x64xf32, #tpu.memory_space<vmem>>
        %get3A_641 = tpu.memref_squeeze %get3A_640 : memref<1x32x64xf32, #tpu.memory_space<vmem>> -> memref<32x64xf32, #tpu.memory_space<vmem>>
        %get3A_642 = arith.index_cast %add3A_609 : i32 to index
        %get3A_643 = arith.constant 16 : index
        %get3A_644 = tpu.vector_load %get3A_641[%get3A_642, %get3A_643] {strides = array<i32>} : memref<32x64xf32, #tpu.memory_space<vmem>>, vector<16xf32>,
        %mul3A_645 = arith.mulf %get3A_637, %get3A_644 : vector<16xf32>
        %add3A_646 = arith.addf %mul3A_630, %mul3A_645 : vector<16xf32>
        %get3A_647 = arith.constant 0 : i32
        %get3A_648 = arith.constant 0 : i32
        %get3A_649 = tpu.memref_slice %arg12[%rem3A_44, %get3A_647, %get3A_648] : memref<2x32x64xf32, #tpu.memory_space<vmem>> -> memref<1x32x64xf32, #tpu.memory_space<vmem>>
        %get3A_650 = tpu.memref_squeeze %get3A_649 : memref<1x32x64xf32, #tpu.memory_space<vmem>> -> memref<32x64xf32, #tpu.memory_space<vmem>>
        %get3A_651 = arith.index_cast %add3A_609 : i32 to index
        %get3A_652 = arith.constant 32 : index
        %get3A_653 = tpu.vector_load %get3A_650[%get3A_651, %get3A_652] {strides = array<i32>} : memref<32x64xf32, #tpu.memory_space<vmem>>, vector<16xf32>,
        %get3A_654 = arith.constant 0 : i32
        %get3A_655 = arith.constant 0 : i32
        %get3A_656 = tpu.memref_slice %arg13[%rem3A_44, %get3A_654, %get3A_655] : memref<2x32x64xf32, #tpu.memory_space<vmem>> -> memref<1x32x64xf32, #tpu.memory_space<vmem>>
        %get3A_657 = tpu.memref_squeeze %get3A_656 : memref<1x32x64xf32, #tpu.memory_space<vmem>> -> memref<32x64xf32, #tpu.memory_space<vmem>>
        %get3A_658 = arith.index_cast %add3A_609 : i32 to index
        %get3A_659 = arith.constant 32 : index
        %get3A_660 = tpu.vector_load %get3A_657[%get3A_658, %get3A_659] {strides = array<i32>} : memref<32x64xf32, #tpu.memory_space<vmem>>, vector<16xf32>,
        %mul3A_661 = arith.mulf %get3A_653, %get3A_660 : vector<16xf32>
        %add3A_662 = arith.addf %add3A_646, %mul3A_661 : vector<16xf32>
        %get3A_663 = arith.constant 0 : i32
        %get3A_664 = arith.constant 0 : i32
        %get3A_665 = tpu.memref_slice %arg12[%rem3A_44, %get3A_663, %get3A_664] : memref<2x32x64xf32, #tpu.memory_space<vmem>> -> memref<1x32x64xf32, #tpu.memory_space<vmem>>
        %get3A_666 = tpu.memref_squeeze %get3A_665 : memref<1x32x64xf32, #tpu.memory_space<vmem>> -> memref<32x64xf32, #tpu.memory_space<vmem>>
        %get3A_667 = arith.index_cast %add3A_609 : i32 to index
        %get3A_668 = arith.constant 48 : index
        %get3A_669 = tpu.vector_load %get3A_666[%get3A_667, %get3A_668] {strides = array<i32>} : memref<32x64xf32, #tpu.memory_space<vmem>>, vector<16xf32>,
        %get3A_670 = arith.constant 0 : i32
        %get3A_671 = arith.constant 0 : i32
        %get3A_672 = tpu.memref_slice %arg13[%rem3A_44, %get3A_670, %get3A_671] : memref<2x32x64xf32, #tpu.memory_space<vmem>> -> memref<1x32x64xf32, #tpu.memory_space<vmem>>
        %get3A_673 = tpu.memref_squeeze %get3A_672 : memref<1x32x64xf32, #tpu.memory_space<vmem>> -> memref<32x64xf32, #tpu.memory_space<vmem>>
        %get3A_674 = arith.index_cast %add3A_609 : i32 to index
        %get3A_675 = arith.constant 48 : index
        %get3A_676 = tpu.vector_load %get3A_673[%get3A_674, %get3A_675] {strides = array<i32>} : memref<32x64xf32, #tpu.memory_space<vmem>>, vector<16xf32>,
        %mul3A_677 = arith.mulf %get3A_669, %get3A_676 : vector<16xf32>
        %add3A_678 = arith.addf %add3A_662, %mul3A_677 : vector<16xf32>
        tpu.vector_store_idx %arg17[%add3A_615], %add3A_678 : memref<256xf32, #tpu.memory_space<vmem>>[vector<16xi32>], vector<16xf32>,
        %mul3A_679 = arith.constant 16 : i32
        %mul3A_680 = arith.muli %scan3A_94, %mul3A_679 : i32
        %add3A_681 = arith.constant 8 : i32
        %add3A_682 = arith.addi %mul3A_680, %add3A_681 : i32
        %mul3A_683 = arith.constant 16 : i32
        %mul3A_684 = vector.broadcast %mul3A_683 : i32 to vector<16xi32>
        %mul3A_685 = arith.muli %iota3A, %mul3A_684 : vector<16xi32>
        %add3A_686 = arith.constant 8 : i32
        %add3A_687 = vector.broadcast %add3A_686 : i32 to vector<16xi32>
        %add3A_688 = arith.addi %mul3A_685, %add3A_687 : vector<16xi32>
        %get3A_689 = arith.constant 0 : i32
        %get3A_690 = arith.constant 0 : i32
        %get3A_691 = tpu.memref_slice %arg12[%rem3A_44, %get3A_689, %get3A_690] : memref<2x32x64xf32, #tpu.memory_space<vmem>> -> memref<1x32x64xf32, #tpu.memory_space<vmem>>
        %get3A_692 = tpu.memref_squeeze %get3A_691 : memref<1x32x64xf32, #tpu.memory_space<vmem>> -> memref<32x64xf32, #tpu.memory_space<vmem>>
        %get3A_693 = arith.index_cast %add3A_682 : i32 to index
        %get3A_694 = arith.constant 0 : index
        %get3A_695 = tpu.vector_load %get3A_692[%get3A_693, %get3A_694] {strides = array<i32>} : memref<32x64xf32, #tpu.memory_space<vmem>>, vector<16xf32>,
        %get3A_696 = arith.constant 0 : i32
        %get3A_697 = arith.constant 0 : i32
        %get3A_698 = tpu.memref_slice %arg13[%rem3A_44, %get3A_696, %get3A_697] : memref<2x32x64xf32, #tpu.memory_space<vmem>> -> memref<1x32x64xf32, #tpu.memory_space<vmem>>
        %get3A_699 = tpu.memref_squeeze %get3A_698 : memref<1x32x64xf32, #tpu.memory_space<vmem>> -> memref<32x64xf32, #tpu.memory_space<vmem>>
        %get3A_700 = arith.index_cast %add3A_682 : i32 to index
        %get3A_701 = arith.constant 0 : index
        %get3A_702 = tpu.vector_load %get3A_699[%get3A_700, %get3A_701] {strides = array<i32>} : memref<32x64xf32, #tpu.memory_space<vmem>>, vector<16xf32>,
        %mul3A_703 = arith.mulf %get3A_695, %get3A_702 : vector<16xf32>
        %get3A_704 = arith.constant 0 : i32
        %get3A_705 = arith.constant 0 : i32
        %get3A_706 = tpu.memref_slice %arg12[%rem3A_44, %get3A_704, %get3A_705] : memref<2x32x64xf32, #tpu.memory_space<vmem>> -> memref<1x32x64xf32, #tpu.memory_space<vmem>>
        %get3A_707 = tpu.memref_squeeze %get3A_706 : memref<1x32x64xf32, #tpu.memory_space<vmem>> -> memref<32x64xf32, #tpu.memory_space<vmem>>
        %get3A_708 = arith.index_cast %add3A_682 : i32 to index
        %get3A_709 = arith.constant 16 : index
        %get3A_710 = tpu.vector_load %get3A_707[%get3A_708, %get3A_709] {strides = array<i32>} : memref<32x64xf32, #tpu.memory_space<vmem>>, vector<16xf32>,
        %get3A_711 = arith.constant 0 : i32
        %get3A_712 = arith.constant 0 : i32
        %get3A_713 = tpu.memref_slice %arg13[%rem3A_44, %get3A_711, %get3A_712] : memref<2x32x64xf32, #tpu.memory_space<vmem>> -> memref<1x32x64xf32, #tpu.memory_space<vmem>>
        %get3A_714 = tpu.memref_squeeze %get3A_713 : memref<1x32x64xf32, #tpu.memory_space<vmem>> -> memref<32x64xf32, #tpu.memory_space<vmem>>
        %get3A_715 = arith.index_cast %add3A_682 : i32 to index
        %get3A_716 = arith.constant 16 : index
        %get3A_717 = tpu.vector_load %get3A_714[%get3A_715, %get3A_716] {strides = array<i32>} : memref<32x64xf32, #tpu.memory_space<vmem>>, vector<16xf32>,
        %mul3A_718 = arith.mulf %get3A_710, %get3A_717 : vector<16xf32>
        %add3A_719 = arith.addf %mul3A_703, %mul3A_718 : vector<16xf32>
        %get3A_720 = arith.constant 0 : i32
        %get3A_721 = arith.constant 0 : i32
        %get3A_722 = tpu.memref_slice %arg12[%rem3A_44, %get3A_720, %get3A_721] : memref<2x32x64xf32, #tpu.memory_space<vmem>> -> memref<1x32x64xf32, #tpu.memory_space<vmem>>
        %get3A_723 = tpu.memref_squeeze %get3A_722 : memref<1x32x64xf32, #tpu.memory_space<vmem>> -> memref<32x64xf32, #tpu.memory_space<vmem>>
        %get3A_724 = arith.index_cast %add3A_682 : i32 to index
        %get3A_725 = arith.constant 32 : index
        %get3A_726 = tpu.vector_load %get3A_723[%get3A_724, %get3A_725] {strides = array<i32>} : memref<32x64xf32, #tpu.memory_space<vmem>>, vector<16xf32>,
        %get3A_727 = arith.constant 0 : i32
        %get3A_728 = arith.constant 0 : i32
        %get3A_729 = tpu.memref_slice %arg13[%rem3A_44, %get3A_727, %get3A_728] : memref<2x32x64xf32, #tpu.memory_space<vmem>> -> memref<1x32x64xf32, #tpu.memory_space<vmem>>
        %get3A_730 = tpu.memref_squeeze %get3A_729 : memref<1x32x64xf32, #tpu.memory_space<vmem>> -> memref<32x64xf32, #tpu.memory_space<vmem>>
        %get3A_731 = arith.index_cast %add3A_682 : i32 to index
        %get3A_732 = arith.constant 32 : index
        %get3A_733 = tpu.vector_load %get3A_730[%get3A_731, %get3A_732] {strides = array<i32>} : memref<32x64xf32, #tpu.memory_space<vmem>>, vector<16xf32>,
        %mul3A_734 = arith.mulf %get3A_726, %get3A_733 : vector<16xf32>
        %add3A_735 = arith.addf %add3A_719, %mul3A_734 : vector<16xf32>
        %get3A_736 = arith.constant 0 : i32
        %get3A_737 = arith.constant 0 : i32
        %get3A_738 = tpu.memref_slice %arg12[%rem3A_44, %get3A_736, %get3A_737] : memref<2x32x64xf32, #tpu.memory_space<vmem>> -> memref<1x32x64xf32, #tpu.memory_space<vmem>>
        %get3A_739 = tpu.memref_squeeze %get3A_738 : memref<1x32x64xf32, #tpu.memory_space<vmem>> -> memref<32x64xf32, #tpu.memory_space<vmem>>
        %get3A_740 = arith.index_cast %add3A_682 : i32 to index
        %get3A_741 = arith.constant 48 : index
        %get3A_742 = tpu.vector_load %get3A_739[%get3A_740, %get3A_741] {strides = array<i32>} : memref<32x64xf32, #tpu.memory_space<vmem>>, vector<16xf32>,
        %get3A_743 = arith.constant 0 : i32
        %get3A_744 = arith.constant 0 : i32
        %get3A_745 = tpu.memref_slice %arg13[%rem3A_44, %get3A_743, %get3A_744] : memref<2x32x64xf32, #tpu.memory_space<vmem>> -> memref<1x32x64xf32, #tpu.memory_space<vmem>>
        %get3A_746 = tpu.memref_squeeze %get3A_745 : memref<1x32x64xf32, #tpu.memory_space<vmem>> -> memref<32x64xf32, #tpu.memory_space<vmem>>
        %get3A_747 = arith.index_cast %add3A_682 : i32 to index
        %get3A_748 = arith.constant 48 : index
        %get3A_749 = tpu.vector_load %get3A_746[%get3A_747, %get3A_748] {strides = array<i32>} : memref<32x64xf32, #tpu.memory_space<vmem>>, vector<16xf32>,
        %mul3A_750 = arith.mulf %get3A_742, %get3A_749 : vector<16xf32>
        %add3A_751 = arith.addf %add3A_735, %mul3A_750 : vector<16xf32>
        tpu.vector_store_idx %arg17[%add3A_688], %add3A_751 : memref<256xf32, #tpu.memory_space<vmem>>[vector<16xi32>], vector<16xf32>,
        %mul3A_752 = arith.constant 16 : i32
        %mul3A_753 = arith.muli %scan3A_94, %mul3A_752 : i32
        %add3A_754 = arith.constant 9 : i32
        %add3A_755 = arith.addi %mul3A_753, %add3A_754 : i32
        %mul3A_756 = arith.constant 16 : i32
        %mul3A_757 = vector.broadcast %mul3A_756 : i32 to vector<16xi32>
        %mul3A_758 = arith.muli %iota3A, %mul3A_757 : vector<16xi32>
        %add3A_759 = arith.constant 9 : i32
        %add3A_760 = vector.broadcast %add3A_759 : i32 to vector<16xi32>
        %add3A_761 = arith.addi %mul3A_758, %add3A_760 : vector<16xi32>
        %get3A_762 = arith.constant 0 : i32
        %get3A_763 = arith.constant 0 : i32
        %get3A_764 = tpu.memref_slice %arg12[%rem3A_44, %get3A_762, %get3A_763] : memref<2x32x64xf32, #tpu.memory_space<vmem>> -> memref<1x32x64xf32, #tpu.memory_space<vmem>>
        %get3A_765 = tpu.memref_squeeze %get3A_764 : memref<1x32x64xf32, #tpu.memory_space<vmem>> -> memref<32x64xf32, #tpu.memory_space<vmem>>
        %get3A_766 = arith.index_cast %add3A_755 : i32 to index
        %get3A_767 = arith.constant 0 : index
        %get3A_768 = tpu.vector_load %get3A_765[%get3A_766, %get3A_767] {strides = array<i32>} : memref<32x64xf32, #tpu.memory_space<vmem>>, vector<16xf32>,
        %get3A_769 = arith.constant 0 : i32
        %get3A_770 = arith.constant 0 : i32
        %get3A_771 = tpu.memref_slice %arg13[%rem3A_44, %get3A_769, %get3A_770] : memref<2x32x64xf32, #tpu.memory_space<vmem>> -> memref<1x32x64xf32, #tpu.memory_space<vmem>>
        %get3A_772 = tpu.memref_squeeze %get3A_771 : memref<1x32x64xf32, #tpu.memory_space<vmem>> -> memref<32x64xf32, #tpu.memory_space<vmem>>
        %get3A_773 = arith.index_cast %add3A_755 : i32 to index
        %get3A_774 = arith.constant 0 : index
        %get3A_775 = tpu.vector_load %get3A_772[%get3A_773, %get3A_774] {strides = array<i32>} : memref<32x64xf32, #tpu.memory_space<vmem>>, vector<16xf32>,
        %mul3A_776 = arith.mulf %get3A_768, %get3A_775 : vector<16xf32>
        %get3A_777 = arith.constant 0 : i32
        %get3A_778 = arith.constant 0 : i32
        %get3A_779 = tpu.memref_slice %arg12[%rem3A_44, %get3A_777, %get3A_778] : memref<2x32x64xf32, #tpu.memory_space<vmem>> -> memref<1x32x64xf32, #tpu.memory_space<vmem>>
        %get3A_780 = tpu.memref_squeeze %get3A_779 : memref<1x32x64xf32, #tpu.memory_space<vmem>> -> memref<32x64xf32, #tpu.memory_space<vmem>>
        %get3A_781 = arith.index_cast %add3A_755 : i32 to index
        %get3A_782 = arith.constant 16 : index
        %get3A_783 = tpu.vector_load %get3A_780[%get3A_781, %get3A_782] {strides = array<i32>} : memref<32x64xf32, #tpu.memory_space<vmem>>, vector<16xf32>,
        %get3A_784 = arith.constant 0 : i32
        %get3A_785 = arith.constant 0 : i32
        %get3A_786 = tpu.memref_slice %arg13[%rem3A_44, %get3A_784, %get3A_785] : memref<2x32x64xf32, #tpu.memory_space<vmem>> -> memref<1x32x64xf32, #tpu.memory_space<vmem>>
        %get3A_787 = tpu.memref_squeeze %get3A_786 : memref<1x32x64xf32, #tpu.memory_space<vmem>> -> memref<32x64xf32, #tpu.memory_space<vmem>>
        %get3A_788 = arith.index_cast %add3A_755 : i32 to index
        %get3A_789 = arith.constant 16 : index
        %get3A_790 = tpu.vector_load %get3A_787[%get3A_788, %get3A_789] {strides = array<i32>} : memref<32x64xf32, #tpu.memory_space<vmem>>, vector<16xf32>,
        %mul3A_791 = arith.mulf %get3A_783, %get3A_790 : vector<16xf32>
        %add3A_792 = arith.addf %mul3A_776, %mul3A_791 : vector<16xf32>
        %get3A_793 = arith.constant 0 : i32
        %get3A_794 = arith.constant 0 : i32
        %get3A_795 = tpu.memref_slice %arg12[%rem3A_44, %get3A_793, %get3A_794] : memref<2x32x64xf32, #tpu.memory_space<vmem>> -> memref<1x32x64xf32, #tpu.memory_space<vmem>>
        %get3A_796 = tpu.memref_squeeze %get3A_795 : memref<1x32x64xf32, #tpu.memory_space<vmem>> -> memref<32x64xf32, #tpu.memory_space<vmem>>
        %get3A_797 = arith.index_cast %add3A_755 : i32 to index
        %get3A_798 = arith.constant 32 : index
        %get3A_799 = tpu.vector_load %get3A_796[%get3A_797, %get3A_798] {strides = array<i32>} : memref<32x64xf32, #tpu.memory_space<vmem>>, vector<16xf32>,
        %get3A_800 = arith.constant 0 : i32
        %get3A_801 = arith.constant 0 : i32
        %get3A_802 = tpu.memref_slice %arg13[%rem3A_44, %get3A_800, %get3A_801] : memref<2x32x64xf32, #tpu.memory_space<vmem>> -> memref<1x32x64xf32, #tpu.memory_space<vmem>>
        %get3A_803 = tpu.memref_squeeze %get3A_802 : memref<1x32x64xf32, #tpu.memory_space<vmem>> -> memref<32x64xf32, #tpu.memory_space<vmem>>
        %get3A_804 = arith.index_cast %add3A_755 : i32 to index
        %get3A_805 = arith.constant 32 : index
        %get3A_806 = tpu.vector_load %get3A_803[%get3A_804, %get3A_805] {strides = array<i32>} : memref<32x64xf32, #tpu.memory_space<vmem>>, vector<16xf32>,
        %mul3A_807 = arith.mulf %get3A_799, %get3A_806 : vector<16xf32>
        %add3A_808 = arith.addf %add3A_792, %mul3A_807 : vector<16xf32>
        %get3A_809 = arith.constant 0 : i32
        %get3A_810 = arith.constant 0 : i32
        %get3A_811 = tpu.memref_slice %arg12[%rem3A_44, %get3A_809, %get3A_810] : memref<2x32x64xf32, #tpu.memory_space<vmem>> -> memref<1x32x64xf32, #tpu.memory_space<vmem>>
        %get3A_812 = tpu.memref_squeeze %get3A_811 : memref<1x32x64xf32, #tpu.memory_space<vmem>> -> memref<32x64xf32, #tpu.memory_space<vmem>>
        %get3A_813 = arith.index_cast %add3A_755 : i32 to index
        %get3A_814 = arith.constant 48 : index
        %get3A_815 = tpu.vector_load %get3A_812[%get3A_813, %get3A_814] {strides = array<i32>} : memref<32x64xf32, #tpu.memory_space<vmem>>, vector<16xf32>,
        %get3A_816 = arith.constant 0 : i32
        %get3A_817 = arith.constant 0 : i32
        %get3A_818 = tpu.memref_slice %arg13[%rem3A_44, %get3A_816, %get3A_817] : memref<2x32x64xf32, #tpu.memory_space<vmem>> -> memref<1x32x64xf32, #tpu.memory_space<vmem>>
        %get3A_819 = tpu.memref_squeeze %get3A_818 : memref<1x32x64xf32, #tpu.memory_space<vmem>> -> memref<32x64xf32, #tpu.memory_space<vmem>>
        %get3A_820 = arith.index_cast %add3A_755 : i32 to index
        %get3A_821 = arith.constant 48 : index
        %get3A_822 = tpu.vector_load %get3A_819[%get3A_820, %get3A_821] {strides = array<i32>} : memref<32x64xf32, #tpu.memory_space<vmem>>, vector<16xf32>,
        %mul3A_823 = arith.mulf %get3A_815, %get3A_822 : vector<16xf32>
        %add3A_824 = arith.addf %add3A_808, %mul3A_823 : vector<16xf32>
        tpu.vector_store_idx %arg17[%add3A_761], %add3A_824 : memref<256xf32, #tpu.memory_space<vmem>>[vector<16xi32>], vector<16xf32>,
        %mul3A_825 = arith.constant 16 : i32
        %mul3A_826 = arith.muli %scan3A_94, %mul3A_825 : i32
        %add3A_827 = arith.constant 10 : i32
        %add3A_828 = arith.addi %mul3A_826, %add3A_827 : i32
        %mul3A_829 = arith.constant 16 : i32
        %mul3A_830 = vector.broadcast %mul3A_829 : i32 to vector<16xi32>
        %mul3A_831 = arith.muli %iota3A, %mul3A_830 : vector<16xi32>
        %add3A_832 = arith.constant 10 : i32
        %add3A_833 = vector.broadcast %add3A_832 : i32 to vector<16xi32>
        %add3A_834 = arith.addi %mul3A_831, %add3A_833 : vector<16xi32>
        %get3A_835 = arith.constant 0 : i32
        %get3A_836 = arith.constant 0 : i32
        %get3A_837 = tpu.memref_slice %arg12[%rem3A_44, %get3A_835, %get3A_836] : memref<2x32x64xf32, #tpu.memory_space<vmem>> -> memref<1x32x64xf32, #tpu.memory_space<vmem>>
        %get3A_838 = tpu.memref_squeeze %get3A_837 : memref<1x32x64xf32, #tpu.memory_space<vmem>> -> memref<32x64xf32, #tpu.memory_space<vmem>>
        %get3A_839 = arith.index_cast %add3A_828 : i32 to index
        %get3A_840 = arith.constant 0 : index
        %get3A_841 = tpu.vector_load %get3A_838[%get3A_839, %get3A_840] {strides = array<i32>} : memref<32x64xf32, #tpu.memory_space<vmem>>, vector<16xf32>,
        %get3A_842 = arith.constant 0 : i32
        %get3A_843 = arith.constant 0 : i32
        %get3A_844 = tpu.memref_slice %arg13[%rem3A_44, %get3A_842, %get3A_843] : memref<2x32x64xf32, #tpu.memory_space<vmem>> -> memref<1x32x64xf32, #tpu.memory_space<vmem>>
        %get3A_845 = tpu.memref_squeeze %get3A_844 : memref<1x32x64xf32, #tpu.memory_space<vmem>> -> memref<32x64xf32, #tpu.memory_space<vmem>>
        %get3A_846 = arith.index_cast %add3A_828 : i32 to index
        %get3A_847 = arith.constant 0 : index
        %get3A_848 = tpu.vector_load %get3A_845[%get3A_846, %get3A_847] {strides = array<i32>} : memref<32x64xf32, #tpu.memory_space<vmem>>, vector<16xf32>,
        %mul3A_849 = arith.mulf %get3A_841, %get3A_848 : vector<16xf32>
        %get3A_850 = arith.constant 0 : i32
        %get3A_851 = arith.constant 0 : i32
        %get3A_852 = tpu.memref_slice %arg12[%rem3A_44, %get3A_850, %get3A_851] : memref<2x32x64xf32, #tpu.memory_space<vmem>> -> memref<1x32x64xf32, #tpu.memory_space<vmem>>
        %get3A_853 = tpu.memref_squeeze %get3A_852 : memref<1x32x64xf32, #tpu.memory_space<vmem>> -> memref<32x64xf32, #tpu.memory_space<vmem>>
        %get3A_854 = arith.index_cast %add3A_828 : i32 to index
        %get3A_855 = arith.constant 16 : index
        %get3A_856 = tpu.vector_load %get3A_853[%get3A_854, %get3A_855] {strides = array<i32>} : memref<32x64xf32, #tpu.memory_space<vmem>>, vector<16xf32>,
        %get3A_857 = arith.constant 0 : i32
        %get3A_858 = arith.constant 0 : i32
        %get3A_859 = tpu.memref_slice %arg13[%rem3A_44, %get3A_857, %get3A_858] : memref<2x32x64xf32, #tpu.memory_space<vmem>> -> memref<1x32x64xf32, #tpu.memory_space<vmem>>
        %get3A_860 = tpu.memref_squeeze %get3A_859 : memref<1x32x64xf32, #tpu.memory_space<vmem>> -> memref<32x64xf32, #tpu.memory_space<vmem>>
        %get3A_861 = arith.index_cast %add3A_828 : i32 to index
        %get3A_862 = arith.constant 16 : index
        %get3A_863 = tpu.vector_load %get3A_860[%get3A_861, %get3A_862] {strides = array<i32>} : memref<32x64xf32, #tpu.memory_space<vmem>>, vector<16xf32>,
        %mul3A_864 = arith.mulf %get3A_856, %get3A_863 : vector<16xf32>
        %add3A_865 = arith.addf %mul3A_849, %mul3A_864 : vector<16xf32>
        %get3A_866 = arith.constant 0 : i32
        %get3A_867 = arith.constant 0 : i32
        %get3A_868 = tpu.memref_slice %arg12[%rem3A_44, %get3A_866, %get3A_867] : memref<2x32x64xf32, #tpu.memory_space<vmem>> -> memref<1x32x64xf32, #tpu.memory_space<vmem>>
        %get3A_869 = tpu.memref_squeeze %get3A_868 : memref<1x32x64xf32, #tpu.memory_space<vmem>> -> memref<32x64xf32, #tpu.memory_space<vmem>>
        %get3A_870 = arith.index_cast %add3A_828 : i32 to index
        %get3A_871 = arith.constant 32 : index
        %get3A_872 = tpu.vector_load %get3A_869[%get3A_870, %get3A_871] {strides = array<i32>} : memref<32x64xf32, #tpu.memory_space<vmem>>, vector<16xf32>,
        %get3A_873 = arith.constant 0 : i32
        %get3A_874 = arith.constant 0 : i32
        %get3A_875 = tpu.memref_slice %arg13[%rem3A_44, %get3A_873, %get3A_874] : memref<2x32x64xf32, #tpu.memory_space<vmem>> -> memref<1x32x64xf32, #tpu.memory_space<vmem>>
        %get3A_876 = tpu.memref_squeeze %get3A_875 : memref<1x32x64xf32, #tpu.memory_space<vmem>> -> memref<32x64xf32, #tpu.memory_space<vmem>>
        %get3A_877 = arith.index_cast %add3A_828 : i32 to index
        %get3A_878 = arith.constant 32 : index
        %get3A_879 = tpu.vector_load %get3A_876[%get3A_877, %get3A_878] {strides = array<i32>} : memref<32x64xf32, #tpu.memory_space<vmem>>, vector<16xf32>,
        %mul3A_880 = arith.mulf %get3A_872, %get3A_879 : vector<16xf32>
        %add3A_881 = arith.addf %add3A_865, %mul3A_880 : vector<16xf32>
        %get3A_882 = arith.constant 0 : i32
        %get3A_883 = arith.constant 0 : i32
        %get3A_884 = tpu.memref_slice %arg12[%rem3A_44, %get3A_882, %get3A_883] : memref<2x32x64xf32, #tpu.memory_space<vmem>> -> memref<1x32x64xf32, #tpu.memory_space<vmem>>
        %get3A_885 = tpu.memref_squeeze %get3A_884 : memref<1x32x64xf32, #tpu.memory_space<vmem>> -> memref<32x64xf32, #tpu.memory_space<vmem>>
        %get3A_886 = arith.index_cast %add3A_828 : i32 to index
        %get3A_887 = arith.constant 48 : index
        %get3A_888 = tpu.vector_load %get3A_885[%get3A_886, %get3A_887] {strides = array<i32>} : memref<32x64xf32, #tpu.memory_space<vmem>>, vector<16xf32>,
        %get3A_889 = arith.constant 0 : i32
        %get3A_890 = arith.constant 0 : i32
        %get3A_891 = tpu.memref_slice %arg13[%rem3A_44, %get3A_889, %get3A_890] : memref<2x32x64xf32, #tpu.memory_space<vmem>> -> memref<1x32x64xf32, #tpu.memory_space<vmem>>
        %get3A_892 = tpu.memref_squeeze %get3A_891 : memref<1x32x64xf32, #tpu.memory_space<vmem>> -> memref<32x64xf32, #tpu.memory_space<vmem>>
        %get3A_893 = arith.index_cast %add3A_828 : i32 to index
        %get3A_894 = arith.constant 48 : index
        %get3A_895 = tpu.vector_load %get3A_892[%get3A_893, %get3A_894] {strides = array<i32>} : memref<32x64xf32, #tpu.memory_space<vmem>>, vector<16xf32>,
        %mul3A_896 = arith.mulf %get3A_888, %get3A_895 : vector<16xf32>
        %add3A_897 = arith.addf %add3A_881, %mul3A_896 : vector<16xf32>
        tpu.vector_store_idx %arg17[%add3A_834], %add3A_897 : memref<256xf32, #tpu.memory_space<vmem>>[vector<16xi32>], vector<16xf32>,
        %mul3A_898 = arith.constant 16 : i32
        %mul3A_899 = arith.muli %scan3A_94, %mul3A_898 : i32
        %add3A_900 = arith.constant 11 : i32
        %add3A_901 = arith.addi %mul3A_899, %add3A_900 : i32
        %mul3A_902 = arith.constant 16 : i32
        %mul3A_903 = vector.broadcast %mul3A_902 : i32 to vector<16xi32>
        %mul3A_904 = arith.muli %iota3A, %mul3A_903 : vector<16xi32>
        %add3A_905 = arith.constant 11 : i32
        %add3A_906 = vector.broadcast %add3A_905 : i32 to vector<16xi32>
        %add3A_907 = arith.addi %mul3A_904, %add3A_906 : vector<16xi32>
        %get3A_908 = arith.constant 0 : i32
        %get3A_909 = arith.constant 0 : i32
        %get3A_910 = tpu.memref_slice %arg12[%rem3A_44, %get3A_908, %get3A_909] : memref<2x32x64xf32, #tpu.memory_space<vmem>> -> memref<1x32x64xf32, #tpu.memory_space<vmem>>
        %get3A_911 = tpu.memref_squeeze %get3A_910 : memref<1x32x64xf32, #tpu.memory_space<vmem>> -> memref<32x64xf32, #tpu.memory_space<vmem>>
        %get3A_912 = arith.index_cast %add3A_901 : i32 to index
        %get3A_913 = arith.constant 0 : index
        %get3A_914 = tpu.vector_load %get3A_911[%get3A_912, %get3A_913] {strides = array<i32>} : memref<32x64xf32, #tpu.memory_space<vmem>>, vector<16xf32>,
        %get3A_915 = arith.constant 0 : i32
        %get3A_916 = arith.constant 0 : i32
        %get3A_917 = tpu.memref_slice %arg13[%rem3A_44, %get3A_915, %get3A_916] : memref<2x32x64xf32, #tpu.memory_space<vmem>> -> memref<1x32x64xf32, #tpu.memory_space<vmem>>
        %get3A_918 = tpu.memref_squeeze %get3A_917 : memref<1x32x64xf32, #tpu.memory_space<vmem>> -> memref<32x64xf32, #tpu.memory_space<vmem>>
        %get3A_919 = arith.index_cast %add3A_901 : i32 to index
        %get3A_920 = arith.constant 0 : index
        %get3A_921 = tpu.vector_load %get3A_918[%get3A_919, %get3A_920] {strides = array<i32>} : memref<32x64xf32, #tpu.memory_space<vmem>>, vector<16xf32>,
        %mul3A_922 = arith.mulf %get3A_914, %get3A_921 : vector<16xf32>
        %get3A_923 = arith.constant 0 : i32
        %get3A_924 = arith.constant 0 : i32
        %get3A_925 = tpu.memref_slice %arg12[%rem3A_44, %get3A_923, %get3A_924] : memref<2x32x64xf32, #tpu.memory_space<vmem>> -> memref<1x32x64xf32, #tpu.memory_space<vmem>>
        %get3A_926 = tpu.memref_squeeze %get3A_925 : memref<1x32x64xf32, #tpu.memory_space<vmem>> -> memref<32x64xf32, #tpu.memory_space<vmem>>
        %get3A_927 = arith.index_cast %add3A_901 : i32 to index
        %get3A_928 = arith.constant 16 : index
        %get3A_929 = tpu.vector_load %get3A_926[%get3A_927, %get3A_928] {strides = array<i32>} : memref<32x64xf32, #tpu.memory_space<vmem>>, vector<16xf32>,
        %get3A_930 = arith.constant 0 : i32
        %get3A_931 = arith.constant 0 : i32
        %get3A_932 = tpu.memref_slice %arg13[%rem3A_44, %get3A_930, %get3A_931] : memref<2x32x64xf32, #tpu.memory_space<vmem>> -> memref<1x32x64xf32, #tpu.memory_space<vmem>>
        %get3A_933 = tpu.memref_squeeze %get3A_932 : memref<1x32x64xf32, #tpu.memory_space<vmem>> -> memref<32x64xf32, #tpu.memory_space<vmem>>
        %get3A_934 = arith.index_cast %add3A_901 : i32 to index
        %get3A_935 = arith.constant 16 : index
        %get3A_936 = tpu.vector_load %get3A_933[%get3A_934, %get3A_935] {strides = array<i32>} : memref<32x64xf32, #tpu.memory_space<vmem>>, vector<16xf32>,
        %mul3A_937 = arith.mulf %get3A_929, %get3A_936 : vector<16xf32>
        %add3A_938 = arith.addf %mul3A_922, %mul3A_937 : vector<16xf32>
        %get3A_939 = arith.constant 0 : i32
        %get3A_940 = arith.constant 0 : i32
        %get3A_941 = tpu.memref_slice %arg12[%rem3A_44, %get3A_939, %get3A_940] : memref<2x32x64xf32, #tpu.memory_space<vmem>> -> memref<1x32x64xf32, #tpu.memory_space<vmem>>
        %get3A_942 = tpu.memref_squeeze %get3A_941 : memref<1x32x64xf32, #tpu.memory_space<vmem>> -> memref<32x64xf32, #tpu.memory_space<vmem>>
        %get3A_943 = arith.index_cast %add3A_901 : i32 to index
        %get3A_944 = arith.constant 32 : index
        %get3A_945 = tpu.vector_load %get3A_942[%get3A_943, %get3A_944] {strides = array<i32>} : memref<32x64xf32, #tpu.memory_space<vmem>>, vector<16xf32>,
        %get3A_946 = arith.constant 0 : i32
        %get3A_947 = arith.constant 0 : i32
        %get3A_948 = tpu.memref_slice %arg13[%rem3A_44, %get3A_946, %get3A_947] : memref<2x32x64xf32, #tpu.memory_space<vmem>> -> memref<1x32x64xf32, #tpu.memory_space<vmem>>
        %get3A_949 = tpu.memref_squeeze %get3A_948 : memref<1x32x64xf32, #tpu.memory_space<vmem>> -> memref<32x64xf32, #tpu.memory_space<vmem>>
        %get3A_950 = arith.index_cast %add3A_901 : i32 to index
        %get3A_951 = arith.constant 32 : index
        %get3A_952 = tpu.vector_load %get3A_949[%get3A_950, %get3A_951] {strides = array<i32>} : memref<32x64xf32, #tpu.memory_space<vmem>>, vector<16xf32>,
        %mul3A_953 = arith.mulf %get3A_945, %get3A_952 : vector<16xf32>
        %add3A_954 = arith.addf %add3A_938, %mul3A_953 : vector<16xf32>
        %get3A_955 = arith.constant 0 : i32
        %get3A_956 = arith.constant 0 : i32
        %get3A_957 = tpu.memref_slice %arg12[%rem3A_44, %get3A_955, %get3A_956] : memref<2x32x64xf32, #tpu.memory_space<vmem>> -> memref<1x32x64xf32, #tpu.memory_space<vmem>>
        %get3A_958 = tpu.memref_squeeze %get3A_957 : memref<1x32x64xf32, #tpu.memory_space<vmem>> -> memref<32x64xf32, #tpu.memory_space<vmem>>
        %get3A_959 = arith.index_cast %add3A_901 : i32 to index
        %get3A_960 = arith.constant 48 : index
        %get3A_961 = tpu.vector_load %get3A_958[%get3A_959, %get3A_960] {strides = array<i32>} : memref<32x64xf32, #tpu.memory_space<vmem>>, vector<16xf32>,
        %get3A_962 = arith.constant 0 : i32
        %get3A_963 = arith.constant 0 : i32
        %get3A_964 = tpu.memref_slice %arg13[%rem3A_44, %get3A_962, %get3A_963] : memref<2x32x64xf32, #tpu.memory_space<vmem>> -> memref<1x32x64xf32, #tpu.memory_space<vmem>>
        %get3A_965 = tpu.memref_squeeze %get3A_964 : memref<1x32x64xf32, #tpu.memory_space<vmem>> -> memref<32x64xf32, #tpu.memory_space<vmem>>
        %get3A_966 = arith.index_cast %add3A_901 : i32 to index
        %get3A_967 = arith.constant 48 : index
        %get3A_968 = tpu.vector_load %get3A_965[%get3A_966, %get3A_967] {strides = array<i32>} : memref<32x64xf32, #tpu.memory_space<vmem>>, vector<16xf32>,
        %mul3A_969 = arith.mulf %get3A_961, %get3A_968 : vector<16xf32>
        %add3A_970 = arith.addf %add3A_954, %mul3A_969 : vector<16xf32>
        tpu.vector_store_idx %arg17[%add3A_907], %add3A_970 : memref<256xf32, #tpu.memory_space<vmem>>[vector<16xi32>], vector<16xf32>,
        %mul3A_971 = arith.constant 16 : i32
        %mul3A_972 = arith.muli %scan3A_94, %mul3A_971 : i32
        %add3A_973 = arith.constant 12 : i32
        %add3A_974 = arith.addi %mul3A_972, %add3A_973 : i32
        %mul3A_975 = arith.constant 16 : i32
        %mul3A_976 = vector.broadcast %mul3A_975 : i32 to vector<16xi32>
        %mul3A_977 = arith.muli %iota3A, %mul3A_976 : vector<16xi32>
        %add3A_978 = arith.constant 12 : i32
        %add3A_979 = vector.broadcast %add3A_978 : i32 to vector<16xi32>
        %add3A_980 = arith.addi %mul3A_977, %add3A_979 : vector<16xi32>
        %get3A_981 = arith.constant 0 : i32
        %get3A_982 = arith.constant 0 : i32
        %get3A_983 = tpu.memref_slice %arg12[%rem3A_44, %get3A_981, %get3A_982] : memref<2x32x64xf32, #tpu.memory_space<vmem>> -> memref<1x32x64xf32, #tpu.memory_space<vmem>>
        %get3A_984 = tpu.memref_squeeze %get3A_983 : memref<1x32x64xf32, #tpu.memory_space<vmem>> -> memref<32x64xf32, #tpu.memory_space<vmem>>
        %get3A_985 = arith.index_cast %add3A_974 : i32 to index
        %get3A_986 = arith.constant 0 : index
        %get3A_987 = tpu.vector_load %get3A_984[%get3A_985, %get3A_986] {strides = array<i32>} : memref<32x64xf32, #tpu.memory_space<vmem>>, vector<16xf32>,
        %get3A_988 = arith.constant 0 : i32
        %get3A_989 = arith.constant 0 : i32
        %get3A_990 = tpu.memref_slice %arg13[%rem3A_44, %get3A_988, %get3A_989] : memref<2x32x64xf32, #tpu.memory_space<vmem>> -> memref<1x32x64xf32, #tpu.memory_space<vmem>>
        %get3A_991 = tpu.memref_squeeze %get3A_990 : memref<1x32x64xf32, #tpu.memory_space<vmem>> -> memref<32x64xf32, #tpu.memory_space<vmem>>
        %get3A_992 = arith.index_cast %add3A_974 : i32 to index
        %get3A_993 = arith.constant 0 : index
        %get3A_994 = tpu.vector_load %get3A_991[%get3A_992, %get3A_993] {strides = array<i32>} : memref<32x64xf32, #tpu.memory_space<vmem>>, vector<16xf32>,
        %mul3A_995 = arith.mulf %get3A_987, %get3A_994 : vector<16xf32>
        %get3A_996 = arith.constant 0 : i32
        %get3A_997 = arith.constant 0 : i32
        %get3A_998 = tpu.memref_slice %arg12[%rem3A_44, %get3A_996, %get3A_997] : memref<2x32x64xf32, #tpu.memory_space<vmem>> -> memref<1x32x64xf32, #tpu.memory_space<vmem>>
        %get3A_999 = tpu.memref_squeeze %get3A_998 : memref<1x32x64xf32, #tpu.memory_space<vmem>> -> memref<32x64xf32, #tpu.memory_space<vmem>>
        %get3A_1000 = arith.index_cast %add3A_974 : i32 to index
        %get3A_1001 = arith.constant 16 : index
        %get3A_1002 = tpu.vector_load %get3A_999[%get3A_1000, %get3A_1001] {strides = array<i32>} : memref<32x64xf32, #tpu.memory_space<vmem>>, vector<16xf32>,
        %get3A_1003 = arith.constant 0 : i32
        %get3A_1004 = arith.constant 0 : i32
        %get3A_1005 = tpu.memref_slice %arg13[%rem3A_44, %get3A_1003, %get3A_1004] : memref<2x32x64xf32, #tpu.memory_space<vmem>> -> memref<1x32x64xf32, #tpu.memory_space<vmem>>
        %get3A_1006 = tpu.memref_squeeze %get3A_1005 : memref<1x32x64xf32, #tpu.memory_space<vmem>> -> memref<32x64xf32, #tpu.memory_space<vmem>>
        %get3A_1007 = arith.index_cast %add3A_974 : i32 to index
        %get3A_1008 = arith.constant 16 : index
        %get3A_1009 = tpu.vector_load %get3A_1006[%get3A_1007, %get3A_1008] {strides = array<i32>} : memref<32x64xf32, #tpu.memory_space<vmem>>, vector<16xf32>,
        %mul3A_1010 = arith.mulf %get3A_1002, %get3A_1009 : vector<16xf32>
        %add3A_1011 = arith.addf %mul3A_995, %mul3A_1010 : vector<16xf32>
        %get3A_1012 = arith.constant 0 : i32
        %get3A_1013 = arith.constant 0 : i32
        %get3A_1014 = tpu.memref_slice %arg12[%rem3A_44, %get3A_1012, %get3A_1013] : memref<2x32x64xf32, #tpu.memory_space<vmem>> -> memref<1x32x64xf32, #tpu.memory_space<vmem>>
        %get3A_1015 = tpu.memref_squeeze %get3A_1014 : memref<1x32x64xf32, #tpu.memory_space<vmem>> -> memref<32x64xf32, #tpu.memory_space<vmem>>
        %get3A_1016 = arith.index_cast %add3A_974 : i32 to index
        %get3A_1017 = arith.constant 32 : index
        %get3A_1018 = tpu.vector_load %get3A_1015[%get3A_1016, %get3A_1017] {strides = array<i32>} : memref<32x64xf32, #tpu.memory_space<vmem>>, vector<16xf32>,
        %get3A_1019 = arith.constant 0 : i32
        %get3A_1020 = arith.constant 0 : i32
        %get3A_1021 = tpu.memref_slice %arg13[%rem3A_44, %get3A_1019, %get3A_1020] : memref<2x32x64xf32, #tpu.memory_space<vmem>> -> memref<1x32x64xf32, #tpu.memory_space<vmem>>
        %get3A_1022 = tpu.memref_squeeze %get3A_1021 : memref<1x32x64xf32, #tpu.memory_space<vmem>> -> memref<32x64xf32, #tpu.memory_space<vmem>>
        %get3A_1023 = arith.index_cast %add3A_974 : i32 to index
        %get3A_1024 = arith.constant 32 : index
        %get3A_1025 = tpu.vector_load %get3A_1022[%get3A_1023, %get3A_1024] {strides = array<i32>} : memref<32x64xf32, #tpu.memory_space<vmem>>, vector<16xf32>,
        %mul3A_1026 = arith.mulf %get3A_1018, %get3A_1025 : vector<16xf32>
        %add3A_1027 = arith.addf %add3A_1011, %mul3A_1026 : vector<16xf32>
        %get3A_1028 = arith.constant 0 : i32
        %get3A_1029 = arith.constant 0 : i32
        %get3A_1030 = tpu.memref_slice %arg12[%rem3A_44, %get3A_1028, %get3A_1029] : memref<2x32x64xf32, #tpu.memory_space<vmem>> -> memref<1x32x64xf32, #tpu.memory_space<vmem>>
        %get3A_1031 = tpu.memref_squeeze %get3A_1030 : memref<1x32x64xf32, #tpu.memory_space<vmem>> -> memref<32x64xf32, #tpu.memory_space<vmem>>
        %get3A_1032 = arith.index_cast %add3A_974 : i32 to index
        %get3A_1033 = arith.constant 48 : index
        %get3A_1034 = tpu.vector_load %get3A_1031[%get3A_1032, %get3A_1033] {strides = array<i32>} : memref<32x64xf32, #tpu.memory_space<vmem>>, vector<16xf32>,
        %get3A_1035 = arith.constant 0 : i32
        %get3A_1036 = arith.constant 0 : i32
        %get3A_1037 = tpu.memref_slice %arg13[%rem3A_44, %get3A_1035, %get3A_1036] : memref<2x32x64xf32, #tpu.memory_space<vmem>> -> memref<1x32x64xf32, #tpu.memory_space<vmem>>
        %get3A_1038 = tpu.memref_squeeze %get3A_1037 : memref<1x32x64xf32, #tpu.memory_space<vmem>> -> memref<32x64xf32, #tpu.memory_space<vmem>>
        %get3A_1039 = arith.index_cast %add3A_974 : i32 to index
        %get3A_1040 = arith.constant 48 : index
        %get3A_1041 = tpu.vector_load %get3A_1038[%get3A_1039, %get3A_1040] {strides = array<i32>} : memref<32x64xf32, #tpu.memory_space<vmem>>, vector<16xf32>,
        %mul3A_1042 = arith.mulf %get3A_1034, %get3A_1041 : vector<16xf32>
        %add3A_1043 = arith.addf %add3A_1027, %mul3A_1042 : vector<16xf32>
        tpu.vector_store_idx %arg17[%add3A_980], %add3A_1043 : memref<256xf32, #tpu.memory_space<vmem>>[vector<16xi32>], vector<16xf32>,
        %mul3A_1044 = arith.constant 16 : i32
        %mul3A_1045 = arith.muli %scan3A_94, %mul3A_1044 : i32
        %add3A_1046 = arith.constant 13 : i32
        %add3A_1047 = arith.addi %mul3A_1045, %add3A_1046 : i32
        %mul3A_1048 = arith.constant 16 : i32
        %mul3A_1049 = vector.broadcast %mul3A_1048 : i32 to vector<16xi32>
        %mul3A_1050 = arith.muli %iota3A, %mul3A_1049 : vector<16xi32>
        %add3A_1051 = arith.constant 13 : i32
        %add3A_1052 = vector.broadcast %add3A_1051 : i32 to vector<16xi32>
        %add3A_1053 = arith.addi %mul3A_1050, %add3A_1052 : vector<16xi32>
        %get3A_1054 = arith.constant 0 : i32
        %get3A_1055 = arith.constant 0 : i32
        %get3A_1056 = tpu.memref_slice %arg12[%rem3A_44, %get3A_1054, %get3A_1055] : memref<2x32x64xf32, #tpu.memory_space<vmem>> -> memref<1x32x64xf32, #tpu.memory_space<vmem>>
        %get3A_1057 = tpu.memref_squeeze %get3A_1056 : memref<1x32x64xf32, #tpu.memory_space<vmem>> -> memref<32x64xf32, #tpu.memory_space<vmem>>
        %get3A_1058 = arith.index_cast %add3A_1047 : i32 to index
        %get3A_1059 = arith.constant 0 : index
        %get3A_1060 = tpu.vector_load %get3A_1057[%get3A_1058, %get3A_1059] {strides = array<i32>} : memref<32x64xf32, #tpu.memory_space<vmem>>, vector<16xf32>,
        %get3A_1061 = arith.constant 0 : i32
        %get3A_1062 = arith.constant 0 : i32
        %get3A_1063 = tpu.memref_slice %arg13[%rem3A_44, %get3A_1061, %get3A_1062] : memref<2x32x64xf32, #tpu.memory_space<vmem>> -> memref<1x32x64xf32, #tpu.memory_space<vmem>>
        %get3A_1064 = tpu.memref_squeeze %get3A_1063 : memref<1x32x64xf32, #tpu.memory_space<vmem>> -> memref<32x64xf32, #tpu.memory_space<vmem>>
        %get3A_1065 = arith.index_cast %add3A_1047 : i32 to index
        %get3A_1066 = arith.constant 0 : index
        %get3A_1067 = tpu.vector_load %get3A_1064[%get3A_1065, %get3A_1066] {strides = array<i32>} : memref<32x64xf32, #tpu.memory_space<vmem>>, vector<16xf32>,
        %mul3A_1068 = arith.mulf %get3A_1060, %get3A_1067 : vector<16xf32>
        %get3A_1069 = arith.constant 0 : i32
        %get3A_1070 = arith.constant 0 : i32
        %get3A_1071 = tpu.memref_slice %arg12[%rem3A_44, %get3A_1069, %get3A_1070] : memref<2x32x64xf32, #tpu.memory_space<vmem>> -> memref<1x32x64xf32, #tpu.memory_space<vmem>>
        %get3A_1072 = tpu.memref_squeeze %get3A_1071 : memref<1x32x64xf32, #tpu.memory_space<vmem>> -> memref<32x64xf32, #tpu.memory_space<vmem>>
        %get3A_1073 = arith.index_cast %add3A_1047 : i32 to index
        %get3A_1074 = arith.constant 16 : index
        %get3A_1075 = tpu.vector_load %get3A_1072[%get3A_1073, %get3A_1074] {strides = array<i32>} : memref<32x64xf32, #tpu.memory_space<vmem>>, vector<16xf32>,
        %get3A_1076 = arith.constant 0 : i32
        %get3A_1077 = arith.constant 0 : i32
        %get3A_1078 = tpu.memref_slice %arg13[%rem3A_44, %get3A_1076, %get3A_1077] : memref<2x32x64xf32, #tpu.memory_space<vmem>> -> memref<1x32x64xf32, #tpu.memory_space<vmem>>
        %get3A_1079 = tpu.memref_squeeze %get3A_1078 : memref<1x32x64xf32, #tpu.memory_space<vmem>> -> memref<32x64xf32, #tpu.memory_space<vmem>>
        %get3A_1080 = arith.index_cast %add3A_1047 : i32 to index
        %get3A_1081 = arith.constant 16 : index
        %get3A_1082 = tpu.vector_load %get3A_1079[%get3A_1080, %get3A_1081] {strides = array<i32>} : memref<32x64xf32, #tpu.memory_space<vmem>>, vector<16xf32>,
        %mul3A_1083 = arith.mulf %get3A_1075, %get3A_1082 : vector<16xf32>
        %add3A_1084 = arith.addf %mul3A_1068, %mul3A_1083 : vector<16xf32>
        %get3A_1085 = arith.constant 0 : i32
        %get3A_1086 = arith.constant 0 : i32
        %get3A_1087 = tpu.memref_slice %arg12[%rem3A_44, %get3A_1085, %get3A_1086] : memref<2x32x64xf32, #tpu.memory_space<vmem>> -> memref<1x32x64xf32, #tpu.memory_space<vmem>>
        %get3A_1088 = tpu.memref_squeeze %get3A_1087 : memref<1x32x64xf32, #tpu.memory_space<vmem>> -> memref<32x64xf32, #tpu.memory_space<vmem>>
        %get3A_1089 = arith.index_cast %add3A_1047 : i32 to index
        %get3A_1090 = arith.constant 32 : index
        %get3A_1091 = tpu.vector_load %get3A_1088[%get3A_1089, %get3A_1090] {strides = array<i32>} : memref<32x64xf32, #tpu.memory_space<vmem>>, vector<16xf32>,
        %get3A_1092 = arith.constant 0 : i32
        %get3A_1093 = arith.constant 0 : i32
        %get3A_1094 = tpu.memref_slice %arg13[%rem3A_44, %get3A_1092, %get3A_1093] : memref<2x32x64xf32, #tpu.memory_space<vmem>> -> memref<1x32x64xf32, #tpu.memory_space<vmem>>
        %get3A_1095 = tpu.memref_squeeze %get3A_1094 : memref<1x32x64xf32, #tpu.memory_space<vmem>> -> memref<32x64xf32, #tpu.memory_space<vmem>>
        %get3A_1096 = arith.index_cast %add3A_1047 : i32 to index
        %get3A_1097 = arith.constant 32 : index
        %get3A_1098 = tpu.vector_load %get3A_1095[%get3A_1096, %get3A_1097] {strides = array<i32>} : memref<32x64xf32, #tpu.memory_space<vmem>>, vector<16xf32>,
        %mul3A_1099 = arith.mulf %get3A_1091, %get3A_1098 : vector<16xf32>
        %add3A_1100 = arith.addf %add3A_1084, %mul3A_1099 : vector<16xf32>
        %get3A_1101 = arith.constant 0 : i32
        %get3A_1102 = arith.constant 0 : i32
        %get3A_1103 = tpu.memref_slice %arg12[%rem3A_44, %get3A_1101, %get3A_1102] : memref<2x32x64xf32, #tpu.memory_space<vmem>> -> memref<1x32x64xf32, #tpu.memory_space<vmem>>
        %get3A_1104 = tpu.memref_squeeze %get3A_1103 : memref<1x32x64xf32, #tpu.memory_space<vmem>> -> memref<32x64xf32, #tpu.memory_space<vmem>>
        %get3A_1105 = arith.index_cast %add3A_1047 : i32 to index
        %get3A_1106 = arith.constant 48 : index
        %get3A_1107 = tpu.vector_load %get3A_1104[%get3A_1105, %get3A_1106] {strides = array<i32>} : memref<32x64xf32, #tpu.memory_space<vmem>>, vector<16xf32>,
        %get3A_1108 = arith.constant 0 : i32
        %get3A_1109 = arith.constant 0 : i32
        %get3A_1110 = tpu.memref_slice %arg13[%rem3A_44, %get3A_1108, %get3A_1109] : memref<2x32x64xf32, #tpu.memory_space<vmem>> -> memref<1x32x64xf32, #tpu.memory_space<vmem>>
        %get3A_1111 = tpu.memref_squeeze %get3A_1110 : memref<1x32x64xf32, #tpu.memory_space<vmem>> -> memref<32x64xf32, #tpu.memory_space<vmem>>
        %get3A_1112 = arith.index_cast %add3A_1047 : i32 to index
        %get3A_1113 = arith.constant 48 : index
        %get3A_1114 = tpu.vector_load %get3A_1111[%get3A_1112, %get3A_1113] {strides = array<i32>} : memref<32x64xf32, #tpu.memory_space<vmem>>, vector<16xf32>,
        %mul3A_1115 = arith.mulf %get3A_1107, %get3A_1114 : vector<16xf32>
        %add3A_1116 = arith.addf %add3A_1100, %mul3A_1115 : vector<16xf32>
        tpu.vector_store_idx %arg17[%add3A_1053], %add3A_1116 : memref<256xf32, #tpu.memory_space<vmem>>[vector<16xi32>], vector<16xf32>,
        %mul3A_1117 = arith.constant 16 : i32
        %mul3A_1118 = arith.muli %scan3A_94, %mul3A_1117 : i32
        %add3A_1119 = arith.constant 14 : i32
        %add3A_1120 = arith.addi %mul3A_1118, %add3A_1119 : i32
        %mul3A_1121 = arith.constant 16 : i32
        %mul3A_1122 = vector.broadcast %mul3A_1121 : i32 to vector<16xi32>
        %mul3A_1123 = arith.muli %iota3A, %mul3A_1122 : vector<16xi32>
        %add3A_1124 = arith.constant 14 : i32
        %add3A_1125 = vector.broadcast %add3A_1124 : i32 to vector<16xi32>
        %add3A_1126 = arith.addi %mul3A_1123, %add3A_1125 : vector<16xi32>
        %get3A_1127 = arith.constant 0 : i32
        %get3A_1128 = arith.constant 0 : i32
        %get3A_1129 = tpu.memref_slice %arg12[%rem3A_44, %get3A_1127, %get3A_1128] : memref<2x32x64xf32, #tpu.memory_space<vmem>> -> memref<1x32x64xf32, #tpu.memory_space<vmem>>
        %get3A_1130 = tpu.memref_squeeze %get3A_1129 : memref<1x32x64xf32, #tpu.memory_space<vmem>> -> memref<32x64xf32, #tpu.memory_space<vmem>>
        %get3A_1131 = arith.index_cast %add3A_1120 : i32 to index
        %get3A_1132 = arith.constant 0 : index
        %get3A_1133 = tpu.vector_load %get3A_1130[%get3A_1131, %get3A_1132] {strides = array<i32>} : memref<32x64xf32, #tpu.memory_space<vmem>>, vector<16xf32>,
        %get3A_1134 = arith.constant 0 : i32
        %get3A_1135 = arith.constant 0 : i32
        %get3A_1136 = tpu.memref_slice %arg13[%rem3A_44, %get3A_1134, %get3A_1135] : memref<2x32x64xf32, #tpu.memory_space<vmem>> -> memref<1x32x64xf32, #tpu.memory_space<vmem>>
        %get3A_1137 = tpu.memref_squeeze %get3A_1136 : memref<1x32x64xf32, #tpu.memory_space<vmem>> -> memref<32x64xf32, #tpu.memory_space<vmem>>
        %get3A_1138 = arith.index_cast %add3A_1120 : i32 to index
        %get3A_1139 = arith.constant 0 : index
        %get3A_1140 = tpu.vector_load %get3A_1137[%get3A_1138, %get3A_1139] {strides = array<i32>} : memref<32x64xf32, #tpu.memory_space<vmem>>, vector<16xf32>,
        %mul3A_1141 = arith.mulf %get3A_1133, %get3A_1140 : vector<16xf32>
        %get3A_1142 = arith.constant 0 : i32
        %get3A_1143 = arith.constant 0 : i32
        %get3A_1144 = tpu.memref_slice %arg12[%rem3A_44, %get3A_1142, %get3A_1143] : memref<2x32x64xf32, #tpu.memory_space<vmem>> -> memref<1x32x64xf32, #tpu.memory_space<vmem>>
        %get3A_1145 = tpu.memref_squeeze %get3A_1144 : memref<1x32x64xf32, #tpu.memory_space<vmem>> -> memref<32x64xf32, #tpu.memory_space<vmem>>
        %get3A_1146 = arith.index_cast %add3A_1120 : i32 to index
        %get3A_1147 = arith.constant 16 : index
        %get3A_1148 = tpu.vector_load %get3A_1145[%get3A_1146, %get3A_1147] {strides = array<i32>} : memref<32x64xf32, #tpu.memory_space<vmem>>, vector<16xf32>,
        %get3A_1149 = arith.constant 0 : i32
        %get3A_1150 = arith.constant 0 : i32
        %get3A_1151 = tpu.memref_slice %arg13[%rem3A_44, %get3A_1149, %get3A_1150] : memref<2x32x64xf32, #tpu.memory_space<vmem>> -> memref<1x32x64xf32, #tpu.memory_space<vmem>>
        %get3A_1152 = tpu.memref_squeeze %get3A_1151 : memref<1x32x64xf32, #tpu.memory_space<vmem>> -> memref<32x64xf32, #tpu.memory_space<vmem>>
        %get3A_1153 = arith.index_cast %add3A_1120 : i32 to index
        %get3A_1154 = arith.constant 16 : index
        %get3A_1155 = tpu.vector_load %get3A_1152[%get3A_1153, %get3A_1154] {strides = array<i32>} : memref<32x64xf32, #tpu.memory_space<vmem>>, vector<16xf32>,
        %mul3A_1156 = arith.mulf %get3A_1148, %get3A_1155 : vector<16xf32>
        %add3A_1157 = arith.addf %mul3A_1141, %mul3A_1156 : vector<16xf32>
        %get3A_1158 = arith.constant 0 : i32
        %get3A_1159 = arith.constant 0 : i32
        %get3A_1160 = tpu.memref_slice %arg12[%rem3A_44, %get3A_1158, %get3A_1159] : memref<2x32x64xf32, #tpu.memory_space<vmem>> -> memref<1x32x64xf32, #tpu.memory_space<vmem>>
        %get3A_1161 = tpu.memref_squeeze %get3A_1160 : memref<1x32x64xf32, #tpu.memory_space<vmem>> -> memref<32x64xf32, #tpu.memory_space<vmem>>
        %get3A_1162 = arith.index_cast %add3A_1120 : i32 to index
        %get3A_1163 = arith.constant 32 : index
        %get3A_1164 = tpu.vector_load %get3A_1161[%get3A_1162, %get3A_1163] {strides = array<i32>} : memref<32x64xf32, #tpu.memory_space<vmem>>, vector<16xf32>,
        %get3A_1165 = arith.constant 0 : i32
        %get3A_1166 = arith.constant 0 : i32
        %get3A_1167 = tpu.memref_slice %arg13[%rem3A_44, %get3A_1165, %get3A_1166] : memref<2x32x64xf32, #tpu.memory_space<vmem>> -> memref<1x32x64xf32, #tpu.memory_space<vmem>>
        %get3A_1168 = tpu.memref_squeeze %get3A_1167 : memref<1x32x64xf32, #tpu.memory_space<vmem>> -> memref<32x64xf32, #tpu.memory_space<vmem>>
        %get3A_1169 = arith.index_cast %add3A_1120 : i32 to index
        %get3A_1170 = arith.constant 32 : index
        %get3A_1171 = tpu.vector_load %get3A_1168[%get3A_1169, %get3A_1170] {strides = array<i32>} : memref<32x64xf32, #tpu.memory_space<vmem>>, vector<16xf32>,
        %mul3A_1172 = arith.mulf %get3A_1164, %get3A_1171 : vector<16xf32>
        %add3A_1173 = arith.addf %add3A_1157, %mul3A_1172 : vector<16xf32>
        %get3A_1174 = arith.constant 0 : i32
        %get3A_1175 = arith.constant 0 : i32
        %get3A_1176 = tpu.memref_slice %arg12[%rem3A_44, %get3A_1174, %get3A_1175] : memref<2x32x64xf32, #tpu.memory_space<vmem>> -> memref<1x32x64xf32, #tpu.memory_space<vmem>>
        %get3A_1177 = tpu.memref_squeeze %get3A_1176 : memref<1x32x64xf32, #tpu.memory_space<vmem>> -> memref<32x64xf32, #tpu.memory_space<vmem>>
        %get3A_1178 = arith.index_cast %add3A_1120 : i32 to index
        %get3A_1179 = arith.constant 48 : index
        %get3A_1180 = tpu.vector_load %get3A_1177[%get3A_1178, %get3A_1179] {strides = array<i32>} : memref<32x64xf32, #tpu.memory_space<vmem>>, vector<16xf32>,
        %get3A_1181 = arith.constant 0 : i32
        %get3A_1182 = arith.constant 0 : i32
        %get3A_1183 = tpu.memref_slice %arg13[%rem3A_44, %get3A_1181, %get3A_1182] : memref<2x32x64xf32, #tpu.memory_space<vmem>> -> memref<1x32x64xf32, #tpu.memory_space<vmem>>
        %get3A_1184 = tpu.memref_squeeze %get3A_1183 : memref<1x32x64xf32, #tpu.memory_space<vmem>> -> memref<32x64xf32, #tpu.memory_space<vmem>>
        %get3A_1185 = arith.index_cast %add3A_1120 : i32 to index
        %get3A_1186 = arith.constant 48 : index
        %get3A_1187 = tpu.vector_load %get3A_1184[%get3A_1185, %get3A_1186] {strides = array<i32>} : memref<32x64xf32, #tpu.memory_space<vmem>>, vector<16xf32>,
        %mul3A_1188 = arith.mulf %get3A_1180, %get3A_1187 : vector<16xf32>
        %add3A_1189 = arith.addf %add3A_1173, %mul3A_1188 : vector<16xf32>
        tpu.vector_store_idx %arg17[%add3A_1126], %add3A_1189 : memref<256xf32, #tpu.memory_space<vmem>>[vector<16xi32>], vector<16xf32>,
        %mul3A_1190 = arith.constant 16 : i32
        %mul3A_1191 = arith.muli %scan3A_94, %mul3A_1190 : i32
        %add3A_1192 = arith.constant 15 : i32
        %add3A_1193 = arith.addi %mul3A_1191, %add3A_1192 : i32
        %mul3A_1194 = arith.constant 16 : i32
        %mul3A_1195 = vector.broadcast %mul3A_1194 : i32 to vector<16xi32>
        %mul3A_1196 = arith.muli %iota3A, %mul3A_1195 : vector<16xi32>
        %add3A_1197 = arith.constant 15 : i32
        %add3A_1198 = vector.broadcast %add3A_1197 : i32 to vector<16xi32>
        %add3A_1199 = arith.addi %mul3A_1196, %add3A_1198 : vector<16xi32>
        %get3A_1200 = arith.constant 0 : i32
        %get3A_1201 = arith.constant 0 : i32
        %get3A_1202 = tpu.memref_slice %arg12[%rem3A_44, %get3A_1200, %get3A_1201] : memref<2x32x64xf32, #tpu.memory_space<vmem>> -> memref<1x32x64xf32, #tpu.memory_space<vmem>>
        %get3A_1203 = tpu.memref_squeeze %get3A_1202 : memref<1x32x64xf32, #tpu.memory_space<vmem>> -> memref<32x64xf32, #tpu.memory_space<vmem>>
        %get3A_1204 = arith.index_cast %add3A_1193 : i32 to index
        %get3A_1205 = arith.constant 0 : index
        %get3A_1206 = tpu.vector_load %get3A_1203[%get3A_1204, %get3A_1205] {strides = array<i32>} : memref<32x64xf32, #tpu.memory_space<vmem>>, vector<16xf32>,
        %get3A_1207 = arith.constant 0 : i32
        %get3A_1208 = arith.constant 0 : i32
        %get3A_1209 = tpu.memref_slice %arg13[%rem3A_44, %get3A_1207, %get3A_1208] : memref<2x32x64xf32, #tpu.memory_space<vmem>> -> memref<1x32x64xf32, #tpu.memory_space<vmem>>
        %get3A_1210 = tpu.memref_squeeze %get3A_1209 : memref<1x32x64xf32, #tpu.memory_space<vmem>> -> memref<32x64xf32, #tpu.memory_space<vmem>>
        %get3A_1211 = arith.index_cast %add3A_1193 : i32 to index
        %get3A_1212 = arith.constant 0 : index
        %get3A_1213 = tpu.vector_load %get3A_1210[%get3A_1211, %get3A_1212] {strides = array<i32>} : memref<32x64xf32, #tpu.memory_space<vmem>>, vector<16xf32>,
        %mul3A_1214 = arith.mulf %get3A_1206, %get3A_1213 : vector<16xf32>
        %get3A_1215 = arith.constant 0 : i32
        %get3A_1216 = arith.constant 0 : i32
        %get3A_1217 = tpu.memref_slice %arg12[%rem3A_44, %get3A_1215, %get3A_1216] : memref<2x32x64xf32, #tpu.memory_space<vmem>> -> memref<1x32x64xf32, #tpu.memory_space<vmem>>
        %get3A_1218 = tpu.memref_squeeze %get3A_1217 : memref<1x32x64xf32, #tpu.memory_space<vmem>> -> memref<32x64xf32, #tpu.memory_space<vmem>>
        %get3A_1219 = arith.index_cast %add3A_1193 : i32 to index
        %get3A_1220 = arith.constant 16 : index
        %get3A_1221 = tpu.vector_load %get3A_1218[%get3A_1219, %get3A_1220] {strides = array<i32>} : memref<32x64xf32, #tpu.memory_space<vmem>>, vector<16xf32>,
        %get3A_1222 = arith.constant 0 : i32
        %get3A_1223 = arith.constant 0 : i32
        %get3A_1224 = tpu.memref_slice %arg13[%rem3A_44, %get3A_1222, %get3A_1223] : memref<2x32x64xf32, #tpu.memory_space<vmem>> -> memref<1x32x64xf32, #tpu.memory_space<vmem>>
        %get3A_1225 = tpu.memref_squeeze %get3A_1224 : memref<1x32x64xf32, #tpu.memory_space<vmem>> -> memref<32x64xf32, #tpu.memory_space<vmem>>
        %get3A_1226 = arith.index_cast %add3A_1193 : i32 to index
        %get3A_1227 = arith.constant 16 : index
        %get3A_1228 = tpu.vector_load %get3A_1225[%get3A_1226, %get3A_1227] {strides = array<i32>} : memref<32x64xf32, #tpu.memory_space<vmem>>, vector<16xf32>,
        %mul3A_1229 = arith.mulf %get3A_1221, %get3A_1228 : vector<16xf32>
        %add3A_1230 = arith.addf %mul3A_1214, %mul3A_1229 : vector<16xf32>
        %get3A_1231 = arith.constant 0 : i32
        %get3A_1232 = arith.constant 0 : i32
        %get3A_1233 = tpu.memref_slice %arg12[%rem3A_44, %get3A_1231, %get3A_1232] : memref<2x32x64xf32, #tpu.memory_space<vmem>> -> memref<1x32x64xf32, #tpu.memory_space<vmem>>
        %get3A_1234 = tpu.memref_squeeze %get3A_1233 : memref<1x32x64xf32, #tpu.memory_space<vmem>> -> memref<32x64xf32, #tpu.memory_space<vmem>>
        %get3A_1235 = arith.index_cast %add3A_1193 : i32 to index
        %get3A_1236 = arith.constant 32 : index
        %get3A_1237 = tpu.vector_load %get3A_1234[%get3A_1235, %get3A_1236] {strides = array<i32>} : memref<32x64xf32, #tpu.memory_space<vmem>>, vector<16xf32>,
        %get3A_1238 = arith.constant 0 : i32
        %get3A_1239 = arith.constant 0 : i32
        %get3A_1240 = tpu.memref_slice %arg13[%rem3A_44, %get3A_1238, %get3A_1239] : memref<2x32x64xf32, #tpu.memory_space<vmem>> -> memref<1x32x64xf32, #tpu.memory_space<vmem>>
        %get3A_1241 = tpu.memref_squeeze %get3A_1240 : memref<1x32x64xf32, #tpu.memory_space<vmem>> -> memref<32x64xf32, #tpu.memory_space<vmem>>
        %get3A_1242 = arith.index_cast %add3A_1193 : i32 to index
        %get3A_1243 = arith.constant 32 : index
        %get3A_1244 = tpu.vector_load %get3A_1241[%get3A_1242, %get3A_1243] {strides = array<i32>} : memref<32x64xf32, #tpu.memory_space<vmem>>, vector<16xf32>,
        %mul3A_1245 = arith.mulf %get3A_1237, %get3A_1244 : vector<16xf32>
        %add3A_1246 = arith.addf %add3A_1230, %mul3A_1245 : vector<16xf32>
        %get3A_1247 = arith.constant 0 : i32
        %get3A_1248 = arith.constant 0 : i32
        %get3A_1249 = tpu.memref_slice %arg12[%rem3A_44, %get3A_1247, %get3A_1248] : memref<2x32x64xf32, #tpu.memory_space<vmem>> -> memref<1x32x64xf32, #tpu.memory_space<vmem>>
        %get3A_1250 = tpu.memref_squeeze %get3A_1249 : memref<1x32x64xf32, #tpu.memory_space<vmem>> -> memref<32x64xf32, #tpu.memory_space<vmem>>
        %get3A_1251 = arith.index_cast %add3A_1193 : i32 to index
        %get3A_1252 = arith.constant 48 : index
        %get3A_1253 = tpu.vector_load %get3A_1250[%get3A_1251, %get3A_1252] {strides = array<i32>} : memref<32x64xf32, #tpu.memory_space<vmem>>, vector<16xf32>,
        %get3A_1254 = arith.constant 0 : i32
        %get3A_1255 = arith.constant 0 : i32
        %get3A_1256 = tpu.memref_slice %arg13[%rem3A_44, %get3A_1254, %get3A_1255] : memref<2x32x64xf32, #tpu.memory_space<vmem>> -> memref<1x32x64xf32, #tpu.memory_space<vmem>>
        %get3A_1257 = tpu.memref_squeeze %get3A_1256 : memref<1x32x64xf32, #tpu.memory_space<vmem>> -> memref<32x64xf32, #tpu.memory_space<vmem>>
        %get3A_1258 = arith.index_cast %add3A_1193 : i32 to index
        %get3A_1259 = arith.constant 48 : index
        %get3A_1260 = tpu.vector_load %get3A_1257[%get3A_1258, %get3A_1259] {strides = array<i32>} : memref<32x64xf32, #tpu.memory_space<vmem>>, vector<16xf32>,
        %mul3A_1261 = arith.mulf %get3A_1253, %get3A_1260 : vector<16xf32>
        %add3A_1262 = arith.addf %add3A_1246, %mul3A_1261 : vector<16xf32>
        tpu.vector_store_idx %arg17[%add3A_1199], %add3A_1262 : memref<256xf32, #tpu.memory_space<vmem>>[vector<16xi32>], vector<16xf32>,
        %get3A_1263 = arith.constant 0 : index
        %get3A_1264 = tpu.vector_load %arg17[%get3A_1263] {strides = array<i32>} : memref<256xf32, #tpu.memory_space<vmem>>, vector<16xf32>,
        %get3A_1265 = arith.constant 16 : index
        %get3A_1266 = tpu.vector_load %arg17[%get3A_1265] {strides = array<i32>} : memref<256xf32, #tpu.memory_space<vmem>>, vector<16xf32>,
        %add3A_1267 = arith.addf %get3A_1264, %get3A_1266 : vector<16xf32>
        %get3A_1268 = arith.constant 32 : index
        %get3A_1269 = tpu.vector_load %arg17[%get3A_1268] {strides = array<i32>} : memref<256xf32, #tpu.memory_space<vmem>>, vector<16xf32>,
        %add3A_1270 = arith.addf %add3A_1267, %get3A_1269 : vector<16xf32>
        %get3A_1271 = arith.constant 48 : index
        %get3A_1272 = tpu.vector_load %arg17[%get3A_1271] {strides = array<i32>} : memref<256xf32, #tpu.memory_space<vmem>>, vector<16xf32>,
        %add3A_1273 = arith.addf %add3A_1270, %get3A_1272 : vector<16xf32>
        %get3A_1274 = arith.constant 64 : index
        %get3A_1275 = tpu.vector_load %arg17[%get3A_1274] {strides = array<i32>} : memref<256xf32, #tpu.memory_space<vmem>>, vector<16xf32>,
        %add3A_1276 = arith.addf %add3A_1273, %get3A_1275 : vector<16xf32>
        %get3A_1277 = arith.constant 80 : index
        %get3A_1278 = tpu.vector_load %arg17[%get3A_1277] {strides = array<i32>} : memref<256xf32, #tpu.memory_space<vmem>>, vector<16xf32>,
        %add3A_1279 = arith.addf %add3A_1276, %get3A_1278 : vector<16xf32>
        %get3A_1280 = arith.constant 96 : index
        %get3A_1281 = tpu.vector_load %arg17[%get3A_1280] {strides = array<i32>} : memref<256xf32, #tpu.memory_space<vmem>>, vector<16xf32>,
        %add3A_1282 = arith.addf %add3A_1279, %get3A_1281 : vector<16xf32>
        %get3A_1283 = arith.constant 112 : index
        %get3A_1284 = tpu.vector_load %arg17[%get3A_1283] {strides = array<i32>} : memref<256xf32, #tpu.memory_space<vmem>>, vector<16xf32>,
        %add3A_1285 = arith.addf %add3A_1282, %get3A_1284 : vector<16xf32>
        %get3A_1286 = arith.constant 128 : index
        %get3A_1287 = tpu.vector_load %arg17[%get3A_1286] {strides = array<i32>} : memref<256xf32, #tpu.memory_space<vmem>>, vector<16xf32>,
        %add3A_1288 = arith.addf %add3A_1285, %get3A_1287 : vector<16xf32>
        %get3A_1289 = arith.constant 144 : index
        %get3A_1290 = tpu.vector_load %arg17[%get3A_1289] {strides = array<i32>} : memref<256xf32, #tpu.memory_space<vmem>>, vector<16xf32>,
        %add3A_1291 = arith.addf %add3A_1288, %get3A_1290 : vector<16xf32>
        %get3A_1292 = arith.constant 160 : index
        %get3A_1293 = tpu.vector_load %arg17[%get3A_1292] {strides = array<i32>} : memref<256xf32, #tpu.memory_space<vmem>>, vector<16xf32>,
        %add3A_1294 = arith.addf %add3A_1291, %get3A_1293 : vector<16xf32>
        %get3A_1295 = arith.constant 176 : index
        %get3A_1296 = tpu.vector_load %arg17[%get3A_1295] {strides = array<i32>} : memref<256xf32, #tpu.memory_space<vmem>>, vector<16xf32>,
        %add3A_1297 = arith.addf %add3A_1294, %get3A_1296 : vector<16xf32>
        %get3A_1298 = arith.constant 192 : index
        %get3A_1299 = tpu.vector_load %arg17[%get3A_1298] {strides = array<i32>} : memref<256xf32, #tpu.memory_space<vmem>>, vector<16xf32>,
        %add3A_1300 = arith.addf %add3A_1297, %get3A_1299 : vector<16xf32>
        %get3A_1301 = arith.constant 208 : index
        %get3A_1302 = tpu.vector_load %arg17[%get3A_1301] {strides = array<i32>} : memref<256xf32, #tpu.memory_space<vmem>>, vector<16xf32>,
        %add3A_1303 = arith.addf %add3A_1300, %get3A_1302 : vector<16xf32>
        %get3A_1304 = arith.constant 224 : index
        %get3A_1305 = tpu.vector_load %arg17[%get3A_1304] {strides = array<i32>} : memref<256xf32, #tpu.memory_space<vmem>>, vector<16xf32>,
        %add3A_1306 = arith.addf %add3A_1303, %get3A_1305 : vector<16xf32>
        %get3A_1307 = arith.constant 240 : index
        %get3A_1308 = tpu.vector_load %arg17[%get3A_1307] {strides = array<i32>} : memref<256xf32, #tpu.memory_space<vmem>>, vector<16xf32>,
        %add3A_1309 = arith.addf %add3A_1306, %get3A_1308 : vector<16xf32>
        %mul3A_1310 = arith.constant 32 : i32
        %mul3A_1311 = arith.muli %scan3A_42, %mul3A_1310 : i32
        %mul3A_1312 = arith.constant 16 : i32
        %mul3A_1313 = arith.muli %scan3A_94, %mul3A_1312 : i32
        %add3A_1314 = arith.addi %mul3A_1311, %mul3A_1313 : i32
        %swap3A = arith.index_cast %add3A_1314 : i32 to index
        %swap3A_1315 = tpu.vector_load %arg15[%swap3A] {strides = array<i32>} : memref<512xf32, #tpu.memory_space<vmem>>, vector<16xf32>,
        tpu.vector_store %arg15[%swap3A], %add3A_1309 {strides = array<i32>} : memref<512xf32, #tpu.memory_space<vmem>>, vector<16xf32>,
        %scan3A_1316 = arith.constant 0 : i32
        scf.yield %scan3A_1316 : i32
      }
      %scan3A_85 = arith.constant 2 : i32
      %scan3A_86 = arith.constant 0 : i32
      %scan3A_87 = arith.constant 0 : i32
      %scan3A_88 = arith.constant 40 : i32
      %scan3A_89 = arith.addi %scan3A_87, %scan3A_88 : i32
      %scan3A_90 = arith.constant 1 : i32
      %scan3A_91 = scf.for %scan3A_94 = %scan3A_87 to %scan3A_89 step %scan3A_90 iter_args(%scan3A_95 = %scan3A_86) -> (i32)  : i32 {
        %mul3A_96 = arith.constant 16 : i32
        %mul3A_97 = arith.muli %scan3A_94, %mul3A_96 : i32
        %add3A_98 = arith.constant 0 : i32
        %add3A_99 = arith.addi %mul3A_97, %add3A_98 : i32
        %jit3A = arith.constant 20 : i32
        %div3A = arith.divsi %add3A_99, %jit3A : i32
        %sign3A = arith.constant 0 : i32
        %sign3A_100 = arith.cmpi sgt, %add3A_99, %sign3A : i32
        %sign3A_101 = arith.extui %sign3A_100 : i1 to i32
        %sign3A_102 = arith.constant 0 : i32
        %sign3A_103 = arith.cmpi slt, %add3A_99, %sign3A_102 : i32
        %sign3A_104 = arith.extui %sign3A_103 : i1 to i32
        %sign3A_105 = arith.subi %sign3A_101, %sign3A_104 : i32
        %sign3A_106 = arith.constant 0 : i32
        %sign3A_107 = arith.cmpi sgt, %jit3A, %sign3A_106 : i32
        %sign3A_108 = arith.extui %sign3A_107 : i1 to i32
        %sign3A_109 = arith.constant 0 : i32
        %sign3A_110 = arith.cmpi slt, %jit3A, %sign3A_109 : i32
        %sign3A_111 = arith.extui %sign3A_110 : i1 to i32
        %sign3A_112 = arith.subi %sign3A_108, %sign3A_111 : i32
        %ne3A = arith.cmpi ne, %sign3A_105, %sign3A_112 : i32
        %rem3A_113 = arith.remsi %add3A_99, %jit3A : i32
        %ne3A_114 = arith.constant 0 : i32
        %ne3A_115 = arith.cmpi ne, %rem3A_113, %ne3A_114 : i32
        %and3A = arith.andi %ne3A, %ne3A_115 : i1
        %sub3A = arith.constant 1 : i32
        %sub3A_116 = arith.subi %div3A, %sub3A : i32
        %select_n3A = arith.select %and3A, %sub3A_116, %div3A : i32
        %mul3A_117 = arith.constant 20 : i32
        %mul3A_118 = arith.muli %select_n3A, %mul3A_117 : i32
        %sub3A_119 = arith.subi %add3A_99, %mul3A_118 : i32
        %get3A = arith.constant 0 : i32
        %get3A_120 = arith.constant 0 : i32
        %get3A_121 = tpu.memref_slice %arg12[%rem3A_44, %get3A, %get3A_120] : memref<2x32x64xf32, #tpu.memory_space<vmem>> -> memref<1x32x64xf32, #tpu.memory_space<vmem>>
        %get3A_122 = tpu.memref_squeeze %get3A_121 : memref<1x32x64xf32, #tpu.memory_space<vmem>> -> memref<32x64xf32, #tpu.memory_space<vmem>>
        %get3A_123 = arith.index_cast %select_n3A : i32 to index
        %get3A_124 = arith.constant 0 : index
        %get3A_125 = tpu.vector_load %get3A_122[%get3A_123, %get3A_124] {strides = array<i32>} : memref<32x64xf32, #tpu.memory_space<vmem>>, vector<16xf32>,
        %get3A_126 = arith.constant 0 : i32
        %get3A_127 = arith.constant 0 : i32
        %get3A_128 = arith.constant 0 : i32
        %get3A_129 = tpu.memref_slice %arg14[%rem3A_44, %get3A_126, %get3A_127, %get3A_128] : memref<2x32x20x64xf32, #tpu.memory_space<vmem>> -> memref<1x32x20x64xf32, #tpu.memory_space<vmem>>
        %get3A_130 = tpu.memref_squeeze %get3A_129 : memref<1x32x20x64xf32, #tpu.memory_space<vmem>> -> memref<32x20x64xf32, #tpu.memory_space<vmem>>
        %get3A_131 = arith.index_cast %select_n3A : i32 to index
        %get3A_132 = arith.index_cast %sub3A_119 : i32 to index
        %get3A_133 = arith.constant 0 : index
        %get3A_134 = tpu.vector_load %get3A_130[%get3A_131, %get3A_132, %get3A_133] {strides = array<i32>} : memref<32x20x64xf32, #tpu.memory_space<vmem>>, vector<16xf32>,
        %mul3A_135 = arith.mulf %get3A_125, %get3A_134 : vector<16xf32>
        %get3A_136 = arith.constant 0 : i32
        %get3A_137 = arith.constant 0 : i32
        %get3A_138 = tpu.memref_slice %arg12[%rem3A_44, %get3A_136, %get3A_137] : memref<2x32x64xf32, #tpu.memory_space<vmem>> -> memref<1x32x64xf32, #tpu.memory_space<vmem>>
        %get3A_139 = tpu.memref_squeeze %get3A_138 : memref<1x32x64xf32, #tpu.memory_space<vmem>> -> memref<32x64xf32, #tpu.memory_space<vmem>>
        %get3A_140 = arith.index_cast %select_n3A : i32 to index
        %get3A_141 = arith.constant 16 : index
        %get3A_142 = tpu.vector_load %get3A_139[%get3A_140, %get3A_141] {strides = array<i32>} : memref<32x64xf32, #tpu.memory_space<vmem>>, vector<16xf32>,
        %get3A_143 = arith.constant 0 : i32
        %get3A_144 = arith.constant 0 : i32
        %get3A_145 = arith.constant 0 : i32
        %get3A_146 = tpu.memref_slice %arg14[%rem3A_44, %get3A_143, %get3A_144, %get3A_145] : memref<2x32x20x64xf32, #tpu.memory_space<vmem>> -> memref<1x32x20x64xf32, #tpu.memory_space<vmem>>
        %get3A_147 = tpu.memref_squeeze %get3A_146 : memref<1x32x20x64xf32, #tpu.memory_space<vmem>> -> memref<32x20x64xf32, #tpu.memory_space<vmem>>
        %get3A_148 = arith.index_cast %select_n3A : i32 to index
        %get3A_149 = arith.index_cast %sub3A_119 : i32 to index
        %get3A_150 = arith.constant 16 : index
        %get3A_151 = tpu.vector_load %get3A_147[%get3A_148, %get3A_149, %get3A_150] {strides = array<i32>} : memref<32x20x64xf32, #tpu.memory_space<vmem>>, vector<16xf32>,
        %mul3A_152 = arith.mulf %get3A_142, %get3A_151 : vector<16xf32>
        %add3A_153 = arith.addf %mul3A_135, %mul3A_152 : vector<16xf32>
        %get3A_154 = arith.constant 0 : i32
        %get3A_155 = arith.constant 0 : i32
        %get3A_156 = tpu.memref_slice %arg12[%rem3A_44, %get3A_154, %get3A_155] : memref<2x32x64xf32, #tpu.memory_space<vmem>> -> memref<1x32x64xf32, #tpu.memory_space<vmem>>
        %get3A_157 = tpu.memref_squeeze %get3A_156 : memref<1x32x64xf32, #tpu.memory_space<vmem>> -> memref<32x64xf32, #tpu.memory_space<vmem>>
        %get3A_158 = arith.index_cast %select_n3A : i32 to index
        %get3A_159 = arith.constant 32 : index
        %get3A_160 = tpu.vector_load %get3A_157[%get3A_158, %get3A_159] {strides = array<i32>} : memref<32x64xf32, #tpu.memory_space<vmem>>, vector<16xf32>,
        %get3A_161 = arith.constant 0 : i32
        %get3A_162 = arith.constant 0 : i32
        %get3A_163 = arith.constant 0 : i32
        %get3A_164 = tpu.memref_slice %arg14[%rem3A_44, %get3A_161, %get3A_162, %get3A_163] : memref<2x32x20x64xf32, #tpu.memory_space<vmem>> -> memref<1x32x20x64xf32, #tpu.memory_space<vmem>>
        %get3A_165 = tpu.memref_squeeze %get3A_164 : memref<1x32x20x64xf32, #tpu.memory_space<vmem>> -> memref<32x20x64xf32, #tpu.memory_space<vmem>>
        %get3A_166 = arith.index_cast %select_n3A : i32 to index
        %get3A_167 = arith.index_cast %sub3A_119 : i32 to index
        %get3A_168 = arith.constant 32 : index
        %get3A_169 = tpu.vector_load %get3A_165[%get3A_166, %get3A_167, %get3A_168] {strides = array<i32>} : memref<32x20x64xf32, #tpu.memory_space<vmem>>, vector<16xf32>,
        %mul3A_170 = arith.mulf %get3A_160, %get3A_169 : vector<16xf32>
        %add3A_171 = arith.addf %add3A_153, %mul3A_170 : vector<16xf32>
        %get3A_172 = arith.constant 0 : i32
        %get3A_173 = arith.constant 0 : i32
        %get3A_174 = tpu.memref_slice %arg12[%rem3A_44, %get3A_172, %get3A_173] : memref<2x32x64xf32, #tpu.memory_space<vmem>> -> memref<1x32x64xf32, #tpu.memory_space<vmem>>
        %get3A_175 = tpu.memref_squeeze %get3A_174 : memref<1x32x64xf32, #tpu.memory_space<vmem>> -> memref<32x64xf32, #tpu.memory_space<vmem>>
        %get3A_176 = arith.index_cast %select_n3A : i32 to index
        %get3A_177 = arith.constant 48 : index
        %get3A_178 = tpu.vector_load %get3A_175[%get3A_176, %get3A_177] {strides = array<i32>} : memref<32x64xf32, #tpu.memory_space<vmem>>, vector<16xf32>,
        %get3A_179 = arith.constant 0 : i32
        %get3A_180 = arith.constant 0 : i32
        %get3A_181 = arith.constant 0 : i32
        %get3A_182 = tpu.memref_slice %arg14[%rem3A_44, %get3A_179, %get3A_180, %get3A_181] : memref<2x32x20x64xf32, #tpu.memory_space<vmem>> -> memref<1x32x20x64xf32, #tpu.memory_space<vmem>>
        %get3A_183 = tpu.memref_squeeze %get3A_182 : memref<1x32x20x64xf32, #tpu.memory_space<vmem>> -> memref<32x20x64xf32, #tpu.memory_space<vmem>>
        %get3A_184 = arith.index_cast %select_n3A : i32 to index
        %get3A_185 = arith.index_cast %sub3A_119 : i32 to index
        %get3A_186 = arith.constant 48 : index
        %get3A_187 = tpu.vector_load %get3A_183[%get3A_184, %get3A_185, %get3A_186] {strides = array<i32>} : memref<32x20x64xf32, #tpu.memory_space<vmem>>, vector<16xf32>,
        %mul3A_188 = arith.mulf %get3A_178, %get3A_187 : vector<16xf32>
        %add3A_189 = arith.addf %add3A_171, %mul3A_188 : vector<16xf32>
        %mul3A_190 = arith.constant 16 : i32
        %mul3A_191 = vector.broadcast %mul3A_190 : i32 to vector<16xi32>
        %mul3A_192 = arith.muli %iota3A, %mul3A_191 : vector<16xi32>
        %add3A_193 = arith.constant 0 : i32
        %add3A_194 = vector.broadcast %add3A_193 : i32 to vector<16xi32>
        %add3A_195 = arith.addi %mul3A_192, %add3A_194 : vector<16xi32>
        tpu.vector_store_idx %arg17[%add3A_195], %add3A_189 : memref<256xf32, #tpu.memory_space<vmem>>[vector<16xi32>], vector<16xf32>,
        %mul3A_196 = arith.constant 16 : i32
        %mul3A_197 = arith.muli %scan3A_94, %mul3A_196 : i32
        %add3A_198 = arith.constant 1 : i32
        %add3A_199 = arith.addi %mul3A_197, %add3A_198 : i32
        %jit3A_200 = arith.constant 20 : i32
        %div3A_201 = arith.divsi %add3A_199, %jit3A_200 : i32
        %sign3A_202 = arith.constant 0 : i32
        %sign3A_203 = arith.cmpi sgt, %add3A_199, %sign3A_202 : i32
        %sign3A_204 = arith.extui %sign3A_203 : i1 to i32
        %sign3A_205 = arith.constant 0 : i32
        %sign3A_206 = arith.cmpi slt, %add3A_199, %sign3A_205 : i32
        %sign3A_207 = arith.extui %sign3A_206 : i1 to i32
        %sign3A_208 = arith.subi %sign3A_204, %sign3A_207 : i32
        %sign3A_209 = arith.constant 0 : i32
        %sign3A_210 = arith.cmpi sgt, %jit3A_200, %sign3A_209 : i32
        %sign3A_211 = arith.extui %sign3A_210 : i1 to i32
        %sign3A_212 = arith.constant 0 : i32
        %sign3A_213 = arith.cmpi slt, %jit3A_200, %sign3A_212 : i32
        %sign3A_214 = arith.extui %sign3A_213 : i1 to i32
        %sign3A_215 = arith.subi %sign3A_211, %sign3A_214 : i32
        %ne3A_216 = arith.cmpi ne, %sign3A_208, %sign3A_215 : i32
        %rem3A_217 = arith.remsi %add3A_199, %jit3A_200 : i32
        %ne3A_218 = arith.constant 0 : i32
        %ne3A_219 = arith.cmpi ne, %rem3A_217, %ne3A_218 : i32
        %and3A_220 = arith.andi %ne3A_216, %ne3A_219 : i1
        %sub3A_221 = arith.constant 1 : i32
        %sub3A_222 = arith.subi %div3A_201, %sub3A_221 : i32
        %select_n3A_223 = arith.select %and3A_220, %sub3A_222, %div3A_201 : i32
        %mul3A_224 = arith.constant 20 : i32
        %mul3A_225 = arith.muli %select_n3A_223, %mul3A_224 : i32
        %sub3A_226 = arith.subi %add3A_199, %mul3A_225 : i32
        %get3A_227 = arith.constant 0 : i32
        %get3A_228 = arith.constant 0 : i32
        %get3A_229 = tpu.memref_slice %arg12[%rem3A_44, %get3A_227, %get3A_228] : memref<2x32x64xf32, #tpu.memory_space<vmem>> -> memref<1x32x64xf32, #tpu.memory_space<vmem>>
        %get3A_230 = tpu.memref_squeeze %get3A_229 : memref<1x32x64xf32, #tpu.memory_space<vmem>> -> memref<32x64xf32, #tpu.memory_space<vmem>>
        %get3A_231 = arith.index_cast %select_n3A_223 : i32 to index
        %get3A_232 = arith.constant 0 : index
        %get3A_233 = tpu.vector_load %get3A_230[%get3A_231, %get3A_232] {strides = array<i32>} : memref<32x64xf32, #tpu.memory_space<vmem>>, vector<16xf32>,
        %get3A_234 = arith.constant 0 : i32
        %get3A_235 = arith.constant 0 : i32
        %get3A_236 = arith.constant 0 : i32
        %get3A_237 = tpu.memref_slice %arg14[%rem3A_44, %get3A_234, %get3A_235, %get3A_236] : memref<2x32x20x64xf32, #tpu.memory_space<vmem>> -> memref<1x32x20x64xf32, #tpu.memory_space<vmem>>
        %get3A_238 = tpu.memref_squeeze %get3A_237 : memref<1x32x20x64xf32, #tpu.memory_space<vmem>> -> memref<32x20x64xf32, #tpu.memory_space<vmem>>
        %get3A_239 = arith.index_cast %select_n3A_223 : i32 to index
        %get3A_240 = arith.index_cast %sub3A_226 : i32 to index
        %get3A_241 = arith.constant 0 : index
        %get3A_242 = tpu.vector_load %get3A_238[%get3A_239, %get3A_240, %get3A_241] {strides = array<i32>} : memref<32x20x64xf32, #tpu.memory_space<vmem>>, vector<16xf32>,
        %mul3A_243 = arith.mulf %get3A_233, %get3A_242 : vector<16xf32>
        %get3A_244 = arith.constant 0 : i32
        %get3A_245 = arith.constant 0 : i32
        %get3A_246 = tpu.memref_slice %arg12[%rem3A_44, %get3A_244, %get3A_245] : memref<2x32x64xf32, #tpu.memory_space<vmem>> -> memref<1x32x64xf32, #tpu.memory_space<vmem>>
        %get3A_247 = tpu.memref_squeeze %get3A_246 : memref<1x32x64xf32, #tpu.memory_space<vmem>> -> memref<32x64xf32, #tpu.memory_space<vmem>>
        %get3A_248 = arith.index_cast %select_n3A_223 : i32 to index
        %get3A_249 = arith.constant 16 : index
        %get3A_250 = tpu.vector_load %get3A_247[%get3A_248, %get3A_249] {strides = array<i32>} : memref<32x64xf32, #tpu.memory_space<vmem>>, vector<16xf32>,
        %get3A_251 = arith.constant 0 : i32
        %get3A_252 = arith.constant 0 : i32
        %get3A_253 = arith.constant 0 : i32
        %get3A_254 = tpu.memref_slice %arg14[%rem3A_44, %get3A_251, %get3A_252, %get3A_253] : memref<2x32x20x64xf32, #tpu.memory_space<vmem>> -> memref<1x32x20x64xf32, #tpu.memory_space<vmem>>
        %get3A_255 = tpu.memref_squeeze %get3A_254 : memref<1x32x20x64xf32, #tpu.memory_space<vmem>> -> memref<32x20x64xf32, #tpu.memory_space<vmem>>
        %get3A_256 = arith.index_cast %select_n3A_223 : i32 to index
        %get3A_257 = arith.index_cast %sub3A_226 : i32 to index
        %get3A_258 = arith.constant 16 : index
        %get3A_259 = tpu.vector_load %get3A_255[%get3A_256, %get3A_257, %get3A_258] {strides = array<i32>} : memref<32x20x64xf32, #tpu.memory_space<vmem>>, vector<16xf32>,
        %mul3A_260 = arith.mulf %get3A_250, %get3A_259 : vector<16xf32>
        %add3A_261 = arith.addf %mul3A_243, %mul3A_260 : vector<16xf32>
        %get3A_262 = arith.constant 0 : i32
        %get3A_263 = arith.constant 0 : i32
        %get3A_264 = tpu.memref_slice %arg12[%rem3A_44, %get3A_262, %get3A_263] : memref<2x32x64xf32, #tpu.memory_space<vmem>> -> memref<1x32x64xf32, #tpu.memory_space<vmem>>
        %get3A_265 = tpu.memref_squeeze %get3A_264 : memref<1x32x64xf32, #tpu.memory_space<vmem>> -> memref<32x64xf32, #tpu.memory_space<vmem>>
        %get3A_266 = arith.index_cast %select_n3A_223 : i32 to index
        %get3A_267 = arith.constant 32 : index
        %get3A_268 = tpu.vector_load %get3A_265[%get3A_266, %get3A_267] {strides = array<i32>} : memref<32x64xf32, #tpu.memory_space<vmem>>, vector<16xf32>,
        %get3A_269 = arith.constant 0 : i32
        %get3A_270 = arith.constant 0 : i32
        %get3A_271 = arith.constant 0 : i32
        %get3A_272 = tpu.memref_slice %arg14[%rem3A_44, %get3A_269, %get3A_270, %get3A_271] : memref<2x32x20x64xf32, #tpu.memory_space<vmem>> -> memref<1x32x20x64xf32, #tpu.memory_space<vmem>>
        %get3A_273 = tpu.memref_squeeze %get3A_272 : memref<1x32x20x64xf32, #tpu.memory_space<vmem>> -> memref<32x20x64xf32, #tpu.memory_space<vmem>>
        %get3A_274 = arith.index_cast %select_n3A_223 : i32 to index
        %get3A_275 = arith.index_cast %sub3A_226 : i32 to index
        %get3A_276 = arith.constant 32 : index
        %get3A_277 = tpu.vector_load %get3A_273[%get3A_274, %get3A_275, %get3A_276] {strides = array<i32>} : memref<32x20x64xf32, #tpu.memory_space<vmem>>, vector<16xf32>,
        %mul3A_278 = arith.mulf %get3A_268, %get3A_277 : vector<16xf32>
        %add3A_279 = arith.addf %add3A_261, %mul3A_278 : vector<16xf32>
        %get3A_280 = arith.constant 0 : i32
        %get3A_281 = arith.constant 0 : i32
        %get3A_282 = tpu.memref_slice %arg12[%rem3A_44, %get3A_280, %get3A_281] : memref<2x32x64xf32, #tpu.memory_space<vmem>> -> memref<1x32x64xf32, #tpu.memory_space<vmem>>
        %get3A_283 = tpu.memref_squeeze %get3A_282 : memref<1x32x64xf32, #tpu.memory_space<vmem>> -> memref<32x64xf32, #tpu.memory_space<vmem>>
        %get3A_284 = arith.index_cast %select_n3A_223 : i32 to index
        %get3A_285 = arith.constant 48 : index
        %get3A_286 = tpu.vector_load %get3A_283[%get3A_284, %get3A_285] {strides = array<i32>} : memref<32x64xf32, #tpu.memory_space<vmem>>, vector<16xf32>,
        %get3A_287 = arith.constant 0 : i32
        %get3A_288 = arith.constant 0 : i32
        %get3A_289 = arith.constant 0 : i32
        %get3A_290 = tpu.memref_slice %arg14[%rem3A_44, %get3A_287, %get3A_288, %get3A_289] : memref<2x32x20x64xf32, #tpu.memory_space<vmem>> -> memref<1x32x20x64xf32, #tpu.memory_space<vmem>>
        %get3A_291 = tpu.memref_squeeze %get3A_290 : memref<1x32x20x64xf32, #tpu.memory_space<vmem>> -> memref<32x20x64xf32, #tpu.memory_space<vmem>>
        %get3A_292 = arith.index_cast %select_n3A_223 : i32 to index
        %get3A_293 = arith.index_cast %sub3A_226 : i32 to index
        %get3A_294 = arith.constant 48 : index
        %get3A_295 = tpu.vector_load %get3A_291[%get3A_292, %get3A_293, %get3A_294] {strides = array<i32>} : memref<32x20x64xf32, #tpu.memory_space<vmem>>, vector<16xf32>,
        %mul3A_296 = arith.mulf %get3A_286, %get3A_295 : vector<16xf32>
        %add3A_297 = arith.addf %add3A_279, %mul3A_296 : vector<16xf32>
        %mul3A_298 = arith.constant 16 : i32
        %mul3A_299 = vector.broadcast %mul3A_298 : i32 to vector<16xi32>
        %mul3A_300 = arith.muli %iota3A, %mul3A_299 : vector<16xi32>
        %add3A_301 = arith.constant 1 : i32
        %add3A_302 = vector.broadcast %add3A_301 : i32 to vector<16xi32>
        %add3A_303 = arith.addi %mul3A_300, %add3A_302 : vector<16xi32>
        tpu.vector_store_idx %arg17[%add3A_303], %add3A_297 : memref<256xf32, #tpu.memory_space<vmem>>[vector<16xi32>], vector<16xf32>,
        %mul3A_304 = arith.constant 16 : i32
        %mul3A_305 = arith.muli %scan3A_94, %mul3A_304 : i32
        %add3A_306 = arith.constant 2 : i32
        %add3A_307 = arith.addi %mul3A_305, %add3A_306 : i32
        %jit3A_308 = arith.constant 20 : i32
        %div3A_309 = arith.divsi %add3A_307, %jit3A_308 : i32
        %sign3A_310 = arith.constant 0 : i32
        %sign3A_311 = arith.cmpi sgt, %add3A_307, %sign3A_310 : i32
        %sign3A_312 = arith.extui %sign3A_311 : i1 to i32
        %sign3A_313 = arith.constant 0 : i32
        %sign3A_314 = arith.cmpi slt, %add3A_307, %sign3A_313 : i32
        %sign3A_315 = arith.extui %sign3A_314 : i1 to i32
        %sign3A_316 = arith.subi %sign3A_312, %sign3A_315 : i32
        %sign3A_317 = arith.constant 0 : i32
        %sign3A_318 = arith.cmpi sgt, %jit3A_308, %sign3A_317 : i32
        %sign3A_319 = arith.extui %sign3A_318 : i1 to i32
        %sign3A_320 = arith.constant 0 : i32
        %sign3A_321 = arith.cmpi slt, %jit3A_308, %sign3A_320 : i32
        %sign3A_322 = arith.extui %sign3A_321 : i1 to i32
        %sign3A_323 = arith.subi %sign3A_319, %sign3A_322 : i32
        %ne3A_324 = arith.cmpi ne, %sign3A_316, %sign3A_323 : i32
        %rem3A_325 = arith.remsi %add3A_307, %jit3A_308 : i32
        %ne3A_326 = arith.constant 0 : i32
        %ne3A_327 = arith.cmpi ne, %rem3A_325, %ne3A_326 : i32
        %and3A_328 = arith.andi %ne3A_324, %ne3A_327 : i1
        %sub3A_329 = arith.constant 1 : i32
        %sub3A_330 = arith.subi %div3A_309, %sub3A_329 : i32
        %select_n3A_331 = arith.select %and3A_328, %sub3A_330, %div3A_309 : i32
        %mul3A_332 = arith.constant 20 : i32
        %mul3A_333 = arith.muli %select_n3A_331, %mul3A_332 : i32
        %sub3A_334 = arith.subi %add3A_307, %mul3A_333 : i32
        %get3A_335 = arith.constant 0 : i32
        %get3A_336 = arith.constant 0 : i32
        %get3A_337 = tpu.memref_slice %arg12[%rem3A_44, %get3A_335, %get3A_336] : memref<2x32x64xf32, #tpu.memory_space<vmem>> -> memref<1x32x64xf32, #tpu.memory_space<vmem>>
        %get3A_338 = tpu.memref_squeeze %get3A_337 : memref<1x32x64xf32, #tpu.memory_space<vmem>> -> memref<32x64xf32, #tpu.memory_space<vmem>>
        %get3A_339 = arith.index_cast %select_n3A_331 : i32 to index
        %get3A_340 = arith.constant 0 : index
        %get3A_341 = tpu.vector_load %get3A_338[%get3A_339, %get3A_340] {strides = array<i32>} : memref<32x64xf32, #tpu.memory_space<vmem>>, vector<16xf32>,
        %get3A_342 = arith.constant 0 : i32
        %get3A_343 = arith.constant 0 : i32
        %get3A_344 = arith.constant 0 : i32
        %get3A_345 = tpu.memref_slice %arg14[%rem3A_44, %get3A_342, %get3A_343, %get3A_344] : memref<2x32x20x64xf32, #tpu.memory_space<vmem>> -> memref<1x32x20x64xf32, #tpu.memory_space<vmem>>
        %get3A_346 = tpu.memref_squeeze %get3A_345 : memref<1x32x20x64xf32, #tpu.memory_space<vmem>> -> memref<32x20x64xf32, #tpu.memory_space<vmem>>
        %get3A_347 = arith.index_cast %select_n3A_331 : i32 to index
        %get3A_348 = arith.index_cast %sub3A_334 : i32 to index
        %get3A_349 = arith.constant 0 : index
        %get3A_350 = tpu.vector_load %get3A_346[%get3A_347, %get3A_348, %get3A_349] {strides = array<i32>} : memref<32x20x64xf32, #tpu.memory_space<vmem>>, vector<16xf32>,
        %mul3A_351 = arith.mulf %get3A_341, %get3A_350 : vector<16xf32>
        %get3A_352 = arith.constant 0 : i32
        %get3A_353 = arith.constant 0 : i32
        %get3A_354 = tpu.memref_slice %arg12[%rem3A_44, %get3A_352, %get3A_353] : memref<2x32x64xf32, #tpu.memory_space<vmem>> -> memref<1x32x64xf32, #tpu.memory_space<vmem>>
        %get3A_355 = tpu.memref_squeeze %get3A_354 : memref<1x32x64xf32, #tpu.memory_space<vmem>> -> memref<32x64xf32, #tpu.memory_space<vmem>>
        %get3A_356 = arith.index_cast %select_n3A_331 : i32 to index
        %get3A_357 = arith.constant 16 : index
        %get3A_358 = tpu.vector_load %get3A_355[%get3A_356, %get3A_357] {strides = array<i32>} : memref<32x64xf32, #tpu.memory_space<vmem>>, vector<16xf32>,
        %get3A_359 = arith.constant 0 : i32
        %get3A_360 = arith.constant 0 : i32
        %get3A_361 = arith.constant 0 : i32
        %get3A_362 = tpu.memref_slice %arg14[%rem3A_44, %get3A_359, %get3A_360, %get3A_361] : memref<2x32x20x64xf32, #tpu.memory_space<vmem>> -> memref<1x32x20x64xf32, #tpu.memory_space<vmem>>
        %get3A_363 = tpu.memref_squeeze %get3A_362 : memref<1x32x20x64xf32, #tpu.memory_space<vmem>> -> memref<32x20x64xf32, #tpu.memory_space<vmem>>
        %get3A_364 = arith.index_cast %select_n3A_331 : i32 to index
        %get3A_365 = arith.index_cast %sub3A_334 : i32 to index
        %get3A_366 = arith.constant 16 : index
        %get3A_367 = tpu.vector_load %get3A_363[%get3A_364, %get3A_365, %get3A_366] {strides = array<i32>} : memref<32x20x64xf32, #tpu.memory_space<vmem>>, vector<16xf32>,
        %mul3A_368 = arith.mulf %get3A_358, %get3A_367 : vector<16xf32>
        %add3A_369 = arith.addf %mul3A_351, %mul3A_368 : vector<16xf32>
        %get3A_370 = arith.constant 0 : i32
        %get3A_371 = arith.constant 0 : i32
        %get3A_372 = tpu.memref_slice %arg12[%rem3A_44, %get3A_370, %get3A_371] : memref<2x32x64xf32, #tpu.memory_space<vmem>> -> memref<1x32x64xf32, #tpu.memory_space<vmem>>
        %get3A_373 = tpu.memref_squeeze %get3A_372 : memref<1x32x64xf32, #tpu.memory_space<vmem>> -> memref<32x64xf32, #tpu.memory_space<vmem>>
        %get3A_374 = arith.index_cast %select_n3A_331 : i32 to index
        %get3A_375 = arith.constant 32 : index
        %get3A_376 = tpu.vector_load %get3A_373[%get3A_374, %get3A_375] {strides = array<i32>} : memref<32x64xf32, #tpu.memory_space<vmem>>, vector<16xf32>,
        %get3A_377 = arith.constant 0 : i32
        %get3A_378 = arith.constant 0 : i32
        %get3A_379 = arith.constant 0 : i32
        %get3A_380 = tpu.memref_slice %arg14[%rem3A_44, %get3A_377, %get3A_378, %get3A_379] : memref<2x32x20x64xf32, #tpu.memory_space<vmem>> -> memref<1x32x20x64xf32, #tpu.memory_space<vmem>>
        %get3A_381 = tpu.memref_squeeze %get3A_380 : memref<1x32x20x64xf32, #tpu.memory_space<vmem>> -> memref<32x20x64xf32, #tpu.memory_space<vmem>>
        %get3A_382 = arith.index_cast %select_n3A_331 : i32 to index
        %get3A_383 = arith.index_cast %sub3A_334 : i32 to index
        %get3A_384 = arith.constant 32 : index
        %get3A_385 = tpu.vector_load %get3A_381[%get3A_382, %get3A_383, %get3A_384] {strides = array<i32>} : memref<32x20x64xf32, #tpu.memory_space<vmem>>, vector<16xf32>,
        %mul3A_386 = arith.mulf %get3A_376, %get3A_385 : vector<16xf32>
        %add3A_387 = arith.addf %add3A_369, %mul3A_386 : vector<16xf32>
        %get3A_388 = arith.constant 0 : i32
        %get3A_389 = arith.constant 0 : i32
        %get3A_390 = tpu.memref_slice %arg12[%rem3A_44, %get3A_388, %get3A_389] : memref<2x32x64xf32, #tpu.memory_space<vmem>> -> memref<1x32x64xf32, #tpu.memory_space<vmem>>
        %get3A_391 = tpu.memref_squeeze %get3A_390 : memref<1x32x64xf32, #tpu.memory_space<vmem>> -> memref<32x64xf32, #tpu.memory_space<vmem>>
        %get3A_392 = arith.index_cast %select_n3A_331 : i32 to index
        %get3A_393 = arith.constant 48 : index
        %get3A_394 = tpu.vector_load %get3A_391[%get3A_392, %get3A_393] {strides = array<i32>} : memref<32x64xf32, #tpu.memory_space<vmem>>, vector<16xf32>,
        %get3A_395 = arith.constant 0 : i32
        %get3A_396 = arith.constant 0 : i32
        %get3A_397 = arith.constant 0 : i32
        %get3A_398 = tpu.memref_slice %arg14[%rem3A_44, %get3A_395, %get3A_396, %get3A_397] : memref<2x32x20x64xf32, #tpu.memory_space<vmem>> -> memref<1x32x20x64xf32, #tpu.memory_space<vmem>>
        %get3A_399 = tpu.memref_squeeze %get3A_398 : memref<1x32x20x64xf32, #tpu.memory_space<vmem>> -> memref<32x20x64xf32, #tpu.memory_space<vmem>>
        %get3A_400 = arith.index_cast %select_n3A_331 : i32 to index
        %get3A_401 = arith.index_cast %sub3A_334 : i32 to index
        %get3A_402 = arith.constant 48 : index
        %get3A_403 = tpu.vector_load %get3A_399[%get3A_400, %get3A_401, %get3A_402] {strides = array<i32>} : memref<32x20x64xf32, #tpu.memory_space<vmem>>, vector<16xf32>,
        %mul3A_404 = arith.mulf %get3A_394, %get3A_403 : vector<16xf32>
        %add3A_405 = arith.addf %add3A_387, %mul3A_404 : vector<16xf32>
        %mul3A_406 = arith.constant 16 : i32
        %mul3A_407 = vector.broadcast %mul3A_406 : i32 to vector<16xi32>
        %mul3A_408 = arith.muli %iota3A, %mul3A_407 : vector<16xi32>
        %add3A_409 = arith.constant 2 : i32
        %add3A_410 = vector.broadcast %add3A_409 : i32 to vector<16xi32>
        %add3A_411 = arith.addi %mul3A_408, %add3A_410 : vector<16xi32>
        tpu.vector_store_idx %arg17[%add3A_411], %add3A_405 : memref<256xf32, #tpu.memory_space<vmem>>[vector<16xi32>], vector<16xf32>,
        %mul3A_412 = arith.constant 16 : i32
        %mul3A_413 = arith.muli %scan3A_94, %mul3A_412 : i32
        %add3A_414 = arith.constant 3 : i32
        %add3A_415 = arith.addi %mul3A_413, %add3A_414 : i32
        %jit3A_416 = arith.constant 20 : i32
        %div3A_417 = arith.divsi %add3A_415, %jit3A_416 : i32
        %sign3A_418 = arith.constant 0 : i32
        %sign3A_419 = arith.cmpi sgt, %add3A_415, %sign3A_418 : i32
        %sign3A_420 = arith.extui %sign3A_419 : i1 to i32
        %sign3A_421 = arith.constant 0 : i32
        %sign3A_422 = arith.cmpi slt, %add3A_415, %sign3A_421 : i32
        %sign3A_423 = arith.extui %sign3A_422 : i1 to i32
        %sign3A_424 = arith.subi %sign3A_420, %sign3A_423 : i32
        %sign3A_425 = arith.constant 0 : i32
        %sign3A_426 = arith.cmpi sgt, %jit3A_416, %sign3A_425 : i32
        %sign3A_427 = arith.extui %sign3A_426 : i1 to i32
        %sign3A_428 = arith.constant 0 : i32
        %sign3A_429 = arith.cmpi slt, %jit3A_416, %sign3A_428 : i32
        %sign3A_430 = arith.extui %sign3A_429 : i1 to i32
        %sign3A_431 = arith.subi %sign3A_427, %sign3A_430 : i32
        %ne3A_432 = arith.cmpi ne, %sign3A_424, %sign3A_431 : i32
        %rem3A_433 = arith.remsi %add3A_415, %jit3A_416 : i32
        %ne3A_434 = arith.constant 0 : i32
        %ne3A_435 = arith.cmpi ne, %rem3A_433, %ne3A_434 : i32
        %and3A_436 = arith.andi %ne3A_432, %ne3A_435 : i1
        %sub3A_437 = arith.constant 1 : i32
        %sub3A_438 = arith.subi %div3A_417, %sub3A_437 : i32
        %select_n3A_439 = arith.select %and3A_436, %sub3A_438, %div3A_417 : i32
        %mul3A_440 = arith.constant 20 : i32
        %mul3A_441 = arith.muli %select_n3A_439, %mul3A_440 : i32
        %sub3A_442 = arith.subi %add3A_415, %mul3A_441 : i32
        %get3A_443 = arith.constant 0 : i32
        %get3A_444 = arith.constant 0 : i32
        %get3A_445 = tpu.memref_slice %arg12[%rem3A_44, %get3A_443, %get3A_444] : memref<2x32x64xf32, #tpu.memory_space<vmem>> -> memref<1x32x64xf32, #tpu.memory_space<vmem>>
        %get3A_446 = tpu.memref_squeeze %get3A_445 : memref<1x32x64xf32, #tpu.memory_space<vmem>> -> memref<32x64xf32, #tpu.memory_space<vmem>>
        %get3A_447 = arith.index_cast %select_n3A_439 : i32 to index
        %get3A_448 = arith.constant 0 : index
        %get3A_449 = tpu.vector_load %get3A_446[%get3A_447, %get3A_448] {strides = array<i32>} : memref<32x64xf32, #tpu.memory_space<vmem>>, vector<16xf32>,
        %get3A_450 = arith.constant 0 : i32
        %get3A_451 = arith.constant 0 : i32
        %get3A_452 = arith.constant 0 : i32
        %get3A_453 = tpu.memref_slice %arg14[%rem3A_44, %get3A_450, %get3A_451, %get3A_452] : memref<2x32x20x64xf32, #tpu.memory_space<vmem>> -> memref<1x32x20x64xf32, #tpu.memory_space<vmem>>
        %get3A_454 = tpu.memref_squeeze %get3A_453 : memref<1x32x20x64xf32, #tpu.memory_space<vmem>> -> memref<32x20x64xf32, #tpu.memory_space<vmem>>
        %get3A_455 = arith.index_cast %select_n3A_439 : i32 to index
        %get3A_456 = arith.index_cast %sub3A_442 : i32 to index
        %get3A_457 = arith.constant 0 : index
        %get3A_458 = tpu.vector_load %get3A_454[%get3A_455, %get3A_456, %get3A_457] {strides = array<i32>} : memref<32x20x64xf32, #tpu.memory_space<vmem>>, vector<16xf32>,
        %mul3A_459 = arith.mulf %get3A_449, %get3A_458 : vector<16xf32>
        %get3A_460 = arith.constant 0 : i32
        %get3A_461 = arith.constant 0 : i32
        %get3A_462 = tpu.memref_slice %arg12[%rem3A_44, %get3A_460, %get3A_461] : memref<2x32x64xf32, #tpu.memory_space<vmem>> -> memref<1x32x64xf32, #tpu.memory_space<vmem>>
        %get3A_463 = tpu.memref_squeeze %get3A_462 : memref<1x32x64xf32, #tpu.memory_space<vmem>> -> memref<32x64xf32, #tpu.memory_space<vmem>>
        %get3A_464 = arith.index_cast %select_n3A_439 : i32 to index
        %get3A_465 = arith.constant 16 : index
        %get3A_466 = tpu.vector_load %get3A_463[%get3A_464, %get3A_465] {strides = array<i32>} : memref<32x64xf32, #tpu.memory_space<vmem>>, vector<16xf32>,
        %get3A_467 = arith.constant 0 : i32
        %get3A_468 = arith.constant 0 : i32
        %get3A_469 = arith.constant 0 : i32
        %get3A_470 = tpu.memref_slice %arg14[%rem3A_44, %get3A_467, %get3A_468, %get3A_469] : memref<2x32x20x64xf32, #tpu.memory_space<vmem>> -> memref<1x32x20x64xf32, #tpu.memory_space<vmem>>
        %get3A_471 = tpu.memref_squeeze %get3A_470 : memref<1x32x20x64xf32, #tpu.memory_space<vmem>> -> memref<32x20x64xf32, #tpu.memory_space<vmem>>
        %get3A_472 = arith.index_cast %select_n3A_439 : i32 to index
        %get3A_473 = arith.index_cast %sub3A_442 : i32 to index
        %get3A_474 = arith.constant 16 : index
        %get3A_475 = tpu.vector_load %get3A_471[%get3A_472, %get3A_473, %get3A_474] {strides = array<i32>} : memref<32x20x64xf32, #tpu.memory_space<vmem>>, vector<16xf32>,
        %mul3A_476 = arith.mulf %get3A_466, %get3A_475 : vector<16xf32>
        %add3A_477 = arith.addf %mul3A_459, %mul3A_476 : vector<16xf32>
        %get3A_478 = arith.constant 0 : i32
        %get3A_479 = arith.constant 0 : i32
        %get3A_480 = tpu.memref_slice %arg12[%rem3A_44, %get3A_478, %get3A_479] : memref<2x32x64xf32, #tpu.memory_space<vmem>> -> memref<1x32x64xf32, #tpu.memory_space<vmem>>
        %get3A_481 = tpu.memref_squeeze %get3A_480 : memref<1x32x64xf32, #tpu.memory_space<vmem>> -> memref<32x64xf32, #tpu.memory_space<vmem>>
        %get3A_482 = arith.index_cast %select_n3A_439 : i32 to index
        %get3A_483 = arith.constant 32 : index
        %get3A_484 = tpu.vector_load %get3A_481[%get3A_482, %get3A_483] {strides = array<i32>} : memref<32x64xf32, #tpu.memory_space<vmem>>, vector<16xf32>,
        %get3A_485 = arith.constant 0 : i32
        %get3A_486 = arith.constant 0 : i32
        %get3A_487 = arith.constant 0 : i32
        %get3A_488 = tpu.memref_slice %arg14[%rem3A_44, %get3A_485, %get3A_486, %get3A_487] : memref<2x32x20x64xf32, #tpu.memory_space<vmem>> -> memref<1x32x20x64xf32, #tpu.memory_space<vmem>>
        %get3A_489 = tpu.memref_squeeze %get3A_488 : memref<1x32x20x64xf32, #tpu.memory_space<vmem>> -> memref<32x20x64xf32, #tpu.memory_space<vmem>>
        %get3A_490 = arith.index_cast %select_n3A_439 : i32 to index
        %get3A_491 = arith.index_cast %sub3A_442 : i32 to index
        %get3A_492 = arith.constant 32 : index
        %get3A_493 = tpu.vector_load %get3A_489[%get3A_490, %get3A_491, %get3A_492] {strides = array<i32>} : memref<32x20x64xf32, #tpu.memory_space<vmem>>, vector<16xf32>,
        %mul3A_494 = arith.mulf %get3A_484, %get3A_493 : vector<16xf32>
        %add3A_495 = arith.addf %add3A_477, %mul3A_494 : vector<16xf32>
        %get3A_496 = arith.constant 0 : i32
        %get3A_497 = arith.constant 0 : i32
        %get3A_498 = tpu.memref_slice %arg12[%rem3A_44, %get3A_496, %get3A_497] : memref<2x32x64xf32, #tpu.memory_space<vmem>> -> memref<1x32x64xf32, #tpu.memory_space<vmem>>
        %get3A_499 = tpu.memref_squeeze %get3A_498 : memref<1x32x64xf32, #tpu.memory_space<vmem>> -> memref<32x64xf32, #tpu.memory_space<vmem>>
        %get3A_500 = arith.index_cast %select_n3A_439 : i32 to index
        %get3A_501 = arith.constant 48 : index
        %get3A_502 = tpu.vector_load %get3A_499[%get3A_500, %get3A_501] {strides = array<i32>} : memref<32x64xf32, #tpu.memory_space<vmem>>, vector<16xf32>,
        %get3A_503 = arith.constant 0 : i32
        %get3A_504 = arith.constant 0 : i32
        %get3A_505 = arith.constant 0 : i32
        %get3A_506 = tpu.memref_slice %arg14[%rem3A_44, %get3A_503, %get3A_504, %get3A_505] : memref<2x32x20x64xf32, #tpu.memory_space<vmem>> -> memref<1x32x20x64xf32, #tpu.memory_space<vmem>>
        %get3A_507 = tpu.memref_squeeze %get3A_506 : memref<1x32x20x64xf32, #tpu.memory_space<vmem>> -> memref<32x20x64xf32, #tpu.memory_space<vmem>>
        %get3A_508 = arith.index_cast %select_n3A_439 : i32 to index
        %get3A_509 = arith.index_cast %sub3A_442 : i32 to index
        %get3A_510 = arith.constant 48 : index
        %get3A_511 = tpu.vector_load %get3A_507[%get3A_508, %get3A_509, %get3A_510] {strides = array<i32>} : memref<32x20x64xf32, #tpu.memory_space<vmem>>, vector<16xf32>,
        %mul3A_512 = arith.mulf %get3A_502, %get3A_511 : vector<16xf32>
        %add3A_513 = arith.addf %add3A_495, %mul3A_512 : vector<16xf32>
        %mul3A_514 = arith.constant 16 : i32
        %mul3A_515 = vector.broadcast %mul3A_514 : i32 to vector<16xi32>
        %mul3A_516 = arith.muli %iota3A, %mul3A_515 : vector<16xi32>
        %add3A_517 = arith.constant 3 : i32
        %add3A_518 = vector.broadcast %add3A_517 : i32 to vector<16xi32>
        %add3A_519 = arith.addi %mul3A_516, %add3A_518 : vector<16xi32>
        tpu.vector_store_idx %arg17[%add3A_519], %add3A_513 : memref<256xf32, #tpu.memory_space<vmem>>[vector<16xi32>], vector<16xf32>,
        %mul3A_520 = arith.constant 16 : i32
        %mul3A_521 = arith.muli %scan3A_94, %mul3A_520 : i32
        %add3A_522 = arith.constant 4 : i32
        %add3A_523 = arith.addi %mul3A_521, %add3A_522 : i32
        %jit3A_524 = arith.constant 20 : i32
        %div3A_525 = arith.divsi %add3A_523, %jit3A_524 : i32
        %sign3A_526 = arith.constant 0 : i32
        %sign3A_527 = arith.cmpi sgt, %add3A_523, %sign3A_526 : i32
        %sign3A_528 = arith.extui %sign3A_527 : i1 to i32
        %sign3A_529 = arith.constant 0 : i32
        %sign3A_530 = arith.cmpi slt, %add3A_523, %sign3A_529 : i32
        %sign3A_531 = arith.extui %sign3A_530 : i1 to i32
        %sign3A_532 = arith.subi %sign3A_528, %sign3A_531 : i32
        %sign3A_533 = arith.constant 0 : i32
        %sign3A_534 = arith.cmpi sgt, %jit3A_524, %sign3A_533 : i32
        %sign3A_535 = arith.extui %sign3A_534 : i1 to i32
        %sign3A_536 = arith.constant 0 : i32
        %sign3A_537 = arith.cmpi slt, %jit3A_524, %sign3A_536 : i32
        %sign3A_538 = arith.extui %sign3A_537 : i1 to i32
        %sign3A_539 = arith.subi %sign3A_535, %sign3A_538 : i32
        %ne3A_540 = arith.cmpi ne, %sign3A_532, %sign3A_539 : i32
        %rem3A_541 = arith.remsi %add3A_523, %jit3A_524 : i32
        %ne3A_542 = arith.constant 0 : i32
        %ne3A_543 = arith.cmpi ne, %rem3A_541, %ne3A_542 : i32
        %and3A_544 = arith.andi %ne3A_540, %ne3A_543 : i1
        %sub3A_545 = arith.constant 1 : i32
        %sub3A_546 = arith.subi %div3A_525, %sub3A_545 : i32
        %select_n3A_547 = arith.select %and3A_544, %sub3A_546, %div3A_525 : i32
        %mul3A_548 = arith.constant 20 : i32
        %mul3A_549 = arith.muli %select_n3A_547, %mul3A_548 : i32
        %sub3A_550 = arith.subi %add3A_523, %mul3A_549 : i32
        %get3A_551 = arith.constant 0 : i32
        %get3A_552 = arith.constant 0 : i32
        %get3A_553 = tpu.memref_slice %arg12[%rem3A_44, %get3A_551, %get3A_552] : memref<2x32x64xf32, #tpu.memory_space<vmem>> -> memref<1x32x64xf32, #tpu.memory_space<vmem>>
        %get3A_554 = tpu.memref_squeeze %get3A_553 : memref<1x32x64xf32, #tpu.memory_space<vmem>> -> memref<32x64xf32, #tpu.memory_space<vmem>>
        %get3A_555 = arith.index_cast %select_n3A_547 : i32 to index
        %get3A_556 = arith.constant 0 : index
        %get3A_557 = tpu.vector_load %get3A_554[%get3A_555, %get3A_556] {strides = array<i32>} : memref<32x64xf32, #tpu.memory_space<vmem>>, vector<16xf32>,
        %get3A_558 = arith.constant 0 : i32
        %get3A_559 = arith.constant 0 : i32
        %get3A_560 = arith.constant 0 : i32
        %get3A_561 = tpu.memref_slice %arg14[%rem3A_44, %get3A_558, %get3A_559, %get3A_560] : memref<2x32x20x64xf32, #tpu.memory_space<vmem>> -> memref<1x32x20x64xf32, #tpu.memory_space<vmem>>
        %get3A_562 = tpu.memref_squeeze %get3A_561 : memref<1x32x20x64xf32, #tpu.memory_space<vmem>> -> memref<32x20x64xf32, #tpu.memory_space<vmem>>
        %get3A_563 = arith.index_cast %select_n3A_547 : i32 to index
        %get3A_564 = arith.index_cast %sub3A_550 : i32 to index
        %get3A_565 = arith.constant 0 : index
        %get3A_566 = tpu.vector_load %get3A_562[%get3A_563, %get3A_564, %get3A_565] {strides = array<i32>} : memref<32x20x64xf32, #tpu.memory_space<vmem>>, vector<16xf32>,
        %mul3A_567 = arith.mulf %get3A_557, %get3A_566 : vector<16xf32>
        %get3A_568 = arith.constant 0 : i32
        %get3A_569 = arith.constant 0 : i32
        %get3A_570 = tpu.memref_slice %arg12[%rem3A_44, %get3A_568, %get3A_569] : memref<2x32x64xf32, #tpu.memory_space<vmem>> -> memref<1x32x64xf32, #tpu.memory_space<vmem>>
        %get3A_571 = tpu.memref_squeeze %get3A_570 : memref<1x32x64xf32, #tpu.memory_space<vmem>> -> memref<32x64xf32, #tpu.memory_space<vmem>>
        %get3A_572 = arith.index_cast %select_n3A_547 : i32 to index
        %get3A_573 = arith.constant 16 : index
        %get3A_574 = tpu.vector_load %get3A_571[%get3A_572, %get3A_573] {strides = array<i32>} : memref<32x64xf32, #tpu.memory_space<vmem>>, vector<16xf32>,
        %get3A_575 = arith.constant 0 : i32
        %get3A_576 = arith.constant 0 : i32
        %get3A_577 = arith.constant 0 : i32
        %get3A_578 = tpu.memref_slice %arg14[%rem3A_44, %get3A_575, %get3A_576, %get3A_577] : memref<2x32x20x64xf32, #tpu.memory_space<vmem>> -> memref<1x32x20x64xf32, #tpu.memory_space<vmem>>
        %get3A_579 = tpu.memref_squeeze %get3A_578 : memref<1x32x20x64xf32, #tpu.memory_space<vmem>> -> memref<32x20x64xf32, #tpu.memory_space<vmem>>
        %get3A_580 = arith.index_cast %select_n3A_547 : i32 to index
        %get3A_581 = arith.index_cast %sub3A_550 : i32 to index
        %get3A_582 = arith.constant 16 : index
        %get3A_583 = tpu.vector_load %get3A_579[%get3A_580, %get3A_581, %get3A_582] {strides = array<i32>} : memref<32x20x64xf32, #tpu.memory_space<vmem>>, vector<16xf32>,
        %mul3A_584 = arith.mulf %get3A_574, %get3A_583 : vector<16xf32>
        %add3A_585 = arith.addf %mul3A_567, %mul3A_584 : vector<16xf32>
        %get3A_586 = arith.constant 0 : i32
        %get3A_587 = arith.constant 0 : i32
        %get3A_588 = tpu.memref_slice %arg12[%rem3A_44, %get3A_586, %get3A_587] : memref<2x32x64xf32, #tpu.memory_space<vmem>> -> memref<1x32x64xf32, #tpu.memory_space<vmem>>
        %get3A_589 = tpu.memref_squeeze %get3A_588 : memref<1x32x64xf32, #tpu.memory_space<vmem>> -> memref<32x64xf32, #tpu.memory_space<vmem>>
        %get3A_590 = arith.index_cast %select_n3A_547 : i32 to index
        %get3A_591 = arith.constant 32 : index
        %get3A_592 = tpu.vector_load %get3A_589[%get3A_590, %get3A_591] {strides = array<i32>} : memref<32x64xf32, #tpu.memory_space<vmem>>, vector<16xf32>,
        %get3A_593 = arith.constant 0 : i32
        %get3A_594 = arith.constant 0 : i32
        %get3A_595 = arith.constant 0 : i32
        %get3A_596 = tpu.memref_slice %arg14[%rem3A_44, %get3A_593, %get3A_594, %get3A_595] : memref<2x32x20x64xf32, #tpu.memory_space<vmem>> -> memref<1x32x20x64xf32, #tpu.memory_space<vmem>>
        %get3A_597 = tpu.memref_squeeze %get3A_596 : memref<1x32x20x64xf32, #tpu.memory_space<vmem>> -> memref<32x20x64xf32, #tpu.memory_space<vmem>>
        %get3A_598 = arith.index_cast %select_n3A_547 : i32 to index
        %get3A_599 = arith.index_cast %sub3A_550 : i32 to index
        %get3A_600 = arith.constant 32 : index
        %get3A_601 = tpu.vector_load %get3A_597[%get3A_598, %get3A_599, %get3A_600] {strides = array<i32>} : memref<32x20x64xf32, #tpu.memory_space<vmem>>, vector<16xf32>,
        %mul3A_602 = arith.mulf %get3A_592, %get3A_601 : vector<16xf32>
        %add3A_603 = arith.addf %add3A_585, %mul3A_602 : vector<16xf32>
        %get3A_604 = arith.constant 0 : i32
        %get3A_605 = arith.constant 0 : i32
        %get3A_606 = tpu.memref_slice %arg12[%rem3A_44, %get3A_604, %get3A_605] : memref<2x32x64xf32, #tpu.memory_space<vmem>> -> memref<1x32x64xf32, #tpu.memory_space<vmem>>
        %get3A_607 = tpu.memref_squeeze %get3A_606 : memref<1x32x64xf32, #tpu.memory_space<vmem>> -> memref<32x64xf32, #tpu.memory_space<vmem>>
        %get3A_608 = arith.index_cast %select_n3A_547 : i32 to index
        %get3A_609 = arith.constant 48 : index
        %get3A_610 = tpu.vector_load %get3A_607[%get3A_608, %get3A_609] {strides = array<i32>} : memref<32x64xf32, #tpu.memory_space<vmem>>, vector<16xf32>,
        %get3A_611 = arith.constant 0 : i32
        %get3A_612 = arith.constant 0 : i32
        %get3A_613 = arith.constant 0 : i32
        %get3A_614 = tpu.memref_slice %arg14[%rem3A_44, %get3A_611, %get3A_612, %get3A_613] : memref<2x32x20x64xf32, #tpu.memory_space<vmem>> -> memref<1x32x20x64xf32, #tpu.memory_space<vmem>>
        %get3A_615 = tpu.memref_squeeze %get3A_614 : memref<1x32x20x64xf32, #tpu.memory_space<vmem>> -> memref<32x20x64xf32, #tpu.memory_space<vmem>>
        %get3A_616 = arith.index_cast %select_n3A_547 : i32 to index
        %get3A_617 = arith.index_cast %sub3A_550 : i32 to index
        %get3A_618 = arith.constant 48 : index
        %get3A_619 = tpu.vector_load %get3A_615[%get3A_616, %get3A_617, %get3A_618] {strides = array<i32>} : memref<32x20x64xf32, #tpu.memory_space<vmem>>, vector<16xf32>,
        %mul3A_620 = arith.mulf %get3A_610, %get3A_619 : vector<16xf32>
        %add3A_621 = arith.addf %add3A_603, %mul3A_620 : vector<16xf32>
        %mul3A_622 = arith.constant 16 : i32
        %mul3A_623 = vector.broadcast %mul3A_622 : i32 to vector<16xi32>
        %mul3A_624 = arith.muli %iota3A, %mul3A_623 : vector<16xi32>
        %add3A_625 = arith.constant 4 : i32
        %add3A_626 = vector.broadcast %add3A_625 : i32 to vector<16xi32>
        %add3A_627 = arith.addi %mul3A_624, %add3A_626 : vector<16xi32>
        tpu.vector_store_idx %arg17[%add3A_627], %add3A_621 : memref<256xf32, #tpu.memory_space<vmem>>[vector<16xi32>], vector<16xf32>,
        %mul3A_628 = arith.constant 16 : i32
        %mul3A_629 = arith.muli %scan3A_94, %mul3A_628 : i32
        %add3A_630 = arith.constant 5 : i32
        %add3A_631 = arith.addi %mul3A_629, %add3A_630 : i32
        %jit3A_632 = arith.constant 20 : i32
        %div3A_633 = arith.divsi %add3A_631, %jit3A_632 : i32
        %sign3A_634 = arith.constant 0 : i32
        %sign3A_635 = arith.cmpi sgt, %add3A_631, %sign3A_634 : i32
        %sign3A_636 = arith.extui %sign3A_635 : i1 to i32
        %sign3A_637 = arith.constant 0 : i32
        %sign3A_638 = arith.cmpi slt, %add3A_631, %sign3A_637 : i32
        %sign3A_639 = arith.extui %sign3A_638 : i1 to i32
        %sign3A_640 = arith.subi %sign3A_636, %sign3A_639 : i32
        %sign3A_641 = arith.constant 0 : i32
        %sign3A_642 = arith.cmpi sgt, %jit3A_632, %sign3A_641 : i32
        %sign3A_643 = arith.extui %sign3A_642 : i1 to i32
        %sign3A_644 = arith.constant 0 : i32
        %sign3A_645 = arith.cmpi slt, %jit3A_632, %sign3A_644 : i32
        %sign3A_646 = arith.extui %sign3A_645 : i1 to i32
        %sign3A_647 = arith.subi %sign3A_643, %sign3A_646 : i32
        %ne3A_648 = arith.cmpi ne, %sign3A_640, %sign3A_647 : i32
        %rem3A_649 = arith.remsi %add3A_631, %jit3A_632 : i32
        %ne3A_650 = arith.constant 0 : i32
        %ne3A_651 = arith.cmpi ne, %rem3A_649, %ne3A_650 : i32
        %and3A_652 = arith.andi %ne3A_648, %ne3A_651 : i1
        %sub3A_653 = arith.constant 1 : i32
        %sub3A_654 = arith.subi %div3A_633, %sub3A_653 : i32
        %select_n3A_655 = arith.select %and3A_652, %sub3A_654, %div3A_633 : i32
        %mul3A_656 = arith.constant 20 : i32
        %mul3A_657 = arith.muli %select_n3A_655, %mul3A_656 : i32
        %sub3A_658 = arith.subi %add3A_631, %mul3A_657 : i32
        %get3A_659 = arith.constant 0 : i32
        %get3A_660 = arith.constant 0 : i32
        %get3A_661 = tpu.memref_slice %arg12[%rem3A_44, %get3A_659, %get3A_660] : memref<2x32x64xf32, #tpu.memory_space<vmem>> -> memref<1x32x64xf32, #tpu.memory_space<vmem>>
        %get3A_662 = tpu.memref_squeeze %get3A_661 : memref<1x32x64xf32, #tpu.memory_space<vmem>> -> memref<32x64xf32, #tpu.memory_space<vmem>>
        %get3A_663 = arith.index_cast %select_n3A_655 : i32 to index
        %get3A_664 = arith.constant 0 : index
        %get3A_665 = tpu.vector_load %get3A_662[%get3A_663, %get3A_664] {strides = array<i32>} : memref<32x64xf32, #tpu.memory_space<vmem>>, vector<16xf32>,
        %get3A_666 = arith.constant 0 : i32
        %get3A_667 = arith.constant 0 : i32
        %get3A_668 = arith.constant 0 : i32
        %get3A_669 = tpu.memref_slice %arg14[%rem3A_44, %get3A_666, %get3A_667, %get3A_668] : memref<2x32x20x64xf32, #tpu.memory_space<vmem>> -> memref<1x32x20x64xf32, #tpu.memory_space<vmem>>
        %get3A_670 = tpu.memref_squeeze %get3A_669 : memref<1x32x20x64xf32, #tpu.memory_space<vmem>> -> memref<32x20x64xf32, #tpu.memory_space<vmem>>
        %get3A_671 = arith.index_cast %select_n3A_655 : i32 to index
        %get3A_672 = arith.index_cast %sub3A_658 : i32 to index
        %get3A_673 = arith.constant 0 : index
        %get3A_674 = tpu.vector_load %get3A_670[%get3A_671, %get3A_672, %get3A_673] {strides = array<i32>} : memref<32x20x64xf32, #tpu.memory_space<vmem>>, vector<16xf32>,
        %mul3A_675 = arith.mulf %get3A_665, %get3A_674 : vector<16xf32>
        %get3A_676 = arith.constant 0 : i32
        %get3A_677 = arith.constant 0 : i32
        %get3A_678 = tpu.memref_slice %arg12[%rem3A_44, %get3A_676, %get3A_677] : memref<2x32x64xf32, #tpu.memory_space<vmem>> -> memref<1x32x64xf32, #tpu.memory_space<vmem>>
        %get3A_679 = tpu.memref_squeeze %get3A_678 : memref<1x32x64xf32, #tpu.memory_space<vmem>> -> memref<32x64xf32, #tpu.memory_space<vmem>>
        %get3A_680 = arith.index_cast %select_n3A_655 : i32 to index
        %get3A_681 = arith.constant 16 : index
        %get3A_682 = tpu.vector_load %get3A_679[%get3A_680, %get3A_681] {strides = array<i32>} : memref<32x64xf32, #tpu.memory_space<vmem>>, vector<16xf32>,
        %get3A_683 = arith.constant 0 : i32
        %get3A_684 = arith.constant 0 : i32
        %get3A_685 = arith.constant 0 : i32
        %get3A_686 = tpu.memref_slice %arg14[%rem3A_44, %get3A_683, %get3A_684, %get3A_685] : memref<2x32x20x64xf32, #tpu.memory_space<vmem>> -> memref<1x32x20x64xf32, #tpu.memory_space<vmem>>
        %get3A_687 = tpu.memref_squeeze %get3A_686 : memref<1x32x20x64xf32, #tpu.memory_space<vmem>> -> memref<32x20x64xf32, #tpu.memory_space<vmem>>
        %get3A_688 = arith.index_cast %select_n3A_655 : i32 to index
        %get3A_689 = arith.index_cast %sub3A_658 : i32 to index
        %get3A_690 = arith.constant 16 : index
        %get3A_691 = tpu.vector_load %get3A_687[%get3A_688, %get3A_689, %get3A_690] {strides = array<i32>} : memref<32x20x64xf32, #tpu.memory_space<vmem>>, vector<16xf32>,
        %mul3A_692 = arith.mulf %get3A_682, %get3A_691 : vector<16xf32>
        %add3A_693 = arith.addf %mul3A_675, %mul3A_692 : vector<16xf32>
        %get3A_694 = arith.constant 0 : i32
        %get3A_695 = arith.constant 0 : i32
        %get3A_696 = tpu.memref_slice %arg12[%rem3A_44, %get3A_694, %get3A_695] : memref<2x32x64xf32, #tpu.memory_space<vmem>> -> memref<1x32x64xf32, #tpu.memory_space<vmem>>
        %get3A_697 = tpu.memref_squeeze %get3A_696 : memref<1x32x64xf32, #tpu.memory_space<vmem>> -> memref<32x64xf32, #tpu.memory_space<vmem>>
        %get3A_698 = arith.index_cast %select_n3A_655 : i32 to index
        %get3A_699 = arith.constant 32 : index
        %get3A_700 = tpu.vector_load %get3A_697[%get3A_698, %get3A_699] {strides = array<i32>} : memref<32x64xf32, #tpu.memory_space<vmem>>, vector<16xf32>,
        %get3A_701 = arith.constant 0 : i32
        %get3A_702 = arith.constant 0 : i32
        %get3A_703 = arith.constant 0 : i32
        %get3A_704 = tpu.memref_slice %arg14[%rem3A_44, %get3A_701, %get3A_702, %get3A_703] : memref<2x32x20x64xf32, #tpu.memory_space<vmem>> -> memref<1x32x20x64xf32, #tpu.memory_space<vmem>>
        %get3A_705 = tpu.memref_squeeze %get3A_704 : memref<1x32x20x64xf32, #tpu.memory_space<vmem>> -> memref<32x20x64xf32, #tpu.memory_space<vmem>>
        %get3A_706 = arith.index_cast %select_n3A_655 : i32 to index
        %get3A_707 = arith.index_cast %sub3A_658 : i32 to index
        %get3A_708 = arith.constant 32 : index
        %get3A_709 = tpu.vector_load %get3A_705[%get3A_706, %get3A_707, %get3A_708] {strides = array<i32>} : memref<32x20x64xf32, #tpu.memory_space<vmem>>, vector<16xf32>,
        %mul3A_710 = arith.mulf %get3A_700, %get3A_709 : vector<16xf32>
        %add3A_711 = arith.addf %add3A_693, %mul3A_710 : vector<16xf32>
        %get3A_712 = arith.constant 0 : i32
        %get3A_713 = arith.constant 0 : i32
        %get3A_714 = tpu.memref_slice %arg12[%rem3A_44, %get3A_712, %get3A_713] : memref<2x32x64xf32, #tpu.memory_space<vmem>> -> memref<1x32x64xf32, #tpu.memory_space<vmem>>
        %get3A_715 = tpu.memref_squeeze %get3A_714 : memref<1x32x64xf32, #tpu.memory_space<vmem>> -> memref<32x64xf32, #tpu.memory_space<vmem>>
        %get3A_716 = arith.index_cast %select_n3A_655 : i32 to index
        %get3A_717 = arith.constant 48 : index
        %get3A_718 = tpu.vector_load %get3A_715[%get3A_716, %get3A_717] {strides = array<i32>} : memref<32x64xf32, #tpu.memory_space<vmem>>, vector<16xf32>,
        %get3A_719 = arith.constant 0 : i32
        %get3A_720 = arith.constant 0 : i32
        %get3A_721 = arith.constant 0 : i32
        %get3A_722 = tpu.memref_slice %arg14[%rem3A_44, %get3A_719, %get3A_720, %get3A_721] : memref<2x32x20x64xf32, #tpu.memory_space<vmem>> -> memref<1x32x20x64xf32, #tpu.memory_space<vmem>>
        %get3A_723 = tpu.memref_squeeze %get3A_722 : memref<1x32x20x64xf32, #tpu.memory_space<vmem>> -> memref<32x20x64xf32, #tpu.memory_space<vmem>>
        %get3A_724 = arith.index_cast %select_n3A_655 : i32 to index
        %get3A_725 = arith.index_cast %sub3A_658 : i32 to index
        %get3A_726 = arith.constant 48 : index
        %get3A_727 = tpu.vector_load %get3A_723[%get3A_724, %get3A_725, %get3A_726] {strides = array<i32>} : memref<32x20x64xf32, #tpu.memory_space<vmem>>, vector<16xf32>,
        %mul3A_728 = arith.mulf %get3A_718, %get3A_727 : vector<16xf32>
        %add3A_729 = arith.addf %add3A_711, %mul3A_728 : vector<16xf32>
        %mul3A_730 = arith.constant 16 : i32
        %mul3A_731 = vector.broadcast %mul3A_730 : i32 to vector<16xi32>
        %mul3A_732 = arith.muli %iota3A, %mul3A_731 : vector<16xi32>
        %add3A_733 = arith.constant 5 : i32
        %add3A_734 = vector.broadcast %add3A_733 : i32 to vector<16xi32>
        %add3A_735 = arith.addi %mul3A_732, %add3A_734 : vector<16xi32>
        tpu.vector_store_idx %arg17[%add3A_735], %add3A_729 : memref<256xf32, #tpu.memory_space<vmem>>[vector<16xi32>], vector<16xf32>,
        %mul3A_736 = arith.constant 16 : i32
        %mul3A_737 = arith.muli %scan3A_94, %mul3A_736 : i32
        %add3A_738 = arith.constant 6 : i32
        %add3A_739 = arith.addi %mul3A_737, %add3A_738 : i32
        %jit3A_740 = arith.constant 20 : i32
        %div3A_741 = arith.divsi %add3A_739, %jit3A_740 : i32
        %sign3A_742 = arith.constant 0 : i32
        %sign3A_743 = arith.cmpi sgt, %add3A_739, %sign3A_742 : i32
        %sign3A_744 = arith.extui %sign3A_743 : i1 to i32
        %sign3A_745 = arith.constant 0 : i32
        %sign3A_746 = arith.cmpi slt, %add3A_739, %sign3A_745 : i32
        %sign3A_747 = arith.extui %sign3A_746 : i1 to i32
        %sign3A_748 = arith.subi %sign3A_744, %sign3A_747 : i32
        %sign3A_749 = arith.constant 0 : i32
        %sign3A_750 = arith.cmpi sgt, %jit3A_740, %sign3A_749 : i32
        %sign3A_751 = arith.extui %sign3A_750 : i1 to i32
        %sign3A_752 = arith.constant 0 : i32
        %sign3A_753 = arith.cmpi slt, %jit3A_740, %sign3A_752 : i32
        %sign3A_754 = arith.extui %sign3A_753 : i1 to i32
        %sign3A_755 = arith.subi %sign3A_751, %sign3A_754 : i32
        %ne3A_756 = arith.cmpi ne, %sign3A_748, %sign3A_755 : i32
        %rem3A_757 = arith.remsi %add3A_739, %jit3A_740 : i32
        %ne3A_758 = arith.constant 0 : i32
        %ne3A_759 = arith.cmpi ne, %rem3A_757, %ne3A_758 : i32
        %and3A_760 = arith.andi %ne3A_756, %ne3A_759 : i1
        %sub3A_761 = arith.constant 1 : i32
        %sub3A_762 = arith.subi %div3A_741, %sub3A_761 : i32
        %select_n3A_763 = arith.select %and3A_760, %sub3A_762, %div3A_741 : i32
        %mul3A_764 = arith.constant 20 : i32
        %mul3A_765 = arith.muli %select_n3A_763, %mul3A_764 : i32
        %sub3A_766 = arith.subi %add3A_739, %mul3A_765 : i32
        %get3A_767 = arith.constant 0 : i32
        %get3A_768 = arith.constant 0 : i32
        %get3A_769 = tpu.memref_slice %arg12[%rem3A_44, %get3A_767, %get3A_768] : memref<2x32x64xf32, #tpu.memory_space<vmem>> -> memref<1x32x64xf32, #tpu.memory_space<vmem>>
        %get3A_770 = tpu.memref_squeeze %get3A_769 : memref<1x32x64xf32, #tpu.memory_space<vmem>> -> memref<32x64xf32, #tpu.memory_space<vmem>>
        %get3A_771 = arith.index_cast %select_n3A_763 : i32 to index
        %get3A_772 = arith.constant 0 : index
        %get3A_773 = tpu.vector_load %get3A_770[%get3A_771, %get3A_772] {strides = array<i32>} : memref<32x64xf32, #tpu.memory_space<vmem>>, vector<16xf32>,
        %get3A_774 = arith.constant 0 : i32
        %get3A_775 = arith.constant 0 : i32
        %get3A_776 = arith.constant 0 : i32
        %get3A_777 = tpu.memref_slice %arg14[%rem3A_44, %get3A_774, %get3A_775, %get3A_776] : memref<2x32x20x64xf32, #tpu.memory_space<vmem>> -> memref<1x32x20x64xf32, #tpu.memory_space<vmem>>
        %get3A_778 = tpu.memref_squeeze %get3A_777 : memref<1x32x20x64xf32, #tpu.memory_space<vmem>> -> memref<32x20x64xf32, #tpu.memory_space<vmem>>
        %get3A_779 = arith.index_cast %select_n3A_763 : i32 to index
        %get3A_780 = arith.index_cast %sub3A_766 : i32 to index
        %get3A_781 = arith.constant 0 : index
        %get3A_782 = tpu.vector_load %get3A_778[%get3A_779, %get3A_780, %get3A_781] {strides = array<i32>} : memref<32x20x64xf32, #tpu.memory_space<vmem>>, vector<16xf32>,
        %mul3A_783 = arith.mulf %get3A_773, %get3A_782 : vector<16xf32>
        %get3A_784 = arith.constant 0 : i32
        %get3A_785 = arith.constant 0 : i32
        %get3A_786 = tpu.memref_slice %arg12[%rem3A_44, %get3A_784, %get3A_785] : memref<2x32x64xf32, #tpu.memory_space<vmem>> -> memref<1x32x64xf32, #tpu.memory_space<vmem>>
        %get3A_787 = tpu.memref_squeeze %get3A_786 : memref<1x32x64xf32, #tpu.memory_space<vmem>> -> memref<32x64xf32, #tpu.memory_space<vmem>>
        %get3A_788 = arith.index_cast %select_n3A_763 : i32 to index
        %get3A_789 = arith.constant 16 : index
        %get3A_790 = tpu.vector_load %get3A_787[%get3A_788, %get3A_789] {strides = array<i32>} : memref<32x64xf32, #tpu.memory_space<vmem>>, vector<16xf32>,
        %get3A_791 = arith.constant 0 : i32
        %get3A_792 = arith.constant 0 : i32
        %get3A_793 = arith.constant 0 : i32
        %get3A_794 = tpu.memref_slice %arg14[%rem3A_44, %get3A_791, %get3A_792, %get3A_793] : memref<2x32x20x64xf32, #tpu.memory_space<vmem>> -> memref<1x32x20x64xf32, #tpu.memory_space<vmem>>
        %get3A_795 = tpu.memref_squeeze %get3A_794 : memref<1x32x20x64xf32, #tpu.memory_space<vmem>> -> memref<32x20x64xf32, #tpu.memory_space<vmem>>
        %get3A_796 = arith.index_cast %select_n3A_763 : i32 to index
        %get3A_797 = arith.index_cast %sub3A_766 : i32 to index
        %get3A_798 = arith.constant 16 : index
        %get3A_799 = tpu.vector_load %get3A_795[%get3A_796, %get3A_797, %get3A_798] {strides = array<i32>} : memref<32x20x64xf32, #tpu.memory_space<vmem>>, vector<16xf32>,
        %mul3A_800 = arith.mulf %get3A_790, %get3A_799 : vector<16xf32>
        %add3A_801 = arith.addf %mul3A_783, %mul3A_800 : vector<16xf32>
        %get3A_802 = arith.constant 0 : i32
        %get3A_803 = arith.constant 0 : i32
        %get3A_804 = tpu.memref_slice %arg12[%rem3A_44, %get3A_802, %get3A_803] : memref<2x32x64xf32, #tpu.memory_space<vmem>> -> memref<1x32x64xf32, #tpu.memory_space<vmem>>
        %get3A_805 = tpu.memref_squeeze %get3A_804 : memref<1x32x64xf32, #tpu.memory_space<vmem>> -> memref<32x64xf32, #tpu.memory_space<vmem>>
        %get3A_806 = arith.index_cast %select_n3A_763 : i32 to index
        %get3A_807 = arith.constant 32 : index
        %get3A_808 = tpu.vector_load %get3A_805[%get3A_806, %get3A_807] {strides = array<i32>} : memref<32x64xf32, #tpu.memory_space<vmem>>, vector<16xf32>,
        %get3A_809 = arith.constant 0 : i32
        %get3A_810 = arith.constant 0 : i32
        %get3A_811 = arith.constant 0 : i32
        %get3A_812 = tpu.memref_slice %arg14[%rem3A_44, %get3A_809, %get3A_810, %get3A_811] : memref<2x32x20x64xf32, #tpu.memory_space<vmem>> -> memref<1x32x20x64xf32, #tpu.memory_space<vmem>>
        %get3A_813 = tpu.memref_squeeze %get3A_812 : memref<1x32x20x64xf32, #tpu.memory_space<vmem>> -> memref<32x20x64xf32, #tpu.memory_space<vmem>>
        %get3A_814 = arith.index_cast %select_n3A_763 : i32 to index
        %get3A_815 = arith.index_cast %sub3A_766 : i32 to index
        %get3A_816 = arith.constant 32 : index
        %get3A_817 = tpu.vector_load %get3A_813[%get3A_814, %get3A_815, %get3A_816] {strides = array<i32>} : memref<32x20x64xf32, #tpu.memory_space<vmem>>, vector<16xf32>,
        %mul3A_818 = arith.mulf %get3A_808, %get3A_817 : vector<16xf32>
        %add3A_819 = arith.addf %add3A_801, %mul3A_818 : vector<16xf32>
        %get3A_820 = arith.constant 0 : i32
        %get3A_821 = arith.constant 0 : i32
        %get3A_822 = tpu.memref_slice %arg12[%rem3A_44, %get3A_820, %get3A_821] : memref<2x32x64xf32, #tpu.memory_space<vmem>> -> memref<1x32x64xf32, #tpu.memory_space<vmem>>
        %get3A_823 = tpu.memref_squeeze %get3A_822 : memref<1x32x64xf32, #tpu.memory_space<vmem>> -> memref<32x64xf32, #tpu.memory_space<vmem>>
        %get3A_824 = arith.index_cast %select_n3A_763 : i32 to index
        %get3A_825 = arith.constant 48 : index
        %get3A_826 = tpu.vector_load %get3A_823[%get3A_824, %get3A_825] {strides = array<i32>} : memref<32x64xf32, #tpu.memory_space<vmem>>, vector<16xf32>,
        %get3A_827 = arith.constant 0 : i32
        %get3A_828 = arith.constant 0 : i32
        %get3A_829 = arith.constant 0 : i32
        %get3A_830 = tpu.memref_slice %arg14[%rem3A_44, %get3A_827, %get3A_828, %get3A_829] : memref<2x32x20x64xf32, #tpu.memory_space<vmem>> -> memref<1x32x20x64xf32, #tpu.memory_space<vmem>>
        %get3A_831 = tpu.memref_squeeze %get3A_830 : memref<1x32x20x64xf32, #tpu.memory_space<vmem>> -> memref<32x20x64xf32, #tpu.memory_space<vmem>>
        %get3A_832 = arith.index_cast %select_n3A_763 : i32 to index
        %get3A_833 = arith.index_cast %sub3A_766 : i32 to index
        %get3A_834 = arith.constant 48 : index
        %get3A_835 = tpu.vector_load %get3A_831[%get3A_832, %get3A_833, %get3A_834] {strides = array<i32>} : memref<32x20x64xf32, #tpu.memory_space<vmem>>, vector<16xf32>,
        %mul3A_836 = arith.mulf %get3A_826, %get3A_835 : vector<16xf32>
        %add3A_837 = arith.addf %add3A_819, %mul3A_836 : vector<16xf32>
        %mul3A_838 = arith.constant 16 : i32
        %mul3A_839 = vector.broadcast %mul3A_838 : i32 to vector<16xi32>
        %mul3A_840 = arith.muli %iota3A, %mul3A_839 : vector<16xi32>
        %add3A_841 = arith.constant 6 : i32
        %add3A_842 = vector.broadcast %add3A_841 : i32 to vector<16xi32>
        %add3A_843 = arith.addi %mul3A_840, %add3A_842 : vector<16xi32>
        tpu.vector_store_idx %arg17[%add3A_843], %add3A_837 : memref<256xf32, #tpu.memory_space<vmem>>[vector<16xi32>], vector<16xf32>,
        %mul3A_844 = arith.constant 16 : i32
        %mul3A_845 = arith.muli %scan3A_94, %mul3A_844 : i32
        %add3A_846 = arith.constant 7 : i32
        %add3A_847 = arith.addi %mul3A_845, %add3A_846 : i32
        %jit3A_848 = arith.constant 20 : i32
        %div3A_849 = arith.divsi %add3A_847, %jit3A_848 : i32
        %sign3A_850 = arith.constant 0 : i32
        %sign3A_851 = arith.cmpi sgt, %add3A_847, %sign3A_850 : i32
        %sign3A_852 = arith.extui %sign3A_851 : i1 to i32
        %sign3A_853 = arith.constant 0 : i32
        %sign3A_854 = arith.cmpi slt, %add3A_847, %sign3A_853 : i32
        %sign3A_855 = arith.extui %sign3A_854 : i1 to i32
        %sign3A_856 = arith.subi %sign3A_852, %sign3A_855 : i32
        %sign3A_857 = arith.constant 0 : i32
        %sign3A_858 = arith.cmpi sgt, %jit3A_848, %sign3A_857 : i32
        %sign3A_859 = arith.extui %sign3A_858 : i1 to i32
        %sign3A_860 = arith.constant 0 : i32
        %sign3A_861 = arith.cmpi slt, %jit3A_848, %sign3A_860 : i32
        %sign3A_862 = arith.extui %sign3A_861 : i1 to i32
        %sign3A_863 = arith.subi %sign3A_859, %sign3A_862 : i32
        %ne3A_864 = arith.cmpi ne, %sign3A_856, %sign3A_863 : i32
        %rem3A_865 = arith.remsi %add3A_847, %jit3A_848 : i32
        %ne3A_866 = arith.constant 0 : i32
        %ne3A_867 = arith.cmpi ne, %rem3A_865, %ne3A_866 : i32
        %and3A_868 = arith.andi %ne3A_864, %ne3A_867 : i1
        %sub3A_869 = arith.constant 1 : i32
        %sub3A_870 = arith.subi %div3A_849, %sub3A_869 : i32
        %select_n3A_871 = arith.select %and3A_868, %sub3A_870, %div3A_849 : i32
        %mul3A_872 = arith.constant 20 : i32
        %mul3A_873 = arith.muli %select_n3A_871, %mul3A_872 : i32
        %sub3A_874 = arith.subi %add3A_847, %mul3A_873 : i32
        %get3A_875 = arith.constant 0 : i32
        %get3A_876 = arith.constant 0 : i32
        %get3A_877 = tpu.memref_slice %arg12[%rem3A_44, %get3A_875, %get3A_876] : memref<2x32x64xf32, #tpu.memory_space<vmem>> -> memref<1x32x64xf32, #tpu.memory_space<vmem>>
        %get3A_878 = tpu.memref_squeeze %get3A_877 : memref<1x32x64xf32, #tpu.memory_space<vmem>> -> memref<32x64xf32, #tpu.memory_space<vmem>>
        %get3A_879 = arith.index_cast %select_n3A_871 : i32 to index
        %get3A_880 = arith.constant 0 : index
        %get3A_881 = tpu.vector_load %get3A_878[%get3A_879, %get3A_880] {strides = array<i32>} : memref<32x64xf32, #tpu.memory_space<vmem>>, vector<16xf32>,
        %get3A_882 = arith.constant 0 : i32
        %get3A_883 = arith.constant 0 : i32
        %get3A_884 = arith.constant 0 : i32
        %get3A_885 = tpu.memref_slice %arg14[%rem3A_44, %get3A_882, %get3A_883, %get3A_884] : memref<2x32x20x64xf32, #tpu.memory_space<vmem>> -> memref<1x32x20x64xf32, #tpu.memory_space<vmem>>
        %get3A_886 = tpu.memref_squeeze %get3A_885 : memref<1x32x20x64xf32, #tpu.memory_space<vmem>> -> memref<32x20x64xf32, #tpu.memory_space<vmem>>
        %get3A_887 = arith.index_cast %select_n3A_871 : i32 to index
        %get3A_888 = arith.index_cast %sub3A_874 : i32 to index
        %get3A_889 = arith.constant 0 : index
        %get3A_890 = tpu.vector_load %get3A_886[%get3A_887, %get3A_888, %get3A_889] {strides = array<i32>} : memref<32x20x64xf32, #tpu.memory_space<vmem>>, vector<16xf32>,
        %mul3A_891 = arith.mulf %get3A_881, %get3A_890 : vector<16xf32>
        %get3A_892 = arith.constant 0 : i32
        %get3A_893 = arith.constant 0 : i32
        %get3A_894 = tpu.memref_slice %arg12[%rem3A_44, %get3A_892, %get3A_893] : memref<2x32x64xf32, #tpu.memory_space<vmem>> -> memref<1x32x64xf32, #tpu.memory_space<vmem>>
        %get3A_895 = tpu.memref_squeeze %get3A_894 : memref<1x32x64xf32, #tpu.memory_space<vmem>> -> memref<32x64xf32, #tpu.memory_space<vmem>>
        %get3A_896 = arith.index_cast %select_n3A_871 : i32 to index
        %get3A_897 = arith.constant 16 : index
        %get3A_898 = tpu.vector_load %get3A_895[%get3A_896, %get3A_897] {strides = array<i32>} : memref<32x64xf32, #tpu.memory_space<vmem>>, vector<16xf32>,
        %get3A_899 = arith.constant 0 : i32
        %get3A_900 = arith.constant 0 : i32
        %get3A_901 = arith.constant 0 : i32
        %get3A_902 = tpu.memref_slice %arg14[%rem3A_44, %get3A_899, %get3A_900, %get3A_901] : memref<2x32x20x64xf32, #tpu.memory_space<vmem>> -> memref<1x32x20x64xf32, #tpu.memory_space<vmem>>
        %get3A_903 = tpu.memref_squeeze %get3A_902 : memref<1x32x20x64xf32, #tpu.memory_space<vmem>> -> memref<32x20x64xf32, #tpu.memory_space<vmem>>
        %get3A_904 = arith.index_cast %select_n3A_871 : i32 to index
        %get3A_905 = arith.index_cast %sub3A_874 : i32 to index
        %get3A_906 = arith.constant 16 : index
        %get3A_907 = tpu.vector_load %get3A_903[%get3A_904, %get3A_905, %get3A_906] {strides = array<i32>} : memref<32x20x64xf32, #tpu.memory_space<vmem>>, vector<16xf32>,
        %mul3A_908 = arith.mulf %get3A_898, %get3A_907 : vector<16xf32>
        %add3A_909 = arith.addf %mul3A_891, %mul3A_908 : vector<16xf32>
        %get3A_910 = arith.constant 0 : i32
        %get3A_911 = arith.constant 0 : i32
        %get3A_912 = tpu.memref_slice %arg12[%rem3A_44, %get3A_910, %get3A_911] : memref<2x32x64xf32, #tpu.memory_space<vmem>> -> memref<1x32x64xf32, #tpu.memory_space<vmem>>
        %get3A_913 = tpu.memref_squeeze %get3A_912 : memref<1x32x64xf32, #tpu.memory_space<vmem>> -> memref<32x64xf32, #tpu.memory_space<vmem>>
        %get3A_914 = arith.index_cast %select_n3A_871 : i32 to index
        %get3A_915 = arith.constant 32 : index
        %get3A_916 = tpu.vector_load %get3A_913[%get3A_914, %get3A_915] {strides = array<i32>} : memref<32x64xf32, #tpu.memory_space<vmem>>, vector<16xf32>,
        %get3A_917 = arith.constant 0 : i32
        %get3A_918 = arith.constant 0 : i32
        %get3A_919 = arith.constant 0 : i32
        %get3A_920 = tpu.memref_slice %arg14[%rem3A_44, %get3A_917, %get3A_918, %get3A_919] : memref<2x32x20x64xf32, #tpu.memory_space<vmem>> -> memref<1x32x20x64xf32, #tpu.memory_space<vmem>>
        %get3A_921 = tpu.memref_squeeze %get3A_920 : memref<1x32x20x64xf32, #tpu.memory_space<vmem>> -> memref<32x20x64xf32, #tpu.memory_space<vmem>>
        %get3A_922 = arith.index_cast %select_n3A_871 : i32 to index
        %get3A_923 = arith.index_cast %sub3A_874 : i32 to index
        %get3A_924 = arith.constant 32 : index
        %get3A_925 = tpu.vector_load %get3A_921[%get3A_922, %get3A_923, %get3A_924] {strides = array<i32>} : memref<32x20x64xf32, #tpu.memory_space<vmem>>, vector<16xf32>,
        %mul3A_926 = arith.mulf %get3A_916, %get3A_925 : vector<16xf32>
        %add3A_927 = arith.addf %add3A_909, %mul3A_926 : vector<16xf32>
        %get3A_928 = arith.constant 0 : i32
        %get3A_929 = arith.constant 0 : i32
        %get3A_930 = tpu.memref_slice %arg12[%rem3A_44, %get3A_928, %get3A_929] : memref<2x32x64xf32, #tpu.memory_space<vmem>> -> memref<1x32x64xf32, #tpu.memory_space<vmem>>
        %get3A_931 = tpu.memref_squeeze %get3A_930 : memref<1x32x64xf32, #tpu.memory_space<vmem>> -> memref<32x64xf32, #tpu.memory_space<vmem>>
        %get3A_932 = arith.index_cast %select_n3A_871 : i32 to index
        %get3A_933 = arith.constant 48 : index
        %get3A_934 = tpu.vector_load %get3A_931[%get3A_932, %get3A_933] {strides = array<i32>} : memref<32x64xf32, #tpu.memory_space<vmem>>, vector<16xf32>,
        %get3A_935 = arith.constant 0 : i32
        %get3A_936 = arith.constant 0 : i32
        %get3A_937 = arith.constant 0 : i32
        %get3A_938 = tpu.memref_slice %arg14[%rem3A_44, %get3A_935, %get3A_936, %get3A_937] : memref<2x32x20x64xf32, #tpu.memory_space<vmem>> -> memref<1x32x20x64xf32, #tpu.memory_space<vmem>>
        %get3A_939 = tpu.memref_squeeze %get3A_938 : memref<1x32x20x64xf32, #tpu.memory_space<vmem>> -> memref<32x20x64xf32, #tpu.memory_space<vmem>>
        %get3A_940 = arith.index_cast %select_n3A_871 : i32 to index
        %get3A_941 = arith.index_cast %sub3A_874 : i32 to index
        %get3A_942 = arith.constant 48 : index
        %get3A_943 = tpu.vector_load %get3A_939[%get3A_940, %get3A_941, %get3A_942] {strides = array<i32>} : memref<32x20x64xf32, #tpu.memory_space<vmem>>, vector<16xf32>,
        %mul3A_944 = arith.mulf %get3A_934, %get3A_943 : vector<16xf32>
        %add3A_945 = arith.addf %add3A_927, %mul3A_944 : vector<16xf32>
        %mul3A_946 = arith.constant 16 : i32
        %mul3A_947 = vector.broadcast %mul3A_946 : i32 to vector<16xi32>
        %mul3A_948 = arith.muli %iota3A, %mul3A_947 : vector<16xi32>
        %add3A_949 = arith.constant 7 : i32
        %add3A_950 = vector.broadcast %add3A_949 : i32 to vector<16xi32>
        %add3A_951 = arith.addi %mul3A_948, %add3A_950 : vector<16xi32>
        tpu.vector_store_idx %arg17[%add3A_951], %add3A_945 : memref<256xf32, #tpu.memory_space<vmem>>[vector<16xi32>], vector<16xf32>,
        %mul3A_952 = arith.constant 16 : i32
        %mul3A_953 = arith.muli %scan3A_94, %mul3A_952 : i32
        %add3A_954 = arith.constant 8 : i32
        %add3A_955 = arith.addi %mul3A_953, %add3A_954 : i32
        %jit3A_956 = arith.constant 20 : i32
        %div3A_957 = arith.divsi %add3A_955, %jit3A_956 : i32
        %sign3A_958 = arith.constant 0 : i32
        %sign3A_959 = arith.cmpi sgt, %add3A_955, %sign3A_958 : i32
        %sign3A_960 = arith.extui %sign3A_959 : i1 to i32
        %sign3A_961 = arith.constant 0 : i32
        %sign3A_962 = arith.cmpi slt, %add3A_955, %sign3A_961 : i32
        %sign3A_963 = arith.extui %sign3A_962 : i1 to i32
        %sign3A_964 = arith.subi %sign3A_960, %sign3A_963 : i32
        %sign3A_965 = arith.constant 0 : i32
        %sign3A_966 = arith.cmpi sgt, %jit3A_956, %sign3A_965 : i32
        %sign3A_967 = arith.extui %sign3A_966 : i1 to i32
        %sign3A_968 = arith.constant 0 : i32
        %sign3A_969 = arith.cmpi slt, %jit3A_956, %sign3A_968 : i32
        %sign3A_970 = arith.extui %sign3A_969 : i1 to i32
        %sign3A_971 = arith.subi %sign3A_967, %sign3A_970 : i32
        %ne3A_972 = arith.cmpi ne, %sign3A_964, %sign3A_971 : i32
        %rem3A_973 = arith.remsi %add3A_955, %jit3A_956 : i32
        %ne3A_974 = arith.constant 0 : i32
        %ne3A_975 = arith.cmpi ne, %rem3A_973, %ne3A_974 : i32
        %and3A_976 = arith.andi %ne3A_972, %ne3A_975 : i1
        %sub3A_977 = arith.constant 1 : i32
        %sub3A_978 = arith.subi %div3A_957, %sub3A_977 : i32
        %select_n3A_979 = arith.select %and3A_976, %sub3A_978, %div3A_957 : i32
        %mul3A_980 = arith.constant 20 : i32
        %mul3A_981 = arith.muli %select_n3A_979, %mul3A_980 : i32
        %sub3A_982 = arith.subi %add3A_955, %mul3A_981 : i32
        %get3A_983 = arith.constant 0 : i32
        %get3A_984 = arith.constant 0 : i32
        %get3A_985 = tpu.memref_slice %arg12[%rem3A_44, %get3A_983, %get3A_984] : memref<2x32x64xf32, #tpu.memory_space<vmem>> -> memref<1x32x64xf32, #tpu.memory_space<vmem>>
        %get3A_986 = tpu.memref_squeeze %get3A_985 : memref<1x32x64xf32, #tpu.memory_space<vmem>> -> memref<32x64xf32, #tpu.memory_space<vmem>>
        %get3A_987 = arith.index_cast %select_n3A_979 : i32 to index
        %get3A_988 = arith.constant 0 : index
        %get3A_989 = tpu.vector_load %get3A_986[%get3A_987, %get3A_988] {strides = array<i32>} : memref<32x64xf32, #tpu.memory_space<vmem>>, vector<16xf32>,
        %get3A_990 = arith.constant 0 : i32
        %get3A_991 = arith.constant 0 : i32
        %get3A_992 = arith.constant 0 : i32
        %get3A_993 = tpu.memref_slice %arg14[%rem3A_44, %get3A_990, %get3A_991, %get3A_992] : memref<2x32x20x64xf32, #tpu.memory_space<vmem>> -> memref<1x32x20x64xf32, #tpu.memory_space<vmem>>
        %get3A_994 = tpu.memref_squeeze %get3A_993 : memref<1x32x20x64xf32, #tpu.memory_space<vmem>> -> memref<32x20x64xf32, #tpu.memory_space<vmem>>
        %get3A_995 = arith.index_cast %select_n3A_979 : i32 to index
        %get3A_996 = arith.index_cast %sub3A_982 : i32 to index
        %get3A_997 = arith.constant 0 : index
        %get3A_998 = tpu.vector_load %get3A_994[%get3A_995, %get3A_996, %get3A_997] {strides = array<i32>} : memref<32x20x64xf32, #tpu.memory_space<vmem>>, vector<16xf32>,
        %mul3A_999 = arith.mulf %get3A_989, %get3A_998 : vector<16xf32>
        %get3A_1000 = arith.constant 0 : i32
        %get3A_1001 = arith.constant 0 : i32
        %get3A_1002 = tpu.memref_slice %arg12[%rem3A_44, %get3A_1000, %get3A_1001] : memref<2x32x64xf32, #tpu.memory_space<vmem>> -> memref<1x32x64xf32, #tpu.memory_space<vmem>>
        %get3A_1003 = tpu.memref_squeeze %get3A_1002 : memref<1x32x64xf32, #tpu.memory_space<vmem>> -> memref<32x64xf32, #tpu.memory_space<vmem>>
        %get3A_1004 = arith.index_cast %select_n3A_979 : i32 to index
        %get3A_1005 = arith.constant 16 : index
        %get3A_1006 = tpu.vector_load %get3A_1003[%get3A_1004, %get3A_1005] {strides = array<i32>} : memref<32x64xf32, #tpu.memory_space<vmem>>, vector<16xf32>,
        %get3A_1007 = arith.constant 0 : i32
        %get3A_1008 = arith.constant 0 : i32
        %get3A_1009 = arith.constant 0 : i32
        %get3A_1010 = tpu.memref_slice %arg14[%rem3A_44, %get3A_1007, %get3A_1008, %get3A_1009] : memref<2x32x20x64xf32, #tpu.memory_space<vmem>> -> memref<1x32x20x64xf32, #tpu.memory_space<vmem>>
        %get3A_1011 = tpu.memref_squeeze %get3A_1010 : memref<1x32x20x64xf32, #tpu.memory_space<vmem>> -> memref<32x20x64xf32, #tpu.memory_space<vmem>>
        %get3A_1012 = arith.index_cast %select_n3A_979 : i32 to index
        %get3A_1013 = arith.index_cast %sub3A_982 : i32 to index
        %get3A_1014 = arith.constant 16 : index
        %get3A_1015 = tpu.vector_load %get3A_1011[%get3A_1012, %get3A_1013, %get3A_1014] {strides = array<i32>} : memref<32x20x64xf32, #tpu.memory_space<vmem>>, vector<16xf32>,
        %mul3A_1016 = arith.mulf %get3A_1006, %get3A_1015 : vector<16xf32>
        %add3A_1017 = arith.addf %mul3A_999, %mul3A_1016 : vector<16xf32>
        %get3A_1018 = arith.constant 0 : i32
        %get3A_1019 = arith.constant 0 : i32
        %get3A_1020 = tpu.memref_slice %arg12[%rem3A_44, %get3A_1018, %get3A_1019] : memref<2x32x64xf32, #tpu.memory_space<vmem>> -> memref<1x32x64xf32, #tpu.memory_space<vmem>>
        %get3A_1021 = tpu.memref_squeeze %get3A_1020 : memref<1x32x64xf32, #tpu.memory_space<vmem>> -> memref<32x64xf32, #tpu.memory_space<vmem>>
        %get3A_1022 = arith.index_cast %select_n3A_979 : i32 to index
        %get3A_1023 = arith.constant 32 : index
        %get3A_1024 = tpu.vector_load %get3A_1021[%get3A_1022, %get3A_1023] {strides = array<i32>} : memref<32x64xf32, #tpu.memory_space<vmem>>, vector<16xf32>,
        %get3A_1025 = arith.constant 0 : i32
        %get3A_1026 = arith.constant 0 : i32
        %get3A_1027 = arith.constant 0 : i32
        %get3A_1028 = tpu.memref_slice %arg14[%rem3A_44, %get3A_1025, %get3A_1026, %get3A_1027] : memref<2x32x20x64xf32, #tpu.memory_space<vmem>> -> memref<1x32x20x64xf32, #tpu.memory_space<vmem>>
        %get3A_1029 = tpu.memref_squeeze %get3A_1028 : memref<1x32x20x64xf32, #tpu.memory_space<vmem>> -> memref<32x20x64xf32, #tpu.memory_space<vmem>>
        %get3A_1030 = arith.index_cast %select_n3A_979 : i32 to index
        %get3A_1031 = arith.index_cast %sub3A_982 : i32 to index
        %get3A_1032 = arith.constant 32 : index
        %get3A_1033 = tpu.vector_load %get3A_1029[%get3A_1030, %get3A_1031, %get3A_1032] {strides = array<i32>} : memref<32x20x64xf32, #tpu.memory_space<vmem>>, vector<16xf32>,
        %mul3A_1034 = arith.mulf %get3A_1024, %get3A_1033 : vector<16xf32>
        %add3A_1035 = arith.addf %add3A_1017, %mul3A_1034 : vector<16xf32>
        %get3A_1036 = arith.constant 0 : i32
        %get3A_1037 = arith.constant 0 : i32
        %get3A_1038 = tpu.memref_slice %arg12[%rem3A_44, %get3A_1036, %get3A_1037] : memref<2x32x64xf32, #tpu.memory_space<vmem>> -> memref<1x32x64xf32, #tpu.memory_space<vmem>>
        %get3A_1039 = tpu.memref_squeeze %get3A_1038 : memref<1x32x64xf32, #tpu.memory_space<vmem>> -> memref<32x64xf32, #tpu.memory_space<vmem>>
        %get3A_1040 = arith.index_cast %select_n3A_979 : i32 to index
        %get3A_1041 = arith.constant 48 : index
        %get3A_1042 = tpu.vector_load %get3A_1039[%get3A_1040, %get3A_1041] {strides = array<i32>} : memref<32x64xf32, #tpu.memory_space<vmem>>, vector<16xf32>,
        %get3A_1043 = arith.constant 0 : i32
        %get3A_1044 = arith.constant 0 : i32
        %get3A_1045 = arith.constant 0 : i32
        %get3A_1046 = tpu.memref_slice %arg14[%rem3A_44, %get3A_1043, %get3A_1044, %get3A_1045] : memref<2x32x20x64xf32, #tpu.memory_space<vmem>> -> memref<1x32x20x64xf32, #tpu.memory_space<vmem>>
        %get3A_1047 = tpu.memref_squeeze %get3A_1046 : memref<1x32x20x64xf32, #tpu.memory_space<vmem>> -> memref<32x20x64xf32, #tpu.memory_space<vmem>>
        %get3A_1048 = arith.index_cast %select_n3A_979 : i32 to index
        %get3A_1049 = arith.index_cast %sub3A_982 : i32 to index
        %get3A_1050 = arith.constant 48 : index
        %get3A_1051 = tpu.vector_load %get3A_1047[%get3A_1048, %get3A_1049, %get3A_1050] {strides = array<i32>} : memref<32x20x64xf32, #tpu.memory_space<vmem>>, vector<16xf32>,
        %mul3A_1052 = arith.mulf %get3A_1042, %get3A_1051 : vector<16xf32>
        %add3A_1053 = arith.addf %add3A_1035, %mul3A_1052 : vector<16xf32>
        %mul3A_1054 = arith.constant 16 : i32
        %mul3A_1055 = vector.broadcast %mul3A_1054 : i32 to vector<16xi32>
        %mul3A_1056 = arith.muli %iota3A, %mul3A_1055 : vector<16xi32>
        %add3A_1057 = arith.constant 8 : i32
        %add3A_1058 = vector.broadcast %add3A_1057 : i32 to vector<16xi32>
        %add3A_1059 = arith.addi %mul3A_1056, %add3A_1058 : vector<16xi32>
        tpu.vector_store_idx %arg17[%add3A_1059], %add3A_1053 : memref<256xf32, #tpu.memory_space<vmem>>[vector<16xi32>], vector<16xf32>,
        %mul3A_1060 = arith.constant 16 : i32
        %mul3A_1061 = arith.muli %scan3A_94, %mul3A_1060 : i32
        %add3A_1062 = arith.constant 9 : i32
        %add3A_1063 = arith.addi %mul3A_1061, %add3A_1062 : i32
        %jit3A_1064 = arith.constant 20 : i32
        %div3A_1065 = arith.divsi %add3A_1063, %jit3A_1064 : i32
        %sign3A_1066 = arith.constant 0 : i32
        %sign3A_1067 = arith.cmpi sgt, %add3A_1063, %sign3A_1066 : i32
        %sign3A_1068 = arith.extui %sign3A_1067 : i1 to i32
        %sign3A_1069 = arith.constant 0 : i32
        %sign3A_1070 = arith.cmpi slt, %add3A_1063, %sign3A_1069 : i32
        %sign3A_1071 = arith.extui %sign3A_1070 : i1 to i32
        %sign3A_1072 = arith.subi %sign3A_1068, %sign3A_1071 : i32
        %sign3A_1073 = arith.constant 0 : i32
        %sign3A_1074 = arith.cmpi sgt, %jit3A_1064, %sign3A_1073 : i32
        %sign3A_1075 = arith.extui %sign3A_1074 : i1 to i32
        %sign3A_1076 = arith.constant 0 : i32
        %sign3A_1077 = arith.cmpi slt, %jit3A_1064, %sign3A_1076 : i32
        %sign3A_1078 = arith.extui %sign3A_1077 : i1 to i32
        %sign3A_1079 = arith.subi %sign3A_1075, %sign3A_1078 : i32
        %ne3A_1080 = arith.cmpi ne, %sign3A_1072, %sign3A_1079 : i32
        %rem3A_1081 = arith.remsi %add3A_1063, %jit3A_1064 : i32
        %ne3A_1082 = arith.constant 0 : i32
        %ne3A_1083 = arith.cmpi ne, %rem3A_1081, %ne3A_1082 : i32
        %and3A_1084 = arith.andi %ne3A_1080, %ne3A_1083 : i1
        %sub3A_1085 = arith.constant 1 : i32
        %sub3A_1086 = arith.subi %div3A_1065, %sub3A_1085 : i32
        %select_n3A_1087 = arith.select %and3A_1084, %sub3A_1086, %div3A_1065 : i32
        %mul3A_1088 = arith.constant 20 : i32
        %mul3A_1089 = arith.muli %select_n3A_1087, %mul3A_1088 : i32
        %sub3A_1090 = arith.subi %add3A_1063, %mul3A_1089 : i32
        %get3A_1091 = arith.constant 0 : i32
        %get3A_1092 = arith.constant 0 : i32
        %get3A_1093 = tpu.memref_slice %arg12[%rem3A_44, %get3A_1091, %get3A_1092] : memref<2x32x64xf32, #tpu.memory_space<vmem>> -> memref<1x32x64xf32, #tpu.memory_space<vmem>>
        %get3A_1094 = tpu.memref_squeeze %get3A_1093 : memref<1x32x64xf32, #tpu.memory_space<vmem>> -> memref<32x64xf32, #tpu.memory_space<vmem>>
        %get3A_1095 = arith.index_cast %select_n3A_1087 : i32 to index
        %get3A_1096 = arith.constant 0 : index
        %get3A_1097 = tpu.vector_load %get3A_1094[%get3A_1095, %get3A_1096] {strides = array<i32>} : memref<32x64xf32, #tpu.memory_space<vmem>>, vector<16xf32>,
        %get3A_1098 = arith.constant 0 : i32
        %get3A_1099 = arith.constant 0 : i32
        %get3A_1100 = arith.constant 0 : i32
        %get3A_1101 = tpu.memref_slice %arg14[%rem3A_44, %get3A_1098, %get3A_1099, %get3A_1100] : memref<2x32x20x64xf32, #tpu.memory_space<vmem>> -> memref<1x32x20x64xf32, #tpu.memory_space<vmem>>
        %get3A_1102 = tpu.memref_squeeze %get3A_1101 : memref<1x32x20x64xf32, #tpu.memory_space<vmem>> -> memref<32x20x64xf32, #tpu.memory_space<vmem>>
        %get3A_1103 = arith.index_cast %select_n3A_1087 : i32 to index
        %get3A_1104 = arith.index_cast %sub3A_1090 : i32 to index
        %get3A_1105 = arith.constant 0 : index
        %get3A_1106 = tpu.vector_load %get3A_1102[%get3A_1103, %get3A_1104, %get3A_1105] {strides = array<i32>} : memref<32x20x64xf32, #tpu.memory_space<vmem>>, vector<16xf32>,
        %mul3A_1107 = arith.mulf %get3A_1097, %get3A_1106 : vector<16xf32>
        %get3A_1108 = arith.constant 0 : i32
        %get3A_1109 = arith.constant 0 : i32
        %get3A_1110 = tpu.memref_slice %arg12[%rem3A_44, %get3A_1108, %get3A_1109] : memref<2x32x64xf32, #tpu.memory_space<vmem>> -> memref<1x32x64xf32, #tpu.memory_space<vmem>>
        %get3A_1111 = tpu.memref_squeeze %get3A_1110 : memref<1x32x64xf32, #tpu.memory_space<vmem>> -> memref<32x64xf32, #tpu.memory_space<vmem>>
        %get3A_1112 = arith.index_cast %select_n3A_1087 : i32 to index
        %get3A_1113 = arith.constant 16 : index
        %get3A_1114 = tpu.vector_load %get3A_1111[%get3A_1112, %get3A_1113] {strides = array<i32>} : memref<32x64xf32, #tpu.memory_space<vmem>>, vector<16xf32>,
        %get3A_1115 = arith.constant 0 : i32
        %get3A_1116 = arith.constant 0 : i32
        %get3A_1117 = arith.constant 0 : i32
        %get3A_1118 = tpu.memref_slice %arg14[%rem3A_44, %get3A_1115, %get3A_1116, %get3A_1117] : memref<2x32x20x64xf32, #tpu.memory_space<vmem>> -> memref<1x32x20x64xf32, #tpu.memory_space<vmem>>
        %get3A_1119 = tpu.memref_squeeze %get3A_1118 : memref<1x32x20x64xf32, #tpu.memory_space<vmem>> -> memref<32x20x64xf32, #tpu.memory_space<vmem>>
        %get3A_1120 = arith.index_cast %select_n3A_1087 : i32 to index
        %get3A_1121 = arith.index_cast %sub3A_1090 : i32 to index
        %get3A_1122 = arith.constant 16 : index
        %get3A_1123 = tpu.vector_load %get3A_1119[%get3A_1120, %get3A_1121, %get3A_1122] {strides = array<i32>} : memref<32x20x64xf32, #tpu.memory_space<vmem>>, vector<16xf32>,
        %mul3A_1124 = arith.mulf %get3A_1114, %get3A_1123 : vector<16xf32>
        %add3A_1125 = arith.addf %mul3A_1107, %mul3A_1124 : vector<16xf32>
        %get3A_1126 = arith.constant 0 : i32
        %get3A_1127 = arith.constant 0 : i32
        %get3A_1128 = tpu.memref_slice %arg12[%rem3A_44, %get3A_1126, %get3A_1127] : memref<2x32x64xf32, #tpu.memory_space<vmem>> -> memref<1x32x64xf32, #tpu.memory_space<vmem>>
        %get3A_1129 = tpu.memref_squeeze %get3A_1128 : memref<1x32x64xf32, #tpu.memory_space<vmem>> -> memref<32x64xf32, #tpu.memory_space<vmem>>
        %get3A_1130 = arith.index_cast %select_n3A_1087 : i32 to index
        %get3A_1131 = arith.constant 32 : index
        %get3A_1132 = tpu.vector_load %get3A_1129[%get3A_1130, %get3A_1131] {strides = array<i32>} : memref<32x64xf32, #tpu.memory_space<vmem>>, vector<16xf32>,
        %get3A_1133 = arith.constant 0 : i32
        %get3A_1134 = arith.constant 0 : i32
        %get3A_1135 = arith.constant 0 : i32
        %get3A_1136 = tpu.memref_slice %arg14[%rem3A_44, %get3A_1133, %get3A_1134, %get3A_1135] : memref<2x32x20x64xf32, #tpu.memory_space<vmem>> -> memref<1x32x20x64xf32, #tpu.memory_space<vmem>>
        %get3A_1137 = tpu.memref_squeeze %get3A_1136 : memref<1x32x20x64xf32, #tpu.memory_space<vmem>> -> memref<32x20x64xf32, #tpu.memory_space<vmem>>
        %get3A_1138 = arith.index_cast %select_n3A_1087 : i32 to index
        %get3A_1139 = arith.index_cast %sub3A_1090 : i32 to index
        %get3A_1140 = arith.constant 32 : index
        %get3A_1141 = tpu.vector_load %get3A_1137[%get3A_1138, %get3A_1139, %get3A_1140] {strides = array<i32>} : memref<32x20x64xf32, #tpu.memory_space<vmem>>, vector<16xf32>,
        %mul3A_1142 = arith.mulf %get3A_1132, %get3A_1141 : vector<16xf32>
        %add3A_1143 = arith.addf %add3A_1125, %mul3A_1142 : vector<16xf32>
        %get3A_1144 = arith.constant 0 : i32
        %get3A_1145 = arith.constant 0 : i32
        %get3A_1146 = tpu.memref_slice %arg12[%rem3A_44, %get3A_1144, %get3A_1145] : memref<2x32x64xf32, #tpu.memory_space<vmem>> -> memref<1x32x64xf32, #tpu.memory_space<vmem>>
        %get3A_1147 = tpu.memref_squeeze %get3A_1146 : memref<1x32x64xf32, #tpu.memory_space<vmem>> -> memref<32x64xf32, #tpu.memory_space<vmem>>
        %get3A_1148 = arith.index_cast %select_n3A_1087 : i32 to index
        %get3A_1149 = arith.constant 48 : index
        %get3A_1150 = tpu.vector_load %get3A_1147[%get3A_1148, %get3A_1149] {strides = array<i32>} : memref<32x64xf32, #tpu.memory_space<vmem>>, vector<16xf32>,
        %get3A_1151 = arith.constant 0 : i32
        %get3A_1152 = arith.constant 0 : i32
        %get3A_1153 = arith.constant 0 : i32
        %get3A_1154 = tpu.memref_slice %arg14[%rem3A_44, %get3A_1151, %get3A_1152, %get3A_1153] : memref<2x32x20x64xf32, #tpu.memory_space<vmem>> -> memref<1x32x20x64xf32, #tpu.memory_space<vmem>>
        %get3A_1155 = tpu.memref_squeeze %get3A_1154 : memref<1x32x20x64xf32, #tpu.memory_space<vmem>> -> memref<32x20x64xf32, #tpu.memory_space<vmem>>
        %get3A_1156 = arith.index_cast %select_n3A_1087 : i32 to index
        %get3A_1157 = arith.index_cast %sub3A_1090 : i32 to index
        %get3A_1158 = arith.constant 48 : index
        %get3A_1159 = tpu.vector_load %get3A_1155[%get3A_1156, %get3A_1157, %get3A_1158] {strides = array<i32>} : memref<32x20x64xf32, #tpu.memory_space<vmem>>, vector<16xf32>,
        %mul3A_1160 = arith.mulf %get3A_1150, %get3A_1159 : vector<16xf32>
        %add3A_1161 = arith.addf %add3A_1143, %mul3A_1160 : vector<16xf32>
        %mul3A_1162 = arith.constant 16 : i32
        %mul3A_1163 = vector.broadcast %mul3A_1162 : i32 to vector<16xi32>
        %mul3A_1164 = arith.muli %iota3A, %mul3A_1163 : vector<16xi32>
        %add3A_1165 = arith.constant 9 : i32
        %add3A_1166 = vector.broadcast %add3A_1165 : i32 to vector<16xi32>
        %add3A_1167 = arith.addi %mul3A_1164, %add3A_1166 : vector<16xi32>
        tpu.vector_store_idx %arg17[%add3A_1167], %add3A_1161 : memref<256xf32, #tpu.memory_space<vmem>>[vector<16xi32>], vector<16xf32>,
        %mul3A_1168 = arith.constant 16 : i32
        %mul3A_1169 = arith.muli %scan3A_94, %mul3A_1168 : i32
        %add3A_1170 = arith.constant 10 : i32
        %add3A_1171 = arith.addi %mul3A_1169, %add3A_1170 : i32
        %jit3A_1172 = arith.constant 20 : i32
        %div3A_1173 = arith.divsi %add3A_1171, %jit3A_1172 : i32
        %sign3A_1174 = arith.constant 0 : i32
        %sign3A_1175 = arith.cmpi sgt, %add3A_1171, %sign3A_1174 : i32
        %sign3A_1176 = arith.extui %sign3A_1175 : i1 to i32
        %sign3A_1177 = arith.constant 0 : i32
        %sign3A_1178 = arith.cmpi slt, %add3A_1171, %sign3A_1177 : i32
        %sign3A_1179 = arith.extui %sign3A_1178 : i1 to i32
        %sign3A_1180 = arith.subi %sign3A_1176, %sign3A_1179 : i32
        %sign3A_1181 = arith.constant 0 : i32
        %sign3A_1182 = arith.cmpi sgt, %jit3A_1172, %sign3A_1181 : i32
        %sign3A_1183 = arith.extui %sign3A_1182 : i1 to i32
        %sign3A_1184 = arith.constant 0 : i32
        %sign3A_1185 = arith.cmpi slt, %jit3A_1172, %sign3A_1184 : i32
        %sign3A_1186 = arith.extui %sign3A_1185 : i1 to i32
        %sign3A_1187 = arith.subi %sign3A_1183, %sign3A_1186 : i32
        %ne3A_1188 = arith.cmpi ne, %sign3A_1180, %sign3A_1187 : i32
        %rem3A_1189 = arith.remsi %add3A_1171, %jit3A_1172 : i32
        %ne3A_1190 = arith.constant 0 : i32
        %ne3A_1191 = arith.cmpi ne, %rem3A_1189, %ne3A_1190 : i32
        %and3A_1192 = arith.andi %ne3A_1188, %ne3A_1191 : i1
        %sub3A_1193 = arith.constant 1 : i32
        %sub3A_1194 = arith.subi %div3A_1173, %sub3A_1193 : i32
        %select_n3A_1195 = arith.select %and3A_1192, %sub3A_1194, %div3A_1173 : i32
        %mul3A_1196 = arith.constant 20 : i32
        %mul3A_1197 = arith.muli %select_n3A_1195, %mul3A_1196 : i32
        %sub3A_1198 = arith.subi %add3A_1171, %mul3A_1197 : i32
        %get3A_1199 = arith.constant 0 : i32
        %get3A_1200 = arith.constant 0 : i32
        %get3A_1201 = tpu.memref_slice %arg12[%rem3A_44, %get3A_1199, %get3A_1200] : memref<2x32x64xf32, #tpu.memory_space<vmem>> -> memref<1x32x64xf32, #tpu.memory_space<vmem>>
        %get3A_1202 = tpu.memref_squeeze %get3A_1201 : memref<1x32x64xf32, #tpu.memory_space<vmem>> -> memref<32x64xf32, #tpu.memory_space<vmem>>
        %get3A_1203 = arith.index_cast %select_n3A_1195 : i32 to index
        %get3A_1204 = arith.constant 0 : index
        %get3A_1205 = tpu.vector_load %get3A_1202[%get3A_1203, %get3A_1204] {strides = array<i32>} : memref<32x64xf32, #tpu.memory_space<vmem>>, vector<16xf32>,
        %get3A_1206 = arith.constant 0 : i32
        %get3A_1207 = arith.constant 0 : i32
        %get3A_1208 = arith.constant 0 : i32
        %get3A_1209 = tpu.memref_slice %arg14[%rem3A_44, %get3A_1206, %get3A_1207, %get3A_1208] : memref<2x32x20x64xf32, #tpu.memory_space<vmem>> -> memref<1x32x20x64xf32, #tpu.memory_space<vmem>>
        %get3A_1210 = tpu.memref_squeeze %get3A_1209 : memref<1x32x20x64xf32, #tpu.memory_space<vmem>> -> memref<32x20x64xf32, #tpu.memory_space<vmem>>
        %get3A_1211 = arith.index_cast %select_n3A_1195 : i32 to index
        %get3A_1212 = arith.index_cast %sub3A_1198 : i32 to index
        %get3A_1213 = arith.constant 0 : index
        %get3A_1214 = tpu.vector_load %get3A_1210[%get3A_1211, %get3A_1212, %get3A_1213] {strides = array<i32>} : memref<32x20x64xf32, #tpu.memory_space<vmem>>, vector<16xf32>,
        %mul3A_1215 = arith.mulf %get3A_1205, %get3A_1214 : vector<16xf32>
        %get3A_1216 = arith.constant 0 : i32
        %get3A_1217 = arith.constant 0 : i32
        %get3A_1218 = tpu.memref_slice %arg12[%rem3A_44, %get3A_1216, %get3A_1217] : memref<2x32x64xf32, #tpu.memory_space<vmem>> -> memref<1x32x64xf32, #tpu.memory_space<vmem>>
        %get3A_1219 = tpu.memref_squeeze %get3A_1218 : memref<1x32x64xf32, #tpu.memory_space<vmem>> -> memref<32x64xf32, #tpu.memory_space<vmem>>
        %get3A_1220 = arith.index_cast %select_n3A_1195 : i32 to index
        %get3A_1221 = arith.constant 16 : index
        %get3A_1222 = tpu.vector_load %get3A_1219[%get3A_1220, %get3A_1221] {strides = array<i32>} : memref<32x64xf32, #tpu.memory_space<vmem>>, vector<16xf32>,
        %get3A_1223 = arith.constant 0 : i32
        %get3A_1224 = arith.constant 0 : i32
        %get3A_1225 = arith.constant 0 : i32
        %get3A_1226 = tpu.memref_slice %arg14[%rem3A_44, %get3A_1223, %get3A_1224, %get3A_1225] : memref<2x32x20x64xf32, #tpu.memory_space<vmem>> -> memref<1x32x20x64xf32, #tpu.memory_space<vmem>>
        %get3A_1227 = tpu.memref_squeeze %get3A_1226 : memref<1x32x20x64xf32, #tpu.memory_space<vmem>> -> memref<32x20x64xf32, #tpu.memory_space<vmem>>
        %get3A_1228 = arith.index_cast %select_n3A_1195 : i32 to index
        %get3A_1229 = arith.index_cast %sub3A_1198 : i32 to index
        %get3A_1230 = arith.constant 16 : index
        %get3A_1231 = tpu.vector_load %get3A_1227[%get3A_1228, %get3A_1229, %get3A_1230] {strides = array<i32>} : memref<32x20x64xf32, #tpu.memory_space<vmem>>, vector<16xf32>,
        %mul3A_1232 = arith.mulf %get3A_1222, %get3A_1231 : vector<16xf32>
        %add3A_1233 = arith.addf %mul3A_1215, %mul3A_1232 : vector<16xf32>
        %get3A_1234 = arith.constant 0 : i32
        %get3A_1235 = arith.constant 0 : i32
        %get3A_1236 = tpu.memref_slice %arg12[%rem3A_44, %get3A_1234, %get3A_1235] : memref<2x32x64xf32, #tpu.memory_space<vmem>> -> memref<1x32x64xf32, #tpu.memory_space<vmem>>
        %get3A_1237 = tpu.memref_squeeze %get3A_1236 : memref<1x32x64xf32, #tpu.memory_space<vmem>> -> memref<32x64xf32, #tpu.memory_space<vmem>>
        %get3A_1238 = arith.index_cast %select_n3A_1195 : i32 to index
        %get3A_1239 = arith.constant 32 : index
        %get3A_1240 = tpu.vector_load %get3A_1237[%get3A_1238, %get3A_1239] {strides = array<i32>} : memref<32x64xf32, #tpu.memory_space<vmem>>, vector<16xf32>,
        %get3A_1241 = arith.constant 0 : i32
        %get3A_1242 = arith.constant 0 : i32
        %get3A_1243 = arith.constant 0 : i32
        %get3A_1244 = tpu.memref_slice %arg14[%rem3A_44, %get3A_1241, %get3A_1242, %get3A_1243] : memref<2x32x20x64xf32, #tpu.memory_space<vmem>> -> memref<1x32x20x64xf32, #tpu.memory_space<vmem>>
        %get3A_1245 = tpu.memref_squeeze %get3A_1244 : memref<1x32x20x64xf32, #tpu.memory_space<vmem>> -> memref<32x20x64xf32, #tpu.memory_space<vmem>>
        %get3A_1246 = arith.index_cast %select_n3A_1195 : i32 to index
        %get3A_1247 = arith.index_cast %sub3A_1198 : i32 to index
        %get3A_1248 = arith.constant 32 : index
        %get3A_1249 = tpu.vector_load %get3A_1245[%get3A_1246, %get3A_1247, %get3A_1248] {strides = array<i32>} : memref<32x20x64xf32, #tpu.memory_space<vmem>>, vector<16xf32>,
        %mul3A_1250 = arith.mulf %get3A_1240, %get3A_1249 : vector<16xf32>
        %add3A_1251 = arith.addf %add3A_1233, %mul3A_1250 : vector<16xf32>
        %get3A_1252 = arith.constant 0 : i32
        %get3A_1253 = arith.constant 0 : i32
        %get3A_1254 = tpu.memref_slice %arg12[%rem3A_44, %get3A_1252, %get3A_1253] : memref<2x32x64xf32, #tpu.memory_space<vmem>> -> memref<1x32x64xf32, #tpu.memory_space<vmem>>
        %get3A_1255 = tpu.memref_squeeze %get3A_1254 : memref<1x32x64xf32, #tpu.memory_space<vmem>> -> memref<32x64xf32, #tpu.memory_space<vmem>>
        %get3A_1256 = arith.index_cast %select_n3A_1195 : i32 to index
        %get3A_1257 = arith.constant 48 : index
        %get3A_1258 = tpu.vector_load %get3A_1255[%get3A_1256, %get3A_1257] {strides = array<i32>} : memref<32x64xf32, #tpu.memory_space<vmem>>, vector<16xf32>,
        %get3A_1259 = arith.constant 0 : i32
        %get3A_1260 = arith.constant 0 : i32
        %get3A_1261 = arith.constant 0 : i32
        %get3A_1262 = tpu.memref_slice %arg14[%rem3A_44, %get3A_1259, %get3A_1260, %get3A_1261] : memref<2x32x20x64xf32, #tpu.memory_space<vmem>> -> memref<1x32x20x64xf32, #tpu.memory_space<vmem>>
        %get3A_1263 = tpu.memref_squeeze %get3A_1262 : memref<1x32x20x64xf32, #tpu.memory_space<vmem>> -> memref<32x20x64xf32, #tpu.memory_space<vmem>>
        %get3A_1264 = arith.index_cast %select_n3A_1195 : i32 to index
        %get3A_1265 = arith.index_cast %sub3A_1198 : i32 to index
        %get3A_1266 = arith.constant 48 : index
        %get3A_1267 = tpu.vector_load %get3A_1263[%get3A_1264, %get3A_1265, %get3A_1266] {strides = array<i32>} : memref<32x20x64xf32, #tpu.memory_space<vmem>>, vector<16xf32>,
        %mul3A_1268 = arith.mulf %get3A_1258, %get3A_1267 : vector<16xf32>
        %add3A_1269 = arith.addf %add3A_1251, %mul3A_1268 : vector<16xf32>
        %mul3A_1270 = arith.constant 16 : i32
        %mul3A_1271 = vector.broadcast %mul3A_1270 : i32 to vector<16xi32>
        %mul3A_1272 = arith.muli %iota3A, %mul3A_1271 : vector<16xi32>
        %add3A_1273 = arith.constant 10 : i32
        %add3A_1274 = vector.broadcast %add3A_1273 : i32 to vector<16xi32>
        %add3A_1275 = arith.addi %mul3A_1272, %add3A_1274 : vector<16xi32>
        tpu.vector_store_idx %arg17[%add3A_1275], %add3A_1269 : memref<256xf32, #tpu.memory_space<vmem>>[vector<16xi32>], vector<16xf32>,
        %mul3A_1276 = arith.constant 16 : i32
        %mul3A_1277 = arith.muli %scan3A_94, %mul3A_1276 : i32
        %add3A_1278 = arith.constant 11 : i32
        %add3A_1279 = arith.addi %mul3A_1277, %add3A_1278 : i32
        %jit3A_1280 = arith.constant 20 : i32
        %div3A_1281 = arith.divsi %add3A_1279, %jit3A_1280 : i32
        %sign3A_1282 = arith.constant 0 : i32
        %sign3A_1283 = arith.cmpi sgt, %add3A_1279, %sign3A_1282 : i32
        %sign3A_1284 = arith.extui %sign3A_1283 : i1 to i32
        %sign3A_1285 = arith.constant 0 : i32
        %sign3A_1286 = arith.cmpi slt, %add3A_1279, %sign3A_1285 : i32
        %sign3A_1287 = arith.extui %sign3A_1286 : i1 to i32
        %sign3A_1288 = arith.subi %sign3A_1284, %sign3A_1287 : i32
        %sign3A_1289 = arith.constant 0 : i32
        %sign3A_1290 = arith.cmpi sgt, %jit3A_1280, %sign3A_1289 : i32
        %sign3A_1291 = arith.extui %sign3A_1290 : i1 to i32
        %sign3A_1292 = arith.constant 0 : i32
        %sign3A_1293 = arith.cmpi slt, %jit3A_1280, %sign3A_1292 : i32
        %sign3A_1294 = arith.extui %sign3A_1293 : i1 to i32
        %sign3A_1295 = arith.subi %sign3A_1291, %sign3A_1294 : i32
        %ne3A_1296 = arith.cmpi ne, %sign3A_1288, %sign3A_1295 : i32
        %rem3A_1297 = arith.remsi %add3A_1279, %jit3A_1280 : i32
        %ne3A_1298 = arith.constant 0 : i32
        %ne3A_1299 = arith.cmpi ne, %rem3A_1297, %ne3A_1298 : i32
        %and3A_1300 = arith.andi %ne3A_1296, %ne3A_1299 : i1
        %sub3A_1301 = arith.constant 1 : i32
        %sub3A_1302 = arith.subi %div3A_1281, %sub3A_1301 : i32
        %select_n3A_1303 = arith.select %and3A_1300, %sub3A_1302, %div3A_1281 : i32
        %mul3A_1304 = arith.constant 20 : i32
        %mul3A_1305 = arith.muli %select_n3A_1303, %mul3A_1304 : i32
        %sub3A_1306 = arith.subi %add3A_1279, %mul3A_1305 : i32
        %get3A_1307 = arith.constant 0 : i32
        %get3A_1308 = arith.constant 0 : i32
        %get3A_1309 = tpu.memref_slice %arg12[%rem3A_44, %get3A_1307, %get3A_1308] : memref<2x32x64xf32, #tpu.memory_space<vmem>> -> memref<1x32x64xf32, #tpu.memory_space<vmem>>
        %get3A_1310 = tpu.memref_squeeze %get3A_1309 : memref<1x32x64xf32, #tpu.memory_space<vmem>> -> memref<32x64xf32, #tpu.memory_space<vmem>>
        %get3A_1311 = arith.index_cast %select_n3A_1303 : i32 to index
        %get3A_1312 = arith.constant 0 : index
        %get3A_1313 = tpu.vector_load %get3A_1310[%get3A_1311, %get3A_1312] {strides = array<i32>} : memref<32x64xf32, #tpu.memory_space<vmem>>, vector<16xf32>,
        %get3A_1314 = arith.constant 0 : i32
        %get3A_1315 = arith.constant 0 : i32
        %get3A_1316 = arith.constant 0 : i32
        %get3A_1317 = tpu.memref_slice %arg14[%rem3A_44, %get3A_1314, %get3A_1315, %get3A_1316] : memref<2x32x20x64xf32, #tpu.memory_space<vmem>> -> memref<1x32x20x64xf32, #tpu.memory_space<vmem>>
        %get3A_1318 = tpu.memref_squeeze %get3A_1317 : memref<1x32x20x64xf32, #tpu.memory_space<vmem>> -> memref<32x20x64xf32, #tpu.memory_space<vmem>>
        %get3A_1319 = arith.index_cast %select_n3A_1303 : i32 to index
        %get3A_1320 = arith.index_cast %sub3A_1306 : i32 to index
        %get3A_1321 = arith.constant 0 : index
        %get3A_1322 = tpu.vector_load %get3A_1318[%get3A_1319, %get3A_1320, %get3A_1321] {strides = array<i32>} : memref<32x20x64xf32, #tpu.memory_space<vmem>>, vector<16xf32>,
        %mul3A_1323 = arith.mulf %get3A_1313, %get3A_1322 : vector<16xf32>
        %get3A_1324 = arith.constant 0 : i32
        %get3A_1325 = arith.constant 0 : i32
        %get3A_1326 = tpu.memref_slice %arg12[%rem3A_44, %get3A_1324, %get3A_1325] : memref<2x32x64xf32, #tpu.memory_space<vmem>> -> memref<1x32x64xf32, #tpu.memory_space<vmem>>
        %get3A_1327 = tpu.memref_squeeze %get3A_1326 : memref<1x32x64xf32, #tpu.memory_space<vmem>> -> memref<32x64xf32, #tpu.memory_space<vmem>>
        %get3A_1328 = arith.index_cast %select_n3A_1303 : i32 to index
        %get3A_1329 = arith.constant 16 : index
        %get3A_1330 = tpu.vector_load %get3A_1327[%get3A_1328, %get3A_1329] {strides = array<i32>} : memref<32x64xf32, #tpu.memory_space<vmem>>, vector<16xf32>,
        %get3A_1331 = arith.constant 0 : i32
        %get3A_1332 = arith.constant 0 : i32
        %get3A_1333 = arith.constant 0 : i32
        %get3A_1334 = tpu.memref_slice %arg14[%rem3A_44, %get3A_1331, %get3A_1332, %get3A_1333] : memref<2x32x20x64xf32, #tpu.memory_space<vmem>> -> memref<1x32x20x64xf32, #tpu.memory_space<vmem>>
        %get3A_1335 = tpu.memref_squeeze %get3A_1334 : memref<1x32x20x64xf32, #tpu.memory_space<vmem>> -> memref<32x20x64xf32, #tpu.memory_space<vmem>>
        %get3A_1336 = arith.index_cast %select_n3A_1303 : i32 to index
        %get3A_1337 = arith.index_cast %sub3A_1306 : i32 to index
        %get3A_1338 = arith.constant 16 : index
        %get3A_1339 = tpu.vector_load %get3A_1335[%get3A_1336, %get3A_1337, %get3A_1338] {strides = array<i32>} : memref<32x20x64xf32, #tpu.memory_space<vmem>>, vector<16xf32>,
        %mul3A_1340 = arith.mulf %get3A_1330, %get3A_1339 : vector<16xf32>
        %add3A_1341 = arith.addf %mul3A_1323, %mul3A_1340 : vector<16xf32>
        %get3A_1342 = arith.constant 0 : i32
        %get3A_1343 = arith.constant 0 : i32
        %get3A_1344 = tpu.memref_slice %arg12[%rem3A_44, %get3A_1342, %get3A_1343] : memref<2x32x64xf32, #tpu.memory_space<vmem>> -> memref<1x32x64xf32, #tpu.memory_space<vmem>>
        %get3A_1345 = tpu.memref_squeeze %get3A_1344 : memref<1x32x64xf32, #tpu.memory_space<vmem>> -> memref<32x64xf32, #tpu.memory_space<vmem>>
        %get3A_1346 = arith.index_cast %select_n3A_1303 : i32 to index
        %get3A_1347 = arith.constant 32 : index
        %get3A_1348 = tpu.vector_load %get3A_1345[%get3A_1346, %get3A_1347] {strides = array<i32>} : memref<32x64xf32, #tpu.memory_space<vmem>>, vector<16xf32>,
        %get3A_1349 = arith.constant 0 : i32
        %get3A_1350 = arith.constant 0 : i32
        %get3A_1351 = arith.constant 0 : i32
        %get3A_1352 = tpu.memref_slice %arg14[%rem3A_44, %get3A_1349, %get3A_1350, %get3A_1351] : memref<2x32x20x64xf32, #tpu.memory_space<vmem>> -> memref<1x32x20x64xf32, #tpu.memory_space<vmem>>
        %get3A_1353 = tpu.memref_squeeze %get3A_1352 : memref<1x32x20x64xf32, #tpu.memory_space<vmem>> -> memref<32x20x64xf32, #tpu.memory_space<vmem>>
        %get3A_1354 = arith.index_cast %select_n3A_1303 : i32 to index
        %get3A_1355 = arith.index_cast %sub3A_1306 : i32 to index
        %get3A_1356 = arith.constant 32 : index
        %get3A_1357 = tpu.vector_load %get3A_1353[%get3A_1354, %get3A_1355, %get3A_1356] {strides = array<i32>} : memref<32x20x64xf32, #tpu.memory_space<vmem>>, vector<16xf32>,
        %mul3A_1358 = arith.mulf %get3A_1348, %get3A_1357 : vector<16xf32>
        %add3A_1359 = arith.addf %add3A_1341, %mul3A_1358 : vector<16xf32>
        %get3A_1360 = arith.constant 0 : i32
        %get3A_1361 = arith.constant 0 : i32
        %get3A_1362 = tpu.memref_slice %arg12[%rem3A_44, %get3A_1360, %get3A_1361] : memref<2x32x64xf32, #tpu.memory_space<vmem>> -> memref<1x32x64xf32, #tpu.memory_space<vmem>>
        %get3A_1363 = tpu.memref_squeeze %get3A_1362 : memref<1x32x64xf32, #tpu.memory_space<vmem>> -> memref<32x64xf32, #tpu.memory_space<vmem>>
        %get3A_1364 = arith.index_cast %select_n3A_1303 : i32 to index
        %get3A_1365 = arith.constant 48 : index
        %get3A_1366 = tpu.vector_load %get3A_1363[%get3A_1364, %get3A_1365] {strides = array<i32>} : memref<32x64xf32, #tpu.memory_space<vmem>>, vector<16xf32>,
        %get3A_1367 = arith.constant 0 : i32
        %get3A_1368 = arith.constant 0 : i32
        %get3A_1369 = arith.constant 0 : i32
        %get3A_1370 = tpu.memref_slice %arg14[%rem3A_44, %get3A_1367, %get3A_1368, %get3A_1369] : memref<2x32x20x64xf32, #tpu.memory_space<vmem>> -> memref<1x32x20x64xf32, #tpu.memory_space<vmem>>
        %get3A_1371 = tpu.memref_squeeze %get3A_1370 : memref<1x32x20x64xf32, #tpu.memory_space<vmem>> -> memref<32x20x64xf32, #tpu.memory_space<vmem>>
        %get3A_1372 = arith.index_cast %select_n3A_1303 : i32 to index
        %get3A_1373 = arith.index_cast %sub3A_1306 : i32 to index
        %get3A_1374 = arith.constant 48 : index
        %get3A_1375 = tpu.vector_load %get3A_1371[%get3A_1372, %get3A_1373, %get3A_1374] {strides = array<i32>} : memref<32x20x64xf32, #tpu.memory_space<vmem>>, vector<16xf32>,
        %mul3A_1376 = arith.mulf %get3A_1366, %get3A_1375 : vector<16xf32>
        %add3A_1377 = arith.addf %add3A_1359, %mul3A_1376 : vector<16xf32>
        %mul3A_1378 = arith.constant 16 : i32
        %mul3A_1379 = vector.broadcast %mul3A_1378 : i32 to vector<16xi32>
        %mul3A_1380 = arith.muli %iota3A, %mul3A_1379 : vector<16xi32>
        %add3A_1381 = arith.constant 11 : i32
        %add3A_1382 = vector.broadcast %add3A_1381 : i32 to vector<16xi32>
        %add3A_1383 = arith.addi %mul3A_1380, %add3A_1382 : vector<16xi32>
        tpu.vector_store_idx %arg17[%add3A_1383], %add3A_1377 : memref<256xf32, #tpu.memory_space<vmem>>[vector<16xi32>], vector<16xf32>,
        %mul3A_1384 = arith.constant 16 : i32
        %mul3A_1385 = arith.muli %scan3A_94, %mul3A_1384 : i32
        %add3A_1386 = arith.constant 12 : i32
        %add3A_1387 = arith.addi %mul3A_1385, %add3A_1386 : i32
        %jit3A_1388 = arith.constant 20 : i32
        %div3A_1389 = arith.divsi %add3A_1387, %jit3A_1388 : i32
        %sign3A_1390 = arith.constant 0 : i32
        %sign3A_1391 = arith.cmpi sgt, %add3A_1387, %sign3A_1390 : i32
        %sign3A_1392 = arith.extui %sign3A_1391 : i1 to i32
        %sign3A_1393 = arith.constant 0 : i32
        %sign3A_1394 = arith.cmpi slt, %add3A_1387, %sign3A_1393 : i32
        %sign3A_1395 = arith.extui %sign3A_1394 : i1 to i32
        %sign3A_1396 = arith.subi %sign3A_1392, %sign3A_1395 : i32
        %sign3A_1397 = arith.constant 0 : i32
        %sign3A_1398 = arith.cmpi sgt, %jit3A_1388, %sign3A_1397 : i32
        %sign3A_1399 = arith.extui %sign3A_1398 : i1 to i32
        %sign3A_1400 = arith.constant 0 : i32
        %sign3A_1401 = arith.cmpi slt, %jit3A_1388, %sign3A_1400 : i32
        %sign3A_1402 = arith.extui %sign3A_1401 : i1 to i32
        %sign3A_1403 = arith.subi %sign3A_1399, %sign3A_1402 : i32
        %ne3A_1404 = arith.cmpi ne, %sign3A_1396, %sign3A_1403 : i32
        %rem3A_1405 = arith.remsi %add3A_1387, %jit3A_1388 : i32
        %ne3A_1406 = arith.constant 0 : i32
        %ne3A_1407 = arith.cmpi ne, %rem3A_1405, %ne3A_1406 : i32
        %and3A_1408 = arith.andi %ne3A_1404, %ne3A_1407 : i1
        %sub3A_1409 = arith.constant 1 : i32
        %sub3A_1410 = arith.subi %div3A_1389, %sub3A_1409 : i32
        %select_n3A_1411 = arith.select %and3A_1408, %sub3A_1410, %div3A_1389 : i32
        %mul3A_1412 = arith.constant 20 : i32
        %mul3A_1413 = arith.muli %select_n3A_1411, %mul3A_1412 : i32
        %sub3A_1414 = arith.subi %add3A_1387, %mul3A_1413 : i32
        %get3A_1415 = arith.constant 0 : i32
        %get3A_1416 = arith.constant 0 : i32
        %get3A_1417 = tpu.memref_slice %arg12[%rem3A_44, %get3A_1415, %get3A_1416] : memref<2x32x64xf32, #tpu.memory_space<vmem>> -> memref<1x32x64xf32, #tpu.memory_space<vmem>>
        %get3A_1418 = tpu.memref_squeeze %get3A_1417 : memref<1x32x64xf32, #tpu.memory_space<vmem>> -> memref<32x64xf32, #tpu.memory_space<vmem>>
        %get3A_1419 = arith.index_cast %select_n3A_1411 : i32 to index
        %get3A_1420 = arith.constant 0 : index
        %get3A_1421 = tpu.vector_load %get3A_1418[%get3A_1419, %get3A_1420] {strides = array<i32>} : memref<32x64xf32, #tpu.memory_space<vmem>>, vector<16xf32>,
        %get3A_1422 = arith.constant 0 : i32
        %get3A_1423 = arith.constant 0 : i32
        %get3A_1424 = arith.constant 0 : i32
        %get3A_1425 = tpu.memref_slice %arg14[%rem3A_44, %get3A_1422, %get3A_1423, %get3A_1424] : memref<2x32x20x64xf32, #tpu.memory_space<vmem>> -> memref<1x32x20x64xf32, #tpu.memory_space<vmem>>
        %get3A_1426 = tpu.memref_squeeze %get3A_1425 : memref<1x32x20x64xf32, #tpu.memory_space<vmem>> -> memref<32x20x64xf32, #tpu.memory_space<vmem>>
        %get3A_1427 = arith.index_cast %select_n3A_1411 : i32 to index
        %get3A_1428 = arith.index_cast %sub3A_1414 : i32 to index
        %get3A_1429 = arith.constant 0 : index
        %get3A_1430 = tpu.vector_load %get3A_1426[%get3A_1427, %get3A_1428, %get3A_1429] {strides = array<i32>} : memref<32x20x64xf32, #tpu.memory_space<vmem>>, vector<16xf32>,
        %mul3A_1431 = arith.mulf %get3A_1421, %get3A_1430 : vector<16xf32>
        %get3A_1432 = arith.constant 0 : i32
        %get3A_1433 = arith.constant 0 : i32
        %get3A_1434 = tpu.memref_slice %arg12[%rem3A_44, %get3A_1432, %get3A_1433] : memref<2x32x64xf32, #tpu.memory_space<vmem>> -> memref<1x32x64xf32, #tpu.memory_space<vmem>>
        %get3A_1435 = tpu.memref_squeeze %get3A_1434 : memref<1x32x64xf32, #tpu.memory_space<vmem>> -> memref<32x64xf32, #tpu.memory_space<vmem>>
        %get3A_1436 = arith.index_cast %select_n3A_1411 : i32 to index
        %get3A_1437 = arith.constant 16 : index
        %get3A_1438 = tpu.vector_load %get3A_1435[%get3A_1436, %get3A_1437] {strides = array<i32>} : memref<32x64xf32, #tpu.memory_space<vmem>>, vector<16xf32>,
        %get3A_1439 = arith.constant 0 : i32
        %get3A_1440 = arith.constant 0 : i32
        %get3A_1441 = arith.constant 0 : i32
        %get3A_1442 = tpu.memref_slice %arg14[%rem3A_44, %get3A_1439, %get3A_1440, %get3A_1441] : memref<2x32x20x64xf32, #tpu.memory_space<vmem>> -> memref<1x32x20x64xf32, #tpu.memory_space<vmem>>
        %get3A_1443 = tpu.memref_squeeze %get3A_1442 : memref<1x32x20x64xf32, #tpu.memory_space<vmem>> -> memref<32x20x64xf32, #tpu.memory_space<vmem>>
        %get3A_1444 = arith.index_cast %select_n3A_1411 : i32 to index
        %get3A_1445 = arith.index_cast %sub3A_1414 : i32 to index
        %get3A_1446 = arith.constant 16 : index
        %get3A_1447 = tpu.vector_load %get3A_1443[%get3A_1444, %get3A_1445, %get3A_1446] {strides = array<i32>} : memref<32x20x64xf32, #tpu.memory_space<vmem>>, vector<16xf32>,
        %mul3A_1448 = arith.mulf %get3A_1438, %get3A_1447 : vector<16xf32>
        %add3A_1449 = arith.addf %mul3A_1431, %mul3A_1448 : vector<16xf32>
        %get3A_1450 = arith.constant 0 : i32
        %get3A_1451 = arith.constant 0 : i32
        %get3A_1452 = tpu.memref_slice %arg12[%rem3A_44, %get3A_1450, %get3A_1451] : memref<2x32x64xf32, #tpu.memory_space<vmem>> -> memref<1x32x64xf32, #tpu.memory_space<vmem>>
        %get3A_1453 = tpu.memref_squeeze %get3A_1452 : memref<1x32x64xf32, #tpu.memory_space<vmem>> -> memref<32x64xf32, #tpu.memory_space<vmem>>
        %get3A_1454 = arith.index_cast %select_n3A_1411 : i32 to index
        %get3A_1455 = arith.constant 32 : index
        %get3A_1456 = tpu.vector_load %get3A_1453[%get3A_1454, %get3A_1455] {strides = array<i32>} : memref<32x64xf32, #tpu.memory_space<vmem>>, vector<16xf32>,
        %get3A_1457 = arith.constant 0 : i32
        %get3A_1458 = arith.constant 0 : i32
        %get3A_1459 = arith.constant 0 : i32
        %get3A_1460 = tpu.memref_slice %arg14[%rem3A_44, %get3A_1457, %get3A_1458, %get3A_1459] : memref<2x32x20x64xf32, #tpu.memory_space<vmem>> -> memref<1x32x20x64xf32, #tpu.memory_space<vmem>>
        %get3A_1461 = tpu.memref_squeeze %get3A_1460 : memref<1x32x20x64xf32, #tpu.memory_space<vmem>> -> memref<32x20x64xf32, #tpu.memory_space<vmem>>
        %get3A_1462 = arith.index_cast %select_n3A_1411 : i32 to index
        %get3A_1463 = arith.index_cast %sub3A_1414 : i32 to index
        %get3A_1464 = arith.constant 32 : index
        %get3A_1465 = tpu.vector_load %get3A_1461[%get3A_1462, %get3A_1463, %get3A_1464] {strides = array<i32>} : memref<32x20x64xf32, #tpu.memory_space<vmem>>, vector<16xf32>,
        %mul3A_1466 = arith.mulf %get3A_1456, %get3A_1465 : vector<16xf32>
        %add3A_1467 = arith.addf %add3A_1449, %mul3A_1466 : vector<16xf32>
        %get3A_1468 = arith.constant 0 : i32
        %get3A_1469 = arith.constant 0 : i32
        %get3A_1470 = tpu.memref_slice %arg12[%rem3A_44, %get3A_1468, %get3A_1469] : memref<2x32x64xf32, #tpu.memory_space<vmem>> -> memref<1x32x64xf32, #tpu.memory_space<vmem>>
        %get3A_1471 = tpu.memref_squeeze %get3A_1470 : memref<1x32x64xf32, #tpu.memory_space<vmem>> -> memref<32x64xf32, #tpu.memory_space<vmem>>
        %get3A_1472 = arith.index_cast %select_n3A_1411 : i32 to index
        %get3A_1473 = arith.constant 48 : index
        %get3A_1474 = tpu.vector_load %get3A_1471[%get3A_1472, %get3A_1473] {strides = array<i32>} : memref<32x64xf32, #tpu.memory_space<vmem>>, vector<16xf32>,
        %get3A_1475 = arith.constant 0 : i32
        %get3A_1476 = arith.constant 0 : i32
        %get3A_1477 = arith.constant 0 : i32
        %get3A_1478 = tpu.memref_slice %arg14[%rem3A_44, %get3A_1475, %get3A_1476, %get3A_1477] : memref<2x32x20x64xf32, #tpu.memory_space<vmem>> -> memref<1x32x20x64xf32, #tpu.memory_space<vmem>>
        %get3A_1479 = tpu.memref_squeeze %get3A_1478 : memref<1x32x20x64xf32, #tpu.memory_space<vmem>> -> memref<32x20x64xf32, #tpu.memory_space<vmem>>
        %get3A_1480 = arith.index_cast %select_n3A_1411 : i32 to index
        %get3A_1481 = arith.index_cast %sub3A_1414 : i32 to index
        %get3A_1482 = arith.constant 48 : index
        %get3A_1483 = tpu.vector_load %get3A_1479[%get3A_1480, %get3A_1481, %get3A_1482] {strides = array<i32>} : memref<32x20x64xf32, #tpu.memory_space<vmem>>, vector<16xf32>,
        %mul3A_1484 = arith.mulf %get3A_1474, %get3A_1483 : vector<16xf32>
        %add3A_1485 = arith.addf %add3A_1467, %mul3A_1484 : vector<16xf32>
        %mul3A_1486 = arith.constant 16 : i32
        %mul3A_1487 = vector.broadcast %mul3A_1486 : i32 to vector<16xi32>
        %mul3A_1488 = arith.muli %iota3A, %mul3A_1487 : vector<16xi32>
        %add3A_1489 = arith.constant 12 : i32
        %add3A_1490 = vector.broadcast %add3A_1489 : i32 to vector<16xi32>
        %add3A_1491 = arith.addi %mul3A_1488, %add3A_1490 : vector<16xi32>
        tpu.vector_store_idx %arg17[%add3A_1491], %add3A_1485 : memref<256xf32, #tpu.memory_space<vmem>>[vector<16xi32>], vector<16xf32>,
        %mul3A_1492 = arith.constant 16 : i32
        %mul3A_1493 = arith.muli %scan3A_94, %mul3A_1492 : i32
        %add3A_1494 = arith.constant 13 : i32
        %add3A_1495 = arith.addi %mul3A_1493, %add3A_1494 : i32
        %jit3A_1496 = arith.constant 20 : i32
        %div3A_1497 = arith.divsi %add3A_1495, %jit3A_1496 : i32
        %sign3A_1498 = arith.constant 0 : i32
        %sign3A_1499 = arith.cmpi sgt, %add3A_1495, %sign3A_1498 : i32
        %sign3A_1500 = arith.extui %sign3A_1499 : i1 to i32
        %sign3A_1501 = arith.constant 0 : i32
        %sign3A_1502 = arith.cmpi slt, %add3A_1495, %sign3A_1501 : i32
        %sign3A_1503 = arith.extui %sign3A_1502 : i1 to i32
        %sign3A_1504 = arith.subi %sign3A_1500, %sign3A_1503 : i32
        %sign3A_1505 = arith.constant 0 : i32
        %sign3A_1506 = arith.cmpi sgt, %jit3A_1496, %sign3A_1505 : i32
        %sign3A_1507 = arith.extui %sign3A_1506 : i1 to i32
        %sign3A_1508 = arith.constant 0 : i32
        %sign3A_1509 = arith.cmpi slt, %jit3A_1496, %sign3A_1508 : i32
        %sign3A_1510 = arith.extui %sign3A_1509 : i1 to i32
        %sign3A_1511 = arith.subi %sign3A_1507, %sign3A_1510 : i32
        %ne3A_1512 = arith.cmpi ne, %sign3A_1504, %sign3A_1511 : i32
        %rem3A_1513 = arith.remsi %add3A_1495, %jit3A_1496 : i32
        %ne3A_1514 = arith.constant 0 : i32
        %ne3A_1515 = arith.cmpi ne, %rem3A_1513, %ne3A_1514 : i32
        %and3A_1516 = arith.andi %ne3A_1512, %ne3A_1515 : i1
        %sub3A_1517 = arith.constant 1 : i32
        %sub3A_1518 = arith.subi %div3A_1497, %sub3A_1517 : i32
        %select_n3A_1519 = arith.select %and3A_1516, %sub3A_1518, %div3A_1497 : i32
        %mul3A_1520 = arith.constant 20 : i32
        %mul3A_1521 = arith.muli %select_n3A_1519, %mul3A_1520 : i32
        %sub3A_1522 = arith.subi %add3A_1495, %mul3A_1521 : i32
        %get3A_1523 = arith.constant 0 : i32
        %get3A_1524 = arith.constant 0 : i32
        %get3A_1525 = tpu.memref_slice %arg12[%rem3A_44, %get3A_1523, %get3A_1524] : memref<2x32x64xf32, #tpu.memory_space<vmem>> -> memref<1x32x64xf32, #tpu.memory_space<vmem>>
        %get3A_1526 = tpu.memref_squeeze %get3A_1525 : memref<1x32x64xf32, #tpu.memory_space<vmem>> -> memref<32x64xf32, #tpu.memory_space<vmem>>
        %get3A_1527 = arith.index_cast %select_n3A_1519 : i32 to index
        %get3A_1528 = arith.constant 0 : index
        %get3A_1529 = tpu.vector_load %get3A_1526[%get3A_1527, %get3A_1528] {strides = array<i32>} : memref<32x64xf32, #tpu.memory_space<vmem>>, vector<16xf32>,
        %get3A_1530 = arith.constant 0 : i32
        %get3A_1531 = arith.constant 0 : i32
        %get3A_1532 = arith.constant 0 : i32
        %get3A_1533 = tpu.memref_slice %arg14[%rem3A_44, %get3A_1530, %get3A_1531, %get3A_1532] : memref<2x32x20x64xf32, #tpu.memory_space<vmem>> -> memref<1x32x20x64xf32, #tpu.memory_space<vmem>>
        %get3A_1534 = tpu.memref_squeeze %get3A_1533 : memref<1x32x20x64xf32, #tpu.memory_space<vmem>> -> memref<32x20x64xf32, #tpu.memory_space<vmem>>
        %get3A_1535 = arith.index_cast %select_n3A_1519 : i32 to index
        %get3A_1536 = arith.index_cast %sub3A_1522 : i32 to index
        %get3A_1537 = arith.constant 0 : index
        %get3A_1538 = tpu.vector_load %get3A_1534[%get3A_1535, %get3A_1536, %get3A_1537] {strides = array<i32>} : memref<32x20x64xf32, #tpu.memory_space<vmem>>, vector<16xf32>,
        %mul3A_1539 = arith.mulf %get3A_1529, %get3A_1538 : vector<16xf32>
        %get3A_1540 = arith.constant 0 : i32
        %get3A_1541 = arith.constant 0 : i32
        %get3A_1542 = tpu.memref_slice %arg12[%rem3A_44, %get3A_1540, %get3A_1541] : memref<2x32x64xf32, #tpu.memory_space<vmem>> -> memref<1x32x64xf32, #tpu.memory_space<vmem>>
        %get3A_1543 = tpu.memref_squeeze %get3A_1542 : memref<1x32x64xf32, #tpu.memory_space<vmem>> -> memref<32x64xf32, #tpu.memory_space<vmem>>
        %get3A_1544 = arith.index_cast %select_n3A_1519 : i32 to index
        %get3A_1545 = arith.constant 16 : index
        %get3A_1546 = tpu.vector_load %get3A_1543[%get3A_1544, %get3A_1545] {strides = array<i32>} : memref<32x64xf32, #tpu.memory_space<vmem>>, vector<16xf32>,
        %get3A_1547 = arith.constant 0 : i32
        %get3A_1548 = arith.constant 0 : i32
        %get3A_1549 = arith.constant 0 : i32
        %get3A_1550 = tpu.memref_slice %arg14[%rem3A_44, %get3A_1547, %get3A_1548, %get3A_1549] : memref<2x32x20x64xf32, #tpu.memory_space<vmem>> -> memref<1x32x20x64xf32, #tpu.memory_space<vmem>>
        %get3A_1551 = tpu.memref_squeeze %get3A_1550 : memref<1x32x20x64xf32, #tpu.memory_space<vmem>> -> memref<32x20x64xf32, #tpu.memory_space<vmem>>
        %get3A_1552 = arith.index_cast %select_n3A_1519 : i32 to index
        %get3A_1553 = arith.index_cast %sub3A_1522 : i32 to index
        %get3A_1554 = arith.constant 16 : index
        %get3A_1555 = tpu.vector_load %get3A_1551[%get3A_1552, %get3A_1553, %get3A_1554] {strides = array<i32>} : memref<32x20x64xf32, #tpu.memory_space<vmem>>, vector<16xf32>,
        %mul3A_1556 = arith.mulf %get3A_1546, %get3A_1555 : vector<16xf32>
        %add3A_1557 = arith.addf %mul3A_1539, %mul3A_1556 : vector<16xf32>
        %get3A_1558 = arith.constant 0 : i32
        %get3A_1559 = arith.constant 0 : i32
        %get3A_1560 = tpu.memref_slice %arg12[%rem3A_44, %get3A_1558, %get3A_1559] : memref<2x32x64xf32, #tpu.memory_space<vmem>> -> memref<1x32x64xf32, #tpu.memory_space<vmem>>
        %get3A_1561 = tpu.memref_squeeze %get3A_1560 : memref<1x32x64xf32, #tpu.memory_space<vmem>> -> memref<32x64xf32, #tpu.memory_space<vmem>>
        %get3A_1562 = arith.index_cast %select_n3A_1519 : i32 to index
        %get3A_1563 = arith.constant 32 : index
        %get3A_1564 = tpu.vector_load %get3A_1561[%get3A_1562, %get3A_1563] {strides = array<i32>} : memref<32x64xf32, #tpu.memory_space<vmem>>, vector<16xf32>,
        %get3A_1565 = arith.constant 0 : i32
        %get3A_1566 = arith.constant 0 : i32
        %get3A_1567 = arith.constant 0 : i32
        %get3A_1568 = tpu.memref_slice %arg14[%rem3A_44, %get3A_1565, %get3A_1566, %get3A_1567] : memref<2x32x20x64xf32, #tpu.memory_space<vmem>> -> memref<1x32x20x64xf32, #tpu.memory_space<vmem>>
        %get3A_1569 = tpu.memref_squeeze %get3A_1568 : memref<1x32x20x64xf32, #tpu.memory_space<vmem>> -> memref<32x20x64xf32, #tpu.memory_space<vmem>>
        %get3A_1570 = arith.index_cast %select_n3A_1519 : i32 to index
        %get3A_1571 = arith.index_cast %sub3A_1522 : i32 to index
        %get3A_1572 = arith.constant 32 : index
        %get3A_1573 = tpu.vector_load %get3A_1569[%get3A_1570, %get3A_1571, %get3A_1572] {strides = array<i32>} : memref<32x20x64xf32, #tpu.memory_space<vmem>>, vector<16xf32>,
        %mul3A_1574 = arith.mulf %get3A_1564, %get3A_1573 : vector<16xf32>
        %add3A_1575 = arith.addf %add3A_1557, %mul3A_1574 : vector<16xf32>
        %get3A_1576 = arith.constant 0 : i32
        %get3A_1577 = arith.constant 0 : i32
        %get3A_1578 = tpu.memref_slice %arg12[%rem3A_44, %get3A_1576, %get3A_1577] : memref<2x32x64xf32, #tpu.memory_space<vmem>> -> memref<1x32x64xf32, #tpu.memory_space<vmem>>
        %get3A_1579 = tpu.memref_squeeze %get3A_1578 : memref<1x32x64xf32, #tpu.memory_space<vmem>> -> memref<32x64xf32, #tpu.memory_space<vmem>>
        %get3A_1580 = arith.index_cast %select_n3A_1519 : i32 to index
        %get3A_1581 = arith.constant 48 : index
        %get3A_1582 = tpu.vector_load %get3A_1579[%get3A_1580, %get3A_1581] {strides = array<i32>} : memref<32x64xf32, #tpu.memory_space<vmem>>, vector<16xf32>,
        %get3A_1583 = arith.constant 0 : i32
        %get3A_1584 = arith.constant 0 : i32
        %get3A_1585 = arith.constant 0 : i32
        %get3A_1586 = tpu.memref_slice %arg14[%rem3A_44, %get3A_1583, %get3A_1584, %get3A_1585] : memref<2x32x20x64xf32, #tpu.memory_space<vmem>> -> memref<1x32x20x64xf32, #tpu.memory_space<vmem>>
        %get3A_1587 = tpu.memref_squeeze %get3A_1586 : memref<1x32x20x64xf32, #tpu.memory_space<vmem>> -> memref<32x20x64xf32, #tpu.memory_space<vmem>>
        %get3A_1588 = arith.index_cast %select_n3A_1519 : i32 to index
        %get3A_1589 = arith.index_cast %sub3A_1522 : i32 to index
        %get3A_1590 = arith.constant 48 : index
        %get3A_1591 = tpu.vector_load %get3A_1587[%get3A_1588, %get3A_1589, %get3A_1590] {strides = array<i32>} : memref<32x20x64xf32, #tpu.memory_space<vmem>>, vector<16xf32>,
        %mul3A_1592 = arith.mulf %get3A_1582, %get3A_1591 : vector<16xf32>
        %add3A_1593 = arith.addf %add3A_1575, %mul3A_1592 : vector<16xf32>
        %mul3A_1594 = arith.constant 16 : i32
        %mul3A_1595 = vector.broadcast %mul3A_1594 : i32 to vector<16xi32>
        %mul3A_1596 = arith.muli %iota3A, %mul3A_1595 : vector<16xi32>
        %add3A_1597 = arith.constant 13 : i32
        %add3A_1598 = vector.broadcast %add3A_1597 : i32 to vector<16xi32>
        %add3A_1599 = arith.addi %mul3A_1596, %add3A_1598 : vector<16xi32>
        tpu.vector_store_idx %arg17[%add3A_1599], %add3A_1593 : memref<256xf32, #tpu.memory_space<vmem>>[vector<16xi32>], vector<16xf32>,
        %mul3A_1600 = arith.constant 16 : i32
        %mul3A_1601 = arith.muli %scan3A_94, %mul3A_1600 : i32
        %add3A_1602 = arith.constant 14 : i32
        %add3A_1603 = arith.addi %mul3A_1601, %add3A_1602 : i32
        %jit3A_1604 = arith.constant 20 : i32
        %div3A_1605 = arith.divsi %add3A_1603, %jit3A_1604 : i32
        %sign3A_1606 = arith.constant 0 : i32
        %sign3A_1607 = arith.cmpi sgt, %add3A_1603, %sign3A_1606 : i32
        %sign3A_1608 = arith.extui %sign3A_1607 : i1 to i32
        %sign3A_1609 = arith.constant 0 : i32
        %sign3A_1610 = arith.cmpi slt, %add3A_1603, %sign3A_1609 : i32
        %sign3A_1611 = arith.extui %sign3A_1610 : i1 to i32
        %sign3A_1612 = arith.subi %sign3A_1608, %sign3A_1611 : i32
        %sign3A_1613 = arith.constant 0 : i32
        %sign3A_1614 = arith.cmpi sgt, %jit3A_1604, %sign3A_1613 : i32
        %sign3A_1615 = arith.extui %sign3A_1614 : i1 to i32
        %sign3A_1616 = arith.constant 0 : i32
        %sign3A_1617 = arith.cmpi slt, %jit3A_1604, %sign3A_1616 : i32
        %sign3A_1618 = arith.extui %sign3A_1617 : i1 to i32
        %sign3A_1619 = arith.subi %sign3A_1615, %sign3A_1618 : i32
        %ne3A_1620 = arith.cmpi ne, %sign3A_1612, %sign3A_1619 : i32
        %rem3A_1621 = arith.remsi %add3A_1603, %jit3A_1604 : i32
        %ne3A_1622 = arith.constant 0 : i32
        %ne3A_1623 = arith.cmpi ne, %rem3A_1621, %ne3A_1622 : i32
        %and3A_1624 = arith.andi %ne3A_1620, %ne3A_1623 : i1
        %sub3A_1625 = arith.constant 1 : i32
        %sub3A_1626 = arith.subi %div3A_1605, %sub3A_1625 : i32
        %select_n3A_1627 = arith.select %and3A_1624, %sub3A_1626, %div3A_1605 : i32
        %mul3A_1628 = arith.constant 20 : i32
        %mul3A_1629 = arith.muli %select_n3A_1627, %mul3A_1628 : i32
        %sub3A_1630 = arith.subi %add3A_1603, %mul3A_1629 : i32
        %get3A_1631 = arith.constant 0 : i32
        %get3A_1632 = arith.constant 0 : i32
        %get3A_1633 = tpu.memref_slice %arg12[%rem3A_44, %get3A_1631, %get3A_1632] : memref<2x32x64xf32, #tpu.memory_space<vmem>> -> memref<1x32x64xf32, #tpu.memory_space<vmem>>
        %get3A_1634 = tpu.memref_squeeze %get3A_1633 : memref<1x32x64xf32, #tpu.memory_space<vmem>> -> memref<32x64xf32, #tpu.memory_space<vmem>>
        %get3A_1635 = arith.index_cast %select_n3A_1627 : i32 to index
        %get3A_1636 = arith.constant 0 : index
        %get3A_1637 = tpu.vector_load %get3A_1634[%get3A_1635, %get3A_1636] {strides = array<i32>} : memref<32x64xf32, #tpu.memory_space<vmem>>, vector<16xf32>,
        %get3A_1638 = arith.constant 0 : i32
        %get3A_1639 = arith.constant 0 : i32
        %get3A_1640 = arith.constant 0 : i32
        %get3A_1641 = tpu.memref_slice %arg14[%rem3A_44, %get3A_1638, %get3A_1639, %get3A_1640] : memref<2x32x20x64xf32, #tpu.memory_space<vmem>> -> memref<1x32x20x64xf32, #tpu.memory_space<vmem>>
        %get3A_1642 = tpu.memref_squeeze %get3A_1641 : memref<1x32x20x64xf32, #tpu.memory_space<vmem>> -> memref<32x20x64xf32, #tpu.memory_space<vmem>>
        %get3A_1643 = arith.index_cast %select_n3A_1627 : i32 to index
        %get3A_1644 = arith.index_cast %sub3A_1630 : i32 to index
        %get3A_1645 = arith.constant 0 : index
        %get3A_1646 = tpu.vector_load %get3A_1642[%get3A_1643, %get3A_1644, %get3A_1645] {strides = array<i32>} : memref<32x20x64xf32, #tpu.memory_space<vmem>>, vector<16xf32>,
        %mul3A_1647 = arith.mulf %get3A_1637, %get3A_1646 : vector<16xf32>
        %get3A_1648 = arith.constant 0 : i32
        %get3A_1649 = arith.constant 0 : i32
        %get3A_1650 = tpu.memref_slice %arg12[%rem3A_44, %get3A_1648, %get3A_1649] : memref<2x32x64xf32, #tpu.memory_space<vmem>> -> memref<1x32x64xf32, #tpu.memory_space<vmem>>
        %get3A_1651 = tpu.memref_squeeze %get3A_1650 : memref<1x32x64xf32, #tpu.memory_space<vmem>> -> memref<32x64xf32, #tpu.memory_space<vmem>>
        %get3A_1652 = arith.index_cast %select_n3A_1627 : i32 to index
        %get3A_1653 = arith.constant 16 : index
        %get3A_1654 = tpu.vector_load %get3A_1651[%get3A_1652, %get3A_1653] {strides = array<i32>} : memref<32x64xf32, #tpu.memory_space<vmem>>, vector<16xf32>,
        %get3A_1655 = arith.constant 0 : i32
        %get3A_1656 = arith.constant 0 : i32
        %get3A_1657 = arith.constant 0 : i32
        %get3A_1658 = tpu.memref_slice %arg14[%rem3A_44, %get3A_1655, %get3A_1656, %get3A_1657] : memref<2x32x20x64xf32, #tpu.memory_space<vmem>> -> memref<1x32x20x64xf32, #tpu.memory_space<vmem>>
        %get3A_1659 = tpu.memref_squeeze %get3A_1658 : memref<1x32x20x64xf32, #tpu.memory_space<vmem>> -> memref<32x20x64xf32, #tpu.memory_space<vmem>>
        %get3A_1660 = arith.index_cast %select_n3A_1627 : i32 to index
        %get3A_1661 = arith.index_cast %sub3A_1630 : i32 to index
        %get3A_1662 = arith.constant 16 : index
        %get3A_1663 = tpu.vector_load %get3A_1659[%get3A_1660, %get3A_1661, %get3A_1662] {strides = array<i32>} : memref<32x20x64xf32, #tpu.memory_space<vmem>>, vector<16xf32>,
        %mul3A_1664 = arith.mulf %get3A_1654, %get3A_1663 : vector<16xf32>
        %add3A_1665 = arith.addf %mul3A_1647, %mul3A_1664 : vector<16xf32>
        %get3A_1666 = arith.constant 0 : i32
        %get3A_1667 = arith.constant 0 : i32
        %get3A_1668 = tpu.memref_slice %arg12[%rem3A_44, %get3A_1666, %get3A_1667] : memref<2x32x64xf32, #tpu.memory_space<vmem>> -> memref<1x32x64xf32, #tpu.memory_space<vmem>>
        %get3A_1669 = tpu.memref_squeeze %get3A_1668 : memref<1x32x64xf32, #tpu.memory_space<vmem>> -> memref<32x64xf32, #tpu.memory_space<vmem>>
        %get3A_1670 = arith.index_cast %select_n3A_1627 : i32 to index
        %get3A_1671 = arith.constant 32 : index
        %get3A_1672 = tpu.vector_load %get3A_1669[%get3A_1670, %get3A_1671] {strides = array<i32>} : memref<32x64xf32, #tpu.memory_space<vmem>>, vector<16xf32>,
        %get3A_1673 = arith.constant 0 : i32
        %get3A_1674 = arith.constant 0 : i32
        %get3A_1675 = arith.constant 0 : i32
        %get3A_1676 = tpu.memref_slice %arg14[%rem3A_44, %get3A_1673, %get3A_1674, %get3A_1675] : memref<2x32x20x64xf32, #tpu.memory_space<vmem>> -> memref<1x32x20x64xf32, #tpu.memory_space<vmem>>
        %get3A_1677 = tpu.memref_squeeze %get3A_1676 : memref<1x32x20x64xf32, #tpu.memory_space<vmem>> -> memref<32x20x64xf32, #tpu.memory_space<vmem>>
        %get3A_1678 = arith.index_cast %select_n3A_1627 : i32 to index
        %get3A_1679 = arith.index_cast %sub3A_1630 : i32 to index
        %get3A_1680 = arith.constant 32 : index
        %get3A_1681 = tpu.vector_load %get3A_1677[%get3A_1678, %get3A_1679, %get3A_1680] {strides = array<i32>} : memref<32x20x64xf32, #tpu.memory_space<vmem>>, vector<16xf32>,
        %mul3A_1682 = arith.mulf %get3A_1672, %get3A_1681 : vector<16xf32>
        %add3A_1683 = arith.addf %add3A_1665, %mul3A_1682 : vector<16xf32>
        %get3A_1684 = arith.constant 0 : i32
        %get3A_1685 = arith.constant 0 : i32
        %get3A_1686 = tpu.memref_slice %arg12[%rem3A_44, %get3A_1684, %get3A_1685] : memref<2x32x64xf32, #tpu.memory_space<vmem>> -> memref<1x32x64xf32, #tpu.memory_space<vmem>>
        %get3A_1687 = tpu.memref_squeeze %get3A_1686 : memref<1x32x64xf32, #tpu.memory_space<vmem>> -> memref<32x64xf32, #tpu.memory_space<vmem>>
        %get3A_1688 = arith.index_cast %select_n3A_1627 : i32 to index
        %get3A_1689 = arith.constant 48 : index
        %get3A_1690 = tpu.vector_load %get3A_1687[%get3A_1688, %get3A_1689] {strides = array<i32>} : memref<32x64xf32, #tpu.memory_space<vmem>>, vector<16xf32>,
        %get3A_1691 = arith.constant 0 : i32
        %get3A_1692 = arith.constant 0 : i32
        %get3A_1693 = arith.constant 0 : i32
        %get3A_1694 = tpu.memref_slice %arg14[%rem3A_44, %get3A_1691, %get3A_1692, %get3A_1693] : memref<2x32x20x64xf32, #tpu.memory_space<vmem>> -> memref<1x32x20x64xf32, #tpu.memory_space<vmem>>
        %get3A_1695 = tpu.memref_squeeze %get3A_1694 : memref<1x32x20x64xf32, #tpu.memory_space<vmem>> -> memref<32x20x64xf32, #tpu.memory_space<vmem>>
        %get3A_1696 = arith.index_cast %select_n3A_1627 : i32 to index
        %get3A_1697 = arith.index_cast %sub3A_1630 : i32 to index
        %get3A_1698 = arith.constant 48 : index
        %get3A_1699 = tpu.vector_load %get3A_1695[%get3A_1696, %get3A_1697, %get3A_1698] {strides = array<i32>} : memref<32x20x64xf32, #tpu.memory_space<vmem>>, vector<16xf32>,
        %mul3A_1700 = arith.mulf %get3A_1690, %get3A_1699 : vector<16xf32>
        %add3A_1701 = arith.addf %add3A_1683, %mul3A_1700 : vector<16xf32>
        %mul3A_1702 = arith.constant 16 : i32
        %mul3A_1703 = vector.broadcast %mul3A_1702 : i32 to vector<16xi32>
        %mul3A_1704 = arith.muli %iota3A, %mul3A_1703 : vector<16xi32>
        %add3A_1705 = arith.constant 14 : i32
        %add3A_1706 = vector.broadcast %add3A_1705 : i32 to vector<16xi32>
        %add3A_1707 = arith.addi %mul3A_1704, %add3A_1706 : vector<16xi32>
        tpu.vector_store_idx %arg17[%add3A_1707], %add3A_1701 : memref<256xf32, #tpu.memory_space<vmem>>[vector<16xi32>], vector<16xf32>,
        %mul3A_1708 = arith.constant 16 : i32
        %mul3A_1709 = arith.muli %scan3A_94, %mul3A_1708 : i32
        %add3A_1710 = arith.constant 15 : i32
        %add3A_1711 = arith.addi %mul3A_1709, %add3A_1710 : i32
        %jit3A_1712 = arith.constant 20 : i32
        %div3A_1713 = arith.divsi %add3A_1711, %jit3A_1712 : i32
        %sign3A_1714 = arith.constant 0 : i32
        %sign3A_1715 = arith.cmpi sgt, %add3A_1711, %sign3A_1714 : i32
        %sign3A_1716 = arith.extui %sign3A_1715 : i1 to i32
        %sign3A_1717 = arith.constant 0 : i32
        %sign3A_1718 = arith.cmpi slt, %add3A_1711, %sign3A_1717 : i32
        %sign3A_1719 = arith.extui %sign3A_1718 : i1 to i32
        %sign3A_1720 = arith.subi %sign3A_1716, %sign3A_1719 : i32
        %sign3A_1721 = arith.constant 0 : i32
        %sign3A_1722 = arith.cmpi sgt, %jit3A_1712, %sign3A_1721 : i32
        %sign3A_1723 = arith.extui %sign3A_1722 : i1 to i32
        %sign3A_1724 = arith.constant 0 : i32
        %sign3A_1725 = arith.cmpi slt, %jit3A_1712, %sign3A_1724 : i32
        %sign3A_1726 = arith.extui %sign3A_1725 : i1 to i32
        %sign3A_1727 = arith.subi %sign3A_1723, %sign3A_1726 : i32
        %ne3A_1728 = arith.cmpi ne, %sign3A_1720, %sign3A_1727 : i32
        %rem3A_1729 = arith.remsi %add3A_1711, %jit3A_1712 : i32
        %ne3A_1730 = arith.constant 0 : i32
        %ne3A_1731 = arith.cmpi ne, %rem3A_1729, %ne3A_1730 : i32
        %and3A_1732 = arith.andi %ne3A_1728, %ne3A_1731 : i1
        %sub3A_1733 = arith.constant 1 : i32
        %sub3A_1734 = arith.subi %div3A_1713, %sub3A_1733 : i32
        %select_n3A_1735 = arith.select %and3A_1732, %sub3A_1734, %div3A_1713 : i32
        %mul3A_1736 = arith.constant 20 : i32
        %mul3A_1737 = arith.muli %select_n3A_1735, %mul3A_1736 : i32
        %sub3A_1738 = arith.subi %add3A_1711, %mul3A_1737 : i32
        %get3A_1739 = arith.constant 0 : i32
        %get3A_1740 = arith.constant 0 : i32
        %get3A_1741 = tpu.memref_slice %arg12[%rem3A_44, %get3A_1739, %get3A_1740] : memref<2x32x64xf32, #tpu.memory_space<vmem>> -> memref<1x32x64xf32, #tpu.memory_space<vmem>>
        %get3A_1742 = tpu.memref_squeeze %get3A_1741 : memref<1x32x64xf32, #tpu.memory_space<vmem>> -> memref<32x64xf32, #tpu.memory_space<vmem>>
        %get3A_1743 = arith.index_cast %select_n3A_1735 : i32 to index
        %get3A_1744 = arith.constant 0 : index
        %get3A_1745 = tpu.vector_load %get3A_1742[%get3A_1743, %get3A_1744] {strides = array<i32>} : memref<32x64xf32, #tpu.memory_space<vmem>>, vector<16xf32>,
        %get3A_1746 = arith.constant 0 : i32
        %get3A_1747 = arith.constant 0 : i32
        %get3A_1748 = arith.constant 0 : i32
        %get3A_1749 = tpu.memref_slice %arg14[%rem3A_44, %get3A_1746, %get3A_1747, %get3A_1748] : memref<2x32x20x64xf32, #tpu.memory_space<vmem>> -> memref<1x32x20x64xf32, #tpu.memory_space<vmem>>
        %get3A_1750 = tpu.memref_squeeze %get3A_1749 : memref<1x32x20x64xf32, #tpu.memory_space<vmem>> -> memref<32x20x64xf32, #tpu.memory_space<vmem>>
        %get3A_1751 = arith.index_cast %select_n3A_1735 : i32 to index
        %get3A_1752 = arith.index_cast %sub3A_1738 : i32 to index
        %get3A_1753 = arith.constant 0 : index
        %get3A_1754 = tpu.vector_load %get3A_1750[%get3A_1751, %get3A_1752, %get3A_1753] {strides = array<i32>} : memref<32x20x64xf32, #tpu.memory_space<vmem>>, vector<16xf32>,
        %mul3A_1755 = arith.mulf %get3A_1745, %get3A_1754 : vector<16xf32>
        %get3A_1756 = arith.constant 0 : i32
        %get3A_1757 = arith.constant 0 : i32
        %get3A_1758 = tpu.memref_slice %arg12[%rem3A_44, %get3A_1756, %get3A_1757] : memref<2x32x64xf32, #tpu.memory_space<vmem>> -> memref<1x32x64xf32, #tpu.memory_space<vmem>>
        %get3A_1759 = tpu.memref_squeeze %get3A_1758 : memref<1x32x64xf32, #tpu.memory_space<vmem>> -> memref<32x64xf32, #tpu.memory_space<vmem>>
        %get3A_1760 = arith.index_cast %select_n3A_1735 : i32 to index
        %get3A_1761 = arith.constant 16 : index
        %get3A_1762 = tpu.vector_load %get3A_1759[%get3A_1760, %get3A_1761] {strides = array<i32>} : memref<32x64xf32, #tpu.memory_space<vmem>>, vector<16xf32>,
        %get3A_1763 = arith.constant 0 : i32
        %get3A_1764 = arith.constant 0 : i32
        %get3A_1765 = arith.constant 0 : i32
        %get3A_1766 = tpu.memref_slice %arg14[%rem3A_44, %get3A_1763, %get3A_1764, %get3A_1765] : memref<2x32x20x64xf32, #tpu.memory_space<vmem>> -> memref<1x32x20x64xf32, #tpu.memory_space<vmem>>
        %get3A_1767 = tpu.memref_squeeze %get3A_1766 : memref<1x32x20x64xf32, #tpu.memory_space<vmem>> -> memref<32x20x64xf32, #tpu.memory_space<vmem>>
        %get3A_1768 = arith.index_cast %select_n3A_1735 : i32 to index
        %get3A_1769 = arith.index_cast %sub3A_1738 : i32 to index
        %get3A_1770 = arith.constant 16 : index
        %get3A_1771 = tpu.vector_load %get3A_1767[%get3A_1768, %get3A_1769, %get3A_1770] {strides = array<i32>} : memref<32x20x64xf32, #tpu.memory_space<vmem>>, vector<16xf32>,
        %mul3A_1772 = arith.mulf %get3A_1762, %get3A_1771 : vector<16xf32>
        %add3A_1773 = arith.addf %mul3A_1755, %mul3A_1772 : vector<16xf32>
        %get3A_1774 = arith.constant 0 : i32
        %get3A_1775 = arith.constant 0 : i32
        %get3A_1776 = tpu.memref_slice %arg12[%rem3A_44, %get3A_1774, %get3A_1775] : memref<2x32x64xf32, #tpu.memory_space<vmem>> -> memref<1x32x64xf32, #tpu.memory_space<vmem>>
        %get3A_1777 = tpu.memref_squeeze %get3A_1776 : memref<1x32x64xf32, #tpu.memory_space<vmem>> -> memref<32x64xf32, #tpu.memory_space<vmem>>
        %get3A_1778 = arith.index_cast %select_n3A_1735 : i32 to index
        %get3A_1779 = arith.constant 32 : index
        %get3A_1780 = tpu.vector_load %get3A_1777[%get3A_1778, %get3A_1779] {strides = array<i32>} : memref<32x64xf32, #tpu.memory_space<vmem>>, vector<16xf32>,
        %get3A_1781 = arith.constant 0 : i32
        %get3A_1782 = arith.constant 0 : i32
        %get3A_1783 = arith.constant 0 : i32
        %get3A_1784 = tpu.memref_slice %arg14[%rem3A_44, %get3A_1781, %get3A_1782, %get3A_1783] : memref<2x32x20x64xf32, #tpu.memory_space<vmem>> -> memref<1x32x20x64xf32, #tpu.memory_space<vmem>>
        %get3A_1785 = tpu.memref_squeeze %get3A_1784 : memref<1x32x20x64xf32, #tpu.memory_space<vmem>> -> memref<32x20x64xf32, #tpu.memory_space<vmem>>
        %get3A_1786 = arith.index_cast %select_n3A_1735 : i32 to index
        %get3A_1787 = arith.index_cast %sub3A_1738 : i32 to index
        %get3A_1788 = arith.constant 32 : index
        %get3A_1789 = tpu.vector_load %get3A_1785[%get3A_1786, %get3A_1787, %get3A_1788] {strides = array<i32>} : memref<32x20x64xf32, #tpu.memory_space<vmem>>, vector<16xf32>,
        %mul3A_1790 = arith.mulf %get3A_1780, %get3A_1789 : vector<16xf32>
        %add3A_1791 = arith.addf %add3A_1773, %mul3A_1790 : vector<16xf32>
        %get3A_1792 = arith.constant 0 : i32
        %get3A_1793 = arith.constant 0 : i32
        %get3A_1794 = tpu.memref_slice %arg12[%rem3A_44, %get3A_1792, %get3A_1793] : memref<2x32x64xf32, #tpu.memory_space<vmem>> -> memref<1x32x64xf32, #tpu.memory_space<vmem>>
        %get3A_1795 = tpu.memref_squeeze %get3A_1794 : memref<1x32x64xf32, #tpu.memory_space<vmem>> -> memref<32x64xf32, #tpu.memory_space<vmem>>
        %get3A_1796 = arith.index_cast %select_n3A_1735 : i32 to index
        %get3A_1797 = arith.constant 48 : index
        %get3A_1798 = tpu.vector_load %get3A_1795[%get3A_1796, %get3A_1797] {strides = array<i32>} : memref<32x64xf32, #tpu.memory_space<vmem>>, vector<16xf32>,
        %get3A_1799 = arith.constant 0 : i32
        %get3A_1800 = arith.constant 0 : i32
        %get3A_1801 = arith.constant 0 : i32
        %get3A_1802 = tpu.memref_slice %arg14[%rem3A_44, %get3A_1799, %get3A_1800, %get3A_1801] : memref<2x32x20x64xf32, #tpu.memory_space<vmem>> -> memref<1x32x20x64xf32, #tpu.memory_space<vmem>>
        %get3A_1803 = tpu.memref_squeeze %get3A_1802 : memref<1x32x20x64xf32, #tpu.memory_space<vmem>> -> memref<32x20x64xf32, #tpu.memory_space<vmem>>
        %get3A_1804 = arith.index_cast %select_n3A_1735 : i32 to index
        %get3A_1805 = arith.index_cast %sub3A_1738 : i32 to index
        %get3A_1806 = arith.constant 48 : index
        %get3A_1807 = tpu.vector_load %get3A_1803[%get3A_1804, %get3A_1805, %get3A_1806] {strides = array<i32>} : memref<32x20x64xf32, #tpu.memory_space<vmem>>, vector<16xf32>,
        %mul3A_1808 = arith.mulf %get3A_1798, %get3A_1807 : vector<16xf32>
        %add3A_1809 = arith.addf %add3A_1791, %mul3A_1808 : vector<16xf32>
        %mul3A_1810 = arith.constant 16 : i32
        %mul3A_1811 = vector.broadcast %mul3A_1810 : i32 to vector<16xi32>
        %mul3A_1812 = arith.muli %iota3A, %mul3A_1811 : vector<16xi32>
        %add3A_1813 = arith.constant 15 : i32
        %add3A_1814 = vector.broadcast %add3A_1813 : i32 to vector<16xi32>
        %add3A_1815 = arith.addi %mul3A_1812, %add3A_1814 : vector<16xi32>
        tpu.vector_store_idx %arg17[%add3A_1815], %add3A_1809 : memref<256xf32, #tpu.memory_space<vmem>>[vector<16xi32>], vector<16xf32>,
        %mul3A_1816 = arith.constant 32 : i32
        %mul3A_1817 = arith.muli %scan3A_42, %mul3A_1816 : i32
        %mul3A_1818 = arith.constant 20 : i32
        %mul3A_1819 = arith.muli %mul3A_1817, %mul3A_1818 : i32
        %mul3A_1820 = arith.constant 16 : i32
        %mul3A_1821 = arith.muli %scan3A_94, %mul3A_1820 : i32
        %add3A_1822 = arith.addi %mul3A_1819, %mul3A_1821 : i32
        %add3A_1823 = vector.broadcast %add3A_1822 : i32 to vector<16xi32>
        %add3A_1824 = arith.addi %add3A_1823, %iota3A : vector<16xi32>
        %jit3A_1825 = arith.constant 20 : i32
        %div3A_1826 = vector.broadcast %jit3A_1825 : i32 to vector<16xi32>
        %div3A_1827 = arith.divsi %add3A_1824, %div3A_1826 : vector<16xi32>
        %sign3A_1828 = arith.constant 0 : i32
        %sign3A_1829 = vector.broadcast %sign3A_1828 : i32 to vector<16xi32>
        %sign3A_1830 = arith.cmpi sgt, %add3A_1824, %sign3A_1829 : vector<16xi32>
        %sign3A_1831 = arith.extui %sign3A_1830 : vector<16xi1> to vector<16xi32>
        %sign3A_1832 = arith.constant 0 : i32
        %sign3A_1833 = vector.broadcast %sign3A_1832 : i32 to vector<16xi32>
        %sign3A_1834 = arith.cmpi slt, %add3A_1824, %sign3A_1833 : vector<16xi32>
        %sign3A_1835 = arith.extui %sign3A_1834 : vector<16xi1> to vector<16xi32>
        %sign3A_1836 = arith.subi %sign3A_1831, %sign3A_1835 : vector<16xi32>
        %sign3A_1837 = arith.constant 0 : i32
        %sign3A_1838 = arith.cmpi sgt, %jit3A_1825, %sign3A_1837 : i32
        %sign3A_1839 = arith.extui %sign3A_1838 : i1 to i32
        %sign3A_1840 = arith.constant 0 : i32
        %sign3A_1841 = arith.cmpi slt, %jit3A_1825, %sign3A_1840 : i32
        %sign3A_1842 = arith.extui %sign3A_1841 : i1 to i32
        %sign3A_1843 = arith.subi %sign3A_1839, %sign3A_1842 : i32
        %ne3A_1844 = vector.broadcast %sign3A_1843 : i32 to vector<16xi32>
        %ne3A_1845 = arith.cmpi ne, %sign3A_1836, %ne3A_1844 : vector<16xi32>
        %rem3A_1846 = vector.broadcast %jit3A_1825 : i32 to vector<16xi32>
        %rem3A_1847 = arith.remsi %add3A_1824, %rem3A_1846 : vector<16xi32>
        %ne3A_1848 = arith.constant 0 : i32
        %ne3A_1849 = vector.broadcast %ne3A_1848 : i32 to vector<16xi32>
        %ne3A_1850 = arith.cmpi ne, %rem3A_1847, %ne3A_1849 : vector<16xi32>
        %and3A_1851 = arith.andi %ne3A_1845, %ne3A_1850 : vector<16xi1>
        %sub3A_1852 = arith.constant 1 : i32
        %sub3A_1853 = vector.broadcast %sub3A_1852 : i32 to vector<16xi32>
        %sub3A_1854 = arith.subi %div3A_1827, %sub3A_1853 : vector<16xi32>
        %select_n3A_1855 = arith.select %and3A_1851, %sub3A_1854, %div3A_1827 : vector<16xi1>, vector<16xi32>
        %mul3A_1856 = arith.constant 20 : i32
        %mul3A_1857 = vector.broadcast %mul3A_1856 : i32 to vector<16xi32>
        %mul3A_1858 = arith.muli %select_n3A_1855, %mul3A_1857 : vector<16xi32>
        %sub3A_1859 = arith.subi %add3A_1824, %mul3A_1858 : vector<16xi32>
        %get3A_1860 = arith.constant 0 : index
        %get3A_1861 = tpu.vector_load %arg17[%get3A_1860] {strides = array<i32>} : memref<256xf32, #tpu.memory_space<vmem>>, vector<16xf32>,
        %get3A_1862 = arith.constant 16 : index
        %get3A_1863 = tpu.vector_load %arg17[%get3A_1862] {strides = array<i32>} : memref<256xf32, #tpu.memory_space<vmem>>, vector<16xf32>,
        %add3A_1864 = arith.addf %get3A_1861, %get3A_1863 : vector<16xf32>
        %get3A_1865 = arith.constant 32 : index
        %get3A_1866 = tpu.vector_load %arg17[%get3A_1865] {strides = array<i32>} : memref<256xf32, #tpu.memory_space<vmem>>, vector<16xf32>,
        %add3A_1867 = arith.addf %add3A_1864, %get3A_1866 : vector<16xf32>
        %get3A_1868 = arith.constant 48 : index
        %get3A_1869 = tpu.vector_load %arg17[%get3A_1868] {strides = array<i32>} : memref<256xf32, #tpu.memory_space<vmem>>, vector<16xf32>,
        %add3A_1870 = arith.addf %add3A_1867, %get3A_1869 : vector<16xf32>
        %get3A_1871 = arith.constant 64 : index
        %get3A_1872 = tpu.vector_load %arg17[%get3A_1871] {strides = array<i32>} : memref<256xf32, #tpu.memory_space<vmem>>, vector<16xf32>,
        %add3A_1873 = arith.addf %add3A_1870, %get3A_1872 : vector<16xf32>
        %get3A_1874 = arith.constant 80 : index
        %get3A_1875 = tpu.vector_load %arg17[%get3A_1874] {strides = array<i32>} : memref<256xf32, #tpu.memory_space<vmem>>, vector<16xf32>,
        %add3A_1876 = arith.addf %add3A_1873, %get3A_1875 : vector<16xf32>
        %get3A_1877 = arith.constant 96 : index
        %get3A_1878 = tpu.vector_load %arg17[%get3A_1877] {strides = array<i32>} : memref<256xf32, #tpu.memory_space<vmem>>, vector<16xf32>,
        %add3A_1879 = arith.addf %add3A_1876, %get3A_1878 : vector<16xf32>
        %get3A_1880 = arith.constant 112 : index
        %get3A_1881 = tpu.vector_load %arg17[%get3A_1880] {strides = array<i32>} : memref<256xf32, #tpu.memory_space<vmem>>, vector<16xf32>,
        %add3A_1882 = arith.addf %add3A_1879, %get3A_1881 : vector<16xf32>
        %get3A_1883 = arith.constant 128 : index
        %get3A_1884 = tpu.vector_load %arg17[%get3A_1883] {strides = array<i32>} : memref<256xf32, #tpu.memory_space<vmem>>, vector<16xf32>,
        %add3A_1885 = arith.addf %add3A_1882, %get3A_1884 : vector<16xf32>
        %get3A_1886 = arith.constant 144 : index
        %get3A_1887 = tpu.vector_load %arg17[%get3A_1886] {strides = array<i32>} : memref<256xf32, #tpu.memory_space<vmem>>, vector<16xf32>,
        %add3A_1888 = arith.addf %add3A_1885, %get3A_1887 : vector<16xf32>
        %get3A_1889 = arith.constant 160 : index
        %get3A_1890 = tpu.vector_load %arg17[%get3A_1889] {strides = array<i32>} : memref<256xf32, #tpu.memory_space<vmem>>, vector<16xf32>,
        %add3A_1891 = arith.addf %add3A_1888, %get3A_1890 : vector<16xf32>
        %get3A_1892 = arith.constant 176 : index
        %get3A_1893 = tpu.vector_load %arg17[%get3A_1892] {strides = array<i32>} : memref<256xf32, #tpu.memory_space<vmem>>, vector<16xf32>,
        %add3A_1894 = arith.addf %add3A_1891, %get3A_1893 : vector<16xf32>
        %get3A_1895 = arith.constant 192 : index
        %get3A_1896 = tpu.vector_load %arg17[%get3A_1895] {strides = array<i32>} : memref<256xf32, #tpu.memory_space<vmem>>, vector<16xf32>,
        %add3A_1897 = arith.addf %add3A_1894, %get3A_1896 : vector<16xf32>
        %get3A_1898 = arith.constant 208 : index
        %get3A_1899 = tpu.vector_load %arg17[%get3A_1898] {strides = array<i32>} : memref<256xf32, #tpu.memory_space<vmem>>, vector<16xf32>,
        %add3A_1900 = arith.addf %add3A_1897, %get3A_1899 : vector<16xf32>
        %get3A_1901 = arith.constant 224 : index
        %get3A_1902 = tpu.vector_load %arg17[%get3A_1901] {strides = array<i32>} : memref<256xf32, #tpu.memory_space<vmem>>, vector<16xf32>,
        %add3A_1903 = arith.addf %add3A_1900, %get3A_1902 : vector<16xf32>
        %get3A_1904 = arith.constant 240 : index
        %get3A_1905 = tpu.vector_load %arg17[%get3A_1904] {strides = array<i32>} : memref<256xf32, #tpu.memory_space<vmem>>, vector<16xf32>,
        %add3A_1906 = arith.addf %add3A_1903, %get3A_1905 : vector<16xf32>
        tpu.vector_store_idx %arg16[%select_n3A_1855, %sub3A_1859], %add3A_1906 : memref<512x20xf32, #tpu.memory_space<vmem>>[vector<16xi32>, vector<16xi32>], vector<16xf32>,
        %scan3A_1907 = arith.constant 0 : i32
        scf.yield %scan3A_1907 : i32
      }
      %scan3A_92 = arith.constant 40 : i32
      %scan3A_93 = arith.constant 0 : i32
      scf.yield %scan3A_93 : i32
    }
    %scan3A_41 = arith.constant 16 : i32
    "tpu.region"() ({
      %run_scoped3A = tpu.sem_alloc : memref<!tpu.dma_semaphore, #tpu.memory_space<semaphore_mem>>
      %dma_start3A_42 = tpu.memref_slice %arg7[%mul3A_2] : memref<16384xf32, #tpu.memory_space<hbm>> -> memref<512xf32, #tpu.memory_space<hbm>>
      %dma_start3A_43 = tpu.memref_slice %arg7[%mul3A_2] : memref<16384xf32, #tpu.memory_space<hbm>> -> memref<512xf32, #tpu.memory_space<hbm>>
      tpu.enqueue_dma source(%arg15 : memref<512xf32, #tpu.memory_space<vmem>>) target(%dma_start3A_43 : memref<512xf32, #tpu.memory_space<hbm>>) target_semaphore(%run_scoped3A : memref<!tpu.dma_semaphore, #tpu.memory_space<semaphore_mem>>)
      %dma_wait3A = tpu.memref_slice %arg7[%mul3A_2] : memref<16384xf32, #tpu.memory_space<hbm>> -> memref<512xf32, #tpu.memory_space<hbm>>
      %dma_wait3A_44 = tpu.memref_slice %arg7[%mul3A_2] : memref<16384xf32, #tpu.memory_space<hbm>> -> memref<512xf32, #tpu.memory_space<hbm>>
      tpu.wait_dma2 semaphore(%run_scoped3A : memref<!tpu.dma_semaphore, #tpu.memory_space<semaphore_mem>>) src(%arg15 : memref<512xf32, #tpu.memory_space<vmem>>) dst(%dma_wait3A_44 : memref<512xf32, #tpu.memory_space<hbm>>)
      tpu.yield
    }) : () -> ()
    "tpu.region"() ({
      %run_scoped3A = tpu.sem_alloc : memref<!tpu.dma_semaphore, #tpu.memory_space<semaphore_mem>>
      %dma_start3A_42 = arith.constant 0 : i32
      %dma_start3A_43 = tpu.memref_slice %arg8[%mul3A_2, %dma_start3A_42] : memref<16384x20xf32, #tpu.memory_space<hbm>> -> memref<512x20xf32, #tpu.memory_space<hbm>>
      %dma_start3A_44 = arith.constant 0 : i32
      %dma_start3A_45 = tpu.memref_slice %arg8[%mul3A_2, %dma_start3A_44] : memref<16384x20xf32, #tpu.memory_space<hbm>> -> memref<512x20xf32, #tpu.memory_space<hbm>>
      tpu.enqueue_dma source(%arg16 : memref<512x20xf32, #tpu.memory_space<vmem>>) target(%dma_start3A_45 : memref<512x20xf32, #tpu.memory_space<hbm>>) target_semaphore(%run_scoped3A : memref<!tpu.dma_semaphore, #tpu.memory_space<semaphore_mem>>)
      %dma_wait3A = arith.constant 0 : i32
      %dma_wait3A_46 = tpu.memref_slice %arg8[%mul3A_2, %dma_wait3A] : memref<16384x20xf32, #tpu.memory_space<hbm>> -> memref<512x20xf32, #tpu.memory_space<hbm>>
      %dma_wait3A_47 = arith.constant 0 : i32
      %dma_wait3A_48 = tpu.memref_slice %arg8[%mul3A_2, %dma_wait3A_47] : memref<16384x20xf32, #tpu.memory_space<hbm>> -> memref<512x20xf32, #tpu.memory_space<hbm>>
      tpu.wait_dma2 semaphore(%run_scoped3A : memref<!tpu.dma_semaphore, #tpu.memory_space<semaphore_mem>>) src(%arg16 : memref<512x20xf32, #tpu.memory_space<vmem>>) dst(%dma_wait3A_48 : memref<512x20xf32, #tpu.memory_space<hbm>>)
      tpu.yield
    }) : () -> ()
    return
  }
}

</mosaic_0001>

<sc_bundles>
// kernel: kernel.3.cloned.1.call-start
scs
__scs_entry_jumppad:
0x0: {  	(pc) =	sbr.rel $0x88, $3  }
0x1: {  	(tag) =	ssettag $0x0;
	lr =	simm.s32 $0x1  }
0x2: {  	[smem:$0x3F9C] =	sst lr;
	_ =	strace $0xD0000000  }
0x3: {  	_ = 	snop  }
0x4: {  	_ = 	snop  }
0x5: {  	_ = 	snop  }
0x6: {  	_ = 	snop  }
0x7: {  	_ = 	snop  }
__scs_overlays_trampoline_lowered:
0x8: {  	[smem:$0x3FAB] =	sst s0  }
0x9: {  	[smem:$0x3FAC] =	sst s1  }
0xa: {  	[smem:$0x3FAD] =	sst s2  }
0xb: {  	[smem:$0x3FAE] =	sst s3  }
0xc: {  	[smem:$0x3FAF] =	sst s4  }
0xd: {  	[smem:$0x3FB0] =	sst s5  }
0xe: {  	[smem:$0x3FB1] =	sst s6  }
0xf: {  	[smem:$0x3FB2] =	sst s7  }
0x10: {  	[smem:$0x3FB3] =	sst s8  }
0x11: {  	[smem:$0x3FB4] =	sst s9;
	s0 =	simm.s32 @!p0 $0x0  }
0x12: {  	s1 =	sld [smem:$0x3F9A];
	s0 =	simm.s32 @p0 $0x1  }
0x13: {  	[smem:$0x3FB5] =	sst s0;
	s0 =	simm.s32 @!p1 $0x0  }
0x14: {  	s2 =	sld [smem:$0x3F99];
	s0 =	simm.s32 @p1 $0x1  }
0x15: {  	[smem:$0x3FB6] =	sst s0;
	s0 =	simm.s32 @!p2 $0x0  }
0x16: {  	s3 =	sld [smem:$0x3FDB];
	s0 =	simm.s32 @p2 $0x1  }
0x17: {  	s4 =	simm.s32 $0x1BF5;
	[smem:$0x3FB8] =	sst s0  }
0x18: {  	s0 =	sld [smem:$0x3F9B];
	_ =	swait.ge [sflag:s4], $0x0  }
0x19: {  	s7 =	sld [smem:$0x3F9C]  }
0x1a: {  	s8 =	sadd.s32 $0xFFFFE003, lr  }
0x1b: {  	s9 =	sadd.s32 $0xFFFFFEF7, lr;
	s5 =	simm.s32 $0xFFFFFFFF;
	p2 =	slt.u32 s8, $0xFFFFF086  }
0x1c: {  	p1 =	slt.u32 s9, $0xF7A;
	s5 =	simm.s32 @!p2 $0x0  }
0x1d: {  	s5 =	simm.s32 @p1 $0x1;
	p0 =	seq.s32 s7, s2  }
0x1e: {  	s7 =	smul.u32 @!p0 $0xF7A, s2;
	p2 =	seq.s32 @!p0 s5, $0x0  }
0x1f: {  	s9 =	smul.u32 $0xF7A, s1;
	s8 =	simm.s32 @!p0 $0x1BF5;
	p2 =	por !p2, p0  }
0x20: {  	[sflag:s8] =	ssyncset.s32 @!p0 $0xFFFFF086;
	s6 =	sadd.s32 @!p0 s3, s7;
	s7 =	simm.s32 @!p0 $0x108  }
0x21: {  	s3 =	sadd.s32 s3, s9;
	s6 =	sadd.s32 @!p0 $0x88, s6;
	s7 =	simm.s32 @p2 $0x1082  }
0x22: {  	[simem:s7], [sflag:s8] =	dma.local @!p0 [hbm:s6], $0xF7A  }
0x23: {  	s9 =	sor.u32 $0xD0000000, s2;
	s6 =	simm.s32 $0x108;
	_ =	swait.ge @!p0 [sflag:s8], $0x0  }
0x24: {  	s3 =	sadd.s32 $0x88, s3;
	s6 =	simm.s32 @!p1 $0x1082;
	[sflag:s4] =	ssyncset.s32 $0xFFFFF086  }
0x25: {  	[simem:s6], [sflag:s4] =	dma.local [hbm:s3], $0xF7A  }
0x26: {  	[smem:$0x3F9C] =	sst s1;
	(tag) =	ssettag s2;
	_ =	strace s9  }
0x27: {  	s1 =	sld [smem:$0x3FAC]  }
0x28: {  	s2 =	sld [smem:$0x3FAD]  }
0x29: {  	s4 =	sld [smem:$0x3FAF]  }
0x2a: {  	p0 =	seq.s32 s5, $0x0;
	s5 =	sld [smem:$0x3FB0]  }
0x2b: {  	s6 =	sld [smem:$0x3FB1]  }
0x2c: {  	s7 =	sld [smem:$0x3FB2]  }
0x2d: {  	s3 =	simm.s32 $0x108;
	s8 =	sld [smem:$0x3FB3]  }
0x2e: {  	s3 =	simm.s32 @!p0 $0x1082;
	s9 =	sld [smem:$0x3FB4]  }
0x2f: {  	lr =	sadd.s32 s0, s3;
	s0 =	sld [smem:$0x3FAB]  }
0x30: {  	s3 =	sld [smem:$0x3FAE]  }
0x31: {  	[smem:$0x3FB7] =	sst s10  }
0x32: {  	s10 =	sld [smem:$0x3FB5];
	_ =	sdelay $0x3  }
0x33: {  	p0 =	seq.s32 s10, $0x1;
	s10 =	sld [smem:$0x3FB7];
	_ =	sdelay $0x3  }
0x34: {  	[smem:$0x3FB7] =	sst s10  }
0x35: {  	s10 =	sld [smem:$0x3FB6];
	_ =	sdelay $0x3  }
0x36: {  	p1 =	seq.s32 s10, $0x1;
	s10 =	sld [smem:$0x3FB7];
	_ =	sdelay $0x3  }
0x37: {  	[smem:$0x3FB7] =	sst s10  }
0x38: {  	s10 =	sld [smem:$0x3FB8]  }
0x39: {  	_ = 	snop;
	(pc) =	sbr.ind lr, $3  }
0x3a: {  	_ = 	snop  }
0x3b: {  	_ = 	snop  }
0x3c: {  	p2 =	seq.s32 s10, $0x1;
	s10 =	sld [smem:$0x3FB7]  }
0x3d: {  	_ =	shalt  }
0x3e: {  	_ =	shalt  }
0x3f: {  	_ =	shalt  }
0x40: {  	_ =	shalt  }
0x41: {  	_ =	shalt  }
0x42: {  	_ =	shalt  }
0x43: {  	_ =	shalt  }
0x44: {  	_ =	shalt  }
0x45: {  	_ =	shalt  }
0x46: {  	_ =	shalt  }
0x47: {  	_ =	shalt  }
0x48: {  	_ =	shalt  }
0x49: {  	_ =	shalt  }
0x4a: {  	_ =	shalt  }
0x4b: {  	_ =	shalt  }
0x4c: {  	_ =	shalt  }
0x4d: {  	_ =	shalt  }
0x4e: {  	_ =	shalt  }
0x4f: {  	_ =	shalt  }
0x50: {  	_ =	shalt  }
0x51: {  	_ =	shalt  }
0x52: {  	_ =	shalt  }
0x53: {  	_ =	shalt  }
0x54: {  	_ =	shalt  }
0x55: {  	_ =	shalt  }
0x56: {  	_ =	shalt  }
0x57: {  	_ =	shalt  }
0x58: {  	_ =	shalt  }
0x59: {  	_ =	shalt  }
0x5a: {  	_ =	shalt  }
0x5b: {  	_ =	shalt  }
0x5c: {  	_ =	shalt  }
0x5d: {  	_ =	shalt  }
0x5e: {  	_ =	shalt  }
0x5f: {  	_ =	shalt  }
0x60: {  	_ =	shalt  }
0x61: {  	_ =	shalt  }
0x62: {  	_ =	shalt  }
0x63: {  	_ =	shalt  }
0x64: {  	_ =	shalt  }
0x65: {  	_ =	shalt  }
0x66: {  	_ =	shalt  }
0x67: {  	_ =	shalt  }
0x68: {  	_ =	shalt  }
0x69: {  	_ =	shalt  }
0x6a: {  	_ =	shalt  }
0x6b: {  	_ =	shalt  }
0x6c: {  	_ =	shalt  }
0x6d: {  	_ =	shalt  }
0x6e: {  	_ =	shalt  }
0x6f: {  	_ =	shalt  }
0x70: {  	_ =	shalt  }
0x71: {  	_ =	shalt  }
0x72: {  	_ =	shalt  }
0x73: {  	_ =	shalt  }
0x74: {  	_ =	shalt  }
0x75: {  	_ =	shalt  }
0x76: {  	_ =	shalt  }
0x77: {  	_ =	shalt  }
0x78: {  	_ =	shalt  }
0x79: {  	_ =	shalt  }
0x7a: {  	_ =	shalt  }
0x7b: {  	_ =	shalt  }
0x7c: {  	_ =	shalt  }
0x7d: {  	_ =	shalt  }
0x7e: {  	_ =	shalt  }
0x7f: {  	_ =	shalt  }
0x80: {  	_ =	shalt  }
0x81: {  	_ =	shalt  }
0x82: {  	_ =	shalt  }
0x83: {  	_ =	shalt  }
0x84: {  	_ =	shalt  }
0x85: {  	_ =	shalt  }
0x86: {  	_ =	shalt  }
0x87: {  	_ =	shalt  }
.Lfunc_end0:
.L_simem_size_0:
called_computation_lowered:
.L_overlay_start_0:
0x88: {  	s2 =	sld [smem:$0x3FD9]  }
0x89: {  	s3 =	sld [smem:$0x3FFE];
	_ =	sdelay $0x1  }
0x8a: {  	s1 =	srdreg.scid  }
0x8b: {  	s0 =	sand.u32 $0x1, s1  }
0x8c: {  	s14 =	sshll.u32 s0, $0xA;
	s2 =	sadd.s32 s3, s2  }
0x8d: {  	s2 =	sadd.s32 s2, s14  }
0x8e: {  	[smem:$0x3FC3] =	sst s2  }
0x8f: {  	_ = 	snop  }
0x90: {  	s2 =	sld [smem:$0x3FD0];
	_ =	sdelay $0x1  }
0x91: {  	s15 =	sld [smem:$0x3FC9]  }
0x92: {  	s5 =	simm.s32 $0xA;
	s6 =	simm.s32 $0x10;
	s4 =	sld [smem:$0x3FC8]  }
0x93: {  	[smem:s6], [sflag:s5] =	dma.local [hbm:s2], $0x1  }
0x94: {  	_ =	swait.eq [sflag:s5], $0x1  }
0x95: {  	[sflag:s5] =	ssyncset.done $0x0  }
0x96: {  	s16 =	sld [smem:$0x10];
	[sflag:s5] =	ssyncadd.s32 $0xFFFFFFFF  }
0x97: {  	s17 =	sld [smem:$0x11];
	(tm) =	ssettm $0x1  }
0x98: {  	s18 =	sld [smem:$0x3FFB];
	_ =	sdelay $0x3  }
0x99: {  	_ =	strace s18  }
0x9a: {  	s6 =	sld [smem:$0x3FFC];
	_ =	sdelay $0x3  }
0x9b: {  	_ =	strace s6  }
0x9c: {  	s6 =	sld [smem:$0x3FFD];
	_ =	sdelay $0x3  }
0x9d: {  	_ =	strace s6  }
0x9e: {  	_ =	strace $0x8FFFFFFF  }
0x9f: {  	s19 =	sld [smem:$0x3FDB];
	_ =	sdelay $0x1  }
0xa0: {  	s7 =	simm.s32 $_scs_section_size  }
0xa1: {  	s8 =	simm.s32 $_size__tile_overlayer_lowered;
	s9 =	simm.s32 $_tile_overlayer_lowered  }
0xa2: {  	s22 =	simm.s32 $0x1BFF;
	s21 =	sshll.u32 s9, $0x1;
	s6 =	sadd.s32 s7, s19  }
0xa3: {  	s10 =	simm.s32 $0x0;
	s20 =	sshll.u32 s8, $0x1;
	s8 =	sadd.s32 s21, s6  }
0xa4: {  	[timem:s10], [sflag:s22] =	dma.local [hbm:s8], s20  }
0xa5: {  	_ =	swait.ge [sflag:s22], s20  }
0xa6: {  	s7 =	ssub.s32 $0x0, s20;
	[sflag:s22] =	ssyncset.done $0x0  }
0xa7: {  	[sflag:s22] =	ssyncadd.s32 s7;
	_ =	sdelay $0x1  }
0xa8: {  	s23 =	simm.s32 $0x1B8B  }
0xa9: {  	_ =	swait.ge [sflag:s23], $0x1  }
0xaa: {  	[sflag:s23] =	ssyncset.done $0x0  }
0xab: {  	s25 =	simm.s32 $0x1B8E;
	s24 =	sld [smem:$0x3FFE];
	[sflag:s23] =	ssyncadd.s32 $0xFFFFFFFF  }
0xac: {  	s26 =	simm.s32 $execute0_lowered;
	[smem:$0x3FD2] =	sst s25  }
0xad: {  	s8 =	sshll.u32 s26, $0x1;
	_ =	strace $0x80000046;
	[dreg:$0x1] =	wrdreg $0xFFFFFFFF  }
0xae: {  	s28 =	simm.s32 $_size_execute0_lowered;
	s6 =	sadd.s32 s6, s8;
	[dreg:$0x0] =	wrdreg $0x0  }
0xaf: {  	s8 =	sshll.u32 s28, $0x1;
	[dreg:$0x2] =	wrdreg s6  }
0xb0: {  	[dreg:$0x3] =	wrdreg s8  }
0xb1: {  	[dreg:$0x4] =	wrdreg $0xC0  }
0xb2: {  	_ =	task [dreg:s10], $0x5FFFF  }
0xb3: {  	[dreg:$0x1] =	wrdreg $0xFFFFFFFF  }
0xb4: {  	[dreg:$0x0] =	wrdreg $0x60  }
0xb5: {  	[dreg:$0x2] =	wrdreg s15  }
0xb6: {  	[dreg:$0x3] =	wrdreg s4  }
0xb7: {  	[dreg:$0x4] =	wrdreg s17  }
0xb8: {  	[dreg:$0x5] =	wrdreg s24  }
0xb9: {  	[dreg:$0x6] =	wrdreg s16  }
0xba: {  	[dreg:$0x7] =	wrdreg $0x9  }
0xbb: {  	_ =	task.clear_ibuf [dreg:s10], $0x8FFFF;
	_ =	strace $0x90000046  }
0xbc: {  	s29 =	simm.s32 $0x9;
	_ =	strace $0x80000048  }
0xbd: {  	_ =	swait.ge [sflag:s29], $0x1  }
0xbe: {  	[sflag:s29] =	ssyncadd.s32 $0xFFFFFFFF  }
0xbf: {  	_ =	strace $0x90000048  }
0xc0: {  	_ =	sfence  }
0xc1: {  	s30 =	sld [smem:$0x0];
	_ =	sdelay $0x2  }
0xc2: {  	s31 =	sshll.u32 s1, $0xD;
	s1 =	sshrl.u32 s1, $0x2  }
0xc3: {  	s3 =	sand.u32 $0x4000, s31;
	s1 =	sadd.s32 s1, s30  }
0xc4: {  	s0 =	sor.u32 s3, s0;
	s1 =	sshll.u32 s1, $0x11  }
0xc5: {  	s0 =	sor.u32 s1, s0  }
0xc6: {  	s0 =	sadd.s32 $0x8F2B, s0  }
0xc7: {  	[sflag:s0] =	ssyncadd.remote.s32 $0x1  }
0xc8: {  	_ =	sfence.sel $0xFFFF  }
0xc9: {  	[dreg:$0x0] =	wrdreg $0xFFFFFFFF;
	(pc) =	sbr.abs _section_cstart, $3  }
0xca: {  	[dreg:$0x1] =	wrdreg $0xFFFFFFFF  }
0xcb: {  	_ =	task.clear_ibuf [dreg:s10], $0x2FFFF;
	_ =	strace $0x9FFFFFFF  }
0xcc: {  	(tm) =	ssettm $0x7FFFFFFF  }
0xcd: {  	_ =	shalt  }
tec
execute0_lowered:
.L_overlay_start_1:
0x0: {  	(tag) =	ssettag $0x1  }
0x1: {  	s0 =	rddreg [dreg:$0x0]  }
0x2: {  	s1 =	rddreg [dreg:$0x1]  }
0x3: {  	s7 =	rddreg [dreg:$0x2]  }
0x4: {  	s5 =	rddreg [dreg:$0x3]  }
0x5: {  	s8 =	rddreg [dreg:$0x4]  }
0x6: {  	s2 =	srdreg.scid;
	s3 =	stileid.u32  }
0x7: {  	s13 =	simm.s32 $0x400;
	s14 =	simm.s32 $0x20;
	s17 =	simm.s32 $0x14  }
0x8: {  	s28 =	simm.s32 $0xEA00;
	s29 =	simm.s32 $0x6E8;
	s30 =	simm.s32 $0xEF00  }
0x9: {  	s31 =	simm.s32 $0x1C600;
	s6 =	sand.u32 $0x1, s2;
	s2 =	simm.s32 $0x0  }
0xa: {  	v0 =	vlaneseq.u32;
	s15 =	simm.s32 $0x0;
	s3 =	sshll.u32 s3, $0xA;
	[smem:$0x7FF] =	sst s2  }
0xb: {  	v1 =	vmul.u32 $0x10, v0;
	s4 =	sshll.u32 s6, $0x9;
	s6 =	ssub.s32 $0x2, s6;
	_ =	strace $0x80000047  }
0xc: {  	v17 =	vimm.s32 $0x0;
	s9 =	sor.u32 s4, s3;
	s3 =	sadd.s32 $0x16E4000, s5;
	s4 =	sadd.s32 $0xF42E00, s5  }
0xd: {  	s26 =	sshrl.u32 s6, $0x1;
	v2 =	vor.u32 $0x1, v1;
	v3 =	vor.u32 $0x2, v1;
	v4 =	vor.u32 $0x3, v1;
	s10 =	smul.u32 $0x3, s9;
	s9 =	sshrl.u32 s9, $0x3  }
0xe: {  	v5 =	vor.u32 $0x4, v1;
	v6 =	vor.u32 $0x5, v1;
	v7 =	vor.u32 $0x6, v1;
	s12 =	ssub.s32 s6, s26;
	s6 =	sadd.s32 s1, s9;
	s8 =	sadd.s32 s8, s9  }
0xf: {  	v8 =	vor.u32 $0x7, v1;
	v9 =	vor.u32 $0x8, v1;
	v10 =	vor.u32 $0x9, v1;
	s1 =	simm.s32 $0x19400;
	s11 =	sadd.s32 s10, s5;
	s5 =	sadd.s32 s0, s9  }
0x10: {  	v11 =	vor.u32 $0xA, v1;
	v12 =	vor.u32 $0xB, v1;
	v13 =	vor.u32 $0xC, v1;
	s7 =	sadd.s32 s7, s10;
	s10 =	smax.u32 s12, $0x1;
	s12 =	simm.s32 $0x200  }
0x11: {  	v14 =	vor.u32 $0xD, v1;
	v15 =	vor.u32 $0xE, v1;
	v16 =	vor.u32 $0xF, v1;
	s0 =	simm.s32 $0x19600;
	s9 =	sadd.s32 $0xA00, s11;
	s11 =	simm.s32 $0x3  }
.LBB2_1:
0x12: {  	[tilespmem:s2], [sflag:$0x3] =	stream.linear.gather [hbm4b:s5+s2], $0x200, $0x38;
	[tilespmem:$0x1C700] =	vst v63  }
0x13: {  	_ =	swait.ge [sflag:s11], $0x200  }
0x14: {  	[sflag:s11] =	ssyncset.done $0x0  }
0x15: {  	[sflag:s11] =	ssyncadd.s32 $0xFFFFFE00  }
0x16: {  	[tilespmem:s12], [sflag:$0x3] =	stream.linear.gather [hbm4b:s6+s2], $0x200, $0x38;
	[tilespmem:$0x1C700] =	vst v63  }
0x17: {  	_ =	swait.ge [sflag:s11], $0x200  }
0x18: {  	[sflag:s11] =	ssyncset.done $0x0  }
0x19: {  	[sflag:s11] =	ssyncadd.s32 $0xFFFFFE00  }
0x1a: {  	[tilespmem:s13], [sflag:$0x3] =	stream.linear.gather [hbm4b:s7+s2], $0x3000, $0x38;
	[tilespmem:$0x1C700] =	vst v63  }
0x1b: {  	_ =	swait.ge [sflag:s11], $0x3000  }
0x1c: {  	[sflag:s11] =	ssyncset.done $0x0  }
0x1d: {  	s16 =	simm.s32 $0x3400;
	[sflag:s11] =	ssyncadd.s32 $0xFFFFD000  }
0x1e: {  	[tilespmem:s16], [sflag:$0x1] =	stream.indirect.gather [hbm4b:s3+s14], $0x40, s2, s14, $0xb8;
	[tilespmem:$0x1C700] =	vst v63  }
0x1f: {  	s24 =	simm.s32 $0x4400  }
0x20: {  	[tilespmem:s24], [sflag:$0x1] =	stream.indirect.gather [hbm4b:s4+s14], $0x40, s12, s14, $0xb8;
	[tilespmem:$0x1C700] =	vst v63  }
0x21: {  	s25 =	simm.s32 $0x5400  }
0x22: {  	[tilespmem:s25], [sflag:$0x1] =	stream.indirect.gather [hbm4b:s4+s17], $0x40, s13, s17, $0xb8;
	[tilespmem:$0x1C700] =	vst v63  }
0x23: {  	s26 =	simm.s32 $0x418;
	s18 =	simm.s32 $0x5900  }
0x24: {  	[tilespmem:s18], [sflag:$0x1] =	stream.indirect.gather [hbm4b:s4+s17], $0x40, s26, s17, $0xb8;
	[tilespmem:$0x1C700] =	vst v63  }
0x25: {  	s19 =	simm.s32 $0x430;
	s20 =	simm.s32 $0x5E00  }
0x26: {  	[tilespmem:s20], [sflag:$0x1] =	stream.indirect.gather [hbm4b:s4+s17], $0x40, s19, s17, $0xb8;
	[tilespmem:$0x1C700] =	vst v63  }
0x27: {  	s21 =	simm.s32 $0x448;
	s22 =	simm.s32 $0x6300  }
0x28: {  	[tilespmem:s22], [sflag:$0x1] =	stream.indirect.gather [hbm4b:s4+s17], $0x40, s21, s17, $0xb8;
	[tilespmem:$0x1C700] =	vst v63  }
0x29: {  	s23 =	simm.s32 $0x460;
	s24 =	simm.s32 $0x6800  }
0x2a: {  	[tilespmem:s24], [sflag:$0x1] =	stream.indirect.gather [hbm4b:s4+s17], $0x40, s23, s17, $0xb8;
	[tilespmem:$0x1C700] =	vst v63  }
0x2b: {  	s25 =	simm.s32 $0x478;
	s26 =	simm.s32 $0x6D00  }
0x2c: {  	[tilespmem:s26], [sflag:$0x1] =	stream.indirect.gather [hbm4b:s4+s17], $0x40, s25, s17, $0xb8;
	[tilespmem:$0x1C700] =	vst v63  }
0x2d: {  	s19 =	simm.s32 $0x490;
	s20 =	simm.s32 $0x7200  }
0x2e: {  	[tilespmem:s20], [sflag:$0x1] =	stream.indirect.gather [hbm4b:s4+s17], $0x40, s19, s17, $0xb8;
	[tilespmem:$0x1C700] =	vst v63  }
0x2f: {  	s21 =	simm.s32 $0x4A8;
	s22 =	simm.s32 $0x7700  }
0x30: {  	[tilespmem:s22], [sflag:$0x1] =	stream.indirect.gather [hbm4b:s4+s17], $0x40, s21, s17, $0xb8;
	[tilespmem:$0x1C700] =	vst v63  }
0x31: {  	s23 =	simm.s32 $0x4C0;
	s24 =	simm.s32 $0x7C00  }
0x32: {  	[tilespmem:s24], [sflag:$0x1] =	stream.indirect.gather [hbm4b:s4+s17], $0x40, s23, s17, $0xb8;
	[tilespmem:$0x1C700] =	vst v63  }
0x33: {  	s25 =	simm.s32 $0x4D8;
	s26 =	simm.s32 $0x8100  }
0x34: {  	[tilespmem:s26], [sflag:$0x1] =	stream.indirect.gather [hbm4b:s4+s17], $0x40, s25, s17, $0xb8;
	[tilespmem:$0x1C700] =	vst v63  }
0x35: {  	s19 =	simm.s32 $0x4F0;
	s20 =	simm.s32 $0x8600  }
0x36: {  	[tilespmem:s20], [sflag:$0x1] =	stream.indirect.gather [hbm4b:s4+s17], $0x40, s19, s17, $0xb8;
	[tilespmem:$0x1C700] =	vst v63  }
0x37: {  	s21 =	simm.s32 $0x508;
	s22 =	simm.s32 $0x8B00  }
0x38: {  	[tilespmem:s22], [sflag:$0x1] =	stream.indirect.gather [hbm4b:s4+s17], $0x40, s21, s17, $0xb8;
	[tilespmem:$0x1C700] =	vst v63  }
0x39: {  	s23 =	simm.s32 $0x520;
	s24 =	simm.s32 $0x9000  }
0x3a: {  	[tilespmem:s24], [sflag:$0x1] =	stream.indirect.gather [hbm4b:s4+s17], $0x40, s23, s17, $0xb8;
	[tilespmem:$0x1C700] =	vst v63  }
0x3b: {  	s25 =	simm.s32 $0x538;
	s26 =	simm.s32 $0x9500  }
0x3c: {  	[tilespmem:s26], [sflag:$0x1] =	stream.indirect.gather [hbm4b:s4+s17], $0x40, s25, s17, $0xb8;
	[tilespmem:$0x1C700] =	vst v63  }
0x3d: {  	s19 =	simm.s32 $0x550;
	s20 =	simm.s32 $0x9A00  }
0x3e: {  	[tilespmem:s20], [sflag:$0x1] =	stream.indirect.gather [hbm4b:s4+s17], $0x40, s19, s17, $0xb8;
	[tilespmem:$0x1C700] =	vst v63  }
0x3f: {  	s21 =	simm.s32 $0x568;
	s22 =	simm.s32 $0x9F00  }
0x40: {  	[tilespmem:s22], [sflag:$0x1] =	stream.indirect.gather [hbm4b:s4+s17], $0x40, s21, s17, $0xb8;
	[tilespmem:$0x1C700] =	vst v63  }
0x41: {  	s23 =	simm.s32 $0x580;
	s24 =	simm.s32 $0xA400  }
0x42: {  	[tilespmem:s24], [sflag:$0x1] =	stream.indirect.gather [hbm4b:s4+s17], $0x40, s23, s17, $0xb8;
	[tilespmem:$0x1C700] =	vst v63  }
0x43: {  	s25 =	simm.s32 $0x598;
	s26 =	simm.s32 $0xA900  }
0x44: {  	[tilespmem:s26], [sflag:$0x1] =	stream.indirect.gather [hbm4b:s4+s17], $0x40, s25, s17, $0xb8;
	[tilespmem:$0x1C700] =	vst v63  }
0x45: {  	s19 =	simm.s32 $0x5B0;
	s20 =	simm.s32 $0xAE00  }
0x46: {  	[tilespmem:s20], [sflag:$0x1] =	stream.indirect.gather [hbm4b:s4+s17], $0x40, s19, s17, $0xb8;
	[tilespmem:$0x1C700] =	vst v63  }
0x47: {  	s21 =	simm.s32 $0x5C8;
	s22 =	simm.s32 $0xB300  }
0x48: {  	[tilespmem:s22], [sflag:$0x1] =	stream.indirect.gather [hbm4b:s4+s17], $0x40, s21, s17, $0xb8;
	[tilespmem:$0x1C700] =	vst v63  }
0x49: {  	s23 =	simm.s32 $0x5E0;
	s24 =	simm.s32 $0xB800  }
0x4a: {  	[tilespmem:s24], [sflag:$0x1] =	stream.indirect.gather [hbm4b:s4+s17], $0x40, s23, s17, $0xb8;
	[tilespmem:$0x1C700] =	vst v63  }
0x4b: {  	s25 =	simm.s32 $0x5F8;
	s26 =	simm.s32 $0xBD00  }
0x4c: {  	[tilespmem:s26], [sflag:$0x1] =	stream.indirect.gather [hbm4b:s4+s17], $0x40, s25, s17, $0xb8;
	[tilespmem:$0x1C700] =	vst v63  }
0x4d: {  	s19 =	simm.s32 $0x610;
	s20 =	simm.s32 $0xC200  }
0x4e: {  	[tilespmem:s20], [sflag:$0x1] =	stream.indirect.gather [hbm4b:s4+s17], $0x40, s19, s17, $0xb8;
	[tilespmem:$0x1C700] =	vst v63  }
0x4f: {  	s21 =	simm.s32 $0x628;
	s22 =	simm.s32 $0xC700  }
0x50: {  	[tilespmem:s22], [sflag:$0x1] =	stream.indirect.gather [hbm4b:s4+s17], $0x40, s21, s17, $0xb8;
	[tilespmem:$0x1C700] =	vst v63  }
0x51: {  	s23 =	simm.s32 $0x640;
	s24 =	simm.s32 $0xCC00  }
0x52: {  	[tilespmem:s24], [sflag:$0x1] =	stream.indirect.gather [hbm4b:s4+s17], $0x40, s23, s17, $0xb8;
	[tilespmem:$0x1C700] =	vst v63  }
0x53: {  	s25 =	simm.s32 $0x658;
	s26 =	simm.s32 $0xD100  }
0x54: {  	[tilespmem:s26], [sflag:$0x1] =	stream.indirect.gather [hbm4b:s4+s17], $0x40, s25, s17, $0xb8;
	[tilespmem:$0x1C700] =	vst v63  }
0x55: {  	s18 =	simm.s32 $0x670;
	s19 =	simm.s32 $0xD600  }
0x56: {  	[tilespmem:s19], [sflag:$0x1] =	stream.indirect.gather [hbm4b:s4+s17], $0x40, s18, s17, $0xb8;
	[tilespmem:$0x1C700] =	vst v63  }
0x57: {  	s20 =	simm.s32 $0x688;
	s21 =	simm.s32 $0xDB00  }
0x58: {  	[tilespmem:s21], [sflag:$0x1] =	stream.indirect.gather [hbm4b:s4+s17], $0x40, s20, s17, $0xb8;
	[tilespmem:$0x1C700] =	vst v63  }
0x59: {  	s22 =	simm.s32 $0x6A0;
	s23 =	simm.s32 $0xE000  }
0x5a: {  	[tilespmem:s23], [sflag:$0x1] =	stream.indirect.gather [hbm4b:s4+s17], $0x40, s22, s17, $0xb8;
	[tilespmem:$0x1C700] =	vst v63  }
0x5b: {  	s24 =	simm.s32 $0x6B8;
	s25 =	simm.s32 $0xE500  }
0x5c: {  	[tilespmem:s25], [sflag:$0x1] =	stream.indirect.gather [hbm4b:s4+s17], $0x40, s24, s17, $0xb8;
	[tilespmem:$0x1C700] =	vst v63  }
0x5d: {  	p0 =	por $0x1, $0x1;
	p1 =	por $0x0, $0x0;
	s26 =	simm.s32 $0x6D0  }
0x5e: {  	[tilespmem:s28], [sflag:$0x1] =	stream.indirect.gather [hbm4b:s4+s17], $0x40, s26, s17, $0xb8;
	[tilespmem:$0x1C700] =	vst v63  }
0x5f: {  	s16 =	simm.s32 $0x700;
	s18 =	simm.s32 $0x0;
	s21 =	simm.s32 $0x0  }
0x60: {  	[tilespmem:s30], [sflag:$0x1] =	stream.indirect.gather [hbm4b:s4+s17], $0x40, s29, s17, $0xb8;
	[tilespmem:$0x1C700] =	vst v63  }
.LBB2_3:
0x61: {  	p2 =	seq.s32 s21, $0xF  }
.Ltmp0:
0x62: {  	_ = 	snop;
	(pc) =	sbr.rel @p2 .LBB2_6-.Ltmp0, $2  }
0x63: {  	_ =	sdelay $0x2  }
0x64: {  	s19 =	sadd.s32 $0x1, s21  }
0x65: {  	s20 =	simm.s32 $0x1;
	s22 =	sand.u32 $0x1, s19  }
0x66: {  	s25 =	sshll.u32 s19, $0x5;
	s20 =	simm.s32 @!p0 $0x0;
	s24 =	sshll.u32 s22, $0xB  }
0x67: {  	s23 =	smul.u32 $0x28000, s20;
	s26 =	sor.u32 $0x3400, s24;
	s20 =	sadd.s32 $0x1, s22  }
0x68: {  	[tilespmem:s26], [sflag:s20] =	stream.indirect.gather [hbm4b:s3+s14], $0x40, s25, s14, $0xb8;
	[tilespmem:$0x1C700] =	vst v63  }
0x69: {  	s24 =	sor.u32 $0x4400, s24;
	s25 =	sadd.s32 $0x200, s25;
	s26 =	sshrl.u32 s23, $0x2  }
0x6a: {  	[tilespmem:s24], [sflag:s20] =	stream.indirect.gather [hbm4b:s4+s14], $0x40, s25, s14, $0xb8;
	[tilespmem:$0x1C700] =	vst v63  }
0x6b: {  	s23 =	simm.s32 $0x60;
	s22 =	sadd.s32 $0x5400, s26;
	s26 =	sadd.s32 $0x0, s16  }
0x6c: {  	[tilespmem:s22], [sflag:s20] =	stream.indirect.gather [hbm4b:s4+s17], $0x40, s26, s17, $0xb8;
	[tilespmem:$0x1C700] =	vst v63  }
.LBB2_5:
0x6d: {  	p2 =	sne.s32 s23, $0xBA0  }
.Ltmp1:
0x6e: {  	_ = 	snop;
	(pc) =	sbr.rel @p2 .LBB2_5-.Ltmp1, $4  }
0x6f: {  	_ = 	snop  }
0x70: {  	s24 =	sshra.s32 s23, $0x2;
	s23 =	sadd.s32 $0x60, s23  }
0x71: {  	s22 =	sadd.s32 $0x500, s22;
	s24 =	sadd.s32 s24, s16  }
0x72: {  	[tilespmem:s22], [sflag:s20] =	stream.indirect.gather [hbm4b:s4+s17], $0x40, s24, s17, $0xb8;
	[tilespmem:$0x1C700] =	vst v63  }
.LBB2_6:
0x73: {  	s23 =	sand.u32 $0x1, s21  }
0x74: {  	s22 =	sadd.s32 $0x1, s23  }
0x75: {  	_ =	swait.ge [sflag:s22], $0x800  }
0x76: {  	[sflag:s22] =	ssyncset.done $0x0  }
0x77: {  	[sflag:s22] =	ssyncadd.s32 $0xFFFFF800  }
0x78: {  	_ =	swait.ge [sflag:s22], $0x800  }
0x79: {  	[sflag:s22] =	ssyncset.done $0x0  }
0x7a: {  	[sflag:s22] =	ssyncadd.s32 $0xFFFFF800  }
0x7b: {  	_ =	swait.ge [sflag:s22], $0x500  }
0x7c: {  	[sflag:s22] =	ssyncset.done $0x0  }
0x7d: {  	[sflag:s22] =	ssyncadd.s32 $0xFFFFFB00  }
0x7e: {  	_ =	swait.ge [sflag:s22], $0x500  }
0x7f: {  	[sflag:s22] =	ssyncset.done $0x0  }
0x80: {  	[sflag:s22] =	ssyncadd.s32 $0xFFFFFB00  }
0x81: {  	_ =	swait.ge [sflag:s22], $0x500  }
0x82: {  	[sflag:s22] =	ssyncset.done $0x0  }
0x83: {  	[sflag:s22] =	ssyncadd.s32 $0xFFFFFB00  }
0x84: {  	_ =	swait.ge [sflag:s22], $0x500  }
0x85: {  	[sflag:s22] =	ssyncset.done $0x0  }
0x86: {  	[sflag:s22] =	ssyncadd.s32 $0xFFFFFB00  }
0x87: {  	_ =	swait.ge [sflag:s22], $0x500  }
0x88: {  	[sflag:s22] =	ssyncset.done $0x0  }
0x89: {  	[sflag:s22] =	ssyncadd.s32 $0xFFFFFB00  }
0x8a: {  	_ =	swait.ge [sflag:s22], $0x500  }
0x8b: {  	[sflag:s22] =	ssyncset.done $0x0  }
0x8c: {  	[sflag:s22] =	ssyncadd.s32 $0xFFFFFB00  }
0x8d: {  	_ =	swait.ge [sflag:s22], $0x500  }
0x8e: {  	[sflag:s22] =	ssyncset.done $0x0  }
0x8f: {  	[sflag:s22] =	ssyncadd.s32 $0xFFFFFB00  }
0x90: {  	_ =	swait.ge [sflag:s22], $0x500  }
0x91: {  	[sflag:s22] =	ssyncset.done $0x0  }
0x92: {  	[sflag:s22] =	ssyncadd.s32 $0xFFFFFB00  }
0x93: {  	_ =	swait.ge [sflag:s22], $0x500  }
0x94: {  	[sflag:s22] =	ssyncset.done $0x0  }
0x95: {  	[sflag:s22] =	ssyncadd.s32 $0xFFFFFB00  }
0x96: {  	_ =	swait.ge [sflag:s22], $0x500  }
0x97: {  	[sflag:s22] =	ssyncset.done $0x0  }
0x98: {  	[sflag:s22] =	ssyncadd.s32 $0xFFFFFB00  }
0x99: {  	_ =	swait.ge [sflag:s22], $0x500  }
0x9a: {  	[sflag:s22] =	ssyncset.done $0x0  }
0x9b: {  	[sflag:s22] =	ssyncadd.s32 $0xFFFFFB00  }
0x9c: {  	_ =	swait.ge [sflag:s22], $0x500  }
0x9d: {  	[sflag:s22] =	ssyncset.done $0x0  }
0x9e: {  	[sflag:s22] =	ssyncadd.s32 $0xFFFFFB00  }
0x9f: {  	_ =	swait.ge [sflag:s22], $0x500  }
0xa0: {  	[sflag:s22] =	ssyncset.done $0x0  }
0xa1: {  	[sflag:s22] =	ssyncadd.s32 $0xFFFFFB00  }
0xa2: {  	_ =	swait.ge [sflag:s22], $0x500  }
0xa3: {  	[sflag:s22] =	ssyncset.done $0x0  }
0xa4: {  	[sflag:s22] =	ssyncadd.s32 $0xFFFFFB00  }
0xa5: {  	_ =	swait.ge [sflag:s22], $0x500  }
0xa6: {  	[sflag:s22] =	ssyncset.done $0x0  }
0xa7: {  	[sflag:s22] =	ssyncadd.s32 $0xFFFFFB00  }
0xa8: {  	_ =	swait.ge [sflag:s22], $0x500  }
0xa9: {  	[sflag:s22] =	ssyncset.done $0x0  }
0xaa: {  	[sflag:s22] =	ssyncadd.s32 $0xFFFFFB00  }
0xab: {  	_ =	swait.ge [sflag:s22], $0x500  }
0xac: {  	[sflag:s22] =	ssyncset.done $0x0  }
0xad: {  	[sflag:s22] =	ssyncadd.s32 $0xFFFFFB00  }
0xae: {  	_ =	swait.ge [sflag:s22], $0x500  }
0xaf: {  	[sflag:s22] =	ssyncset.done $0x0  }
0xb0: {  	[sflag:s22] =	ssyncadd.s32 $0xFFFFFB00  }
0xb1: {  	_ =	swait.ge [sflag:s22], $0x500  }
0xb2: {  	[sflag:s22] =	ssyncset.done $0x0  }
0xb3: {  	[sflag:s22] =	ssyncadd.s32 $0xFFFFFB00  }
0xb4: {  	_ =	swait.ge [sflag:s22], $0x500  }
0xb5: {  	[sflag:s22] =	ssyncset.done $0x0  }
0xb6: {  	[sflag:s22] =	ssyncadd.s32 $0xFFFFFB00  }
0xb7: {  	_ =	swait.ge [sflag:s22], $0x500  }
0xb8: {  	[sflag:s22] =	ssyncset.done $0x0  }
0xb9: {  	[sflag:s22] =	ssyncadd.s32 $0xFFFFFB00  }
0xba: {  	_ =	swait.ge [sflag:s22], $0x500  }
0xbb: {  	[sflag:s22] =	ssyncset.done $0x0  }
0xbc: {  	[sflag:s22] =	ssyncadd.s32 $0xFFFFFB00  }
0xbd: {  	_ =	swait.ge [sflag:s22], $0x500  }
0xbe: {  	[sflag:s22] =	ssyncset.done $0x0  }
0xbf: {  	[sflag:s22] =	ssyncadd.s32 $0xFFFFFB00  }
0xc0: {  	_ =	swait.ge [sflag:s22], $0x500  }
0xc1: {  	[sflag:s22] =	ssyncset.done $0x0  }
0xc2: {  	[sflag:s22] =	ssyncadd.s32 $0xFFFFFB00  }
0xc3: {  	_ =	swait.ge [sflag:s22], $0x500  }
0xc4: {  	[sflag:s22] =	ssyncset.done $0x0  }
0xc5: {  	[sflag:s22] =	ssyncadd.s32 $0xFFFFFB00  }
0xc6: {  	_ =	swait.ge [sflag:s22], $0x500  }
0xc7: {  	[sflag:s22] =	ssyncset.done $0x0  }
0xc8: {  	[sflag:s22] =	ssyncadd.s32 $0xFFFFFB00  }
0xc9: {  	_ =	swait.ge [sflag:s22], $0x500  }
0xca: {  	[sflag:s22] =	ssyncset.done $0x0  }
0xcb: {  	[sflag:s22] =	ssyncadd.s32 $0xFFFFFB00  }
0xcc: {  	_ =	swait.ge [sflag:s22], $0x500  }
0xcd: {  	[sflag:s22] =	ssyncset.done $0x0  }
0xce: {  	[sflag:s22] =	ssyncadd.s32 $0xFFFFFB00  }
0xcf: {  	_ =	swait.ge [sflag:s22], $0x500  }
0xd0: {  	[sflag:s22] =	ssyncset.done $0x0  }
0xd1: {  	[sflag:s22] =	ssyncadd.s32 $0xFFFFFB00  }
0xd2: {  	_ =	swait.ge [sflag:s22], $0x500  }
0xd3: {  	[sflag:s22] =	ssyncset.done $0x0  }
0xd4: {  	s20 =	simm.s32 $0x1;
	[sflag:s22] =	ssyncadd.s32 $0xFFFFFB00  }
0xd5: {  	s26 =	sshll.u32 s21, $0x5;
	s23 =	sshll.u32 s23, $0xB;
	_ =	swait.ge [sflag:s22], $0x500  }
0xd6: {  	s20 =	simm.s32 @!p1 $0x0;
	s24 =	sor.u32 $0x3400, s23;
	[sflag:s22] =	ssyncset.done $0x0  }
0xd7: {  	s20 =	smul.u32 $0x28000, s20;
	s23 =	sor.u32 $0x4400, s23;
	v18 =	vmov s24;
	[sflag:s22] =	ssyncadd.s32 $0xFFFFFB00  }
0xd8: {  	p2 =	por $0x1, $0x1;
	s21 =	sand.u32 $0x3FFFFFE0, s26;
	v19 =	vmov s23;
	_ =	swait.ge [sflag:s22], $0x500  }
0xd9: {  	s25 =	sadd.s32 $0x19400, s21;
	s20 =	sshrl.u32 s20, $0x2;
	[sflag:s22] =	ssyncset.done $0x0  }
0xda: {  	s21 =	simm.s32 $0x0;
	v20 =	vmov s25;
	s20 =	sadd.s32 $0x5600, s20;
	[sflag:s22] =	ssyncadd.s32 $0xFFFFFB00  }
.LBB2_7:
0xdb: {  	s22 =	sshll.u32 s21, $0xA  }
0xdc: {  	v21 =	vld.idx.msk [tilespmem:v18+s22+$0x0 ss:$0x1], $0xffff  }
0xdd: {  	v22 =	vld.idx.msk [tilespmem:v19+s22+$0x0 ss:$0x1], $0xffff;
	s23 =	sor.u32 $0x10, s22  }
0xde: {  	v23 =	vld.idx.msk [tilespmem:v18+s23+$0x0 ss:$0x1], $0xffff  }
0xdf: {  	s25 =	sor.u32 $0x20, s22;
	v24 =	vld.idx.msk [tilespmem:v19+s23+$0x0 ss:$0x1], $0xffff  }
0xe0: {  	v25 =	vld.idx.msk [tilespmem:v18+s25+$0x0 ss:$0x1], $0xffff  }
0xe1: {  	s26 =	sor.u32 $0x30, s22;
	v26 =	vld.idx.msk [tilespmem:v19+s25+$0x0 ss:$0x1], $0xffff  }
0xe2: {  	v27 =	vld.idx.msk [tilespmem:v18+s26+$0x0 ss:$0x1], $0xffff  }
0xe3: {  	v28 =	vld.idx.msk [tilespmem:v19+s26+$0x0 ss:$0x1], $0xffff  }
0xe4: {  	v21 =	vmul.f32 v22, v21;
	v22 =	vmul.f32 v24, v23;
	_ =	sdelay $0x1  }
0xe5: {  	v21 =	vadd.f32 v22, v21;
	v22 =	vmul.f32 v26, v25;
	_ =	sdelay $0x1  }
0xe6: {  	v21 =	vadd.f32 v22, v21;
	v22 =	vmul.f32 v28, v27;
	_ =	sdelay $0x1  }
0xe7: {  	v21 =	vadd.f32 v22, v21;
	_ =	sdelay $0x1  }
0xe8: {  	s24 =	sor.u32 $0x40, s22;
	[tilespmem:v1+s31+$0x0] =	vst.idx.msk $0xffff, v21  }
0xe9: {  	v21 =	vld.idx.msk [tilespmem:v18+s24+$0x0 ss:$0x1], $0xffff  }
0xea: {  	s25 =	sor.u32 $0x50, s22;
	v22 =	vld.idx.msk [tilespmem:v19+s24+$0x0 ss:$0x1], $0xffff  }
0xeb: {  	v23 =	vld.idx.msk [tilespmem:v18+s25+$0x0 ss:$0x1], $0xffff  }
0xec: {  	s26 =	sor.u32 $0x60, s22;
	v48 =	vld.idx.msk [tilespmem:v19+s25+$0x0 ss:$0x1], $0xffff  }
0xed: {  	v49 =	vld.idx.msk [tilespmem:v18+s26+$0x0 ss:$0x1], $0xffff  }
0xee: {  	v50 =	vld.idx.msk [tilespmem:v19+s26+$0x0 ss:$0x1], $0xffff;
	s24 =	sor.u32 $0x70, s22  }
0xef: {  	v51 =	vld.idx.msk [tilespmem:v18+s24+$0x0 ss:$0x1], $0xffff  }
0xf0: {  	v52 =	vld.idx.msk [tilespmem:v19+s24+$0x0 ss:$0x1], $0xffff  }
0xf1: {  	v21 =	vmul.f32 v22, v21;
	v22 =	vmul.f32 v48, v23;
	_ =	sdelay $0x1  }
0xf2: {  	v21 =	vadd.f32 v22, v21;
	v22 =	vmul.f32 v50, v49;
	_ =	sdelay $0x1  }
0xf3: {  	v21 =	vadd.f32 v22, v21;
	v22 =	vmul.f32 v52, v51;
	_ =	sdelay $0x1  }
0xf4: {  	v21 =	vadd.f32 v22, v21;
	_ =	sdelay $0x1  }
0xf5: {  	s25 =	sor.u32 $0x80, s22;
	[tilespmem:v2+s31+$0x0] =	vst.idx.msk $0xffff, v21  }
0xf6: {  	v21 =	vld.idx.msk [tilespmem:v18+s25+$0x0 ss:$0x1], $0xffff  }
0xf7: {  	s26 =	sor.u32 $0x90, s22;
	v22 =	vld.idx.msk [tilespmem:v19+s25+$0x0 ss:$0x1], $0xffff  }
0xf8: {  	v23 =	vld.idx.msk [tilespmem:v18+s26+$0x0 ss:$0x1], $0xffff  }
0xf9: {  	s24 =	sor.u32 $0xA0, s22;
	v53 =	vld.idx.msk [tilespmem:v19+s26+$0x0 ss:$0x1], $0xffff  }
0xfa: {  	v54 =	vld.idx.msk [tilespmem:v18+s24+$0x0 ss:$0x1], $0xffff  }
0xfb: {  	v55 =	vld.idx.msk [tilespmem:v19+s24+$0x0 ss:$0x1], $0xffff;
	s25 =	sor.u32 $0xB0, s22  }
0xfc: {  	v56 =	vld.idx.msk [tilespmem:v18+s25+$0x0 ss:$0x1], $0xffff  }
0xfd: {  	v57 =	vld.idx.msk [tilespmem:v19+s25+$0x0 ss:$0x1], $0xffff  }
0xfe: {  	v21 =	vmul.f32 v22, v21;
	v22 =	vmul.f32 v53, v23;
	_ =	sdelay $0x1  }
0xff: {  	v21 =	vadd.f32 v22, v21;
	v22 =	vmul.f32 v55, v54;
	_ =	sdelay $0x1  }
0x100: {  	v21 =	vadd.f32 v22, v21;
	v22 =	vmul.f32 v57, v56;
	_ =	sdelay $0x1  }
0x101: {  	v21 =	vadd.f32 v22, v21;
	_ =	sdelay $0x1  }
0x102: {  	s26 =	sor.u32 $0xC0, s22;
	[tilespmem:v3+s31+$0x0] =	vst.idx.msk $0xffff, v21  }
0x103: {  	v21 =	vld.idx.msk [tilespmem:v18+s26+$0x0 ss:$0x1], $0xffff  }
0x104: {  	s24 =	sor.u32 $0xD0, s22;
	v22 =	vld.idx.msk [tilespmem:v19+s26+$0x0 ss:$0x1], $0xffff  }
0x105: {  	v23 =	vld.idx.msk [tilespmem:v18+s24+$0x0 ss:$0x1], $0xffff  }
0x106: {  	s25 =	sor.u32 $0xE0, s22;
	v58 =	vld.idx.msk [tilespmem:v19+s24+$0x0 ss:$0x1], $0xffff  }
0x107: {  	v59 =	vld.idx.msk [tilespmem:v18+s25+$0x0 ss:$0x1], $0xffff  }
0x108: {  	v60 =	vld.idx.msk [tilespmem:v19+s25+$0x0 ss:$0x1], $0xffff;
	s26 =	sor.u32 $0xF0, s22  }
0x109: {  	v61 =	vld.idx.msk [tilespmem:v18+s26+$0x0 ss:$0x1], $0xffff  }
0x10a: {  	v62 =	vld.idx.msk [tilespmem:v19+s26+$0x0 ss:$0x1], $0xffff  }
0x10b: {  	v21 =	vmul.f32 v22, v21;
	v22 =	vmul.f32 v58, v23;
	_ =	sdelay $0x1  }
0x10c: {  	v21 =	vadd.f32 v22, v21;
	v22 =	vmul.f32 v60, v59;
	_ =	sdelay $0x1  }
0x10d: {  	v21 =	vadd.f32 v22, v21;
	v22 =	vmul.f32 v62, v61;
	_ =	sdelay $0x1  }
0x10e: {  	v21 =	vadd.f32 v22, v21;
	_ =	sdelay $0x1  }
0x10f: {  	s24 =	sor.u32 $0x100, s22;
	[tilespmem:v4+s31+$0x0] =	vst.idx.msk $0xffff, v21  }
0x110: {  	v21 =	vld.idx.msk [tilespmem:v18+s24+$0x0 ss:$0x1], $0xffff  }
0x111: {  	s25 =	sor.u32 $0x110, s22;
	v22 =	vld.idx.msk [tilespmem:v19+s24+$0x0 ss:$0x1], $0xffff  }
0x112: {  	v23 =	vld.idx.msk [tilespmem:v18+s25+$0x0 ss:$0x1], $0xffff  }
0x113: {  	s26 =	sor.u32 $0x120, s22;
	v63 =	vld.idx.msk [tilespmem:v19+s25+$0x0 ss:$0x1], $0xffff  }
0x114: {  	v32 =	vld.idx.msk [tilespmem:v18+s26+$0x0 ss:$0x1], $0xffff  }
0x115: {  	v33 =	vld.idx.msk [tilespmem:v19+s26+$0x0 ss:$0x1], $0xffff;
	s24 =	sor.u32 $0x130, s22  }
0x116: {  	v34 =	vld.idx.msk [tilespmem:v18+s24+$0x0 ss:$0x1], $0xffff  }
0x117: {  	v35 =	vld.idx.msk [tilespmem:v19+s24+$0x0 ss:$0x1], $0xffff  }
0x118: {  	v21 =	vmul.f32 v22, v21;
	v22 =	vmul.f32 v63, v23;
	_ =	sdelay $0x1  }
0x119: {  	v21 =	vadd.f32 v22, v21;
	v22 =	vmul.f32 v33, v32;
	_ =	sdelay $0x1  }
0x11a: {  	v21 =	vadd.f32 v22, v21;
	v22 =	vmul.f32 v35, v34;
	_ =	sdelay $0x1  }
0x11b: {  	v21 =	vadd.f32 v22, v21;
	_ =	sdelay $0x1  }
0x11c: {  	s25 =	sor.u32 $0x140, s22;
	[tilespmem:v5+s31+$0x0] =	vst.idx.msk $0xffff, v21  }
0x11d: {  	v21 =	vld.idx.msk [tilespmem:v18+s25+$0x0 ss:$0x1], $0xffff  }
0x11e: {  	s26 =	sor.u32 $0x150, s22;
	v22 =	vld.idx.msk [tilespmem:v19+s25+$0x0 ss:$0x1], $0xffff  }
0x11f: {  	v23 =	vld.idx.msk [tilespmem:v18+s26+$0x0 ss:$0x1], $0xffff  }
0x120: {  	s24 =	sor.u32 $0x160, s22;
	v36 =	vld.idx.msk [tilespmem:v19+s26+$0x0 ss:$0x1], $0xffff  }
0x121: {  	v37 =	vld.idx.msk [tilespmem:v18+s24+$0x0 ss:$0x1], $0xffff  }
0x122: {  	v38 =	vld.idx.msk [tilespmem:v19+s24+$0x0 ss:$0x1], $0xffff;
	s25 =	sor.u32 $0x170, s22  }
0x123: {  	v39 =	vld.idx.msk [tilespmem:v18+s25+$0x0 ss:$0x1], $0xffff  }
0x124: {  	v40 =	vld.idx.msk [tilespmem:v19+s25+$0x0 ss:$0x1], $0xffff  }
0x125: {  	v21 =	vmul.f32 v22, v21;
	v22 =	vmul.f32 v36, v23;
	_ =	sdelay $0x1  }
0x126: {  	v21 =	vadd.f32 v22, v21;
	v22 =	vmul.f32 v38, v37;
	_ =	sdelay $0x1  }
0x127: {  	v21 =	vadd.f32 v22, v21;
	v22 =	vmul.f32 v40, v39;
	_ =	sdelay $0x1  }
0x128: {  	v21 =	vadd.f32 v22, v21;
	_ =	sdelay $0x1  }
0x129: {  	s26 =	sor.u32 $0x180, s22;
	[tilespmem:v6+s31+$0x0] =	vst.idx.msk $0xffff, v21  }
0x12a: {  	v21 =	vld.idx.msk [tilespmem:v18+s26+$0x0 ss:$0x1], $0xffff  }
0x12b: {  	s24 =	sor.u32 $0x190, s22;
	v22 =	vld.idx.msk [tilespmem:v19+s26+$0x0 ss:$0x1], $0xffff  }
0x12c: {  	v23 =	vld.idx.msk [tilespmem:v18+s24+$0x0 ss:$0x1], $0xffff  }
0x12d: {  	s25 =	sor.u32 $0x1A0, s22;
	v41 =	vld.idx.msk [tilespmem:v19+s24+$0x0 ss:$0x1], $0xffff  }
0x12e: {  	v42 =	vld.idx.msk [tilespmem:v18+s25+$0x0 ss:$0x1], $0xffff  }
0x12f: {  	v43 =	vld.idx.msk [tilespmem:v19+s25+$0x0 ss:$0x1], $0xffff;
	s26 =	sor.u32 $0x1B0, s22  }
0x130: {  	v44 =	vld.idx.msk [tilespmem:v18+s26+$0x0 ss:$0x1], $0xffff  }
0x131: {  	v45 =	vld.idx.msk [tilespmem:v19+s26+$0x0 ss:$0x1], $0xffff  }
0x132: {  	v21 =	vmul.f32 v22, v21;
	v22 =	vmul.f32 v41, v23;
	_ =	sdelay $0x1  }
0x133: {  	v21 =	vadd.f32 v22, v21;
	v22 =	vmul.f32 v43, v42;
	_ =	sdelay $0x1  }
0x134: {  	v21 =	vadd.f32 v22, v21;
	v22 =	vmul.f32 v45, v44;
	_ =	sdelay $0x1  }
0x135: {  	v21 =	vadd.f32 v22, v21;
	_ =	sdelay $0x1  }
0x136: {  	s24 =	sor.u32 $0x1C0, s22;
	[tilespmem:v7+s31+$0x0] =	vst.idx.msk $0xffff, v21  }
0x137: {  	v21 =	vld.idx.msk [tilespmem:v18+s24+$0x0 ss:$0x1], $0xffff  }
0x138: {  	s25 =	sor.u32 $0x1D0, s22;
	v22 =	vld.idx.msk [tilespmem:v19+s24+$0x0 ss:$0x1], $0xffff  }
0x139: {  	v23 =	vld.idx.msk [tilespmem:v18+s25+$0x0 ss:$0x1], $0xffff  }
0x13a: {  	s26 =	sor.u32 $0x1E0, s22;
	v46 =	vld.idx.msk [tilespmem:v19+s25+$0x0 ss:$0x1], $0xffff  }
0x13b: {  	v47 =	vld.idx.msk [tilespmem:v18+s26+$0x0 ss:$0x1], $0xffff  }
0x13c: {  	v48 =	vld.idx.msk [tilespmem:v19+s26+$0x0 ss:$0x1], $0xffff;
	s24 =	sor.u32 $0x1F0, s22  }
0x13d: {  	v49 =	vld.idx.msk [tilespmem:v18+s24+$0x0 ss:$0x1], $0xffff  }
0x13e: {  	v50 =	vld.idx.msk [tilespmem:v19+s24+$0x0 ss:$0x1], $0xffff  }
0x13f: {  	v21 =	vmul.f32 v22, v21;
	v22 =	vmul.f32 v46, v23;
	_ =	sdelay $0x1  }
0x140: {  	v21 =	vadd.f32 v22, v21;
	v22 =	vmul.f32 v48, v47;
	_ =	sdelay $0x1  }
0x141: {  	v21 =	vadd.f32 v22, v21;
	v22 =	vmul.f32 v50, v49;
	_ =	sdelay $0x1  }
0x142: {  	v21 =	vadd.f32 v22, v21;
	_ =	sdelay $0x1  }
0x143: {  	s25 =	sor.u32 $0x200, s22;
	[tilespmem:v8+s31+$0x0] =	vst.idx.msk $0xffff, v21  }
0x144: {  	v21 =	vld.idx.msk [tilespmem:v18+s25+$0x0 ss:$0x1], $0xffff  }
0x145: {  	s26 =	sor.u32 $0x210, s22;
	v22 =	vld.idx.msk [tilespmem:v19+s25+$0x0 ss:$0x1], $0xffff  }
0x146: {  	v23 =	vld.idx.msk [tilespmem:v18+s26+$0x0 ss:$0x1], $0xffff  }
0x147: {  	s24 =	sor.u32 $0x220, s22;
	v51 =	vld.idx.msk [tilespmem:v19+s26+$0x0 ss:$0x1], $0xffff  }
0x148: {  	v52 =	vld.idx.msk [tilespmem:v18+s24+$0x0 ss:$0x1], $0xffff  }
0x149: {  	v53 =	vld.idx.msk [tilespmem:v19+s24+$0x0 ss:$0x1], $0xffff;
	s25 =	sor.u32 $0x230, s22  }
0x14a: {  	v54 =	vld.idx.msk [tilespmem:v18+s25+$0x0 ss:$0x1], $0xffff  }
0x14b: {  	v55 =	vld.idx.msk [tilespmem:v19+s25+$0x0 ss:$0x1], $0xffff  }
0x14c: {  	v21 =	vmul.f32 v22, v21;
	v22 =	vmul.f32 v51, v23;
	_ =	sdelay $0x1  }
0x14d: {  	v21 =	vadd.f32 v22, v21;
	v22 =	vmul.f32 v53, v52;
	_ =	sdelay $0x1  }
0x14e: {  	v21 =	vadd.f32 v22, v21;
	v22 =	vmul.f32 v55, v54;
	_ =	sdelay $0x1  }
0x14f: {  	v21 =	vadd.f32 v22, v21;
	_ =	sdelay $0x1  }
0x150: {  	s26 =	sor.u32 $0x240, s22;
	[tilespmem:v9+s31+$0x0] =	vst.idx.msk $0xffff, v21  }
0x151: {  	v21 =	vld.idx.msk [tilespmem:v18+s26+$0x0 ss:$0x1], $0xffff  }
0x152: {  	s24 =	sor.u32 $0x250, s22;
	v22 =	vld.idx.msk [tilespmem:v19+s26+$0x0 ss:$0x1], $0xffff  }
0x153: {  	v23 =	vld.idx.msk [tilespmem:v18+s24+$0x0 ss:$0x1], $0xffff  }
0x154: {  	s25 =	sor.u32 $0x260, s22;
	v56 =	vld.idx.msk [tilespmem:v19+s24+$0x0 ss:$0x1], $0xffff  }
0x155: {  	v57 =	vld.idx.msk [tilespmem:v18+s25+$0x0 ss:$0x1], $0xffff  }
0x156: {  	v58 =	vld.idx.msk [tilespmem:v19+s25+$0x0 ss:$0x1], $0xffff;
	s26 =	sor.u32 $0x270, s22  }
0x157: {  	v59 =	vld.idx.msk [tilespmem:v18+s26+$0x0 ss:$0x1], $0xffff  }
0x158: {  	v60 =	vld.idx.msk [tilespmem:v19+s26+$0x0 ss:$0x1], $0xffff  }
0x159: {  	v21 =	vmul.f32 v22, v21;
	v22 =	vmul.f32 v56, v23;
	_ =	sdelay $0x1  }
0x15a: {  	v21 =	vadd.f32 v22, v21;
	v22 =	vmul.f32 v58, v57;
	_ =	sdelay $0x1  }
0x15b: {  	v21 =	vadd.f32 v22, v21;
	v22 =	vmul.f32 v60, v59;
	_ =	sdelay $0x1  }
0x15c: {  	v21 =	vadd.f32 v22, v21;
	_ =	sdelay $0x1  }
0x15d: {  	s24 =	sor.u32 $0x280, s22;
	[tilespmem:v10+s31+$0x0] =	vst.idx.msk $0xffff, v21  }
0x15e: {  	v21 =	vld.idx.msk [tilespmem:v18+s24+$0x0 ss:$0x1], $0xffff  }
0x15f: {  	s25 =	sor.u32 $0x290, s22;
	v22 =	vld.idx.msk [tilespmem:v19+s24+$0x0 ss:$0x1], $0xffff  }
0x160: {  	v23 =	vld.idx.msk [tilespmem:v18+s25+$0x0 ss:$0x1], $0xffff  }
0x161: {  	s26 =	sor.u32 $0x2A0, s22;
	v61 =	vld.idx.msk [tilespmem:v19+s25+$0x0 ss:$0x1], $0xffff  }
0x162: {  	v62 =	vld.idx.msk [tilespmem:v18+s26+$0x0 ss:$0x1], $0xffff  }
0x163: {  	v63 =	vld.idx.msk [tilespmem:v19+s26+$0x0 ss:$0x1], $0xffff;
	s24 =	sor.u32 $0x2B0, s22  }
0x164: {  	v32 =	vld.idx.msk [tilespmem:v18+s24+$0x0 ss:$0x1], $0xffff  }
0x165: {  	v33 =	vld.idx.msk [tilespmem:v19+s24+$0x0 ss:$0x1], $0xffff  }
0x166: {  	v21 =	vmul.f32 v22, v21;
	v22 =	vmul.f32 v61, v23;
	_ =	sdelay $0x1  }
0x167: {  	v21 =	vadd.f32 v22, v21;
	v22 =	vmul.f32 v63, v62;
	_ =	sdelay $0x1  }
0x168: {  	v21 =	vadd.f32 v22, v21;
	v22 =	vmul.f32 v33, v32;
	_ =	sdelay $0x1  }
0x169: {  	v21 =	vadd.f32 v22, v21;
	_ =	sdelay $0x1  }
0x16a: {  	s25 =	sor.u32 $0x2C0, s22;
	[tilespmem:v11+s31+$0x0] =	vst.idx.msk $0xffff, v21  }
0x16b: {  	v21 =	vld.idx.msk [tilespmem:v18+s25+$0x0 ss:$0x1], $0xffff  }
0x16c: {  	s26 =	sor.u32 $0x2D0, s22;
	v22 =	vld.idx.msk [tilespmem:v19+s25+$0x0 ss:$0x1], $0xffff  }
0x16d: {  	v23 =	vld.idx.msk [tilespmem:v18+s26+$0x0 ss:$0x1], $0xffff  }
0x16e: {  	s24 =	sor.u32 $0x2E0, s22;
	v34 =	vld.idx.msk [tilespmem:v19+s26+$0x0 ss:$0x1], $0xffff  }
0x16f: {  	v35 =	vld.idx.msk [tilespmem:v18+s24+$0x0 ss:$0x1], $0xffff  }
0x170: {  	v36 =	vld.idx.msk [tilespmem:v19+s24+$0x0 ss:$0x1], $0xffff;
	s25 =	sor.u32 $0x2F0, s22  }
0x171: {  	v37 =	vld.idx.msk [tilespmem:v18+s25+$0x0 ss:$0x1], $0xffff  }
0x172: {  	v38 =	vld.idx.msk [tilespmem:v19+s25+$0x0 ss:$0x1], $0xffff  }
0x173: {  	v21 =	vmul.f32 v22, v21;
	v22 =	vmul.f32 v34, v23;
	_ =	sdelay $0x1  }
0x174: {  	v21 =	vadd.f32 v22, v21;
	v22 =	vmul.f32 v36, v35;
	_ =	sdelay $0x1  }
0x175: {  	v21 =	vadd.f32 v22, v21;
	v22 =	vmul.f32 v38, v37;
	_ =	sdelay $0x1  }
0x176: {  	v21 =	vadd.f32 v22, v21;
	_ =	sdelay $0x1  }
0x177: {  	s26 =	sor.u32 $0x300, s22;
	[tilespmem:v12+s31+$0x0] =	vst.idx.msk $0xffff, v21  }
0x178: {  	v21 =	vld.idx.msk [tilespmem:v18+s26+$0x0 ss:$0x1], $0xffff  }
0x179: {  	s24 =	sor.u32 $0x310, s22;
	v22 =	vld.idx.msk [tilespmem:v19+s26+$0x0 ss:$0x1], $0xffff  }
0x17a: {  	v23 =	vld.idx.msk [tilespmem:v18+s24+$0x0 ss:$0x1], $0xffff  }
0x17b: {  	s25 =	sor.u32 $0x320, s22;
	v39 =	vld.idx.msk [tilespmem:v19+s24+$0x0 ss:$0x1], $0xffff  }
0x17c: {  	v40 =	vld.idx.msk [tilespmem:v18+s25+$0x0 ss:$0x1], $0xffff  }
0x17d: {  	v41 =	vld.idx.msk [tilespmem:v19+s25+$0x0 ss:$0x1], $0xffff;
	s26 =	sor.u32 $0x330, s22  }
0x17e: {  	v42 =	vld.idx.msk [tilespmem:v18+s26+$0x0 ss:$0x1], $0xffff  }
0x17f: {  	v43 =	vld.idx.msk [tilespmem:v19+s26+$0x0 ss:$0x1], $0xffff  }
0x180: {  	v21 =	vmul.f32 v22, v21;
	v22 =	vmul.f32 v39, v23;
	_ =	sdelay $0x1  }
0x181: {  	v21 =	vadd.f32 v22, v21;
	v22 =	vmul.f32 v41, v40;
	_ =	sdelay $0x1  }
0x182: {  	v21 =	vadd.f32 v22, v21;
	v22 =	vmul.f32 v43, v42;
	_ =	sdelay $0x1  }
0x183: {  	v21 =	vadd.f32 v22, v21;
	_ =	sdelay $0x1  }
0x184: {  	s24 =	sor.u32 $0x340, s22;
	[tilespmem:v13+s31+$0x0] =	vst.idx.msk $0xffff, v21  }
0x185: {  	v21 =	vld.idx.msk [tilespmem:v18+s24+$0x0 ss:$0x1], $0xffff  }
0x186: {  	s25 =	sor.u32 $0x350, s22;
	v22 =	vld.idx.msk [tilespmem:v19+s24+$0x0 ss:$0x1], $0xffff  }
0x187: {  	v23 =	vld.idx.msk [tilespmem:v18+s25+$0x0 ss:$0x1], $0xffff  }
0x188: {  	s26 =	sor.u32 $0x360, s22;
	v44 =	vld.idx.msk [tilespmem:v19+s25+$0x0 ss:$0x1], $0xffff  }
0x189: {  	v45 =	vld.idx.msk [tilespmem:v18+s26+$0x0 ss:$0x1], $0xffff  }
0x18a: {  	v46 =	vld.idx.msk [tilespmem:v19+s26+$0x0 ss:$0x1], $0xffff;
	s24 =	sor.u32 $0x370, s22  }
0x18b: {  	v47 =	vld.idx.msk [tilespmem:v18+s24+$0x0 ss:$0x1], $0xffff  }
0x18c: {  	v48 =	vld.idx.msk [tilespmem:v19+s24+$0x0 ss:$0x1], $0xffff  }
0x18d: {  	v21 =	vmul.f32 v22, v21;
	v22 =	vmul.f32 v44, v23;
	_ =	sdelay $0x1  }
0x18e: {  	v21 =	vadd.f32 v22, v21;
	v22 =	vmul.f32 v46, v45;
	_ =	sdelay $0x1  }
0x18f: {  	v21 =	vadd.f32 v22, v21;
	v22 =	vmul.f32 v48, v47;
	_ =	sdelay $0x1  }
0x190: {  	v21 =	vadd.f32 v22, v21;
	_ =	sdelay $0x1  }
0x191: {  	s25 =	sor.u32 $0x380, s22;
	[tilespmem:v14+s31+$0x0] =	vst.idx.msk $0xffff, v21  }
0x192: {  	v21 =	vld.idx.msk [tilespmem:v18+s25+$0x0 ss:$0x1], $0xffff  }
0x193: {  	s26 =	sor.u32 $0x390, s22;
	v22 =	vld.idx.msk [tilespmem:v19+s25+$0x0 ss:$0x1], $0xffff  }
0x194: {  	v23 =	vld.idx.msk [tilespmem:v18+s26+$0x0 ss:$0x1], $0xffff  }
0x195: {  	s24 =	sor.u32 $0x3A0, s22;
	v49 =	vld.idx.msk [tilespmem:v19+s26+$0x0 ss:$0x1], $0xffff  }
0x196: {  	v50 =	vld.idx.msk [tilespmem:v18+s24+$0x0 ss:$0x1], $0xffff  }
0x197: {  	v51 =	vld.idx.msk [tilespmem:v19+s24+$0x0 ss:$0x1], $0xffff;
	s25 =	sor.u32 $0x3B0, s22  }
0x198: {  	v52 =	vld.idx.msk [tilespmem:v18+s25+$0x0 ss:$0x1], $0xffff  }
0x199: {  	v53 =	vld.idx.msk [tilespmem:v19+s25+$0x0 ss:$0x1], $0xffff  }
0x19a: {  	v21 =	vmul.f32 v22, v21;
	v22 =	vmul.f32 v49, v23;
	_ =	sdelay $0x1  }
0x19b: {  	v21 =	vadd.f32 v22, v21;
	v22 =	vmul.f32 v51, v50;
	_ =	sdelay $0x1  }
0x19c: {  	v21 =	vadd.f32 v22, v21;
	v22 =	vmul.f32 v53, v52;
	_ =	sdelay $0x1  }
0x19d: {  	v21 =	vadd.f32 v22, v21;
	_ =	sdelay $0x1  }
0x19e: {  	s26 =	sor.u32 $0x3C0, s22;
	[tilespmem:v15+s31+$0x0] =	vst.idx.msk $0xffff, v21  }
0x19f: {  	v21 =	vld.idx.msk [tilespmem:v18+s26+$0x0 ss:$0x1], $0xffff  }
0x1a0: {  	s24 =	sor.u32 $0x3D0, s22;
	v22 =	vld.idx.msk [tilespmem:v19+s26+$0x0 ss:$0x1], $0xffff  }
0x1a1: {  	v23 =	vld.idx.msk [tilespmem:v18+s24+$0x0 ss:$0x1], $0xffff  }
0x1a2: {  	s25 =	sor.u32 $0x3E0, s22;
	v54 =	vld.idx.msk [tilespmem:v19+s24+$0x0 ss:$0x1], $0xffff  }
0x1a3: {  	v55 =	vld.idx.msk [tilespmem:v18+s25+$0x0 ss:$0x1], $0xffff  }
0x1a4: {  	s22 =	sor.u32 $0x3F0, s22;
	v56 =	vld.idx.msk [tilespmem:v19+s25+$0x0 ss:$0x1], $0xffff  }
0x1a5: {  	v57 =	vld.idx.msk [tilespmem:v18+s22+$0x0 ss:$0x1], $0xffff  }
0x1a6: {  	v58 =	vld.idx.msk [tilespmem:v19+s22+$0x0 ss:$0x1], $0xffff  }
0x1a7: {  	v21 =	vmul.f32 v22, v21;
	v22 =	vmul.f32 v54, v23;
	_ =	sdelay $0x1  }
0x1a8: {  	v21 =	vadd.f32 v22, v21;
	v22 =	vmul.f32 v56, v55;
	_ =	sdelay $0x1  }
0x1a9: {  	v21 =	vadd.f32 v22, v21;
	v22 =	vmul.f32 v58, v57;
	_ =	sdelay $0x1  }
0x1aa: {  	v21 =	vadd.f32 v22, v21;
	_ =	sdelay $0x1  }
0x1ab: {  	[tilespmem:v16+s31+$0x0] =	vst.idx.msk $0xffff, v21  }
0x1ac: {  	v21 =	vld [tilespmem:$0x1C600]  }
0x1ad: {  	v22 =	vld [tilespmem:$0x1C610];
	_ =	sdelay $0x1  }
0x1ae: {  	v23 =	vld [tilespmem:$0x1C620];
	_ =	sdelay $0x1  }
0x1af: {  	v59 =	vld [tilespmem:$0x1C630]  }
0x1b0: {  	v21 =	vadd.f32 v22, v21  }
0x1b1: {  	v22 =	vld [tilespmem:$0x1C640]  }
0x1b2: {  	v21 =	vadd.f32 v23, v21  }
0x1b3: {  	v23 =	vld [tilespmem:$0x1C650]  }
0x1b4: {  	v21 =	vadd.f32 v59, v21  }
0x1b5: {  	v60 =	vld [tilespmem:$0x1C660]  }
0x1b6: {  	v21 =	vadd.f32 v22, v21  }
0x1b7: {  	v22 =	vld [tilespmem:$0x1C670]  }
0x1b8: {  	v21 =	vadd.f32 v23, v21  }
0x1b9: {  	v23 =	vld [tilespmem:$0x1C680]  }
0x1ba: {  	v21 =	vadd.f32 v60, v21  }
0x1bb: {  	v61 =	vld [tilespmem:$0x1C690]  }
0x1bc: {  	v21 =	vadd.f32 v22, v21  }
0x1bd: {  	v22 =	vld [tilespmem:$0x1C6A0]  }
0x1be: {  	v21 =	vadd.f32 v23, v21  }
0x1bf: {  	v23 =	vld [tilespmem:$0x1C6B0]  }
0x1c0: {  	v21 =	vadd.f32 v61, v21  }
0x1c1: {  	v62 =	vld [tilespmem:$0x1C6C0]  }
0x1c2: {  	v21 =	vadd.f32 v22, v21  }
0x1c3: {  	v22 =	vld [tilespmem:$0x1C6D0]  }
0x1c4: {  	v21 =	vadd.f32 v23, v21  }
0x1c5: {  	v23 =	vld [tilespmem:$0x1C6E0]  }
0x1c6: {  	v21 =	vadd.f32 v62, v21  }
0x1c7: {  	v63 =	vld [tilespmem:$0x1C6F0]  }
0x1c8: {  	v21 =	vadd.f32 v22, v21  }
0x1c9: {  	p3 =	por p2, p2  }
.Ltmp2:
0x1ca: {  	v21 =	vadd.f32 v23, v21;
	(pc) =	sbr.rel @p3 .LBB2_7-.Ltmp2, $4  }
0x1cb: {  	_ = 	snop  }
0x1cc: {  	s26 =	sshll.u32 s21, $0x4;
	v21 =	vadd.f32 v63, v21  }
0x1cd: {  	s21 =	sand.u32 $0x3FFFFFF0, s26  }
0x1ce: {  	p2 =	por $0x0, $0x0;
	[tilespmem:v20+s21+$0x0 ss:$0x1] =	vst.idx.msk $0xffff, v21;
	s21 =	simm.s32 $0x1  }
0x1cf: {  	s21 =	simm.s32 $0x0  }
.LBB2_9:
0x1d0: {  	s22 =	smul.u32 $0xCCCD, s21;
	_ =	sdelay $0x1  }
0x1d1: {  	v20 =	vld [tilespmem:s20+$0xFFFFFE00];
	s23 =	sshrl.u32 s22, $0xE  }
0x1d2: {  	v22 =	vld [tilespmem:s20+$0xFFFFFE10];
	s23 =	sand.u32 $0x3FFC0, s23  }
0x1d3: {  	v19 =	vld.idx.msk [tilespmem:v18+s23+$0x0 ss:$0x1], $0xffff  }
0x1d4: {  	v21 =	vld.idx.msk [tilespmem:v18+s23+$0x10 ss:$0x1], $0xffff  }
0x1d5: {  	v24 =	vld [tilespmem:s20+$0xFFFFFE20]  }
0x1d6: {  	v23 =	vld.idx.msk [tilespmem:v18+s23+$0x20 ss:$0x1], $0xffff  }
0x1d7: {  	v26 =	vld [tilespmem:s20+$0xFFFFFE30]  }
0x1d8: {  	v25 =	vld.idx.msk [tilespmem:v18+s23+$0x30 ss:$0x1], $0xffff  }
0x1d9: {  	v19 =	vmul.f32 v20, v19;
	v20 =	vmul.f32 v22, v21;
	_ =	sdelay $0x1  }
0x1da: {  	v19 =	vadd.f32 v20, v19;
	v20 =	vmul.f32 v24, v23;
	_ =	sdelay $0x1  }
0x1db: {  	v19 =	vadd.f32 v20, v19;
	v20 =	vmul.f32 v26, v25;
	_ =	sdelay $0x1  }
0x1dc: {  	v19 =	vadd.f32 v20, v19;
	_ =	sdelay $0x1  }
0x1dd: {  	[tilespmem:v1+s31+$0x0] =	vst.idx.msk $0xffff, v19  }
0x1de: {  	v19 =	vld.idx.msk [tilespmem:v18+s23+$0x0 ss:$0x1], $0xffff  }
0x1df: {  	v20 =	vld [tilespmem:s20+$0xFFFFFE40]  }
0x1e0: {  	v28 =	vld.idx.msk [tilespmem:v18+s23+$0x10 ss:$0x1], $0xffff  }
0x1e1: {  	v29 =	vld [tilespmem:s20+$0xFFFFFE50]  }
0x1e2: {  	v30 =	vld.idx.msk [tilespmem:v18+s23+$0x20 ss:$0x1], $0xffff  }
0x1e3: {  	v31 =	vld [tilespmem:s20+$0xFFFFFE60]  }
0x1e4: {  	v32 =	vld.idx.msk [tilespmem:v18+s23+$0x30 ss:$0x1], $0xffff  }
0x1e5: {  	v33 =	vld [tilespmem:s20+$0xFFFFFE70]  }
0x1e6: {  	v19 =	vmul.f32 v20, v19;
	v20 =	vmul.f32 v29, v28;
	_ =	sdelay $0x1  }
0x1e7: {  	v19 =	vadd.f32 v20, v19;
	v20 =	vmul.f32 v31, v30;
	_ =	sdelay $0x1  }
0x1e8: {  	v19 =	vadd.f32 v20, v19;
	v20 =	vmul.f32 v33, v32;
	_ =	sdelay $0x1  }
0x1e9: {  	v19 =	vadd.f32 v20, v19;
	_ =	sdelay $0x1  }
0x1ea: {  	[tilespmem:v2+s31+$0x0] =	vst.idx.msk $0xffff, v19  }
0x1eb: {  	v19 =	vld.idx.msk [tilespmem:v18+s23+$0x0 ss:$0x1], $0xffff  }
0x1ec: {  	v20 =	vld [tilespmem:s20+$0xFFFFFE80]  }
0x1ed: {  	v34 =	vld.idx.msk [tilespmem:v18+s23+$0x10 ss:$0x1], $0xffff  }
0x1ee: {  	v35 =	vld [tilespmem:s20+$0xFFFFFE90]  }
0x1ef: {  	v36 =	vld.idx.msk [tilespmem:v18+s23+$0x20 ss:$0x1], $0xffff  }
0x1f0: {  	v37 =	vld [tilespmem:s20+$0xFFFFFEA0]  }
0x1f1: {  	v38 =	vld.idx.msk [tilespmem:v18+s23+$0x30 ss:$0x1], $0xffff  }
0x1f2: {  	v39 =	vld [tilespmem:s20+$0xFFFFFEB0]  }
0x1f3: {  	v19 =	vmul.f32 v20, v19;
	v20 =	vmul.f32 v35, v34;
	_ =	sdelay $0x1  }
0x1f4: {  	v19 =	vadd.f32 v20, v19;
	v20 =	vmul.f32 v37, v36;
	_ =	sdelay $0x1  }
0x1f5: {  	v19 =	vadd.f32 v20, v19;
	v20 =	vmul.f32 v39, v38;
	_ =	sdelay $0x1  }
0x1f6: {  	v19 =	vadd.f32 v20, v19;
	_ =	sdelay $0x1  }
0x1f7: {  	[tilespmem:v3+s31+$0x0] =	vst.idx.msk $0xffff, v19  }
0x1f8: {  	v19 =	vld.idx.msk [tilespmem:v18+s23+$0x0 ss:$0x1], $0xffff  }
0x1f9: {  	v20 =	vld [tilespmem:s20+$0xFFFFFEC0]  }
0x1fa: {  	v40 =	vld.idx.msk [tilespmem:v18+s23+$0x10 ss:$0x1], $0xffff  }
0x1fb: {  	v41 =	vld [tilespmem:s20+$0xFFFFFED0]  }
0x1fc: {  	v42 =	vld.idx.msk [tilespmem:v18+s23+$0x20 ss:$0x1], $0xffff  }
0x1fd: {  	v43 =	vld [tilespmem:s20+$0xFFFFFEE0]  }
0x1fe: {  	v44 =	vld.idx.msk [tilespmem:v18+s23+$0x30 ss:$0x1], $0xffff  }
0x1ff: {  	v45 =	vld [tilespmem:s20+$0xFFFFFEF0]  }
0x200: {  	v19 =	vmul.f32 v20, v19;
	v20 =	vmul.f32 v41, v40;
	_ =	sdelay $0x1  }
0x201: {  	v19 =	vadd.f32 v20, v19;
	v20 =	vmul.f32 v43, v42;
	_ =	sdelay $0x1  }
0x202: {  	v19 =	vadd.f32 v20, v19;
	v20 =	vmul.f32 v45, v44;
	_ =	sdelay $0x1  }
0x203: {  	s24 =	sadd.s32 $0x33334, s22;
	v19 =	vadd.f32 v20, v19  }
0x204: {  	s23 =	sshrl.u32 s24, $0xE  }
0x205: {  	s23 =	sand.u32 $0x3FFC0, s23;
	[tilespmem:v4+s31+$0x0] =	vst.idx.msk $0xffff, v19  }
0x206: {  	v19 =	vld.idx.msk [tilespmem:v18+s23+$0x0 ss:$0x1], $0xffff  }
0x207: {  	v20 =	vld [tilespmem:s20+$0xFFFFFF00]  }
0x208: {  	v46 =	vld.idx.msk [tilespmem:v18+s23+$0x10 ss:$0x1], $0xffff  }
0x209: {  	v47 =	vld [tilespmem:s20+$0xFFFFFF10]  }
0x20a: {  	v48 =	vld.idx.msk [tilespmem:v18+s23+$0x20 ss:$0x1], $0xffff  }
0x20b: {  	v49 =	vld [tilespmem:s20+$0xFFFFFF20]  }
0x20c: {  	v50 =	vld.idx.msk [tilespmem:v18+s23+$0x30 ss:$0x1], $0xffff  }
0x20d: {  	v51 =	vld [tilespmem:s20+$0xFFFFFF30]  }
0x20e: {  	v19 =	vmul.f32 v20, v19;
	v20 =	vmul.f32 v47, v46;
	_ =	sdelay $0x1  }
0x20f: {  	v19 =	vadd.f32 v20, v19;
	v20 =	vmul.f32 v49, v48;
	_ =	sdelay $0x1  }
0x210: {  	v19 =	vadd.f32 v20, v19;
	v20 =	vmul.f32 v51, v50;
	_ =	sdelay $0x1  }
0x211: {  	s25 =	sadd.s32 $0x40001, s22;
	v19 =	vadd.f32 v20, v19  }
0x212: {  	s23 =	sshrl.u32 s25, $0xE  }
0x213: {  	s23 =	sand.u32 $0x3FFC0, s23;
	[tilespmem:v5+s31+$0x0] =	vst.idx.msk $0xffff, v19  }
0x214: {  	v19 =	vld.idx.msk [tilespmem:v18+s23+$0x0 ss:$0x1], $0xffff  }
0x215: {  	v20 =	vld [tilespmem:s20+$0xFFFFFF40]  }
0x216: {  	v52 =	vld.idx.msk [tilespmem:v18+s23+$0x10 ss:$0x1], $0xffff  }
0x217: {  	v53 =	vld [tilespmem:s20+$0xFFFFFF50]  }
0x218: {  	v54 =	vld.idx.msk [tilespmem:v18+s23+$0x20 ss:$0x1], $0xffff  }
0x219: {  	v55 =	vld [tilespmem:s20+$0xFFFFFF60]  }
0x21a: {  	v56 =	vld.idx.msk [tilespmem:v18+s23+$0x30 ss:$0x1], $0xffff  }
0x21b: {  	v57 =	vld [tilespmem:s20+$0xFFFFFF70]  }
0x21c: {  	v19 =	vmul.f32 v20, v19;
	v20 =	vmul.f32 v53, v52;
	_ =	sdelay $0x1  }
0x21d: {  	v19 =	vadd.f32 v20, v19;
	v20 =	vmul.f32 v55, v54;
	_ =	sdelay $0x1  }
0x21e: {  	v19 =	vadd.f32 v20, v19;
	v20 =	vmul.f32 v57, v56;
	_ =	sdelay $0x1  }
0x21f: {  	s26 =	sadd.s32 $0x4CCCE, s22;
	v19 =	vadd.f32 v20, v19  }
0x220: {  	s23 =	sshrl.u32 s26, $0xE  }
0x221: {  	s23 =	sand.u32 $0x3FFC0, s23;
	[tilespmem:v6+s31+$0x0] =	vst.idx.msk $0xffff, v19  }
0x222: {  	v19 =	vld.idx.msk [tilespmem:v18+s23+$0x0 ss:$0x1], $0xffff  }
0x223: {  	v20 =	vld [tilespmem:s20+$0xFFFFFF80]  }
0x224: {  	v58 =	vld.idx.msk [tilespmem:v18+s23+$0x10 ss:$0x1], $0xffff  }
0x225: {  	v59 =	vld [tilespmem:s20+$0xFFFFFF90]  }
0x226: {  	v60 =	vld.idx.msk [tilespmem:v18+s23+$0x20 ss:$0x1], $0xffff  }
0x227: {  	v61 =	vld [tilespmem:s20+$0xFFFFFFA0]  }
0x228: {  	v62 =	vld.idx.msk [tilespmem:v18+s23+$0x30 ss:$0x1], $0xffff  }
0x229: {  	v63 =	vld [tilespmem:s20+$0xFFFFFFB0]  }
0x22a: {  	v19 =	vmul.f32 v20, v19;
	v20 =	vmul.f32 v59, v58;
	_ =	sdelay $0x1  }
0x22b: {  	v19 =	vadd.f32 v20, v19;
	v20 =	vmul.f32 v61, v60;
	_ =	sdelay $0x1  }
0x22c: {  	v19 =	vadd.f32 v20, v19;
	v20 =	vmul.f32 v63, v62;
	_ =	sdelay $0x1  }
0x22d: {  	s24 =	sadd.s32 $0x5999B, s22;
	v19 =	vadd.f32 v20, v19  }
0x22e: {  	s23 =	sshrl.u32 s24, $0xE  }
0x22f: {  	s23 =	sand.u32 $0x3FFC0, s23;
	[tilespmem:v7+s31+$0x0] =	vst.idx.msk $0xffff, v19  }
0x230: {  	v19 =	vld.idx.msk [tilespmem:v18+s23+$0x0 ss:$0x1], $0xffff  }
0x231: {  	v20 =	vld [tilespmem:s20+$0xFFFFFFC0]  }
0x232: {  	v28 =	vld.idx.msk [tilespmem:v18+s23+$0x10 ss:$0x1], $0xffff  }
0x233: {  	v29 =	vld [tilespmem:s20+$0xFFFFFFD0]  }
0x234: {  	v30 =	vld.idx.msk [tilespmem:v18+s23+$0x20 ss:$0x1], $0xffff  }
0x235: {  	v31 =	vld [tilespmem:s20+$0xFFFFFFE0]  }
0x236: {  	v32 =	vld.idx.msk [tilespmem:v18+s23+$0x30 ss:$0x1], $0xffff  }
0x237: {  	v33 =	vld [tilespmem:s20+$0xFFFFFFF0]  }
0x238: {  	v19 =	vmul.f32 v20, v19;
	v20 =	vmul.f32 v29, v28;
	_ =	sdelay $0x1  }
0x239: {  	v19 =	vadd.f32 v20, v19;
	v20 =	vmul.f32 v31, v30;
	_ =	sdelay $0x1  }
0x23a: {  	v19 =	vadd.f32 v20, v19;
	v20 =	vmul.f32 v33, v32;
	_ =	sdelay $0x1  }
0x23b: {  	s25 =	sadd.s32 $0x66668, s22;
	v19 =	vadd.f32 v20, v19  }
0x23c: {  	s23 =	sshrl.u32 s25, $0xE  }
0x23d: {  	s23 =	sand.u32 $0x3FFC0, s23;
	[tilespmem:v8+s31+$0x0] =	vst.idx.msk $0xffff, v19  }
0x23e: {  	v19 =	vld.idx.msk [tilespmem:v18+s23+$0x0 ss:$0x1], $0xffff  }
0x23f: {  	v20 =	vld [tilespmem:s20+$0x0]  }
0x240: {  	v34 =	vld.idx.msk [tilespmem:v18+s23+$0x10 ss:$0x1], $0xffff  }
0x241: {  	v35 =	vld [tilespmem:s20+$0x10]  }
0x242: {  	v36 =	vld.idx.msk [tilespmem:v18+s23+$0x20 ss:$0x1], $0xffff  }
0x243: {  	v37 =	vld [tilespmem:s20+$0x20]  }
0x244: {  	v38 =	vld.idx.msk [tilespmem:v18+s23+$0x30 ss:$0x1], $0xffff  }
0x245: {  	v39 =	vld [tilespmem:s20+$0x30]  }
0x246: {  	v19 =	vmul.f32 v20, v19;
	v20 =	vmul.f32 v35, v34;
	_ =	sdelay $0x1  }
0x247: {  	v19 =	vadd.f32 v20, v19;
	v20 =	vmul.f32 v37, v36;
	_ =	sdelay $0x1  }
0x248: {  	v19 =	vadd.f32 v20, v19;
	v20 =	vmul.f32 v39, v38;
	_ =	sdelay $0x1  }
0x249: {  	s26 =	sadd.s32 $0x73335, s22;
	v19 =	vadd.f32 v20, v19  }
0x24a: {  	s23 =	sshrl.u32 s26, $0xE  }
0x24b: {  	s23 =	sand.u32 $0x3FFC0, s23;
	[tilespmem:v9+s31+$0x0] =	vst.idx.msk $0xffff, v19  }
0x24c: {  	v19 =	vld.idx.msk [tilespmem:v18+s23+$0x0 ss:$0x1], $0xffff  }
0x24d: {  	v20 =	vld [tilespmem:s20+$0x40]  }
0x24e: {  	v40 =	vld.idx.msk [tilespmem:v18+s23+$0x10 ss:$0x1], $0xffff  }
0x24f: {  	v41 =	vld [tilespmem:s20+$0x50]  }
0x250: {  	v42 =	vld.idx.msk [tilespmem:v18+s23+$0x20 ss:$0x1], $0xffff  }
0x251: {  	v43 =	vld [tilespmem:s20+$0x60]  }
0x252: {  	v44 =	vld.idx.msk [tilespmem:v18+s23+$0x30 ss:$0x1], $0xffff  }
0x253: {  	v45 =	vld [tilespmem:s20+$0x70]  }
0x254: {  	v19 =	vmul.f32 v20, v19;
	v20 =	vmul.f32 v41, v40;
	_ =	sdelay $0x1  }
0x255: {  	v19 =	vadd.f32 v20, v19;
	v20 =	vmul.f32 v43, v42;
	_ =	sdelay $0x1  }
0x256: {  	v19 =	vadd.f32 v20, v19;
	v20 =	vmul.f32 v45, v44;
	_ =	sdelay $0x1  }
0x257: {  	s24 =	sadd.s32 $0x80002, s22;
	v19 =	vadd.f32 v20, v19  }
0x258: {  	s23 =	sshrl.u32 s24, $0xE  }
0x259: {  	s23 =	sand.u32 $0x3FFC0, s23;
	[tilespmem:v10+s31+$0x0] =	vst.idx.msk $0xffff, v19  }
0x25a: {  	v19 =	vld.idx.msk [tilespmem:v18+s23+$0x0 ss:$0x1], $0xffff  }
0x25b: {  	v20 =	vld [tilespmem:s20+$0x80]  }
0x25c: {  	v46 =	vld.idx.msk [tilespmem:v18+s23+$0x10 ss:$0x1], $0xffff  }
0x25d: {  	v47 =	vld [tilespmem:s20+$0x90]  }
0x25e: {  	v48 =	vld.idx.msk [tilespmem:v18+s23+$0x20 ss:$0x1], $0xffff  }
0x25f: {  	v49 =	vld [tilespmem:s20+$0xA0]  }
0x260: {  	v50 =	vld.idx.msk [tilespmem:v18+s23+$0x30 ss:$0x1], $0xffff  }
0x261: {  	v51 =	vld [tilespmem:s20+$0xB0]  }
0x262: {  	v19 =	vmul.f32 v20, v19;
	v20 =	vmul.f32 v47, v46;
	_ =	sdelay $0x1  }
0x263: {  	v19 =	vadd.f32 v20, v19;
	v20 =	vmul.f32 v49, v48;
	_ =	sdelay $0x1  }
0x264: {  	v19 =	vadd.f32 v20, v19;
	v20 =	vmul.f32 v51, v50;
	_ =	sdelay $0x1  }
0x265: {  	s25 =	sadd.s32 $0x8CCCF, s22;
	v19 =	vadd.f32 v20, v19  }
0x266: {  	s23 =	sshrl.u32 s25, $0xE  }
0x267: {  	s23 =	sand.u32 $0x3FFC0, s23;
	[tilespmem:v11+s31+$0x0] =	vst.idx.msk $0xffff, v19  }
0x268: {  	v19 =	vld.idx.msk [tilespmem:v18+s23+$0x0 ss:$0x1], $0xffff  }
0x269: {  	v20 =	vld [tilespmem:s20+$0xC0]  }
0x26a: {  	v52 =	vld.idx.msk [tilespmem:v18+s23+$0x10 ss:$0x1], $0xffff  }
0x26b: {  	v53 =	vld [tilespmem:s20+$0xD0]  }
0x26c: {  	v54 =	vld.idx.msk [tilespmem:v18+s23+$0x20 ss:$0x1], $0xffff  }
0x26d: {  	v55 =	vld [tilespmem:s20+$0xE0]  }
0x26e: {  	v56 =	vld.idx.msk [tilespmem:v18+s23+$0x30 ss:$0x1], $0xffff  }
0x26f: {  	v57 =	vld [tilespmem:s20+$0xF0]  }
0x270: {  	v19 =	vmul.f32 v20, v19;
	v20 =	vmul.f32 v53, v52;
	_ =	sdelay $0x1  }
0x271: {  	v19 =	vadd.f32 v20, v19;
	v20 =	vmul.f32 v55, v54;
	_ =	sdelay $0x1  }
0x272: {  	v19 =	vadd.f32 v20, v19;
	v20 =	vmul.f32 v57, v56;
	_ =	sdelay $0x1  }
0x273: {  	s26 =	sadd.s32 $0x9999C, s22;
	v19 =	vadd.f32 v20, v19  }
0x274: {  	s23 =	sshrl.u32 s26, $0xE  }
0x275: {  	s23 =	sand.u32 $0x3FFC0, s23;
	[tilespmem:v12+s31+$0x0] =	vst.idx.msk $0xffff, v19  }
0x276: {  	v19 =	vld.idx.msk [tilespmem:v18+s23+$0x0 ss:$0x1], $0xffff  }
0x277: {  	v20 =	vld [tilespmem:s20+$0x100]  }
0x278: {  	v58 =	vld.idx.msk [tilespmem:v18+s23+$0x10 ss:$0x1], $0xffff  }
0x279: {  	v59 =	vld [tilespmem:s20+$0x110]  }
0x27a: {  	v60 =	vld.idx.msk [tilespmem:v18+s23+$0x20 ss:$0x1], $0xffff  }
0x27b: {  	v61 =	vld [tilespmem:s20+$0x120]  }
0x27c: {  	v62 =	vld.idx.msk [tilespmem:v18+s23+$0x30 ss:$0x1], $0xffff  }
0x27d: {  	v63 =	vld [tilespmem:s20+$0x130]  }
0x27e: {  	v19 =	vmul.f32 v20, v19;
	v20 =	vmul.f32 v59, v58;
	_ =	sdelay $0x1  }
0x27f: {  	v19 =	vadd.f32 v20, v19;
	v20 =	vmul.f32 v61, v60;
	_ =	sdelay $0x1  }
0x280: {  	v19 =	vadd.f32 v20, v19;
	v20 =	vmul.f32 v63, v62;
	_ =	sdelay $0x1  }
0x281: {  	s24 =	sadd.s32 $0xA6669, s22;
	v19 =	vadd.f32 v20, v19  }
0x282: {  	s23 =	sshrl.u32 s24, $0xE  }
0x283: {  	s23 =	sand.u32 $0x3FFC0, s23;
	[tilespmem:v13+s31+$0x0] =	vst.idx.msk $0xffff, v19  }
0x284: {  	v19 =	vld.idx.msk [tilespmem:v18+s23+$0x0 ss:$0x1], $0xffff  }
0x285: {  	v20 =	vld [tilespmem:s20+$0x140]  }
0x286: {  	v28 =	vld.idx.msk [tilespmem:v18+s23+$0x10 ss:$0x1], $0xffff  }
0x287: {  	v29 =	vld [tilespmem:s20+$0x150]  }
0x288: {  	v30 =	vld.idx.msk [tilespmem:v18+s23+$0x20 ss:$0x1], $0xffff  }
0x289: {  	v31 =	vld [tilespmem:s20+$0x160]  }
0x28a: {  	v32 =	vld.idx.msk [tilespmem:v18+s23+$0x30 ss:$0x1], $0xffff  }
0x28b: {  	v33 =	vld [tilespmem:s20+$0x170]  }
0x28c: {  	v19 =	vmul.f32 v20, v19;
	v20 =	vmul.f32 v29, v28;
	_ =	sdelay $0x1  }
0x28d: {  	v19 =	vadd.f32 v20, v19;
	v20 =	vmul.f32 v31, v30;
	_ =	sdelay $0x1  }
0x28e: {  	v19 =	vadd.f32 v20, v19;
	v20 =	vmul.f32 v33, v32;
	_ =	sdelay $0x1  }
0x28f: {  	s25 =	sadd.s32 $0xB3336, s22;
	v19 =	vadd.f32 v20, v19  }
0x290: {  	s23 =	sshrl.u32 s25, $0xE  }
0x291: {  	s23 =	sand.u32 $0x3FFC0, s23;
	[tilespmem:v14+s31+$0x0] =	vst.idx.msk $0xffff, v19  }
0x292: {  	v19 =	vld.idx.msk [tilespmem:v18+s23+$0x0 ss:$0x1], $0xffff  }
0x293: {  	v20 =	vld [tilespmem:s20+$0x180]  }
0x294: {  	v34 =	vld.idx.msk [tilespmem:v18+s23+$0x10 ss:$0x1], $0xffff  }
0x295: {  	v35 =	vld [tilespmem:s20+$0x190]  }
0x296: {  	v36 =	vld.idx.msk [tilespmem:v18+s23+$0x20 ss:$0x1], $0xffff  }
0x297: {  	v37 =	vld [tilespmem:s20+$0x1A0]  }
0x298: {  	v38 =	vld.idx.msk [tilespmem:v18+s23+$0x30 ss:$0x1], $0xffff  }
0x299: {  	v39 =	vld [tilespmem:s20+$0x1B0]  }
0x29a: {  	v19 =	vmul.f32 v20, v19;
	v20 =	vmul.f32 v35, v34;
	_ =	sdelay $0x1  }
0x29b: {  	v19 =	vadd.f32 v20, v19;
	v20 =	vmul.f32 v37, v36;
	_ =	sdelay $0x1  }
0x29c: {  	v19 =	vadd.f32 v20, v19;
	v20 =	vmul.f32 v39, v38;
	_ =	sdelay $0x1  }
0x29d: {  	s22 =	sadd.s32 $0xC0003, s22;
	v19 =	vadd.f32 v20, v19  }
0x29e: {  	s22 =	sshrl.u32 s22, $0xE  }
0x29f: {  	s22 =	sand.u32 $0x3FFC0, s22;
	[tilespmem:v15+s31+$0x0] =	vst.idx.msk $0xffff, v19  }
0x2a0: {  	v19 =	vld.idx.msk [tilespmem:v18+s22+$0x0 ss:$0x1], $0xffff  }
0x2a1: {  	v20 =	vld [tilespmem:s20+$0x1C0]  }
0x2a2: {  	v40 =	vld.idx.msk [tilespmem:v18+s22+$0x10 ss:$0x1], $0xffff  }
0x2a3: {  	v41 =	vld [tilespmem:s20+$0x1D0]  }
0x2a4: {  	v42 =	vld.idx.msk [tilespmem:v18+s22+$0x20 ss:$0x1], $0xffff  }
0x2a5: {  	v43 =	vld [tilespmem:s20+$0x1E0]  }
0x2a6: {  	v44 =	vld.idx.msk [tilespmem:v18+s22+$0x30 ss:$0x1], $0xffff  }
0x2a7: {  	v45 =	vld [tilespmem:s20+$0x1F0]  }
0x2a8: {  	v19 =	vmul.f32 v20, v19;
	v20 =	vmul.f32 v41, v40;
	_ =	sdelay $0x1  }
0x2a9: {  	v19 =	vadd.f32 v20, v19;
	v20 =	vmul.f32 v43, v42;
	_ =	sdelay $0x1  }
0x2aa: {  	v19 =	vadd.f32 v20, v19;
	v20 =	vmul.f32 v45, v44;
	_ =	sdelay $0x1  }
0x2ab: {  	v19 =	vadd.f32 v20, v19;
	_ =	sdelay $0x1  }
0x2ac: {  	[tilespmem:v16+s31+$0x0] =	vst.idx.msk $0xffff, v19  }
0x2ad: {  	v19 =	vld [tilespmem:$0x1C600]  }
0x2ae: {  	v20 =	vld [tilespmem:$0x1C610];
	_ =	sdelay $0x1  }
0x2af: {  	v46 =	vld [tilespmem:$0x1C620];
	_ =	sdelay $0x1  }
0x2b0: {  	v47 =	vld [tilespmem:$0x1C630]  }
0x2b1: {  	v19 =	vadd.f32 v20, v19  }
0x2b2: {  	v20 =	vld [tilespmem:$0x1C640]  }
0x2b3: {  	v19 =	vadd.f32 v46, v19  }
0x2b4: {  	v48 =	vld [tilespmem:$0x1C650]  }
0x2b5: {  	v19 =	vadd.f32 v47, v19  }
0x2b6: {  	v49 =	vld [tilespmem:$0x1C660]  }
0x2b7: {  	v19 =	vadd.f32 v20, v19  }
0x2b8: {  	v20 =	vld [tilespmem:$0x1C670]  }
0x2b9: {  	v19 =	vadd.f32 v48, v19  }
0x2ba: {  	s26 =	sadd.s32 s21, s18;
	v50 =	vld [tilespmem:$0x1C680]  }
0x2bb: {  	v51 =	vor.u32 s26, v0;
	v19 =	vadd.f32 v49, v19  }
0x2bc: {  	v52 =	vmulhi.u32 $0xCCCCCCCD, v51;
	v53 =	vld [tilespmem:$0x1C690]  }
0x2bd: {  	v19 =	vadd.f32 v20, v19  }
0x2be: {  	v54 =	vld [tilespmem:$0x1C6A0];
	v20 =	vshrl.u32 v52, $0x4  }
0x2bf: {  	v55 =	vmul.u32 $0xFFFFFFEC, v20;
	v19 =	vadd.f32 v50, v19  }
0x2c0: {  	v56 =	vmov s26;
	v57 =	vsub.s32 $0x0, v51;
	v27 =	vld [tilespmem:$0x1C6B0]  }
0x2c1: {  	vm1 =	veq.s32 v56, v0;
	vm0 =	vne.s32 v55, v57;
	v19 =	vadd.f32 v53, v19  }
0x2c2: {  	v58 =	vld [tilespmem:$0x1C6C0];
	vm0 =	vmand vm1, vm0  }
0x2c3: {  	v59 =	vsel vm0, $0xFFFFFFFF, v17;
	v19 =	vadd.f32 v54, v19  }
0x2c4: {  	v60 =	vld [tilespmem:$0x1C6D0];
	v20 =	vadd.s32 v59, v20  }
0x2c5: {  	v24 =	vmul.u32 $0xFFFFFFEC, v20;
	v19 =	vadd.f32 v27, v19  }
0x2c6: {  	v61 =	vld [tilespmem:$0x1C6E0]  }
0x2c7: {  	v20 =	vmul.u32 $0x18, v20;
	v23 =	vadd.s32 v51, v24;
	v19 =	vadd.f32 v58, v19  }
0x2c8: {  	v62 =	vld [tilespmem:$0x1C6F0];
	v24 =	vand.u32 $0xFFFFFFF8, v23  }
0x2c9: {  	v63 =	vand.u32 $0x7, v23;
	v20 =	vadd.s32 v20, v24;
	v19 =	vadd.f32 v60, v19  }
0x2ca: {  	p2 =	seq.s32 s21, $0x270;
	v20 =	vor.u32 v63, v20  }
.Ltmp3:
0x2cb: {  	v19 =	vadd.f32 v61, v19;
	(pc) =	sbr.rel @!p2 .LBB2_9-.Ltmp3, $3  }
0x2cc: {  	_ = 	snop  }
0x2cd: {  	v19 =	vadd.f32 v62, v19;
	_ =	sdelay $0x1  }
0x2ce: {  	s21 =	sadd.s32 $0x10, s21;
	s20 =	sadd.s32 $0x400, s20;
	[tilespmem:v20+s0+$0x0] =	vst.idx.msk $0xffff, v19  }
0x2cf: {  	p2 =	seq.s32 s19, $0x10  }
.Ltmp4:
0x2d0: {  	_ = 	snop;
	(pc) =	sbr.rel @!p2 .LBB2_3-.Ltmp4, $3  }
0x2d1: {  	_ =	sdelay $0x1  }
0x2d2: {  	p0 =	por !p0, !p0;
	s16 =	sadd.s32 $0x300, s16  }
0x2d3: {  	s18 =	sadd.s32 $0x280, s18;
	p1 =	por !p1, !p1;
	s21 =	smov.u32 s19  }
0x2d4: {  	[hbm4b:s8+s2] =	stream.linear.scatter [tilespmem:s1], [sflag:$0x3], $0x200, $0x38;
	[tilespmem:$0x1C700] =	vst v63  }
0x2d5: {  	s15 =	sadd.s32 $0x1, s15;
	_ =	swait.ge [sflag:s11], $0x200  }
0x2d6: {  	p0 =	sne.s32 s15, s10;
	[sflag:s11] =	ssyncset.done $0x0  }
.Ltmp5:
0x2d7: {  	[sflag:s11] =	ssyncadd.s32 $0xFFFFFE00;
	(pc) =	sbr.rel @p0 .LBB2_1-.Ltmp5, $4  }
0x2d8: {  	[hbm4b:s9+s2] =	stream.linear.scatter [tilespmem:s0], [sflag:$0x3], $0x3000, $0x38;
	[tilespmem:$0x1C700] =	vst v63  }
0x2d9: {  	_ =	swait.ge [sflag:s11], $0x3000  }
0x2da: {  	[sflag:s11] =	ssyncset.done $0x0  }
0x2db: {  	[sflag:s11] =	ssyncadd.s32 $0xFFFFD000  }
0x2dc: {  	_ =	sfence.sel $0x180000  }
0x2dd: {  	[bflag:$0x0] =	sbarrier.arrive $0xFFFF  }
0x2de: {  	_ =	strace $0x90000047  }
0x2df: {  	s0 =	stileid.u32;
	[bflag:$0x2] =	sbarrier.arrive $0xFFFF  }
0x2e0: {  	p0 =	sne.s32 s0, $0x0;
	s0 =	rddreg [dreg:$0x5]  }
0x2e1: {  	s0 =	sadd.s32 @!p0 $0x100000, s0  }
0x2e2: {  	[sflag:s0] =	ssyncadd.tile.s32 @!p0 $0x1;
	_ =	shalt  }
.Lfunc_end2:
_tile_overlayer_lowered:
.L_overlay_start_2:
0x2e3: {  	(tag) =	ssettag $0x2  }
0x2e4: {  	s0 =	rddreg [dreg:$0x0];
	s2 =	stileid.u32  }
0x2e5: {  	s1 =	rddreg [dreg:$0x1];
	p0 =	sne.s32 s2, $0x0  }
0x2e6: {  	s3 =	rddreg [dreg:$0x2];
	[bflag:$0x3] =	sbarrier.arrive $0xFFFF;
	s2 =	simm.s32 @!p0 $0x1C03  }
0x2e7: {  	[timem:s3], [sflag:s2] =	dma.local @!p0 [hbm:s0], s1  }
0x2e8: {  	s0 =	simm.s32 @!p0 $0x3  }
0x2e9: {  	_ =	swait.ge @!p0 [sflag:s0], s1  }
0x2ea: {  	s1 =	ssub.s32 @!p0 $0x0, s1;
	[sflag:s0] =	ssyncset.done @!p0 $0x0  }
0x2eb: {  	[sflag:s0] =	ssyncadd.s32 @!p0 s1  }
0x2ec: {  	[bflag:$0x3] =	sbarrier.arrive $0xFFFF  }
0x2ed: {  	_ =	shalt  }

</sc_bundles>
